<compile_context>
chip_gen: v7x
topology: tpu7x:2x2x1
jax: 0.10.2.dev20260603
libtpu: 0.0.44.dev20260713+nightly
codegen_flags: <defaults>
</compile_context>

<pallas_src>
import functools

import jax
import jax.numpy as jnp
from jax import lax
from jax.experimental import pallas as pl
from jax.experimental.pallas import tpu as pltpu
from jax.experimental.pallas import tpu_sc as plsc

NUM_CORES = 2
NUM_SUBCORES = 16
NUM_WORKERS = NUM_CORES * NUM_SUBCORES

BLK = 512
NBUF = 3
LANES = 16


@functools.partial(jax.jit, static_argnames=("batch", "hist", "dim"))
def _sc_gather(xt, table, batch, hist, dim):
    blocks = batch // BLK
    n_units = hist * blocks
    per_w = n_units // NUM_WORKERS
    n_outer = per_w // NBUF
    n_tail = per_w - n_outer * NBUF
    mesh = plsc.VectorSubcoreMesh(core_axis_name="c", subcore_axis_name="s")

    @functools.partial(
        pl.kernel,
        mesh=mesh,
        out_type=jax.ShapeDtypeStruct((hist, dim, batch), jnp.float32),
        scratch_types=[
            [pltpu.VMEM((1, BLK), jnp.int32) for _ in range(NBUF)],
            [pltpu.VMEM((BLK, dim), jnp.float32) for _ in range(NBUF)],
            [pltpu.VMEM((dim, BLK), jnp.float32) for _ in range(NBUF)],
            [pltpu.SemaphoreType.DMA for _ in range(NBUF)],
            [pltpu.SemaphoreType.DMA for _ in range(NBUF)],
            [pltpu.SemaphoreType.DMA for _ in range(NBUF)],
        ],
        compiler_params=pltpu.CompilerParams(
            use_tc_tiling_on_sc=False, needs_layout_passes=False
        ),
    )
    def k(xt_hbm, table_hbm, out_hbm, idxs, rows, tr, gsem, wsem, isem):
        wid = lax.axis_index("s") * NUM_CORES + lax.axis_index("c")
        u_base = wid * per_w
        lane_iota = lax.iota(jnp.int32, LANES)

        def start_idx(u_local, b):
            u = u_base + u_local
            l = u // blocks
            b0 = pl.multiple_of((u % blocks) * BLK, BLK)
            pltpu.async_copy(
                xt_hbm.at[pl.ds(l, 1), pl.ds(b0, BLK)], idxs[b], isem[b]
            )

        def start_gather(u_local, b):
            pltpu.make_async_copy(
                xt_hbm.at[pl.ds(0, 1), pl.ds(0, BLK)], idxs[b], isem[b]
            ).wait()
            pltpu.async_copy(table_hbm.at[idxs[b].at[0]], rows[b], gsem[b])

        def transpose_block(b):
            def body_j(j, _):
                row_ids = j * LANES + lane_iota
                for d in range(dim):
                    col_ids = jnp.full((LANES,), d, jnp.int32)
                    v = plsc.load_gather(rows[b], [row_ids, col_ids])
                    tr[b][d, pl.ds(j * LANES, LANES)] = v
                return 0

            lax.fori_loop(0, BLK // LANES, body_j, 0)

        def start_writeback(u_local, b):
            u = u_base + u_local
            l = u // blocks
            b0 = pl.multiple_of((u % blocks) * BLK, BLK)
            pltpu.async_copy(tr[b], out_hbm.at[l, :, pl.ds(b0, BLK)], wsem[b])

        def wait_gather(b):
            pltpu.make_async_copy(
                table_hbm.at[idxs[b].at[0]], rows[b], gsem[b]
            ).wait()

        def wait_writeback(b):
            pltpu.make_async_copy(
                tr[b], out_hbm.at[0, :, pl.ds(0, BLK)], wsem[b]
            ).wait()

        for b in range(NBUF):
            start_idx(b, b)
        for b in range(NBUF):
            start_gather(b, b)

        def step(u_local, b):
            wait_gather(b)

            @pl.when(u_local + NBUF < per_w)
            def _():
                start_idx(u_local + NBUF, b)

            @pl.when(u_local >= NBUF)
            def _():
                wait_writeback(b)

            transpose_block(b)
            start_writeback(u_local, b)

            @pl.when(u_local + NBUF < per_w)
            def _():
                start_gather(u_local + NBUF, b)

        def body(g, _):
            for b in range(NBUF):
                step(g * NBUF + b, b)
            return 0

        lax.fori_loop(0, n_outer, body, 0)
        for t in range(n_tail):
            step(n_outer * NBUF + t, t)
        for b in range(NBUF):
            wait_writeback(b)

    return k(xt, table)


def kernel(x, table):
    b, l = x.shape
    dim = table.shape[1]
    xt = jnp.transpose(x).astype(jnp.int32)
    out_t = _sc_gather(xt, table, b, l, dim)
    return jnp.transpose(out_t, (2, 0, 1))

# --- scband reference (transcript-rebuilt; emitter-appended) ---
"""Pipeline reference for scband-model-with-embedding-18056042513090 (READ-ONLY COPY).

The authoritative reference and input builder live on the scoring server;
editing this copy changes nothing except your own understanding.
"""

import jax, jax.numpy as jnp
import numpy as np

NUM_EMBEDDINGS = 1000000
EMBEDDING_DIM = 32
BATCH = 16384
HIST_LEN = 50


def setup_inputs(seed: int = 0) -> dict:
    key = jax.random.key(seed)
    k_x, k_table = jax.random.split(key)
    x = jax.random.randint(k_x, (BATCH, HIST_LEN), 0, NUM_EMBEDDINGS, dtype=jnp.int64 if jax.config.jax_enable_x64 else jnp.int32)
    table = jax.random.normal(k_table, (NUM_EMBEDDINGS, EMBEDDING_DIM), dtype=jnp.float32)
    return {"x": x, "table": table}


def reference(x, table):
    # base_model is the identity passthrough (None in the original wrapper):
    # indices flow straight into the embedding lookup.
    h = x  # base_model(x)
    out = jnp.take(table, h, axis=0)  # nn.Embedding lookup -> [B, L, D]
    return out

if __name__ == "__main__":
    import jax
    _d = setup_inputs()
    print(jax.jit(kernel)(*tuple(_d.values())))

</pallas_src>

<mosaic_0001>
#map = affine_map<(d0, d1) -> (0, 0)>
#map1 = affine_map<(d0, d1) -> (0, 0, 0)>
module attributes {stable_mosaic.version = 14 : i64} {
  func.func @k(%arg0: i32, %arg1: i32, %arg2: memref<50x16384xi32, #tpu.memory_space<hbm>>, %arg3: memref<1000000x32xf32, #tpu.memory_space<hbm>>, %arg4: memref<50x32x16384xf32, #tpu.memory_space<hbm>>, %arg5: memref<1x512xi32, #tpu.memory_space<vmem>>, %arg6: memref<1x512xi32, #tpu.memory_space<vmem>>, %arg7: memref<1x512xi32, #tpu.memory_space<vmem>>, %arg8: memref<512x32xf32, #tpu.memory_space<vmem>>, %arg9: memref<512x32xf32, #tpu.memory_space<vmem>>, %arg10: memref<512x32xf32, #tpu.memory_space<vmem>>, %arg11: memref<32x512xf32, #tpu.memory_space<vmem>>, %arg12: memref<32x512xf32, #tpu.memory_space<vmem>>, %arg13: memref<32x512xf32, #tpu.memory_space<vmem>>, %arg14: memref<!tpu.dma_semaphore, #tpu.memory_space<semaphore_mem>>, %arg15: memref<!tpu.dma_semaphore, #tpu.memory_space<semaphore_mem>>, %arg16: memref<!tpu.dma_semaphore, #tpu.memory_space<semaphore_mem>>, %arg17: memref<!tpu.dma_semaphore, #tpu.memory_space<semaphore_mem>>, %arg18: memref<!tpu.dma_semaphore, #tpu.memory_space<semaphore_mem>>, %arg19: memref<!tpu.dma_semaphore, #tpu.memory_space<semaphore_mem>>, %arg20: memref<!tpu.dma_semaphore, #tpu.memory_space<semaphore_mem>>, %arg21: memref<!tpu.dma_semaphore, #tpu.memory_space<semaphore_mem>>, %arg22: memref<!tpu.dma_semaphore, #tpu.memory_space<semaphore_mem>>) attributes {dimension_semantics = [#tpu.dimension_semantics<core_parallel>, #tpu.dimension_semantics<subcore_parallel>], iteration_bounds = array<i64: 2, 16>, scalar_prefetch = 0 : i64, scratch_operands = 18 : i64, tpu.core_type = #tpu.core_type<sc_vector_subcore>, window_params = [{transform_indices = #map}, {transform_indices = #map}, {transform_indices = #map1}]} {
    %mul3A = arith.constant 2 : i32
    %mul3A_0 = arith.muli %arg1, %mul3A : i32
    %add3A = arith.addi %mul3A_0, %arg0 : i32
    %mul3A_1 = arith.constant 50 : i32
    %mul3A_2 = arith.muli %add3A, %mul3A_1 : i32
    %iota3A = tpu.iota {dimensions = array<i32: 0>} : vector<16xi32>
    %add3A_3 = arith.constant 0 : i32
    %add3A_4 = arith.addi %mul3A_2, %add3A_3 : i32
    %jit3A = arith.constant 32 : i32
    %div3A = arith.divsi %add3A_4, %jit3A : i32
    %sign3A = arith.constant 0 : i32
    %sign3A_5 = arith.cmpi sgt, %add3A_4, %sign3A : i32
    %sign3A_6 = arith.extui %sign3A_5 : i1 to i32
    %sign3A_7 = arith.constant 0 : i32
    %sign3A_8 = arith.cmpi slt, %add3A_4, %sign3A_7 : i32
    %sign3A_9 = arith.extui %sign3A_8 : i1 to i32
    %sign3A_10 = arith.subi %sign3A_6, %sign3A_9 : i32
    %sign3A_11 = arith.constant 0 : i32
    %sign3A_12 = arith.cmpi sgt, %jit3A, %sign3A_11 : i32
    %sign3A_13 = arith.extui %sign3A_12 : i1 to i32
    %sign3A_14 = arith.constant 0 : i32
    %sign3A_15 = arith.cmpi slt, %jit3A, %sign3A_14 : i32
    %sign3A_16 = arith.extui %sign3A_15 : i1 to i32
    %sign3A_17 = arith.subi %sign3A_13, %sign3A_16 : i32
    %ne3A = arith.cmpi ne, %sign3A_10, %sign3A_17 : i32
    %rem3A = arith.remsi %add3A_4, %jit3A : i32
    %ne3A_18 = arith.constant 0 : i32
    %ne3A_19 = arith.cmpi ne, %rem3A, %ne3A_18 : i32
    %and3A = arith.andi %ne3A, %ne3A_19 : i1
    %sub3A = arith.constant 1 : i32
    %sub3A_20 = arith.subi %div3A, %sub3A : i32
    %select_n3A = arith.select %and3A, %sub3A_20, %div3A : i32
    %jit3A_21 = arith.constant 32 : i32
    %eq3A = arith.constant 0 : i32
    %eq3A_22 = arith.cmpi eq, %jit3A_21, %eq3A : i32
    %jit3A_23 = arith.constant 1 : i32
    %select_n3A_24 = arith.select %eq3A_22, %jit3A_23, %jit3A_21 : i32
    %rem3A_25 = arith.remsi %add3A_4, %select_n3A_24 : i32
    %ne3A_26 = arith.constant 0 : i32
    %ne3A_27 = arith.cmpi ne, %rem3A_25, %ne3A_26 : i32
    %lt3A = arith.constant 0 : i32
    %lt3A_28 = arith.cmpi slt, %rem3A_25, %lt3A : i32
    %lt3A_29 = arith.constant 0 : i32
    %lt3A_30 = arith.cmpi slt, %select_n3A_24, %lt3A_29 : i32
    %ne3A_31 = arith.xori %lt3A_28, %lt3A_30 : i1
    %and3A_32 = arith.andi %ne3A_31, %ne3A_27 : i1
    %add3A_33 = arith.addi %rem3A_25, %select_n3A_24 : i32
    %select_n3A_34 = arith.select %and3A_32, %add3A_33, %rem3A_25 : i32
    %mul3A_35 = arith.constant 512 : i32
    %mul3A_36 = arith.muli %select_n3A_34, %mul3A_35 : i32
    %multiple_of3A = tpu.assume_multiple %mul3A_36, 512 : i32
    %dma_start3A = tpu.memref_slice %arg2[%select_n3A, %multiple_of3A] : memref<50x16384xi32, #tpu.memory_space<hbm>> -> memref<1x512xi32, #tpu.memory_space<hbm>>
    %dma_start3A_37 = tpu.memref_slice %arg2[%select_n3A, %multiple_of3A] : memref<50x16384xi32, #tpu.memory_space<hbm>> -> memref<1x512xi32, #tpu.memory_space<hbm>>
    tpu.enqueue_dma source(%dma_start3A_37 : memref<1x512xi32, #tpu.memory_space<hbm>>) target(%arg5 : memref<1x512xi32, #tpu.memory_space<vmem>>) target_semaphore(%arg20 : memref<!tpu.dma_semaphore, #tpu.memory_space<semaphore_mem>>)
    %add3A_38 = arith.constant 1 : i32
    %add3A_39 = arith.addi %mul3A_2, %add3A_38 : i32
    %jit3A_40 = arith.constant 32 : i32
    %div3A_41 = arith.divsi %add3A_39, %jit3A_40 : i32
    %sign3A_42 = arith.constant 0 : i32
    %sign3A_43 = arith.cmpi sgt, %add3A_39, %sign3A_42 : i32
    %sign3A_44 = arith.extui %sign3A_43 : i1 to i32
    %sign3A_45 = arith.constant 0 : i32
    %sign3A_46 = arith.cmpi slt, %add3A_39, %sign3A_45 : i32
    %sign3A_47 = arith.extui %sign3A_46 : i1 to i32
    %sign3A_48 = arith.subi %sign3A_44, %sign3A_47 : i32
    %sign3A_49 = arith.constant 0 : i32
    %sign3A_50 = arith.cmpi sgt, %jit3A_40, %sign3A_49 : i32
    %sign3A_51 = arith.extui %sign3A_50 : i1 to i32
    %sign3A_52 = arith.constant 0 : i32
    %sign3A_53 = arith.cmpi slt, %jit3A_40, %sign3A_52 : i32
    %sign3A_54 = arith.extui %sign3A_53 : i1 to i32
    %sign3A_55 = arith.subi %sign3A_51, %sign3A_54 : i32
    %ne3A_56 = arith.cmpi ne, %sign3A_48, %sign3A_55 : i32
    %rem3A_57 = arith.remsi %add3A_39, %jit3A_40 : i32
    %ne3A_58 = arith.constant 0 : i32
    %ne3A_59 = arith.cmpi ne, %rem3A_57, %ne3A_58 : i32
    %and3A_60 = arith.andi %ne3A_56, %ne3A_59 : i1
    %sub3A_61 = arith.constant 1 : i32
    %sub3A_62 = arith.subi %div3A_41, %sub3A_61 : i32
    %select_n3A_63 = arith.select %and3A_60, %sub3A_62, %div3A_41 : i32
    %jit3A_64 = arith.constant 32 : i32
    %eq3A_65 = arith.constant 0 : i32
    %eq3A_66 = arith.cmpi eq, %jit3A_64, %eq3A_65 : i32
    %jit3A_67 = arith.constant 1 : i32
    %select_n3A_68 = arith.select %eq3A_66, %jit3A_67, %jit3A_64 : i32
    %rem3A_69 = arith.remsi %add3A_39, %select_n3A_68 : i32
    %ne3A_70 = arith.constant 0 : i32
    %ne3A_71 = arith.cmpi ne, %rem3A_69, %ne3A_70 : i32
    %lt3A_72 = arith.constant 0 : i32
    %lt3A_73 = arith.cmpi slt, %rem3A_69, %lt3A_72 : i32
    %lt3A_74 = arith.constant 0 : i32
    %lt3A_75 = arith.cmpi slt, %select_n3A_68, %lt3A_74 : i32
    %ne3A_76 = arith.xori %lt3A_73, %lt3A_75 : i1
    %and3A_77 = arith.andi %ne3A_76, %ne3A_71 : i1
    %add3A_78 = arith.addi %rem3A_69, %select_n3A_68 : i32
    %select_n3A_79 = arith.select %and3A_77, %add3A_78, %rem3A_69 : i32
    %mul3A_80 = arith.constant 512 : i32
    %mul3A_81 = arith.muli %select_n3A_79, %mul3A_80 : i32
    %multiple_of3A_82 = tpu.assume_multiple %mul3A_81, 512 : i32
    %dma_start3A_83 = tpu.memref_slice %arg2[%select_n3A_63, %multiple_of3A_82] : memref<50x16384xi32, #tpu.memory_space<hbm>> -> memref<1x512xi32, #tpu.memory_space<hbm>>
    %dma_start3A_84 = tpu.memref_slice %arg2[%select_n3A_63, %multiple_of3A_82] : memref<50x16384xi32, #tpu.memory_space<hbm>> -> memref<1x512xi32, #tpu.memory_space<hbm>>
    tpu.enqueue_dma source(%dma_start3A_84 : memref<1x512xi32, #tpu.memory_space<hbm>>) target(%arg6 : memref<1x512xi32, #tpu.memory_space<vmem>>) target_semaphore(%arg21 : memref<!tpu.dma_semaphore, #tpu.memory_space<semaphore_mem>>)
    %add3A_85 = arith.constant 2 : i32
    %add3A_86 = arith.addi %mul3A_2, %add3A_85 : i32
    %jit3A_87 = arith.constant 32 : i32
    %div3A_88 = arith.divsi %add3A_86, %jit3A_87 : i32
    %sign3A_89 = arith.constant 0 : i32
    %sign3A_90 = arith.cmpi sgt, %add3A_86, %sign3A_89 : i32
    %sign3A_91 = arith.extui %sign3A_90 : i1 to i32
    %sign3A_92 = arith.constant 0 : i32
    %sign3A_93 = arith.cmpi slt, %add3A_86, %sign3A_92 : i32
    %sign3A_94 = arith.extui %sign3A_93 : i1 to i32
    %sign3A_95 = arith.subi %sign3A_91, %sign3A_94 : i32
    %sign3A_96 = arith.constant 0 : i32
    %sign3A_97 = arith.cmpi sgt, %jit3A_87, %sign3A_96 : i32
    %sign3A_98 = arith.extui %sign3A_97 : i1 to i32
    %sign3A_99 = arith.constant 0 : i32
    %sign3A_100 = arith.cmpi slt, %jit3A_87, %sign3A_99 : i32
    %sign3A_101 = arith.extui %sign3A_100 : i1 to i32
    %sign3A_102 = arith.subi %sign3A_98, %sign3A_101 : i32
    %ne3A_103 = arith.cmpi ne, %sign3A_95, %sign3A_102 : i32
    %rem3A_104 = arith.remsi %add3A_86, %jit3A_87 : i32
    %ne3A_105 = arith.constant 0 : i32
    %ne3A_106 = arith.cmpi ne, %rem3A_104, %ne3A_105 : i32
    %and3A_107 = arith.andi %ne3A_103, %ne3A_106 : i1
    %sub3A_108 = arith.constant 1 : i32
    %sub3A_109 = arith.subi %div3A_88, %sub3A_108 : i32
    %select_n3A_110 = arith.select %and3A_107, %sub3A_109, %div3A_88 : i32
    %jit3A_111 = arith.constant 32 : i32
    %eq3A_112 = arith.constant 0 : i32
    %eq3A_113 = arith.cmpi eq, %jit3A_111, %eq3A_112 : i32
    %jit3A_114 = arith.constant 1 : i32
    %select_n3A_115 = arith.select %eq3A_113, %jit3A_114, %jit3A_111 : i32
    %rem3A_116 = arith.remsi %add3A_86, %select_n3A_115 : i32
    %ne3A_117 = arith.constant 0 : i32
    %ne3A_118 = arith.cmpi ne, %rem3A_116, %ne3A_117 : i32
    %lt3A_119 = arith.constant 0 : i32
    %lt3A_120 = arith.cmpi slt, %rem3A_116, %lt3A_119 : i32
    %lt3A_121 = arith.constant 0 : i32
    %lt3A_122 = arith.cmpi slt, %select_n3A_115, %lt3A_121 : i32
    %ne3A_123 = arith.xori %lt3A_120, %lt3A_122 : i1
    %and3A_124 = arith.andi %ne3A_123, %ne3A_118 : i1
    %add3A_125 = arith.addi %rem3A_116, %select_n3A_115 : i32
    %select_n3A_126 = arith.select %and3A_124, %add3A_125, %rem3A_116 : i32
    %mul3A_127 = arith.constant 512 : i32
    %mul3A_128 = arith.muli %select_n3A_126, %mul3A_127 : i32
    %multiple_of3A_129 = tpu.assume_multiple %mul3A_128, 512 : i32
    %dma_start3A_130 = tpu.memref_slice %arg2[%select_n3A_110, %multiple_of3A_129] : memref<50x16384xi32, #tpu.memory_space<hbm>> -> memref<1x512xi32, #tpu.memory_space<hbm>>
    %dma_start3A_131 = tpu.memref_slice %arg2[%select_n3A_110, %multiple_of3A_129] : memref<50x16384xi32, #tpu.memory_space<hbm>> -> memref<1x512xi32, #tpu.memory_space<hbm>>
    tpu.enqueue_dma source(%dma_start3A_131 : memref<1x512xi32, #tpu.memory_space<hbm>>) target(%arg7 : memref<1x512xi32, #tpu.memory_space<vmem>>) target_semaphore(%arg22 : memref<!tpu.dma_semaphore, #tpu.memory_space<semaphore_mem>>)
    %dma_wait3A = arith.constant 0 : i32
    %dma_wait3A_132 = arith.constant 0 : i32
    %dma_wait3A_133 = tpu.memref_slice %arg2[%dma_wait3A, %dma_wait3A_132] : memref<50x16384xi32, #tpu.memory_space<hbm>> -> memref<1x512xi32, #tpu.memory_space<hbm>>
    %dma_wait3A_134 = arith.constant 0 : i32
    %dma_wait3A_135 = arith.constant 0 : i32
    %dma_wait3A_136 = tpu.memref_slice %arg2[%dma_wait3A_134, %dma_wait3A_135] : memref<50x16384xi32, #tpu.memory_space<hbm>> -> memref<1x512xi32, #tpu.memory_space<hbm>>
    tpu.wait_dma2 semaphore(%arg20 : memref<!tpu.dma_semaphore, #tpu.memory_space<semaphore_mem>>) src(%dma_wait3A_136 : memref<1x512xi32, #tpu.memory_space<hbm>>) dst(%arg5 : memref<1x512xi32, #tpu.memory_space<vmem>>)
    %dma_start3A_137 = arith.constant 0 : i32
    %dma_start3A_138 = arith.constant 0 : i32
    %dma_start3A_139 = tpu.memref_slice %arg5[%dma_start3A_137, %dma_start3A_138] : memref<1x512xi32, #tpu.memory_space<vmem>> -> memref<1x512xi32, #tpu.memory_space<vmem>>
    %dma_start3A_140 = tpu.memref_squeeze %dma_start3A_139 : memref<1x512xi32, #tpu.memory_space<vmem>> -> memref<512xi32, #tpu.memory_space<vmem>>
    %dma_start3A_141 = arith.constant 0 : i32
    %dma_start3A_142 = arith.constant 0 : i32
    %dma_start3A_143 = tpu.memref_slice %arg3[%dma_start3A_141, %dma_start3A_142] : memref<1000000x32xf32, #tpu.memory_space<hbm>> -> memref<1000000x32xf32, #tpu.memory_space<hbm>>
    tpu.enqueue_indirect_dma source(%dma_start3A_143 : memref<1000000x32xf32, #tpu.memory_space<hbm>>) target(%arg8 : memref<512x32xf32, #tpu.memory_space<vmem>>) offsets(%dma_start3A_140 : memref<512xi32, #tpu.memory_space<vmem>>) semaphore(%arg14 : memref<!tpu.dma_semaphore, #tpu.memory_space<semaphore_mem>>)
    %dma_wait3A_144 = arith.constant 0 : i32
    %dma_wait3A_145 = arith.constant 0 : i32
    %dma_wait3A_146 = tpu.memref_slice %arg2[%dma_wait3A_144, %dma_wait3A_145] : memref<50x16384xi32, #tpu.memory_space<hbm>> -> memref<1x512xi32, #tpu.memory_space<hbm>>
    %dma_wait3A_147 = arith.constant 0 : i32
    %dma_wait3A_148 = arith.constant 0 : i32
    %dma_wait3A_149 = tpu.memref_slice %arg2[%dma_wait3A_147, %dma_wait3A_148] : memref<50x16384xi32, #tpu.memory_space<hbm>> -> memref<1x512xi32, #tpu.memory_space<hbm>>
    tpu.wait_dma2 semaphore(%arg21 : memref<!tpu.dma_semaphore, #tpu.memory_space<semaphore_mem>>) src(%dma_wait3A_149 : memref<1x512xi32, #tpu.memory_space<hbm>>) dst(%arg6 : memref<1x512xi32, #tpu.memory_space<vmem>>)
    %dma_start3A_150 = arith.constant 0 : i32
    %dma_start3A_151 = arith.constant 0 : i32
    %dma_start3A_152 = tpu.memref_slice %arg6[%dma_start3A_150, %dma_start3A_151] : memref<1x512xi32, #tpu.memory_space<vmem>> -> memref<1x512xi32, #tpu.memory_space<vmem>>
    %dma_start3A_153 = tpu.memref_squeeze %dma_start3A_152 : memref<1x512xi32, #tpu.memory_space<vmem>> -> memref<512xi32, #tpu.memory_space<vmem>>
    %dma_start3A_154 = arith.constant 0 : i32
    %dma_start3A_155 = arith.constant 0 : i32
    %dma_start3A_156 = tpu.memref_slice %arg3[%dma_start3A_154, %dma_start3A_155] : memref<1000000x32xf32, #tpu.memory_space<hbm>> -> memref<1000000x32xf32, #tpu.memory_space<hbm>>
    tpu.enqueue_indirect_dma source(%dma_start3A_156 : memref<1000000x32xf32, #tpu.memory_space<hbm>>) target(%arg9 : memref<512x32xf32, #tpu.memory_space<vmem>>) offsets(%dma_start3A_153 : memref<512xi32, #tpu.memory_space<vmem>>) semaphore(%arg15 : memref<!tpu.dma_semaphore, #tpu.memory_space<semaphore_mem>>)
    %dma_wait3A_157 = arith.constant 0 : i32
    %dma_wait3A_158 = arith.constant 0 : i32
    %dma_wait3A_159 = tpu.memref_slice %arg2[%dma_wait3A_157, %dma_wait3A_158] : memref<50x16384xi32, #tpu.memory_space<hbm>> -> memref<1x512xi32, #tpu.memory_space<hbm>>
    %dma_wait3A_160 = arith.constant 0 : i32
    %dma_wait3A_161 = arith.constant 0 : i32
    %dma_wait3A_162 = tpu.memref_slice %arg2[%dma_wait3A_160, %dma_wait3A_161] : memref<50x16384xi32, #tpu.memory_space<hbm>> -> memref<1x512xi32, #tpu.memory_space<hbm>>
    tpu.wait_dma2 semaphore(%arg22 : memref<!tpu.dma_semaphore, #tpu.memory_space<semaphore_mem>>) src(%dma_wait3A_162 : memref<1x512xi32, #tpu.memory_space<hbm>>) dst(%arg7 : memref<1x512xi32, #tpu.memory_space<vmem>>)
    %dma_start3A_163 = arith.constant 0 : i32
    %dma_start3A_164 = arith.constant 0 : i32
    %dma_start3A_165 = tpu.memref_slice %arg7[%dma_start3A_163, %dma_start3A_164] : memref<1x512xi32, #tpu.memory_space<vmem>> -> memref<1x512xi32, #tpu.memory_space<vmem>>
    %dma_start3A_166 = tpu.memref_squeeze %dma_start3A_165 : memref<1x512xi32, #tpu.memory_space<vmem>> -> memref<512xi32, #tpu.memory_space<vmem>>
    %dma_start3A_167 = arith.constant 0 : i32
    %dma_start3A_168 = arith.constant 0 : i32
    %dma_start3A_169 = tpu.memref_slice %arg3[%dma_start3A_167, %dma_start3A_168] : memref<1000000x32xf32, #tpu.memory_space<hbm>> -> memref<1000000x32xf32, #tpu.memory_space<hbm>>
    tpu.enqueue_indirect_dma source(%dma_start3A_169 : memref<1000000x32xf32, #tpu.memory_space<hbm>>) target(%arg10 : memref<512x32xf32, #tpu.memory_space<vmem>>) offsets(%dma_start3A_166 : memref<512xi32, #tpu.memory_space<vmem>>) semaphore(%arg16 : memref<!tpu.dma_semaphore, #tpu.memory_space<semaphore_mem>>)
    %scan3A = arith.constant 0 : i32
    %scan3A_170 = arith.constant 0 : i32
    %scan3A_171 = arith.constant 16 : i32
    %scan3A_172 = arith.addi %scan3A_170, %scan3A_171 : i32
    %scan3A_173 = arith.constant 1 : i32
    %scan3A_174 = scf.for %scan3A_351 = %scan3A_170 to %scan3A_172 step %scan3A_173 iter_args(%scan3A_352 = %scan3A) -> (i32)  : i32 {
      %mul3A_353 = arith.constant 3 : i32
      %mul3A_354 = arith.muli %scan3A_351, %mul3A_353 : i32
      %add3A_355 = arith.constant 0 : i32
      %add3A_356 = arith.addi %mul3A_354, %add3A_355 : i32
      %dma_wait3A_357 = arith.constant 0 : i32
      %dma_wait3A_358 = arith.constant 0 : i32
      %dma_wait3A_359 = tpu.memref_slice %arg5[%dma_wait3A_357, %dma_wait3A_358] : memref<1x512xi32, #tpu.memory_space<vmem>> -> memref<1x512xi32, #tpu.memory_space<vmem>>
      %dma_wait3A_360 = tpu.memref_squeeze %dma_wait3A_359 : memref<1x512xi32, #tpu.memory_space<vmem>> -> memref<512xi32, #tpu.memory_space<vmem>>
      %dma_wait3A_361 = arith.constant 0 : i32
      %dma_wait3A_362 = arith.constant 0 : i32
      %dma_wait3A_363 = tpu.memref_slice %arg3[%dma_wait3A_361, %dma_wait3A_362] : memref<1000000x32xf32, #tpu.memory_space<hbm>> -> memref<1000000x32xf32, #tpu.memory_space<hbm>>
      tpu.wait_indirect_dma semaphore(%arg14 : memref<!tpu.dma_semaphore, #tpu.memory_space<semaphore_mem>>) src(%dma_wait3A_363 : memref<1000000x32xf32, #tpu.memory_space<hbm>>) dst(%arg8 : memref<512x32xf32, #tpu.memory_space<vmem>>)
      %add3A_364 = arith.constant 3 : i32
      %add3A_365 = arith.addi %add3A_356, %add3A_364 : i32
      %lt3A_366 = arith.constant 50 : i32
      %lt3A_367 = arith.cmpi slt, %add3A_365, %lt3A_366 : i32
      %convert_element_type3A = arith.extui %lt3A_367 : i1 to i32
      %cond3A = arith.constant 0 : i32
      %cond3A_368 = arith.cmpi ne, %convert_element_type3A, %cond3A : i32
      scf.if %cond3A_368 {
        %add3A_612 = arith.constant 3 : i32
        %add3A_613 = arith.addi %add3A_356, %add3A_612 : i32
        %add3A_614 = arith.addi %mul3A_2, %add3A_613 : i32
        %jit3A_615 = arith.constant 32 : i32
        %div3A_616 = arith.divsi %add3A_614, %jit3A_615 : i32
        %sign3A_617 = arith.constant 0 : i32
        %sign3A_618 = arith.cmpi sgt, %add3A_614, %sign3A_617 : i32
        %sign3A_619 = arith.extui %sign3A_618 : i1 to i32
        %sign3A_620 = arith.constant 0 : i32
        %sign3A_621 = arith.cmpi slt, %add3A_614, %sign3A_620 : i32
        %sign3A_622 = arith.extui %sign3A_621 : i1 to i32
        %sign3A_623 = arith.subi %sign3A_619, %sign3A_622 : i32
        %sign3A_624 = arith.constant 0 : i32
        %sign3A_625 = arith.cmpi sgt, %jit3A_615, %sign3A_624 : i32
        %sign3A_626 = arith.extui %sign3A_625 : i1 to i32
        %sign3A_627 = arith.constant 0 : i32
        %sign3A_628 = arith.cmpi slt, %jit3A_615, %sign3A_627 : i32
        %sign3A_629 = arith.extui %sign3A_628 : i1 to i32
        %sign3A_630 = arith.subi %sign3A_626, %sign3A_629 : i32
        %ne3A_631 = arith.cmpi ne, %sign3A_623, %sign3A_630 : i32
        %rem3A_632 = arith.remsi %add3A_614, %jit3A_615 : i32
        %ne3A_633 = arith.constant 0 : i32
        %ne3A_634 = arith.cmpi ne, %rem3A_632, %ne3A_633 : i32
        %and3A_635 = arith.andi %ne3A_631, %ne3A_634 : i1
        %sub3A_636 = arith.constant 1 : i32
        %sub3A_637 = arith.subi %div3A_616, %sub3A_636 : i32
        %select_n3A_638 = arith.select %and3A_635, %sub3A_637, %div3A_616 : i32
        %jit3A_639 = arith.constant 32 : i32
        %eq3A_640 = arith.constant 0 : i32
        %eq3A_641 = arith.cmpi eq, %jit3A_639, %eq3A_640 : i32
        %jit3A_642 = arith.constant 1 : i32
        %select_n3A_643 = arith.select %eq3A_641, %jit3A_642, %jit3A_639 : i32
        %rem3A_644 = arith.remsi %add3A_614, %select_n3A_643 : i32
        %ne3A_645 = arith.constant 0 : i32
        %ne3A_646 = arith.cmpi ne, %rem3A_644, %ne3A_645 : i32
        %lt3A_647 = arith.constant 0 : i32
        %lt3A_648 = arith.cmpi slt, %rem3A_644, %lt3A_647 : i32
        %lt3A_649 = arith.constant 0 : i32
        %lt3A_650 = arith.cmpi slt, %select_n3A_643, %lt3A_649 : i32
        %ne3A_651 = arith.xori %lt3A_648, %lt3A_650 : i1
        %and3A_652 = arith.andi %ne3A_651, %ne3A_646 : i1
        %add3A_653 = arith.addi %rem3A_644, %select_n3A_643 : i32
        %select_n3A_654 = arith.select %and3A_652, %add3A_653, %rem3A_644 : i32
        %mul3A_655 = arith.constant 512 : i32
        %mul3A_656 = arith.muli %select_n3A_654, %mul3A_655 : i32
        %multiple_of3A_657 = tpu.assume_multiple %mul3A_656, 512 : i32
        %dma_start3A_658 = tpu.memref_slice %arg2[%select_n3A_638, %multiple_of3A_657] : memref<50x16384xi32, #tpu.memory_space<hbm>> -> memref<1x512xi32, #tpu.memory_space<hbm>>
        %dma_start3A_659 = tpu.memref_slice %arg2[%select_n3A_638, %multiple_of3A_657] : memref<50x16384xi32, #tpu.memory_space<hbm>> -> memref<1x512xi32, #tpu.memory_space<hbm>>
        tpu.enqueue_dma source(%dma_start3A_659 : memref<1x512xi32, #tpu.memory_space<hbm>>) target(%arg5 : memref<1x512xi32, #tpu.memory_space<vmem>>) target_semaphore(%arg20 : memref<!tpu.dma_semaphore, #tpu.memory_space<semaphore_mem>>)
      } else {
      }
      %ge3A = arith.constant 3 : i32
      %ge3A_369 = arith.cmpi sge, %add3A_356, %ge3A : i32
      %convert_element_type3A_370 = arith.extui %ge3A_369 : i1 to i32
      %cond3A_371 = arith.constant 0 : i32
      %cond3A_372 = arith.cmpi ne, %convert_element_type3A_370, %cond3A_371 : i32
      scf.if %cond3A_372 {
        %dma_wait3A_612 = arith.constant 0 : i32
        %dma_wait3A_613 = arith.constant 0 : i32
        %dma_wait3A_614 = arith.constant 0 : i32
        %dma_wait3A_615 = tpu.memref_slice %arg4[%dma_wait3A_612, %dma_wait3A_613, %dma_wait3A_614] : memref<50x32x16384xf32, #tpu.memory_space<hbm>> -> memref<1x32x512xf32, #tpu.memory_space<hbm>>
        %dma_wait3A_616 = tpu.memref_squeeze %dma_wait3A_615 : memref<1x32x512xf32, #tpu.memory_space<hbm>> -> memref<32x512xf32, #tpu.memory_space<hbm>>
        %dma_wait3A_617 = arith.constant 0 : i32
        %dma_wait3A_618 = arith.constant 0 : i32
        %dma_wait3A_619 = tpu.memref_slice %arg4[%dma_wait3A_612, %dma_wait3A_617, %dma_wait3A_618] : memref<50x32x16384xf32, #tpu.memory_space<hbm>> -> memref<1x32x512xf32, #tpu.memory_space<hbm>>
        %dma_wait3A_620 = tpu.memref_squeeze %dma_wait3A_619 : memref<1x32x512xf32, #tpu.memory_space<hbm>> -> memref<32x512xf32, #tpu.memory_space<hbm>>
        tpu.wait_dma2 semaphore(%arg17 : memref<!tpu.dma_semaphore, #tpu.memory_space<semaphore_mem>>) src(%arg11 : memref<32x512xf32, #tpu.memory_space<vmem>>) dst(%dma_wait3A_620 : memref<32x512xf32, #tpu.memory_space<hbm>>)
      } else {
      }
      %scan3A_373 = arith.constant 0 : i32
      %scan3A_374 = arith.constant 0 : i32
      %scan3A_375 = arith.constant 32 : i32
      %scan3A_376 = arith.addi %scan3A_374, %scan3A_375 : i32
      %scan3A_377 = arith.constant 1 : i32
      %scan3A_378 = scf.for %scan3A_612 = %scan3A_374 to %scan3A_376 step %scan3A_377 iter_args(%scan3A_613 = %scan3A_373) -> (i32)  : i32 {
        %mul3A_614 = arith.constant 16 : i32
        %mul3A_615 = arith.muli %scan3A_612, %mul3A_614 : i32
        %add3A_616 = vector.broadcast %mul3A_615 : i32 to vector<16xi32>
        %add3A_617 = arith.addi %add3A_616, %iota3A : vector<16xi32>
        %broadcast_in_dim3A = arith.constant 0 : i32
        %broadcast_in_dim3A_618 = vector.broadcast %broadcast_in_dim3A : i32 to vector<16xi32>
        %gather3A = tpu.vector_load_idx %arg8[%add3A_617, %broadcast_in_dim3A_618] : memref<512x32xf32, #tpu.memory_space<vmem>>[vector<16xi32>, vector<16xi32>], vector<16xf32>,
        %mul3A_619 = arith.constant 16 : i32
        %mul3A_620 = arith.muli %scan3A_612, %mul3A_619 : i32
        %swap3A = arith.constant 0 : i32
        %swap3A_621 = arith.index_cast %swap3A : i32 to index
        %swap3A_622 = arith.index_cast %mul3A_620 : i32 to index
        %swap3A_623 = tpu.vector_load %arg11[%swap3A_621, %swap3A_622] {strides = array<i32>} : memref<32x512xf32, #tpu.memory_space<vmem>>, vector<16xf32>,
        tpu.vector_store %arg11[%swap3A_621, %swap3A_622], %gather3A {strides = array<i32>} : memref<32x512xf32, #tpu.memory_space<vmem>>, vector<16xf32>,
        %broadcast_in_dim3A_624 = arith.constant 1 : i32
        %broadcast_in_dim3A_625 = vector.broadcast %broadcast_in_dim3A_624 : i32 to vector<16xi32>
        %gather3A_626 = tpu.vector_load_idx %arg8[%add3A_617, %broadcast_in_dim3A_625] : memref<512x32xf32, #tpu.memory_space<vmem>>[vector<16xi32>, vector<16xi32>], vector<16xf32>,
        %mul3A_627 = arith.constant 16 : i32
        %mul3A_628 = arith.muli %scan3A_612, %mul3A_627 : i32
        %swap3A_629 = arith.constant 1 : i32
        %swap3A_630 = arith.index_cast %swap3A_629 : i32 to index
        %swap3A_631 = arith.index_cast %mul3A_628 : i32 to index
        %swap3A_632 = tpu.vector_load %arg11[%swap3A_630, %swap3A_631] {strides = array<i32>} : memref<32x512xf32, #tpu.memory_space<vmem>>, vector<16xf32>,
        tpu.vector_store %arg11[%swap3A_630, %swap3A_631], %gather3A_626 {strides = array<i32>} : memref<32x512xf32, #tpu.memory_space<vmem>>, vector<16xf32>,
        %broadcast_in_dim3A_633 = arith.constant 2 : i32
        %broadcast_in_dim3A_634 = vector.broadcast %broadcast_in_dim3A_633 : i32 to vector<16xi32>
        %gather3A_635 = tpu.vector_load_idx %arg8[%add3A_617, %broadcast_in_dim3A_634] : memref<512x32xf32, #tpu.memory_space<vmem>>[vector<16xi32>, vector<16xi32>], vector<16xf32>,
        %mul3A_636 = arith.constant 16 : i32
        %mul3A_637 = arith.muli %scan3A_612, %mul3A_636 : i32
        %swap3A_638 = arith.constant 2 : i32
        %swap3A_639 = arith.index_cast %swap3A_638 : i32 to index
        %swap3A_640 = arith.index_cast %mul3A_637 : i32 to index
        %swap3A_641 = tpu.vector_load %arg11[%swap3A_639, %swap3A_640] {strides = array<i32>} : memref<32x512xf32, #tpu.memory_space<vmem>>, vector<16xf32>,
        tpu.vector_store %arg11[%swap3A_639, %swap3A_640], %gather3A_635 {strides = array<i32>} : memref<32x512xf32, #tpu.memory_space<vmem>>, vector<16xf32>,
        %broadcast_in_dim3A_642 = arith.constant 3 : i32
        %broadcast_in_dim3A_643 = vector.broadcast %broadcast_in_dim3A_642 : i32 to vector<16xi32>
        %gather3A_644 = tpu.vector_load_idx %arg8[%add3A_617, %broadcast_in_dim3A_643] : memref<512x32xf32, #tpu.memory_space<vmem>>[vector<16xi32>, vector<16xi32>], vector<16xf32>,
        %mul3A_645 = arith.constant 16 : i32
        %mul3A_646 = arith.muli %scan3A_612, %mul3A_645 : i32
        %swap3A_647 = arith.constant 3 : i32
        %swap3A_648 = arith.index_cast %swap3A_647 : i32 to index
        %swap3A_649 = arith.index_cast %mul3A_646 : i32 to index
        %swap3A_650 = tpu.vector_load %arg11[%swap3A_648, %swap3A_649] {strides = array<i32>} : memref<32x512xf32, #tpu.memory_space<vmem>>, vector<16xf32>,
        tpu.vector_store %arg11[%swap3A_648, %swap3A_649], %gather3A_644 {strides = array<i32>} : memref<32x512xf32, #tpu.memory_space<vmem>>, vector<16xf32>,
        %broadcast_in_dim3A_651 = arith.constant 4 : i32
        %broadcast_in_dim3A_652 = vector.broadcast %broadcast_in_dim3A_651 : i32 to vector<16xi32>
        %gather3A_653 = tpu.vector_load_idx %arg8[%add3A_617, %broadcast_in_dim3A_652] : memref<512x32xf32, #tpu.memory_space<vmem>>[vector<16xi32>, vector<16xi32>], vector<16xf32>,
        %mul3A_654 = arith.constant 16 : i32
        %mul3A_655 = arith.muli %scan3A_612, %mul3A_654 : i32
        %swap3A_656 = arith.constant 4 : i32
        %swap3A_657 = arith.index_cast %swap3A_656 : i32 to index
        %swap3A_658 = arith.index_cast %mul3A_655 : i32 to index
        %swap3A_659 = tpu.vector_load %arg11[%swap3A_657, %swap3A_658] {strides = array<i32>} : memref<32x512xf32, #tpu.memory_space<vmem>>, vector<16xf32>,
        tpu.vector_store %arg11[%swap3A_657, %swap3A_658], %gather3A_653 {strides = array<i32>} : memref<32x512xf32, #tpu.memory_space<vmem>>, vector<16xf32>,
        %broadcast_in_dim3A_660 = arith.constant 5 : i32
        %broadcast_in_dim3A_661 = vector.broadcast %broadcast_in_dim3A_660 : i32 to vector<16xi32>
        %gather3A_662 = tpu.vector_load_idx %arg8[%add3A_617, %broadcast_in_dim3A_661] : memref<512x32xf32, #tpu.memory_space<vmem>>[vector<16xi32>, vector<16xi32>], vector<16xf32>,
        %mul3A_663 = arith.constant 16 : i32
        %mul3A_664 = arith.muli %scan3A_612, %mul3A_663 : i32
        %swap3A_665 = arith.constant 5 : i32
        %swap3A_666 = arith.index_cast %swap3A_665 : i32 to index
        %swap3A_667 = arith.index_cast %mul3A_664 : i32 to index
        %swap3A_668 = tpu.vector_load %arg11[%swap3A_666, %swap3A_667] {strides = array<i32>} : memref<32x512xf32, #tpu.memory_space<vmem>>, vector<16xf32>,
        tpu.vector_store %arg11[%swap3A_666, %swap3A_667], %gather3A_662 {strides = array<i32>} : memref<32x512xf32, #tpu.memory_space<vmem>>, vector<16xf32>,
        %broadcast_in_dim3A_669 = arith.constant 6 : i32
        %broadcast_in_dim3A_670 = vector.broadcast %broadcast_in_dim3A_669 : i32 to vector<16xi32>
        %gather3A_671 = tpu.vector_load_idx %arg8[%add3A_617, %broadcast_in_dim3A_670] : memref<512x32xf32, #tpu.memory_space<vmem>>[vector<16xi32>, vector<16xi32>], vector<16xf32>,
        %mul3A_672 = arith.constant 16 : i32
        %mul3A_673 = arith.muli %scan3A_612, %mul3A_672 : i32
        %swap3A_674 = arith.constant 6 : i32
        %swap3A_675 = arith.index_cast %swap3A_674 : i32 to index
        %swap3A_676 = arith.index_cast %mul3A_673 : i32 to index
        %swap3A_677 = tpu.vector_load %arg11[%swap3A_675, %swap3A_676] {strides = array<i32>} : memref<32x512xf32, #tpu.memory_space<vmem>>, vector<16xf32>,
        tpu.vector_store %arg11[%swap3A_675, %swap3A_676], %gather3A_671 {strides = array<i32>} : memref<32x512xf32, #tpu.memory_space<vmem>>, vector<16xf32>,
        %broadcast_in_dim3A_678 = arith.constant 7 : i32
        %broadcast_in_dim3A_679 = vector.broadcast %broadcast_in_dim3A_678 : i32 to vector<16xi32>
        %gather3A_680 = tpu.vector_load_idx %arg8[%add3A_617, %broadcast_in_dim3A_679] : memref<512x32xf32, #tpu.memory_space<vmem>>[vector<16xi32>, vector<16xi32>], vector<16xf32>,
        %mul3A_681 = arith.constant 16 : i32
        %mul3A_682 = arith.muli %scan3A_612, %mul3A_681 : i32
        %swap3A_683 = arith.constant 7 : i32
        %swap3A_684 = arith.index_cast %swap3A_683 : i32 to index
        %swap3A_685 = arith.index_cast %mul3A_682 : i32 to index
        %swap3A_686 = tpu.vector_load %arg11[%swap3A_684, %swap3A_685] {strides = array<i32>} : memref<32x512xf32, #tpu.memory_space<vmem>>, vector<16xf32>,
        tpu.vector_store %arg11[%swap3A_684, %swap3A_685], %gather3A_680 {strides = array<i32>} : memref<32x512xf32, #tpu.memory_space<vmem>>, vector<16xf32>,
        %broadcast_in_dim3A_687 = arith.constant 8 : i32
        %broadcast_in_dim3A_688 = vector.broadcast %broadcast_in_dim3A_687 : i32 to vector<16xi32>
        %gather3A_689 = tpu.vector_load_idx %arg8[%add3A_617, %broadcast_in_dim3A_688] : memref<512x32xf32, #tpu.memory_space<vmem>>[vector<16xi32>, vector<16xi32>], vector<16xf32>,
        %mul3A_690 = arith.constant 16 : i32
        %mul3A_691 = arith.muli %scan3A_612, %mul3A_690 : i32
        %swap3A_692 = arith.constant 8 : i32
        %swap3A_693 = arith.index_cast %swap3A_692 : i32 to index
        %swap3A_694 = arith.index_cast %mul3A_691 : i32 to index
        %swap3A_695 = tpu.vector_load %arg11[%swap3A_693, %swap3A_694] {strides = array<i32>} : memref<32x512xf32, #tpu.memory_space<vmem>>, vector<16xf32>,
        tpu.vector_store %arg11[%swap3A_693, %swap3A_694], %gather3A_689 {strides = array<i32>} : memref<32x512xf32, #tpu.memory_space<vmem>>, vector<16xf32>,
        %broadcast_in_dim3A_696 = arith.constant 9 : i32
        %broadcast_in_dim3A_697 = vector.broadcast %broadcast_in_dim3A_696 : i32 to vector<16xi32>
        %gather3A_698 = tpu.vector_load_idx %arg8[%add3A_617, %broadcast_in_dim3A_697] : memref<512x32xf32, #tpu.memory_space<vmem>>[vector<16xi32>, vector<16xi32>], vector<16xf32>,
        %mul3A_699 = arith.constant 16 : i32
        %mul3A_700 = arith.muli %scan3A_612, %mul3A_699 : i32
        %swap3A_701 = arith.constant 9 : i32
        %swap3A_702 = arith.index_cast %swap3A_701 : i32 to index
        %swap3A_703 = arith.index_cast %mul3A_700 : i32 to index
        %swap3A_704 = tpu.vector_load %arg11[%swap3A_702, %swap3A_703] {strides = array<i32>} : memref<32x512xf32, #tpu.memory_space<vmem>>, vector<16xf32>,
        tpu.vector_store %arg11[%swap3A_702, %swap3A_703], %gather3A_698 {strides = array<i32>} : memref<32x512xf32, #tpu.memory_space<vmem>>, vector<16xf32>,
        %broadcast_in_dim3A_705 = arith.constant 10 : i32
        %broadcast_in_dim3A_706 = vector.broadcast %broadcast_in_dim3A_705 : i32 to vector<16xi32>
        %gather3A_707 = tpu.vector_load_idx %arg8[%add3A_617, %broadcast_in_dim3A_706] : memref<512x32xf32, #tpu.memory_space<vmem>>[vector<16xi32>, vector<16xi32>], vector<16xf32>,
        %mul3A_708 = arith.constant 16 : i32
        %mul3A_709 = arith.muli %scan3A_612, %mul3A_708 : i32
        %swap3A_710 = arith.constant 10 : i32
        %swap3A_711 = arith.index_cast %swap3A_710 : i32 to index
        %swap3A_712 = arith.index_cast %mul3A_709 : i32 to index
        %swap3A_713 = tpu.vector_load %arg11[%swap3A_711, %swap3A_712] {strides = array<i32>} : memref<32x512xf32, #tpu.memory_space<vmem>>, vector<16xf32>,
        tpu.vector_store %arg11[%swap3A_711, %swap3A_712], %gather3A_707 {strides = array<i32>} : memref<32x512xf32, #tpu.memory_space<vmem>>, vector<16xf32>,
        %broadcast_in_dim3A_714 = arith.constant 11 : i32
        %broadcast_in_dim3A_715 = vector.broadcast %broadcast_in_dim3A_714 : i32 to vector<16xi32>
        %gather3A_716 = tpu.vector_load_idx %arg8[%add3A_617, %broadcast_in_dim3A_715] : memref<512x32xf32, #tpu.memory_space<vmem>>[vector<16xi32>, vector<16xi32>], vector<16xf32>,
        %mul3A_717 = arith.constant 16 : i32
        %mul3A_718 = arith.muli %scan3A_612, %mul3A_717 : i32
        %swap3A_719 = arith.constant 11 : i32
        %swap3A_720 = arith.index_cast %swap3A_719 : i32 to index
        %swap3A_721 = arith.index_cast %mul3A_718 : i32 to index
        %swap3A_722 = tpu.vector_load %arg11[%swap3A_720, %swap3A_721] {strides = array<i32>} : memref<32x512xf32, #tpu.memory_space<vmem>>, vector<16xf32>,
        tpu.vector_store %arg11[%swap3A_720, %swap3A_721], %gather3A_716 {strides = array<i32>} : memref<32x512xf32, #tpu.memory_space<vmem>>, vector<16xf32>,
        %broadcast_in_dim3A_723 = arith.constant 12 : i32
        %broadcast_in_dim3A_724 = vector.broadcast %broadcast_in_dim3A_723 : i32 to vector<16xi32>
        %gather3A_725 = tpu.vector_load_idx %arg8[%add3A_617, %broadcast_in_dim3A_724] : memref<512x32xf32, #tpu.memory_space<vmem>>[vector<16xi32>, vector<16xi32>], vector<16xf32>,
        %mul3A_726 = arith.constant 16 : i32
        %mul3A_727 = arith.muli %scan3A_612, %mul3A_726 : i32
        %swap3A_728 = arith.constant 12 : i32
        %swap3A_729 = arith.index_cast %swap3A_728 : i32 to index
        %swap3A_730 = arith.index_cast %mul3A_727 : i32 to index
        %swap3A_731 = tpu.vector_load %arg11[%swap3A_729, %swap3A_730] {strides = array<i32>} : memref<32x512xf32, #tpu.memory_space<vmem>>, vector<16xf32>,
        tpu.vector_store %arg11[%swap3A_729, %swap3A_730], %gather3A_725 {strides = array<i32>} : memref<32x512xf32, #tpu.memory_space<vmem>>, vector<16xf32>,
        %broadcast_in_dim3A_732 = arith.constant 13 : i32
        %broadcast_in_dim3A_733 = vector.broadcast %broadcast_in_dim3A_732 : i32 to vector<16xi32>
        %gather3A_734 = tpu.vector_load_idx %arg8[%add3A_617, %broadcast_in_dim3A_733] : memref<512x32xf32, #tpu.memory_space<vmem>>[vector<16xi32>, vector<16xi32>], vector<16xf32>,
        %mul3A_735 = arith.constant 16 : i32
        %mul3A_736 = arith.muli %scan3A_612, %mul3A_735 : i32
        %swap3A_737 = arith.constant 13 : i32
        %swap3A_738 = arith.index_cast %swap3A_737 : i32 to index
        %swap3A_739 = arith.index_cast %mul3A_736 : i32 to index
        %swap3A_740 = tpu.vector_load %arg11[%swap3A_738, %swap3A_739] {strides = array<i32>} : memref<32x512xf32, #tpu.memory_space<vmem>>, vector<16xf32>,
        tpu.vector_store %arg11[%swap3A_738, %swap3A_739], %gather3A_734 {strides = array<i32>} : memref<32x512xf32, #tpu.memory_space<vmem>>, vector<16xf32>,
        %broadcast_in_dim3A_741 = arith.constant 14 : i32
        %broadcast_in_dim3A_742 = vector.broadcast %broadcast_in_dim3A_741 : i32 to vector<16xi32>
        %gather3A_743 = tpu.vector_load_idx %arg8[%add3A_617, %broadcast_in_dim3A_742] : memref<512x32xf32, #tpu.memory_space<vmem>>[vector<16xi32>, vector<16xi32>], vector<16xf32>,
        %mul3A_744 = arith.constant 16 : i32
        %mul3A_745 = arith.muli %scan3A_612, %mul3A_744 : i32
        %swap3A_746 = arith.constant 14 : i32
        %swap3A_747 = arith.index_cast %swap3A_746 : i32 to index
        %swap3A_748 = arith.index_cast %mul3A_745 : i32 to index
        %swap3A_749 = tpu.vector_load %arg11[%swap3A_747, %swap3A_748] {strides = array<i32>} : memref<32x512xf32, #tpu.memory_space<vmem>>, vector<16xf32>,
        tpu.vector_store %arg11[%swap3A_747, %swap3A_748], %gather3A_743 {strides = array<i32>} : memref<32x512xf32, #tpu.memory_space<vmem>>, vector<16xf32>,
        %broadcast_in_dim3A_750 = arith.constant 15 : i32
        %broadcast_in_dim3A_751 = vector.broadcast %broadcast_in_dim3A_750 : i32 to vector<16xi32>
        %gather3A_752 = tpu.vector_load_idx %arg8[%add3A_617, %broadcast_in_dim3A_751] : memref<512x32xf32, #tpu.memory_space<vmem>>[vector<16xi32>, vector<16xi32>], vector<16xf32>,
        %mul3A_753 = arith.constant 16 : i32
        %mul3A_754 = arith.muli %scan3A_612, %mul3A_753 : i32
        %swap3A_755 = arith.constant 15 : i32
        %swap3A_756 = arith.index_cast %swap3A_755 : i32 to index
        %swap3A_757 = arith.index_cast %mul3A_754 : i32 to index
        %swap3A_758 = tpu.vector_load %arg11[%swap3A_756, %swap3A_757] {strides = array<i32>} : memref<32x512xf32, #tpu.memory_space<vmem>>, vector<16xf32>,
        tpu.vector_store %arg11[%swap3A_756, %swap3A_757], %gather3A_752 {strides = array<i32>} : memref<32x512xf32, #tpu.memory_space<vmem>>, vector<16xf32>,
        %broadcast_in_dim3A_759 = arith.constant 16 : i32
        %broadcast_in_dim3A_760 = vector.broadcast %broadcast_in_dim3A_759 : i32 to vector<16xi32>
        %gather3A_761 = tpu.vector_load_idx %arg8[%add3A_617, %broadcast_in_dim3A_760] : memref<512x32xf32, #tpu.memory_space<vmem>>[vector<16xi32>, vector<16xi32>], vector<16xf32>,
        %mul3A_762 = arith.constant 16 : i32
        %mul3A_763 = arith.muli %scan3A_612, %mul3A_762 : i32
        %swap3A_764 = arith.constant 16 : i32
        %swap3A_765 = arith.index_cast %swap3A_764 : i32 to index
        %swap3A_766 = arith.index_cast %mul3A_763 : i32 to index
        %swap3A_767 = tpu.vector_load %arg11[%swap3A_765, %swap3A_766] {strides = array<i32>} : memref<32x512xf32, #tpu.memory_space<vmem>>, vector<16xf32>,
        tpu.vector_store %arg11[%swap3A_765, %swap3A_766], %gather3A_761 {strides = array<i32>} : memref<32x512xf32, #tpu.memory_space<vmem>>, vector<16xf32>,
        %broadcast_in_dim3A_768 = arith.constant 17 : i32
        %broadcast_in_dim3A_769 = vector.broadcast %broadcast_in_dim3A_768 : i32 to vector<16xi32>
        %gather3A_770 = tpu.vector_load_idx %arg8[%add3A_617, %broadcast_in_dim3A_769] : memref<512x32xf32, #tpu.memory_space<vmem>>[vector<16xi32>, vector<16xi32>], vector<16xf32>,
        %mul3A_771 = arith.constant 16 : i32
        %mul3A_772 = arith.muli %scan3A_612, %mul3A_771 : i32
        %swap3A_773 = arith.constant 17 : i32
        %swap3A_774 = arith.index_cast %swap3A_773 : i32 to index
        %swap3A_775 = arith.index_cast %mul3A_772 : i32 to index
        %swap3A_776 = tpu.vector_load %arg11[%swap3A_774, %swap3A_775] {strides = array<i32>} : memref<32x512xf32, #tpu.memory_space<vmem>>, vector<16xf32>,
        tpu.vector_store %arg11[%swap3A_774, %swap3A_775], %gather3A_770 {strides = array<i32>} : memref<32x512xf32, #tpu.memory_space<vmem>>, vector<16xf32>,
        %broadcast_in_dim3A_777 = arith.constant 18 : i32
        %broadcast_in_dim3A_778 = vector.broadcast %broadcast_in_dim3A_777 : i32 to vector<16xi32>
        %gather3A_779 = tpu.vector_load_idx %arg8[%add3A_617, %broadcast_in_dim3A_778] : memref<512x32xf32, #tpu.memory_space<vmem>>[vector<16xi32>, vector<16xi32>], vector<16xf32>,
        %mul3A_780 = arith.constant 16 : i32
        %mul3A_781 = arith.muli %scan3A_612, %mul3A_780 : i32
        %swap3A_782 = arith.constant 18 : i32
        %swap3A_783 = arith.index_cast %swap3A_782 : i32 to index
        %swap3A_784 = arith.index_cast %mul3A_781 : i32 to index
        %swap3A_785 = tpu.vector_load %arg11[%swap3A_783, %swap3A_784] {strides = array<i32>} : memref<32x512xf32, #tpu.memory_space<vmem>>, vector<16xf32>,
        tpu.vector_store %arg11[%swap3A_783, %swap3A_784], %gather3A_779 {strides = array<i32>} : memref<32x512xf32, #tpu.memory_space<vmem>>, vector<16xf32>,
        %broadcast_in_dim3A_786 = arith.constant 19 : i32
        %broadcast_in_dim3A_787 = vector.broadcast %broadcast_in_dim3A_786 : i32 to vector<16xi32>
        %gather3A_788 = tpu.vector_load_idx %arg8[%add3A_617, %broadcast_in_dim3A_787] : memref<512x32xf32, #tpu.memory_space<vmem>>[vector<16xi32>, vector<16xi32>], vector<16xf32>,
        %mul3A_789 = arith.constant 16 : i32
        %mul3A_790 = arith.muli %scan3A_612, %mul3A_789 : i32
        %swap3A_791 = arith.constant 19 : i32
        %swap3A_792 = arith.index_cast %swap3A_791 : i32 to index
        %swap3A_793 = arith.index_cast %mul3A_790 : i32 to index
        %swap3A_794 = tpu.vector_load %arg11[%swap3A_792, %swap3A_793] {strides = array<i32>} : memref<32x512xf32, #tpu.memory_space<vmem>>, vector<16xf32>,
        tpu.vector_store %arg11[%swap3A_792, %swap3A_793], %gather3A_788 {strides = array<i32>} : memref<32x512xf32, #tpu.memory_space<vmem>>, vector<16xf32>,
        %broadcast_in_dim3A_795 = arith.constant 20 : i32
        %broadcast_in_dim3A_796 = vector.broadcast %broadcast_in_dim3A_795 : i32 to vector<16xi32>
        %gather3A_797 = tpu.vector_load_idx %arg8[%add3A_617, %broadcast_in_dim3A_796] : memref<512x32xf32, #tpu.memory_space<vmem>>[vector<16xi32>, vector<16xi32>], vector<16xf32>,
        %mul3A_798 = arith.constant 16 : i32
        %mul3A_799 = arith.muli %scan3A_612, %mul3A_798 : i32
        %swap3A_800 = arith.constant 20 : i32
        %swap3A_801 = arith.index_cast %swap3A_800 : i32 to index
        %swap3A_802 = arith.index_cast %mul3A_799 : i32 to index
        %swap3A_803 = tpu.vector_load %arg11[%swap3A_801, %swap3A_802] {strides = array<i32>} : memref<32x512xf32, #tpu.memory_space<vmem>>, vector<16xf32>,
        tpu.vector_store %arg11[%swap3A_801, %swap3A_802], %gather3A_797 {strides = array<i32>} : memref<32x512xf32, #tpu.memory_space<vmem>>, vector<16xf32>,
        %broadcast_in_dim3A_804 = arith.constant 21 : i32
        %broadcast_in_dim3A_805 = vector.broadcast %broadcast_in_dim3A_804 : i32 to vector<16xi32>
        %gather3A_806 = tpu.vector_load_idx %arg8[%add3A_617, %broadcast_in_dim3A_805] : memref<512x32xf32, #tpu.memory_space<vmem>>[vector<16xi32>, vector<16xi32>], vector<16xf32>,
        %mul3A_807 = arith.constant 16 : i32
        %mul3A_808 = arith.muli %scan3A_612, %mul3A_807 : i32
        %swap3A_809 = arith.constant 21 : i32
        %swap3A_810 = arith.index_cast %swap3A_809 : i32 to index
        %swap3A_811 = arith.index_cast %mul3A_808 : i32 to index
        %swap3A_812 = tpu.vector_load %arg11[%swap3A_810, %swap3A_811] {strides = array<i32>} : memref<32x512xf32, #tpu.memory_space<vmem>>, vector<16xf32>,
        tpu.vector_store %arg11[%swap3A_810, %swap3A_811], %gather3A_806 {strides = array<i32>} : memref<32x512xf32, #tpu.memory_space<vmem>>, vector<16xf32>,
        %broadcast_in_dim3A_813 = arith.constant 22 : i32
        %broadcast_in_dim3A_814 = vector.broadcast %broadcast_in_dim3A_813 : i32 to vector<16xi32>
        %gather3A_815 = tpu.vector_load_idx %arg8[%add3A_617, %broadcast_in_dim3A_814] : memref<512x32xf32, #tpu.memory_space<vmem>>[vector<16xi32>, vector<16xi32>], vector<16xf32>,
        %mul3A_816 = arith.constant 16 : i32
        %mul3A_817 = arith.muli %scan3A_612, %mul3A_816 : i32
        %swap3A_818 = arith.constant 22 : i32
        %swap3A_819 = arith.index_cast %swap3A_818 : i32 to index
        %swap3A_820 = arith.index_cast %mul3A_817 : i32 to index
        %swap3A_821 = tpu.vector_load %arg11[%swap3A_819, %swap3A_820] {strides = array<i32>} : memref<32x512xf32, #tpu.memory_space<vmem>>, vector<16xf32>,
        tpu.vector_store %arg11[%swap3A_819, %swap3A_820], %gather3A_815 {strides = array<i32>} : memref<32x512xf32, #tpu.memory_space<vmem>>, vector<16xf32>,
        %broadcast_in_dim3A_822 = arith.constant 23 : i32
        %broadcast_in_dim3A_823 = vector.broadcast %broadcast_in_dim3A_822 : i32 to vector<16xi32>
        %gather3A_824 = tpu.vector_load_idx %arg8[%add3A_617, %broadcast_in_dim3A_823] : memref<512x32xf32, #tpu.memory_space<vmem>>[vector<16xi32>, vector<16xi32>], vector<16xf32>,
        %mul3A_825 = arith.constant 16 : i32
        %mul3A_826 = arith.muli %scan3A_612, %mul3A_825 : i32
        %swap3A_827 = arith.constant 23 : i32
        %swap3A_828 = arith.index_cast %swap3A_827 : i32 to index
        %swap3A_829 = arith.index_cast %mul3A_826 : i32 to index
        %swap3A_830 = tpu.vector_load %arg11[%swap3A_828, %swap3A_829] {strides = array<i32>} : memref<32x512xf32, #tpu.memory_space<vmem>>, vector<16xf32>,
        tpu.vector_store %arg11[%swap3A_828, %swap3A_829], %gather3A_824 {strides = array<i32>} : memref<32x512xf32, #tpu.memory_space<vmem>>, vector<16xf32>,
        %broadcast_in_dim3A_831 = arith.constant 24 : i32
        %broadcast_in_dim3A_832 = vector.broadcast %broadcast_in_dim3A_831 : i32 to vector<16xi32>
        %gather3A_833 = tpu.vector_load_idx %arg8[%add3A_617, %broadcast_in_dim3A_832] : memref<512x32xf32, #tpu.memory_space<vmem>>[vector<16xi32>, vector<16xi32>], vector<16xf32>,
        %mul3A_834 = arith.constant 16 : i32
        %mul3A_835 = arith.muli %scan3A_612, %mul3A_834 : i32
        %swap3A_836 = arith.constant 24 : i32
        %swap3A_837 = arith.index_cast %swap3A_836 : i32 to index
        %swap3A_838 = arith.index_cast %mul3A_835 : i32 to index
        %swap3A_839 = tpu.vector_load %arg11[%swap3A_837, %swap3A_838] {strides = array<i32>} : memref<32x512xf32, #tpu.memory_space<vmem>>, vector<16xf32>,
        tpu.vector_store %arg11[%swap3A_837, %swap3A_838], %gather3A_833 {strides = array<i32>} : memref<32x512xf32, #tpu.memory_space<vmem>>, vector<16xf32>,
        %broadcast_in_dim3A_840 = arith.constant 25 : i32
        %broadcast_in_dim3A_841 = vector.broadcast %broadcast_in_dim3A_840 : i32 to vector<16xi32>
        %gather3A_842 = tpu.vector_load_idx %arg8[%add3A_617, %broadcast_in_dim3A_841] : memref<512x32xf32, #tpu.memory_space<vmem>>[vector<16xi32>, vector<16xi32>], vector<16xf32>,
        %mul3A_843 = arith.constant 16 : i32
        %mul3A_844 = arith.muli %scan3A_612, %mul3A_843 : i32
        %swap3A_845 = arith.constant 25 : i32
        %swap3A_846 = arith.index_cast %swap3A_845 : i32 to index
        %swap3A_847 = arith.index_cast %mul3A_844 : i32 to index
        %swap3A_848 = tpu.vector_load %arg11[%swap3A_846, %swap3A_847] {strides = array<i32>} : memref<32x512xf32, #tpu.memory_space<vmem>>, vector<16xf32>,
        tpu.vector_store %arg11[%swap3A_846, %swap3A_847], %gather3A_842 {strides = array<i32>} : memref<32x512xf32, #tpu.memory_space<vmem>>, vector<16xf32>,
        %broadcast_in_dim3A_849 = arith.constant 26 : i32
        %broadcast_in_dim3A_850 = vector.broadcast %broadcast_in_dim3A_849 : i32 to vector<16xi32>
        %gather3A_851 = tpu.vector_load_idx %arg8[%add3A_617, %broadcast_in_dim3A_850] : memref<512x32xf32, #tpu.memory_space<vmem>>[vector<16xi32>, vector<16xi32>], vector<16xf32>,
        %mul3A_852 = arith.constant 16 : i32
        %mul3A_853 = arith.muli %scan3A_612, %mul3A_852 : i32
        %swap3A_854 = arith.constant 26 : i32
        %swap3A_855 = arith.index_cast %swap3A_854 : i32 to index
        %swap3A_856 = arith.index_cast %mul3A_853 : i32 to index
        %swap3A_857 = tpu.vector_load %arg11[%swap3A_855, %swap3A_856] {strides = array<i32>} : memref<32x512xf32, #tpu.memory_space<vmem>>, vector<16xf32>,
        tpu.vector_store %arg11[%swap3A_855, %swap3A_856], %gather3A_851 {strides = array<i32>} : memref<32x512xf32, #tpu.memory_space<vmem>>, vector<16xf32>,
        %broadcast_in_dim3A_858 = arith.constant 27 : i32
        %broadcast_in_dim3A_859 = vector.broadcast %broadcast_in_dim3A_858 : i32 to vector<16xi32>
        %gather3A_860 = tpu.vector_load_idx %arg8[%add3A_617, %broadcast_in_dim3A_859] : memref<512x32xf32, #tpu.memory_space<vmem>>[vector<16xi32>, vector<16xi32>], vector<16xf32>,
        %mul3A_861 = arith.constant 16 : i32
        %mul3A_862 = arith.muli %scan3A_612, %mul3A_861 : i32
        %swap3A_863 = arith.constant 27 : i32
        %swap3A_864 = arith.index_cast %swap3A_863 : i32 to index
        %swap3A_865 = arith.index_cast %mul3A_862 : i32 to index
        %swap3A_866 = tpu.vector_load %arg11[%swap3A_864, %swap3A_865] {strides = array<i32>} : memref<32x512xf32, #tpu.memory_space<vmem>>, vector<16xf32>,
        tpu.vector_store %arg11[%swap3A_864, %swap3A_865], %gather3A_860 {strides = array<i32>} : memref<32x512xf32, #tpu.memory_space<vmem>>, vector<16xf32>,
        %broadcast_in_dim3A_867 = arith.constant 28 : i32
        %broadcast_in_dim3A_868 = vector.broadcast %broadcast_in_dim3A_867 : i32 to vector<16xi32>
        %gather3A_869 = tpu.vector_load_idx %arg8[%add3A_617, %broadcast_in_dim3A_868] : memref<512x32xf32, #tpu.memory_space<vmem>>[vector<16xi32>, vector<16xi32>], vector<16xf32>,
        %mul3A_870 = arith.constant 16 : i32
        %mul3A_871 = arith.muli %scan3A_612, %mul3A_870 : i32
        %swap3A_872 = arith.constant 28 : i32
        %swap3A_873 = arith.index_cast %swap3A_872 : i32 to index
        %swap3A_874 = arith.index_cast %mul3A_871 : i32 to index
        %swap3A_875 = tpu.vector_load %arg11[%swap3A_873, %swap3A_874] {strides = array<i32>} : memref<32x512xf32, #tpu.memory_space<vmem>>, vector<16xf32>,
        tpu.vector_store %arg11[%swap3A_873, %swap3A_874], %gather3A_869 {strides = array<i32>} : memref<32x512xf32, #tpu.memory_space<vmem>>, vector<16xf32>,
        %broadcast_in_dim3A_876 = arith.constant 29 : i32
        %broadcast_in_dim3A_877 = vector.broadcast %broadcast_in_dim3A_876 : i32 to vector<16xi32>
        %gather3A_878 = tpu.vector_load_idx %arg8[%add3A_617, %broadcast_in_dim3A_877] : memref<512x32xf32, #tpu.memory_space<vmem>>[vector<16xi32>, vector<16xi32>], vector<16xf32>,
        %mul3A_879 = arith.constant 16 : i32
        %mul3A_880 = arith.muli %scan3A_612, %mul3A_879 : i32
        %swap3A_881 = arith.constant 29 : i32
        %swap3A_882 = arith.index_cast %swap3A_881 : i32 to index
        %swap3A_883 = arith.index_cast %mul3A_880 : i32 to index
        %swap3A_884 = tpu.vector_load %arg11[%swap3A_882, %swap3A_883] {strides = array<i32>} : memref<32x512xf32, #tpu.memory_space<vmem>>, vector<16xf32>,
        tpu.vector_store %arg11[%swap3A_882, %swap3A_883], %gather3A_878 {strides = array<i32>} : memref<32x512xf32, #tpu.memory_space<vmem>>, vector<16xf32>,
        %broadcast_in_dim3A_885 = arith.constant 30 : i32
        %broadcast_in_dim3A_886 = vector.broadcast %broadcast_in_dim3A_885 : i32 to vector<16xi32>
        %gather3A_887 = tpu.vector_load_idx %arg8[%add3A_617, %broadcast_in_dim3A_886] : memref<512x32xf32, #tpu.memory_space<vmem>>[vector<16xi32>, vector<16xi32>], vector<16xf32>,
        %mul3A_888 = arith.constant 16 : i32
        %mul3A_889 = arith.muli %scan3A_612, %mul3A_888 : i32
        %swap3A_890 = arith.constant 30 : i32
        %swap3A_891 = arith.index_cast %swap3A_890 : i32 to index
        %swap3A_892 = arith.index_cast %mul3A_889 : i32 to index
        %swap3A_893 = tpu.vector_load %arg11[%swap3A_891, %swap3A_892] {strides = array<i32>} : memref<32x512xf32, #tpu.memory_space<vmem>>, vector<16xf32>,
        tpu.vector_store %arg11[%swap3A_891, %swap3A_892], %gather3A_887 {strides = array<i32>} : memref<32x512xf32, #tpu.memory_space<vmem>>, vector<16xf32>,
        %broadcast_in_dim3A_894 = arith.constant 31 : i32
        %broadcast_in_dim3A_895 = vector.broadcast %broadcast_in_dim3A_894 : i32 to vector<16xi32>
        %gather3A_896 = tpu.vector_load_idx %arg8[%add3A_617, %broadcast_in_dim3A_895] : memref<512x32xf32, #tpu.memory_space<vmem>>[vector<16xi32>, vector<16xi32>], vector<16xf32>,
        %mul3A_897 = arith.constant 16 : i32
        %mul3A_898 = arith.muli %scan3A_612, %mul3A_897 : i32
        %swap3A_899 = arith.constant 31 : i32
        %swap3A_900 = arith.index_cast %swap3A_899 : i32 to index
        %swap3A_901 = arith.index_cast %mul3A_898 : i32 to index
        %swap3A_902 = tpu.vector_load %arg11[%swap3A_900, %swap3A_901] {strides = array<i32>} : memref<32x512xf32, #tpu.memory_space<vmem>>, vector<16xf32>,
        tpu.vector_store %arg11[%swap3A_900, %swap3A_901], %gather3A_896 {strides = array<i32>} : memref<32x512xf32, #tpu.memory_space<vmem>>, vector<16xf32>,
        %scan3A_903 = arith.constant 0 : i32
        scf.yield %scan3A_903 : i32
      }
      %scan3A_379 = arith.constant 32 : i32
      %add3A_380 = arith.addi %mul3A_2, %add3A_356 : i32
      %jit3A_381 = arith.constant 32 : i32
      %div3A_382 = arith.divsi %add3A_380, %jit3A_381 : i32
      %sign3A_383 = arith.constant 0 : i32
      %sign3A_384 = arith.cmpi sgt, %add3A_380, %sign3A_383 : i32
      %sign3A_385 = arith.extui %sign3A_384 : i1 to i32
      %sign3A_386 = arith.constant 0 : i32
      %sign3A_387 = arith.cmpi slt, %add3A_380, %sign3A_386 : i32
      %sign3A_388 = arith.extui %sign3A_387 : i1 to i32
      %sign3A_389 = arith.subi %sign3A_385, %sign3A_388 : i32
      %sign3A_390 = arith.constant 0 : i32
      %sign3A_391 = arith.cmpi sgt, %jit3A_381, %sign3A_390 : i32
      %sign3A_392 = arith.extui %sign3A_391 : i1 to i32
      %sign3A_393 = arith.constant 0 : i32
      %sign3A_394 = arith.cmpi slt, %jit3A_381, %sign3A_393 : i32
      %sign3A_395 = arith.extui %sign3A_394 : i1 to i32
      %sign3A_396 = arith.subi %sign3A_392, %sign3A_395 : i32
      %ne3A_397 = arith.cmpi ne, %sign3A_389, %sign3A_396 : i32
      %rem3A_398 = arith.remsi %add3A_380, %jit3A_381 : i32
      %ne3A_399 = arith.constant 0 : i32
      %ne3A_400 = arith.cmpi ne, %rem3A_398, %ne3A_399 : i32
      %and3A_401 = arith.andi %ne3A_397, %ne3A_400 : i1
      %sub3A_402 = arith.constant 1 : i32
      %sub3A_403 = arith.subi %div3A_382, %sub3A_402 : i32
      %select_n3A_404 = arith.select %and3A_401, %sub3A_403, %div3A_382 : i32
      %jit3A_405 = arith.constant 32 : i32
      %eq3A_406 = arith.constant 0 : i32
      %eq3A_407 = arith.cmpi eq, %jit3A_405, %eq3A_406 : i32
      %jit3A_408 = arith.constant 1 : i32
      %select_n3A_409 = arith.select %eq3A_407, %jit3A_408, %jit3A_405 : i32
      %rem3A_410 = arith.remsi %add3A_380, %select_n3A_409 : i32
      %ne3A_411 = arith.constant 0 : i32
      %ne3A_412 = arith.cmpi ne, %rem3A_410, %ne3A_411 : i32
      %lt3A_413 = arith.constant 0 : i32
      %lt3A_414 = arith.cmpi slt, %rem3A_410, %lt3A_413 : i32
      %lt3A_415 = arith.constant 0 : i32
      %lt3A_416 = arith.cmpi slt, %select_n3A_409, %lt3A_415 : i32
      %ne3A_417 = arith.xori %lt3A_414, %lt3A_416 : i1
      %and3A_418 = arith.andi %ne3A_417, %ne3A_412 : i1
      %add3A_419 = arith.addi %rem3A_410, %select_n3A_409 : i32
      %select_n3A_420 = arith.select %and3A_418, %add3A_419, %rem3A_410 : i32
      %mul3A_421 = arith.constant 512 : i32
      %mul3A_422 = arith.muli %select_n3A_420, %mul3A_421 : i32
      %multiple_of3A_423 = tpu.assume_multiple %mul3A_422, 512 : i32
      %dma_start3A_424 = arith.constant 0 : i32
      %dma_start3A_425 = tpu.memref_slice %arg4[%select_n3A_404, %dma_start3A_424, %multiple_of3A_423] : memref<50x32x16384xf32, #tpu.memory_space<hbm>> -> memref<1x32x512xf32, #tpu.memory_space<hbm>>
      %dma_start3A_426 = tpu.memref_squeeze %dma_start3A_425 : memref<1x32x512xf32, #tpu.memory_space<hbm>> -> memref<32x512xf32, #tpu.memory_space<hbm>>
      %dma_start3A_427 = arith.constant 0 : i32
      %dma_start3A_428 = tpu.memref_slice %arg4[%select_n3A_404, %dma_start3A_427, %multiple_of3A_423] : memref<50x32x16384xf32, #tpu.memory_space<hbm>> -> memref<1x32x512xf32, #tpu.memory_space<hbm>>
      %dma_start3A_429 = tpu.memref_squeeze %dma_start3A_428 : memref<1x32x512xf32, #tpu.memory_space<hbm>> -> memref<32x512xf32, #tpu.memory_space<hbm>>
      tpu.enqueue_dma source(%arg11 : memref<32x512xf32, #tpu.memory_space<vmem>>) target(%dma_start3A_429 : memref<32x512xf32, #tpu.memory_space<hbm>>) target_semaphore(%arg17 : memref<!tpu.dma_semaphore, #tpu.memory_space<semaphore_mem>>)
      %add3A_430 = arith.constant 3 : i32
      %add3A_431 = arith.addi %add3A_356, %add3A_430 : i32
      %lt3A_432 = arith.constant 50 : i32
      %lt3A_433 = arith.cmpi slt, %add3A_431, %lt3A_432 : i32
      %convert_element_type3A_434 = arith.extui %lt3A_433 : i1 to i32
      %cond3A_435 = arith.constant 0 : i32
      %cond3A_436 = arith.cmpi ne, %convert_element_type3A_434, %cond3A_435 : i32
      scf.if %cond3A_436 {
        %add3A_612 = arith.constant 3 : i32
        %add3A_613 = arith.addi %add3A_356, %add3A_612 : i32
        %dma_wait3A_614 = arith.constant 0 : i32
        %dma_wait3A_615 = arith.constant 0 : i32
        %dma_wait3A_616 = tpu.memref_slice %arg2[%dma_wait3A_614, %dma_wait3A_615] : memref<50x16384xi32, #tpu.memory_space<hbm>> -> memref<1x512xi32, #tpu.memory_space<hbm>>
        %dma_wait3A_617 = arith.constant 0 : i32
        %dma_wait3A_618 = arith.constant 0 : i32
        %dma_wait3A_619 = tpu.memref_slice %arg2[%dma_wait3A_617, %dma_wait3A_618] : memref<50x16384xi32, #tpu.memory_space<hbm>> -> memref<1x512xi32, #tpu.memory_space<hbm>>
        tpu.wait_dma2 semaphore(%arg20 : memref<!tpu.dma_semaphore, #tpu.memory_space<semaphore_mem>>) src(%dma_wait3A_619 : memref<1x512xi32, #tpu.memory_space<hbm>>) dst(%arg5 : memref<1x512xi32, #tpu.memory_space<vmem>>)
        %dma_start3A_620 = arith.constant 0 : i32
        %dma_start3A_621 = arith.constant 0 : i32
        %dma_start3A_622 = tpu.memref_slice %arg5[%dma_start3A_620, %dma_start3A_621] : memref<1x512xi32, #tpu.memory_space<vmem>> -> memref<1x512xi32, #tpu.memory_space<vmem>>
        %dma_start3A_623 = tpu.memref_squeeze %dma_start3A_622 : memref<1x512xi32, #tpu.memory_space<vmem>> -> memref<512xi32, #tpu.memory_space<vmem>>
        %dma_start3A_624 = arith.constant 0 : i32
        %dma_start3A_625 = arith.constant 0 : i32
        %dma_start3A_626 = tpu.memref_slice %arg3[%dma_start3A_624, %dma_start3A_625] : memref<1000000x32xf32, #tpu.memory_space<hbm>> -> memref<1000000x32xf32, #tpu.memory_space<hbm>>
        tpu.enqueue_indirect_dma source(%dma_start3A_626 : memref<1000000x32xf32, #tpu.memory_space<hbm>>) target(%arg8 : memref<512x32xf32, #tpu.memory_space<vmem>>) offsets(%dma_start3A_623 : memref<512xi32, #tpu.memory_space<vmem>>) semaphore(%arg14 : memref<!tpu.dma_semaphore, #tpu.memory_space<semaphore_mem>>)
      } else {
      }
      %mul3A_437 = arith.constant 3 : i32
      %mul3A_438 = arith.muli %scan3A_351, %mul3A_437 : i32
      %add3A_439 = arith.constant 1 : i32
      %add3A_440 = arith.addi %mul3A_438, %add3A_439 : i32
      %dma_wait3A_441 = arith.constant 0 : i32
      %dma_wait3A_442 = arith.constant 0 : i32
      %dma_wait3A_443 = tpu.memref_slice %arg6[%dma_wait3A_441, %dma_wait3A_442] : memref<1x512xi32, #tpu.memory_space<vmem>> -> memref<1x512xi32, #tpu.memory_space<vmem>>
      %dma_wait3A_444 = tpu.memref_squeeze %dma_wait3A_443 : memref<1x512xi32, #tpu.memory_space<vmem>> -> memref<512xi32, #tpu.memory_space<vmem>>
      %dma_wait3A_445 = arith.constant 0 : i32
      %dma_wait3A_446 = arith.constant 0 : i32
      %dma_wait3A_447 = tpu.memref_slice %arg3[%dma_wait3A_445, %dma_wait3A_446] : memref<1000000x32xf32, #tpu.memory_space<hbm>> -> memref<1000000x32xf32, #tpu.memory_space<hbm>>
      tpu.wait_indirect_dma semaphore(%arg15 : memref<!tpu.dma_semaphore, #tpu.memory_space<semaphore_mem>>) src(%dma_wait3A_447 : memref<1000000x32xf32, #tpu.memory_space<hbm>>) dst(%arg9 : memref<512x32xf32, #tpu.memory_space<vmem>>)
      %add3A_448 = arith.constant 3 : i32
      %add3A_449 = arith.addi %add3A_440, %add3A_448 : i32
      %lt3A_450 = arith.constant 50 : i32
      %lt3A_451 = arith.cmpi slt, %add3A_449, %lt3A_450 : i32
      %convert_element_type3A_452 = arith.extui %lt3A_451 : i1 to i32
      %cond3A_453 = arith.constant 0 : i32
      %cond3A_454 = arith.cmpi ne, %convert_element_type3A_452, %cond3A_453 : i32
      scf.if %cond3A_454 {
        %add3A_612 = arith.constant 3 : i32
        %add3A_613 = arith.addi %add3A_440, %add3A_612 : i32
        %add3A_614 = arith.addi %mul3A_2, %add3A_613 : i32
        %jit3A_615 = arith.constant 32 : i32
        %div3A_616 = arith.divsi %add3A_614, %jit3A_615 : i32
        %sign3A_617 = arith.constant 0 : i32
        %sign3A_618 = arith.cmpi sgt, %add3A_614, %sign3A_617 : i32
        %sign3A_619 = arith.extui %sign3A_618 : i1 to i32
        %sign3A_620 = arith.constant 0 : i32
        %sign3A_621 = arith.cmpi slt, %add3A_614, %sign3A_620 : i32
        %sign3A_622 = arith.extui %sign3A_621 : i1 to i32
        %sign3A_623 = arith.subi %sign3A_619, %sign3A_622 : i32
        %sign3A_624 = arith.constant 0 : i32
        %sign3A_625 = arith.cmpi sgt, %jit3A_615, %sign3A_624 : i32
        %sign3A_626 = arith.extui %sign3A_625 : i1 to i32
        %sign3A_627 = arith.constant 0 : i32
        %sign3A_628 = arith.cmpi slt, %jit3A_615, %sign3A_627 : i32
        %sign3A_629 = arith.extui %sign3A_628 : i1 to i32
        %sign3A_630 = arith.subi %sign3A_626, %sign3A_629 : i32
        %ne3A_631 = arith.cmpi ne, %sign3A_623, %sign3A_630 : i32
        %rem3A_632 = arith.remsi %add3A_614, %jit3A_615 : i32
        %ne3A_633 = arith.constant 0 : i32
        %ne3A_634 = arith.cmpi ne, %rem3A_632, %ne3A_633 : i32
        %and3A_635 = arith.andi %ne3A_631, %ne3A_634 : i1
        %sub3A_636 = arith.constant 1 : i32
        %sub3A_637 = arith.subi %div3A_616, %sub3A_636 : i32
        %select_n3A_638 = arith.select %and3A_635, %sub3A_637, %div3A_616 : i32
        %jit3A_639 = arith.constant 32 : i32
        %eq3A_640 = arith.constant 0 : i32
        %eq3A_641 = arith.cmpi eq, %jit3A_639, %eq3A_640 : i32
        %jit3A_642 = arith.constant 1 : i32
        %select_n3A_643 = arith.select %eq3A_641, %jit3A_642, %jit3A_639 : i32
        %rem3A_644 = arith.remsi %add3A_614, %select_n3A_643 : i32
        %ne3A_645 = arith.constant 0 : i32
        %ne3A_646 = arith.cmpi ne, %rem3A_644, %ne3A_645 : i32
        %lt3A_647 = arith.constant 0 : i32
        %lt3A_648 = arith.cmpi slt, %rem3A_644, %lt3A_647 : i32
        %lt3A_649 = arith.constant 0 : i32
        %lt3A_650 = arith.cmpi slt, %select_n3A_643, %lt3A_649 : i32
        %ne3A_651 = arith.xori %lt3A_648, %lt3A_650 : i1
        %and3A_652 = arith.andi %ne3A_651, %ne3A_646 : i1
        %add3A_653 = arith.addi %rem3A_644, %select_n3A_643 : i32
        %select_n3A_654 = arith.select %and3A_652, %add3A_653, %rem3A_644 : i32
        %mul3A_655 = arith.constant 512 : i32
        %mul3A_656 = arith.muli %select_n3A_654, %mul3A_655 : i32
        %multiple_of3A_657 = tpu.assume_multiple %mul3A_656, 512 : i32
        %dma_start3A_658 = tpu.memref_slice %arg2[%select_n3A_638, %multiple_of3A_657] : memref<50x16384xi32, #tpu.memory_space<hbm>> -> memref<1x512xi32, #tpu.memory_space<hbm>>
        %dma_start3A_659 = tpu.memref_slice %arg2[%select_n3A_638, %multiple_of3A_657] : memref<50x16384xi32, #tpu.memory_space<hbm>> -> memref<1x512xi32, #tpu.memory_space<hbm>>
        tpu.enqueue_dma source(%dma_start3A_659 : memref<1x512xi32, #tpu.memory_space<hbm>>) target(%arg6 : memref<1x512xi32, #tpu.memory_space<vmem>>) target_semaphore(%arg21 : memref<!tpu.dma_semaphore, #tpu.memory_space<semaphore_mem>>)
      } else {
      }
      %ge3A_455 = arith.constant 3 : i32
      %ge3A_456 = arith.cmpi sge, %add3A_440, %ge3A_455 : i32
      %convert_element_type3A_457 = arith.extui %ge3A_456 : i1 to i32
      %cond3A_458 = arith.constant 0 : i32
      %cond3A_459 = arith.cmpi ne, %convert_element_type3A_457, %cond3A_458 : i32
      scf.if %cond3A_459 {
        %dma_wait3A_612 = arith.constant 0 : i32
        %dma_wait3A_613 = arith.constant 0 : i32
        %dma_wait3A_614 = arith.constant 0 : i32
        %dma_wait3A_615 = tpu.memref_slice %arg4[%dma_wait3A_612, %dma_wait3A_613, %dma_wait3A_614] : memref<50x32x16384xf32, #tpu.memory_space<hbm>> -> memref<1x32x512xf32, #tpu.memory_space<hbm>>
        %dma_wait3A_616 = tpu.memref_squeeze %dma_wait3A_615 : memref<1x32x512xf32, #tpu.memory_space<hbm>> -> memref<32x512xf32, #tpu.memory_space<hbm>>
        %dma_wait3A_617 = arith.constant 0 : i32
        %dma_wait3A_618 = arith.constant 0 : i32
        %dma_wait3A_619 = tpu.memref_slice %arg4[%dma_wait3A_612, %dma_wait3A_617, %dma_wait3A_618] : memref<50x32x16384xf32, #tpu.memory_space<hbm>> -> memref<1x32x512xf32, #tpu.memory_space<hbm>>
        %dma_wait3A_620 = tpu.memref_squeeze %dma_wait3A_619 : memref<1x32x512xf32, #tpu.memory_space<hbm>> -> memref<32x512xf32, #tpu.memory_space<hbm>>
        tpu.wait_dma2 semaphore(%arg18 : memref<!tpu.dma_semaphore, #tpu.memory_space<semaphore_mem>>) src(%arg12 : memref<32x512xf32, #tpu.memory_space<vmem>>) dst(%dma_wait3A_620 : memref<32x512xf32, #tpu.memory_space<hbm>>)
      } else {
      }
      %scan3A_460 = arith.constant 0 : i32
      %scan3A_461 = arith.constant 0 : i32
      %scan3A_462 = arith.constant 32 : i32
      %scan3A_463 = arith.addi %scan3A_461, %scan3A_462 : i32
      %scan3A_464 = arith.constant 1 : i32
      %scan3A_465 = scf.for %scan3A_612 = %scan3A_461 to %scan3A_463 step %scan3A_464 iter_args(%scan3A_613 = %scan3A_460) -> (i32)  : i32 {
        %mul3A_614 = arith.constant 16 : i32
        %mul3A_615 = arith.muli %scan3A_612, %mul3A_614 : i32
        %add3A_616 = vector.broadcast %mul3A_615 : i32 to vector<16xi32>
        %add3A_617 = arith.addi %add3A_616, %iota3A : vector<16xi32>
        %broadcast_in_dim3A = arith.constant 0 : i32
        %broadcast_in_dim3A_618 = vector.broadcast %broadcast_in_dim3A : i32 to vector<16xi32>
        %gather3A = tpu.vector_load_idx %arg9[%add3A_617, %broadcast_in_dim3A_618] : memref<512x32xf32, #tpu.memory_space<vmem>>[vector<16xi32>, vector<16xi32>], vector<16xf32>,
        %mul3A_619 = arith.constant 16 : i32
        %mul3A_620 = arith.muli %scan3A_612, %mul3A_619 : i32
        %swap3A = arith.constant 0 : i32
        %swap3A_621 = arith.index_cast %swap3A : i32 to index
        %swap3A_622 = arith.index_cast %mul3A_620 : i32 to index
        %swap3A_623 = tpu.vector_load %arg12[%swap3A_621, %swap3A_622] {strides = array<i32>} : memref<32x512xf32, #tpu.memory_space<vmem>>, vector<16xf32>,
        tpu.vector_store %arg12[%swap3A_621, %swap3A_622], %gather3A {strides = array<i32>} : memref<32x512xf32, #tpu.memory_space<vmem>>, vector<16xf32>,
        %broadcast_in_dim3A_624 = arith.constant 1 : i32
        %broadcast_in_dim3A_625 = vector.broadcast %broadcast_in_dim3A_624 : i32 to vector<16xi32>
        %gather3A_626 = tpu.vector_load_idx %arg9[%add3A_617, %broadcast_in_dim3A_625] : memref<512x32xf32, #tpu.memory_space<vmem>>[vector<16xi32>, vector<16xi32>], vector<16xf32>,
        %mul3A_627 = arith.constant 16 : i32
        %mul3A_628 = arith.muli %scan3A_612, %mul3A_627 : i32
        %swap3A_629 = arith.constant 1 : i32
        %swap3A_630 = arith.index_cast %swap3A_629 : i32 to index
        %swap3A_631 = arith.index_cast %mul3A_628 : i32 to index
        %swap3A_632 = tpu.vector_load %arg12[%swap3A_630, %swap3A_631] {strides = array<i32>} : memref<32x512xf32, #tpu.memory_space<vmem>>, vector<16xf32>,
        tpu.vector_store %arg12[%swap3A_630, %swap3A_631], %gather3A_626 {strides = array<i32>} : memref<32x512xf32, #tpu.memory_space<vmem>>, vector<16xf32>,
        %broadcast_in_dim3A_633 = arith.constant 2 : i32
        %broadcast_in_dim3A_634 = vector.broadcast %broadcast_in_dim3A_633 : i32 to vector<16xi32>
        %gather3A_635 = tpu.vector_load_idx %arg9[%add3A_617, %broadcast_in_dim3A_634] : memref<512x32xf32, #tpu.memory_space<vmem>>[vector<16xi32>, vector<16xi32>], vector<16xf32>,
        %mul3A_636 = arith.constant 16 : i32
        %mul3A_637 = arith.muli %scan3A_612, %mul3A_636 : i32
        %swap3A_638 = arith.constant 2 : i32
        %swap3A_639 = arith.index_cast %swap3A_638 : i32 to index
        %swap3A_640 = arith.index_cast %mul3A_637 : i32 to index
        %swap3A_641 = tpu.vector_load %arg12[%swap3A_639, %swap3A_640] {strides = array<i32>} : memref<32x512xf32, #tpu.memory_space<vmem>>, vector<16xf32>,
        tpu.vector_store %arg12[%swap3A_639, %swap3A_640], %gather3A_635 {strides = array<i32>} : memref<32x512xf32, #tpu.memory_space<vmem>>, vector<16xf32>,
        %broadcast_in_dim3A_642 = arith.constant 3 : i32
        %broadcast_in_dim3A_643 = vector.broadcast %broadcast_in_dim3A_642 : i32 to vector<16xi32>
        %gather3A_644 = tpu.vector_load_idx %arg9[%add3A_617, %broadcast_in_dim3A_643] : memref<512x32xf32, #tpu.memory_space<vmem>>[vector<16xi32>, vector<16xi32>], vector<16xf32>,
        %mul3A_645 = arith.constant 16 : i32
        %mul3A_646 = arith.muli %scan3A_612, %mul3A_645 : i32
        %swap3A_647 = arith.constant 3 : i32
        %swap3A_648 = arith.index_cast %swap3A_647 : i32 to index
        %swap3A_649 = arith.index_cast %mul3A_646 : i32 to index
        %swap3A_650 = tpu.vector_load %arg12[%swap3A_648, %swap3A_649] {strides = array<i32>} : memref<32x512xf32, #tpu.memory_space<vmem>>, vector<16xf32>,
        tpu.vector_store %arg12[%swap3A_648, %swap3A_649], %gather3A_644 {strides = array<i32>} : memref<32x512xf32, #tpu.memory_space<vmem>>, vector<16xf32>,
        %broadcast_in_dim3A_651 = arith.constant 4 : i32
        %broadcast_in_dim3A_652 = vector.broadcast %broadcast_in_dim3A_651 : i32 to vector<16xi32>
        %gather3A_653 = tpu.vector_load_idx %arg9[%add3A_617, %broadcast_in_dim3A_652] : memref<512x32xf32, #tpu.memory_space<vmem>>[vector<16xi32>, vector<16xi32>], vector<16xf32>,
        %mul3A_654 = arith.constant 16 : i32
        %mul3A_655 = arith.muli %scan3A_612, %mul3A_654 : i32
        %swap3A_656 = arith.constant 4 : i32
        %swap3A_657 = arith.index_cast %swap3A_656 : i32 to index
        %swap3A_658 = arith.index_cast %mul3A_655 : i32 to index
        %swap3A_659 = tpu.vector_load %arg12[%swap3A_657, %swap3A_658] {strides = array<i32>} : memref<32x512xf32, #tpu.memory_space<vmem>>, vector<16xf32>,
        tpu.vector_store %arg12[%swap3A_657, %swap3A_658], %gather3A_653 {strides = array<i32>} : memref<32x512xf32, #tpu.memory_space<vmem>>, vector<16xf32>,
        %broadcast_in_dim3A_660 = arith.constant 5 : i32
        %broadcast_in_dim3A_661 = vector.broadcast %broadcast_in_dim3A_660 : i32 to vector<16xi32>
        %gather3A_662 = tpu.vector_load_idx %arg9[%add3A_617, %broadcast_in_dim3A_661] : memref<512x32xf32, #tpu.memory_space<vmem>>[vector<16xi32>, vector<16xi32>], vector<16xf32>,
        %mul3A_663 = arith.constant 16 : i32
        %mul3A_664 = arith.muli %scan3A_612, %mul3A_663 : i32
        %swap3A_665 = arith.constant 5 : i32
        %swap3A_666 = arith.index_cast %swap3A_665 : i32 to index
        %swap3A_667 = arith.index_cast %mul3A_664 : i32 to index
        %swap3A_668 = tpu.vector_load %arg12[%swap3A_666, %swap3A_667] {strides = array<i32>} : memref<32x512xf32, #tpu.memory_space<vmem>>, vector<16xf32>,
        tpu.vector_store %arg12[%swap3A_666, %swap3A_667], %gather3A_662 {strides = array<i32>} : memref<32x512xf32, #tpu.memory_space<vmem>>, vector<16xf32>,
        %broadcast_in_dim3A_669 = arith.constant 6 : i32
        %broadcast_in_dim3A_670 = vector.broadcast %broadcast_in_dim3A_669 : i32 to vector<16xi32>
        %gather3A_671 = tpu.vector_load_idx %arg9[%add3A_617, %broadcast_in_dim3A_670] : memref<512x32xf32, #tpu.memory_space<vmem>>[vector<16xi32>, vector<16xi32>], vector<16xf32>,
        %mul3A_672 = arith.constant 16 : i32
        %mul3A_673 = arith.muli %scan3A_612, %mul3A_672 : i32
        %swap3A_674 = arith.constant 6 : i32
        %swap3A_675 = arith.index_cast %swap3A_674 : i32 to index
        %swap3A_676 = arith.index_cast %mul3A_673 : i32 to index
        %swap3A_677 = tpu.vector_load %arg12[%swap3A_675, %swap3A_676] {strides = array<i32>} : memref<32x512xf32, #tpu.memory_space<vmem>>, vector<16xf32>,
        tpu.vector_store %arg12[%swap3A_675, %swap3A_676], %gather3A_671 {strides = array<i32>} : memref<32x512xf32, #tpu.memory_space<vmem>>, vector<16xf32>,
        %broadcast_in_dim3A_678 = arith.constant 7 : i32
        %broadcast_in_dim3A_679 = vector.broadcast %broadcast_in_dim3A_678 : i32 to vector<16xi32>
        %gather3A_680 = tpu.vector_load_idx %arg9[%add3A_617, %broadcast_in_dim3A_679] : memref<512x32xf32, #tpu.memory_space<vmem>>[vector<16xi32>, vector<16xi32>], vector<16xf32>,
        %mul3A_681 = arith.constant 16 : i32
        %mul3A_682 = arith.muli %scan3A_612, %mul3A_681 : i32
        %swap3A_683 = arith.constant 7 : i32
        %swap3A_684 = arith.index_cast %swap3A_683 : i32 to index
        %swap3A_685 = arith.index_cast %mul3A_682 : i32 to index
        %swap3A_686 = tpu.vector_load %arg12[%swap3A_684, %swap3A_685] {strides = array<i32>} : memref<32x512xf32, #tpu.memory_space<vmem>>, vector<16xf32>,
        tpu.vector_store %arg12[%swap3A_684, %swap3A_685], %gather3A_680 {strides = array<i32>} : memref<32x512xf32, #tpu.memory_space<vmem>>, vector<16xf32>,
        %broadcast_in_dim3A_687 = arith.constant 8 : i32
        %broadcast_in_dim3A_688 = vector.broadcast %broadcast_in_dim3A_687 : i32 to vector<16xi32>
        %gather3A_689 = tpu.vector_load_idx %arg9[%add3A_617, %broadcast_in_dim3A_688] : memref<512x32xf32, #tpu.memory_space<vmem>>[vector<16xi32>, vector<16xi32>], vector<16xf32>,
        %mul3A_690 = arith.constant 16 : i32
        %mul3A_691 = arith.muli %scan3A_612, %mul3A_690 : i32
        %swap3A_692 = arith.constant 8 : i32
        %swap3A_693 = arith.index_cast %swap3A_692 : i32 to index
        %swap3A_694 = arith.index_cast %mul3A_691 : i32 to index
        %swap3A_695 = tpu.vector_load %arg12[%swap3A_693, %swap3A_694] {strides = array<i32>} : memref<32x512xf32, #tpu.memory_space<vmem>>, vector<16xf32>,
        tpu.vector_store %arg12[%swap3A_693, %swap3A_694], %gather3A_689 {strides = array<i32>} : memref<32x512xf32, #tpu.memory_space<vmem>>, vector<16xf32>,
        %broadcast_in_dim3A_696 = arith.constant 9 : i32
        %broadcast_in_dim3A_697 = vector.broadcast %broadcast_in_dim3A_696 : i32 to vector<16xi32>
        %gather3A_698 = tpu.vector_load_idx %arg9[%add3A_617, %broadcast_in_dim3A_697] : memref<512x32xf32, #tpu.memory_space<vmem>>[vector<16xi32>, vector<16xi32>], vector<16xf32>,
        %mul3A_699 = arith.constant 16 : i32
        %mul3A_700 = arith.muli %scan3A_612, %mul3A_699 : i32
        %swap3A_701 = arith.constant 9 : i32
        %swap3A_702 = arith.index_cast %swap3A_701 : i32 to index
        %swap3A_703 = arith.index_cast %mul3A_700 : i32 to index
        %swap3A_704 = tpu.vector_load %arg12[%swap3A_702, %swap3A_703] {strides = array<i32>} : memref<32x512xf32, #tpu.memory_space<vmem>>, vector<16xf32>,
        tpu.vector_store %arg12[%swap3A_702, %swap3A_703], %gather3A_698 {strides = array<i32>} : memref<32x512xf32, #tpu.memory_space<vmem>>, vector<16xf32>,
        %broadcast_in_dim3A_705 = arith.constant 10 : i32
        %broadcast_in_dim3A_706 = vector.broadcast %broadcast_in_dim3A_705 : i32 to vector<16xi32>
        %gather3A_707 = tpu.vector_load_idx %arg9[%add3A_617, %broadcast_in_dim3A_706] : memref<512x32xf32, #tpu.memory_space<vmem>>[vector<16xi32>, vector<16xi32>], vector<16xf32>,
        %mul3A_708 = arith.constant 16 : i32
        %mul3A_709 = arith.muli %scan3A_612, %mul3A_708 : i32
        %swap3A_710 = arith.constant 10 : i32
        %swap3A_711 = arith.index_cast %swap3A_710 : i32 to index
        %swap3A_712 = arith.index_cast %mul3A_709 : i32 to index
        %swap3A_713 = tpu.vector_load %arg12[%swap3A_711, %swap3A_712] {strides = array<i32>} : memref<32x512xf32, #tpu.memory_space<vmem>>, vector<16xf32>,
        tpu.vector_store %arg12[%swap3A_711, %swap3A_712], %gather3A_707 {strides = array<i32>} : memref<32x512xf32, #tpu.memory_space<vmem>>, vector<16xf32>,
        %broadcast_in_dim3A_714 = arith.constant 11 : i32
        %broadcast_in_dim3A_715 = vector.broadcast %broadcast_in_dim3A_714 : i32 to vector<16xi32>
        %gather3A_716 = tpu.vector_load_idx %arg9[%add3A_617, %broadcast_in_dim3A_715] : memref<512x32xf32, #tpu.memory_space<vmem>>[vector<16xi32>, vector<16xi32>], vector<16xf32>,
        %mul3A_717 = arith.constant 16 : i32
        %mul3A_718 = arith.muli %scan3A_612, %mul3A_717 : i32
        %swap3A_719 = arith.constant 11 : i32
        %swap3A_720 = arith.index_cast %swap3A_719 : i32 to index
        %swap3A_721 = arith.index_cast %mul3A_718 : i32 to index
        %swap3A_722 = tpu.vector_load %arg12[%swap3A_720, %swap3A_721] {strides = array<i32>} : memref<32x512xf32, #tpu.memory_space<vmem>>, vector<16xf32>,
        tpu.vector_store %arg12[%swap3A_720, %swap3A_721], %gather3A_716 {strides = array<i32>} : memref<32x512xf32, #tpu.memory_space<vmem>>, vector<16xf32>,
        %broadcast_in_dim3A_723 = arith.constant 12 : i32
        %broadcast_in_dim3A_724 = vector.broadcast %broadcast_in_dim3A_723 : i32 to vector<16xi32>
        %gather3A_725 = tpu.vector_load_idx %arg9[%add3A_617, %broadcast_in_dim3A_724] : memref<512x32xf32, #tpu.memory_space<vmem>>[vector<16xi32>, vector<16xi32>], vector<16xf32>,
        %mul3A_726 = arith.constant 16 : i32
        %mul3A_727 = arith.muli %scan3A_612, %mul3A_726 : i32
        %swap3A_728 = arith.constant 12 : i32
        %swap3A_729 = arith.index_cast %swap3A_728 : i32 to index
        %swap3A_730 = arith.index_cast %mul3A_727 : i32 to index
        %swap3A_731 = tpu.vector_load %arg12[%swap3A_729, %swap3A_730] {strides = array<i32>} : memref<32x512xf32, #tpu.memory_space<vmem>>, vector<16xf32>,
        tpu.vector_store %arg12[%swap3A_729, %swap3A_730], %gather3A_725 {strides = array<i32>} : memref<32x512xf32, #tpu.memory_space<vmem>>, vector<16xf32>,
        %broadcast_in_dim3A_732 = arith.constant 13 : i32
        %broadcast_in_dim3A_733 = vector.broadcast %broadcast_in_dim3A_732 : i32 to vector<16xi32>
        %gather3A_734 = tpu.vector_load_idx %arg9[%add3A_617, %broadcast_in_dim3A_733] : memref<512x32xf32, #tpu.memory_space<vmem>>[vector<16xi32>, vector<16xi32>], vector<16xf32>,
        %mul3A_735 = arith.constant 16 : i32
        %mul3A_736 = arith.muli %scan3A_612, %mul3A_735 : i32
        %swap3A_737 = arith.constant 13 : i32
        %swap3A_738 = arith.index_cast %swap3A_737 : i32 to index
        %swap3A_739 = arith.index_cast %mul3A_736 : i32 to index
        %swap3A_740 = tpu.vector_load %arg12[%swap3A_738, %swap3A_739] {strides = array<i32>} : memref<32x512xf32, #tpu.memory_space<vmem>>, vector<16xf32>,
        tpu.vector_store %arg12[%swap3A_738, %swap3A_739], %gather3A_734 {strides = array<i32>} : memref<32x512xf32, #tpu.memory_space<vmem>>, vector<16xf32>,
        %broadcast_in_dim3A_741 = arith.constant 14 : i32
        %broadcast_in_dim3A_742 = vector.broadcast %broadcast_in_dim3A_741 : i32 to vector<16xi32>
        %gather3A_743 = tpu.vector_load_idx %arg9[%add3A_617, %broadcast_in_dim3A_742] : memref<512x32xf32, #tpu.memory_space<vmem>>[vector<16xi32>, vector<16xi32>], vector<16xf32>,
        %mul3A_744 = arith.constant 16 : i32
        %mul3A_745 = arith.muli %scan3A_612, %mul3A_744 : i32
        %swap3A_746 = arith.constant 14 : i32
        %swap3A_747 = arith.index_cast %swap3A_746 : i32 to index
        %swap3A_748 = arith.index_cast %mul3A_745 : i32 to index
        %swap3A_749 = tpu.vector_load %arg12[%swap3A_747, %swap3A_748] {strides = array<i32>} : memref<32x512xf32, #tpu.memory_space<vmem>>, vector<16xf32>,
        tpu.vector_store %arg12[%swap3A_747, %swap3A_748], %gather3A_743 {strides = array<i32>} : memref<32x512xf32, #tpu.memory_space<vmem>>, vector<16xf32>,
        %broadcast_in_dim3A_750 = arith.constant 15 : i32
        %broadcast_in_dim3A_751 = vector.broadcast %broadcast_in_dim3A_750 : i32 to vector<16xi32>
        %gather3A_752 = tpu.vector_load_idx %arg9[%add3A_617, %broadcast_in_dim3A_751] : memref<512x32xf32, #tpu.memory_space<vmem>>[vector<16xi32>, vector<16xi32>], vector<16xf32>,
        %mul3A_753 = arith.constant 16 : i32
        %mul3A_754 = arith.muli %scan3A_612, %mul3A_753 : i32
        %swap3A_755 = arith.constant 15 : i32
        %swap3A_756 = arith.index_cast %swap3A_755 : i32 to index
        %swap3A_757 = arith.index_cast %mul3A_754 : i32 to index
        %swap3A_758 = tpu.vector_load %arg12[%swap3A_756, %swap3A_757] {strides = array<i32>} : memref<32x512xf32, #tpu.memory_space<vmem>>, vector<16xf32>,
        tpu.vector_store %arg12[%swap3A_756, %swap3A_757], %gather3A_752 {strides = array<i32>} : memref<32x512xf32, #tpu.memory_space<vmem>>, vector<16xf32>,
        %broadcast_in_dim3A_759 = arith.constant 16 : i32
        %broadcast_in_dim3A_760 = vector.broadcast %broadcast_in_dim3A_759 : i32 to vector<16xi32>
        %gather3A_761 = tpu.vector_load_idx %arg9[%add3A_617, %broadcast_in_dim3A_760] : memref<512x32xf32, #tpu.memory_space<vmem>>[vector<16xi32>, vector<16xi32>], vector<16xf32>,
        %mul3A_762 = arith.constant 16 : i32
        %mul3A_763 = arith.muli %scan3A_612, %mul3A_762 : i32
        %swap3A_764 = arith.constant 16 : i32
        %swap3A_765 = arith.index_cast %swap3A_764 : i32 to index
        %swap3A_766 = arith.index_cast %mul3A_763 : i32 to index
        %swap3A_767 = tpu.vector_load %arg12[%swap3A_765, %swap3A_766] {strides = array<i32>} : memref<32x512xf32, #tpu.memory_space<vmem>>, vector<16xf32>,
        tpu.vector_store %arg12[%swap3A_765, %swap3A_766], %gather3A_761 {strides = array<i32>} : memref<32x512xf32, #tpu.memory_space<vmem>>, vector<16xf32>,
        %broadcast_in_dim3A_768 = arith.constant 17 : i32
        %broadcast_in_dim3A_769 = vector.broadcast %broadcast_in_dim3A_768 : i32 to vector<16xi32>
        %gather3A_770 = tpu.vector_load_idx %arg9[%add3A_617, %broadcast_in_dim3A_769] : memref<512x32xf32, #tpu.memory_space<vmem>>[vector<16xi32>, vector<16xi32>], vector<16xf32>,
        %mul3A_771 = arith.constant 16 : i32
        %mul3A_772 = arith.muli %scan3A_612, %mul3A_771 : i32
        %swap3A_773 = arith.constant 17 : i32
        %swap3A_774 = arith.index_cast %swap3A_773 : i32 to index
        %swap3A_775 = arith.index_cast %mul3A_772 : i32 to index
        %swap3A_776 = tpu.vector_load %arg12[%swap3A_774, %swap3A_775] {strides = array<i32>} : memref<32x512xf32, #tpu.memory_space<vmem>>, vector<16xf32>,
        tpu.vector_store %arg12[%swap3A_774, %swap3A_775], %gather3A_770 {strides = array<i32>} : memref<32x512xf32, #tpu.memory_space<vmem>>, vector<16xf32>,
        %broadcast_in_dim3A_777 = arith.constant 18 : i32
        %broadcast_in_dim3A_778 = vector.broadcast %broadcast_in_dim3A_777 : i32 to vector<16xi32>
        %gather3A_779 = tpu.vector_load_idx %arg9[%add3A_617, %broadcast_in_dim3A_778] : memref<512x32xf32, #tpu.memory_space<vmem>>[vector<16xi32>, vector<16xi32>], vector<16xf32>,
        %mul3A_780 = arith.constant 16 : i32
        %mul3A_781 = arith.muli %scan3A_612, %mul3A_780 : i32
        %swap3A_782 = arith.constant 18 : i32
        %swap3A_783 = arith.index_cast %swap3A_782 : i32 to index
        %swap3A_784 = arith.index_cast %mul3A_781 : i32 to index
        %swap3A_785 = tpu.vector_load %arg12[%swap3A_783, %swap3A_784] {strides = array<i32>} : memref<32x512xf32, #tpu.memory_space<vmem>>, vector<16xf32>,
        tpu.vector_store %arg12[%swap3A_783, %swap3A_784], %gather3A_779 {strides = array<i32>} : memref<32x512xf32, #tpu.memory_space<vmem>>, vector<16xf32>,
        %broadcast_in_dim3A_786 = arith.constant 19 : i32
        %broadcast_in_dim3A_787 = vector.broadcast %broadcast_in_dim3A_786 : i32 to vector<16xi32>
        %gather3A_788 = tpu.vector_load_idx %arg9[%add3A_617, %broadcast_in_dim3A_787] : memref<512x32xf32, #tpu.memory_space<vmem>>[vector<16xi32>, vector<16xi32>], vector<16xf32>,
        %mul3A_789 = arith.constant 16 : i32
        %mul3A_790 = arith.muli %scan3A_612, %mul3A_789 : i32
        %swap3A_791 = arith.constant 19 : i32
        %swap3A_792 = arith.index_cast %swap3A_791 : i32 to index
        %swap3A_793 = arith.index_cast %mul3A_790 : i32 to index
        %swap3A_794 = tpu.vector_load %arg12[%swap3A_792, %swap3A_793] {strides = array<i32>} : memref<32x512xf32, #tpu.memory_space<vmem>>, vector<16xf32>,
        tpu.vector_store %arg12[%swap3A_792, %swap3A_793], %gather3A_788 {strides = array<i32>} : memref<32x512xf32, #tpu.memory_space<vmem>>, vector<16xf32>,
        %broadcast_in_dim3A_795 = arith.constant 20 : i32
        %broadcast_in_dim3A_796 = vector.broadcast %broadcast_in_dim3A_795 : i32 to vector<16xi32>
        %gather3A_797 = tpu.vector_load_idx %arg9[%add3A_617, %broadcast_in_dim3A_796] : memref<512x32xf32, #tpu.memory_space<vmem>>[vector<16xi32>, vector<16xi32>], vector<16xf32>,
        %mul3A_798 = arith.constant 16 : i32
        %mul3A_799 = arith.muli %scan3A_612, %mul3A_798 : i32
        %swap3A_800 = arith.constant 20 : i32
        %swap3A_801 = arith.index_cast %swap3A_800 : i32 to index
        %swap3A_802 = arith.index_cast %mul3A_799 : i32 to index
        %swap3A_803 = tpu.vector_load %arg12[%swap3A_801, %swap3A_802] {strides = array<i32>} : memref<32x512xf32, #tpu.memory_space<vmem>>, vector<16xf32>,
        tpu.vector_store %arg12[%swap3A_801, %swap3A_802], %gather3A_797 {strides = array<i32>} : memref<32x512xf32, #tpu.memory_space<vmem>>, vector<16xf32>,
        %broadcast_in_dim3A_804 = arith.constant 21 : i32
        %broadcast_in_dim3A_805 = vector.broadcast %broadcast_in_dim3A_804 : i32 to vector<16xi32>
        %gather3A_806 = tpu.vector_load_idx %arg9[%add3A_617, %broadcast_in_dim3A_805] : memref<512x32xf32, #tpu.memory_space<vmem>>[vector<16xi32>, vector<16xi32>], vector<16xf32>,
        %mul3A_807 = arith.constant 16 : i32
        %mul3A_808 = arith.muli %scan3A_612, %mul3A_807 : i32
        %swap3A_809 = arith.constant 21 : i32
        %swap3A_810 = arith.index_cast %swap3A_809 : i32 to index
        %swap3A_811 = arith.index_cast %mul3A_808 : i32 to index
        %swap3A_812 = tpu.vector_load %arg12[%swap3A_810, %swap3A_811] {strides = array<i32>} : memref<32x512xf32, #tpu.memory_space<vmem>>, vector<16xf32>,
        tpu.vector_store %arg12[%swap3A_810, %swap3A_811], %gather3A_806 {strides = array<i32>} : memref<32x512xf32, #tpu.memory_space<vmem>>, vector<16xf32>,
        %broadcast_in_dim3A_813 = arith.constant 22 : i32
        %broadcast_in_dim3A_814 = vector.broadcast %broadcast_in_dim3A_813 : i32 to vector<16xi32>
        %gather3A_815 = tpu.vector_load_idx %arg9[%add3A_617, %broadcast_in_dim3A_814] : memref<512x32xf32, #tpu.memory_space<vmem>>[vector<16xi32>, vector<16xi32>], vector<16xf32>,
        %mul3A_816 = arith.constant 16 : i32
        %mul3A_817 = arith.muli %scan3A_612, %mul3A_816 : i32
        %swap3A_818 = arith.constant 22 : i32
        %swap3A_819 = arith.index_cast %swap3A_818 : i32 to index
        %swap3A_820 = arith.index_cast %mul3A_817 : i32 to index
        %swap3A_821 = tpu.vector_load %arg12[%swap3A_819, %swap3A_820] {strides = array<i32>} : memref<32x512xf32, #tpu.memory_space<vmem>>, vector<16xf32>,
        tpu.vector_store %arg12[%swap3A_819, %swap3A_820], %gather3A_815 {strides = array<i32>} : memref<32x512xf32, #tpu.memory_space<vmem>>, vector<16xf32>,
        %broadcast_in_dim3A_822 = arith.constant 23 : i32
        %broadcast_in_dim3A_823 = vector.broadcast %broadcast_in_dim3A_822 : i32 to vector<16xi32>
        %gather3A_824 = tpu.vector_load_idx %arg9[%add3A_617, %broadcast_in_dim3A_823] : memref<512x32xf32, #tpu.memory_space<vmem>>[vector<16xi32>, vector<16xi32>], vector<16xf32>,
        %mul3A_825 = arith.constant 16 : i32
        %mul3A_826 = arith.muli %scan3A_612, %mul3A_825 : i32
        %swap3A_827 = arith.constant 23 : i32
        %swap3A_828 = arith.index_cast %swap3A_827 : i32 to index
        %swap3A_829 = arith.index_cast %mul3A_826 : i32 to index
        %swap3A_830 = tpu.vector_load %arg12[%swap3A_828, %swap3A_829] {strides = array<i32>} : memref<32x512xf32, #tpu.memory_space<vmem>>, vector<16xf32>,
        tpu.vector_store %arg12[%swap3A_828, %swap3A_829], %gather3A_824 {strides = array<i32>} : memref<32x512xf32, #tpu.memory_space<vmem>>, vector<16xf32>,
        %broadcast_in_dim3A_831 = arith.constant 24 : i32
        %broadcast_in_dim3A_832 = vector.broadcast %broadcast_in_dim3A_831 : i32 to vector<16xi32>
        %gather3A_833 = tpu.vector_load_idx %arg9[%add3A_617, %broadcast_in_dim3A_832] : memref<512x32xf32, #tpu.memory_space<vmem>>[vector<16xi32>, vector<16xi32>], vector<16xf32>,
        %mul3A_834 = arith.constant 16 : i32
        %mul3A_835 = arith.muli %scan3A_612, %mul3A_834 : i32
        %swap3A_836 = arith.constant 24 : i32
        %swap3A_837 = arith.index_cast %swap3A_836 : i32 to index
        %swap3A_838 = arith.index_cast %mul3A_835 : i32 to index
        %swap3A_839 = tpu.vector_load %arg12[%swap3A_837, %swap3A_838] {strides = array<i32>} : memref<32x512xf32, #tpu.memory_space<vmem>>, vector<16xf32>,
        tpu.vector_store %arg12[%swap3A_837, %swap3A_838], %gather3A_833 {strides = array<i32>} : memref<32x512xf32, #tpu.memory_space<vmem>>, vector<16xf32>,
        %broadcast_in_dim3A_840 = arith.constant 25 : i32
        %broadcast_in_dim3A_841 = vector.broadcast %broadcast_in_dim3A_840 : i32 to vector<16xi32>
        %gather3A_842 = tpu.vector_load_idx %arg9[%add3A_617, %broadcast_in_dim3A_841] : memref<512x32xf32, #tpu.memory_space<vmem>>[vector<16xi32>, vector<16xi32>], vector<16xf32>,
        %mul3A_843 = arith.constant 16 : i32
        %mul3A_844 = arith.muli %scan3A_612, %mul3A_843 : i32
        %swap3A_845 = arith.constant 25 : i32
        %swap3A_846 = arith.index_cast %swap3A_845 : i32 to index
        %swap3A_847 = arith.index_cast %mul3A_844 : i32 to index
        %swap3A_848 = tpu.vector_load %arg12[%swap3A_846, %swap3A_847] {strides = array<i32>} : memref<32x512xf32, #tpu.memory_space<vmem>>, vector<16xf32>,
        tpu.vector_store %arg12[%swap3A_846, %swap3A_847], %gather3A_842 {strides = array<i32>} : memref<32x512xf32, #tpu.memory_space<vmem>>, vector<16xf32>,
        %broadcast_in_dim3A_849 = arith.constant 26 : i32
        %broadcast_in_dim3A_850 = vector.broadcast %broadcast_in_dim3A_849 : i32 to vector<16xi32>
        %gather3A_851 = tpu.vector_load_idx %arg9[%add3A_617, %broadcast_in_dim3A_850] : memref<512x32xf32, #tpu.memory_space<vmem>>[vector<16xi32>, vector<16xi32>], vector<16xf32>,
        %mul3A_852 = arith.constant 16 : i32
        %mul3A_853 = arith.muli %scan3A_612, %mul3A_852 : i32
        %swap3A_854 = arith.constant 26 : i32
        %swap3A_855 = arith.index_cast %swap3A_854 : i32 to index
        %swap3A_856 = arith.index_cast %mul3A_853 : i32 to index
        %swap3A_857 = tpu.vector_load %arg12[%swap3A_855, %swap3A_856] {strides = array<i32>} : memref<32x512xf32, #tpu.memory_space<vmem>>, vector<16xf32>,
        tpu.vector_store %arg12[%swap3A_855, %swap3A_856], %gather3A_851 {strides = array<i32>} : memref<32x512xf32, #tpu.memory_space<vmem>>, vector<16xf32>,
        %broadcast_in_dim3A_858 = arith.constant 27 : i32
        %broadcast_in_dim3A_859 = vector.broadcast %broadcast_in_dim3A_858 : i32 to vector<16xi32>
        %gather3A_860 = tpu.vector_load_idx %arg9[%add3A_617, %broadcast_in_dim3A_859] : memref<512x32xf32, #tpu.memory_space<vmem>>[vector<16xi32>, vector<16xi32>], vector<16xf32>,
        %mul3A_861 = arith.constant 16 : i32
        %mul3A_862 = arith.muli %scan3A_612, %mul3A_861 : i32
        %swap3A_863 = arith.constant 27 : i32
        %swap3A_864 = arith.index_cast %swap3A_863 : i32 to index
        %swap3A_865 = arith.index_cast %mul3A_862 : i32 to index
        %swap3A_866 = tpu.vector_load %arg12[%swap3A_864, %swap3A_865] {strides = array<i32>} : memref<32x512xf32, #tpu.memory_space<vmem>>, vector<16xf32>,
        tpu.vector_store %arg12[%swap3A_864, %swap3A_865], %gather3A_860 {strides = array<i32>} : memref<32x512xf32, #tpu.memory_space<vmem>>, vector<16xf32>,
        %broadcast_in_dim3A_867 = arith.constant 28 : i32
        %broadcast_in_dim3A_868 = vector.broadcast %broadcast_in_dim3A_867 : i32 to vector<16xi32>
        %gather3A_869 = tpu.vector_load_idx %arg9[%add3A_617, %broadcast_in_dim3A_868] : memref<512x32xf32, #tpu.memory_space<vmem>>[vector<16xi32>, vector<16xi32>], vector<16xf32>,
        %mul3A_870 = arith.constant 16 : i32
        %mul3A_871 = arith.muli %scan3A_612, %mul3A_870 : i32
        %swap3A_872 = arith.constant 28 : i32
        %swap3A_873 = arith.index_cast %swap3A_872 : i32 to index
        %swap3A_874 = arith.index_cast %mul3A_871 : i32 to index
        %swap3A_875 = tpu.vector_load %arg12[%swap3A_873, %swap3A_874] {strides = array<i32>} : memref<32x512xf32, #tpu.memory_space<vmem>>, vector<16xf32>,
        tpu.vector_store %arg12[%swap3A_873, %swap3A_874], %gather3A_869 {strides = array<i32>} : memref<32x512xf32, #tpu.memory_space<vmem>>, vector<16xf32>,
        %broadcast_in_dim3A_876 = arith.constant 29 : i32
        %broadcast_in_dim3A_877 = vector.broadcast %broadcast_in_dim3A_876 : i32 to vector<16xi32>
        %gather3A_878 = tpu.vector_load_idx %arg9[%add3A_617, %broadcast_in_dim3A_877] : memref<512x32xf32, #tpu.memory_space<vmem>>[vector<16xi32>, vector<16xi32>], vector<16xf32>,
        %mul3A_879 = arith.constant 16 : i32
        %mul3A_880 = arith.muli %scan3A_612, %mul3A_879 : i32
        %swap3A_881 = arith.constant 29 : i32
        %swap3A_882 = arith.index_cast %swap3A_881 : i32 to index
        %swap3A_883 = arith.index_cast %mul3A_880 : i32 to index
        %swap3A_884 = tpu.vector_load %arg12[%swap3A_882, %swap3A_883] {strides = array<i32>} : memref<32x512xf32, #tpu.memory_space<vmem>>, vector<16xf32>,
        tpu.vector_store %arg12[%swap3A_882, %swap3A_883], %gather3A_878 {strides = array<i32>} : memref<32x512xf32, #tpu.memory_space<vmem>>, vector<16xf32>,
        %broadcast_in_dim3A_885 = arith.constant 30 : i32
        %broadcast_in_dim3A_886 = vector.broadcast %broadcast_in_dim3A_885 : i32 to vector<16xi32>
        %gather3A_887 = tpu.vector_load_idx %arg9[%add3A_617, %broadcast_in_dim3A_886] : memref<512x32xf32, #tpu.memory_space<vmem>>[vector<16xi32>, vector<16xi32>], vector<16xf32>,
        %mul3A_888 = arith.constant 16 : i32
        %mul3A_889 = arith.muli %scan3A_612, %mul3A_888 : i32
        %swap3A_890 = arith.constant 30 : i32
        %swap3A_891 = arith.index_cast %swap3A_890 : i32 to index
        %swap3A_892 = arith.index_cast %mul3A_889 : i32 to index
        %swap3A_893 = tpu.vector_load %arg12[%swap3A_891, %swap3A_892] {strides = array<i32>} : memref<32x512xf32, #tpu.memory_space<vmem>>, vector<16xf32>,
        tpu.vector_store %arg12[%swap3A_891, %swap3A_892], %gather3A_887 {strides = array<i32>} : memref<32x512xf32, #tpu.memory_space<vmem>>, vector<16xf32>,
        %broadcast_in_dim3A_894 = arith.constant 31 : i32
        %broadcast_in_dim3A_895 = vector.broadcast %broadcast_in_dim3A_894 : i32 to vector<16xi32>
        %gather3A_896 = tpu.vector_load_idx %arg9[%add3A_617, %broadcast_in_dim3A_895] : memref<512x32xf32, #tpu.memory_space<vmem>>[vector<16xi32>, vector<16xi32>], vector<16xf32>,
        %mul3A_897 = arith.constant 16 : i32
        %mul3A_898 = arith.muli %scan3A_612, %mul3A_897 : i32
        %swap3A_899 = arith.constant 31 : i32
        %swap3A_900 = arith.index_cast %swap3A_899 : i32 to index
        %swap3A_901 = arith.index_cast %mul3A_898 : i32 to index
        %swap3A_902 = tpu.vector_load %arg12[%swap3A_900, %swap3A_901] {strides = array<i32>} : memref<32x512xf32, #tpu.memory_space<vmem>>, vector<16xf32>,
        tpu.vector_store %arg12[%swap3A_900, %swap3A_901], %gather3A_896 {strides = array<i32>} : memref<32x512xf32, #tpu.memory_space<vmem>>, vector<16xf32>,
        %scan3A_903 = arith.constant 0 : i32
        scf.yield %scan3A_903 : i32
      }
      %scan3A_466 = arith.constant 32 : i32
      %add3A_467 = arith.addi %mul3A_2, %add3A_440 : i32
      %jit3A_468 = arith.constant 32 : i32
      %div3A_469 = arith.divsi %add3A_467, %jit3A_468 : i32
      %sign3A_470 = arith.constant 0 : i32
      %sign3A_471 = arith.cmpi sgt, %add3A_467, %sign3A_470 : i32
      %sign3A_472 = arith.extui %sign3A_471 : i1 to i32
      %sign3A_473 = arith.constant 0 : i32
      %sign3A_474 = arith.cmpi slt, %add3A_467, %sign3A_473 : i32
      %sign3A_475 = arith.extui %sign3A_474 : i1 to i32
      %sign3A_476 = arith.subi %sign3A_472, %sign3A_475 : i32
      %sign3A_477 = arith.constant 0 : i32
      %sign3A_478 = arith.cmpi sgt, %jit3A_468, %sign3A_477 : i32
      %sign3A_479 = arith.extui %sign3A_478 : i1 to i32
      %sign3A_480 = arith.constant 0 : i32
      %sign3A_481 = arith.cmpi slt, %jit3A_468, %sign3A_480 : i32
      %sign3A_482 = arith.extui %sign3A_481 : i1 to i32
      %sign3A_483 = arith.subi %sign3A_479, %sign3A_482 : i32
      %ne3A_484 = arith.cmpi ne, %sign3A_476, %sign3A_483 : i32
      %rem3A_485 = arith.remsi %add3A_467, %jit3A_468 : i32
      %ne3A_486 = arith.constant 0 : i32
      %ne3A_487 = arith.cmpi ne, %rem3A_485, %ne3A_486 : i32
      %and3A_488 = arith.andi %ne3A_484, %ne3A_487 : i1
      %sub3A_489 = arith.constant 1 : i32
      %sub3A_490 = arith.subi %div3A_469, %sub3A_489 : i32
      %select_n3A_491 = arith.select %and3A_488, %sub3A_490, %div3A_469 : i32
      %jit3A_492 = arith.constant 32 : i32
      %eq3A_493 = arith.constant 0 : i32
      %eq3A_494 = arith.cmpi eq, %jit3A_492, %eq3A_493 : i32
      %jit3A_495 = arith.constant 1 : i32
      %select_n3A_496 = arith.select %eq3A_494, %jit3A_495, %jit3A_492 : i32
      %rem3A_497 = arith.remsi %add3A_467, %select_n3A_496 : i32
      %ne3A_498 = arith.constant 0 : i32
      %ne3A_499 = arith.cmpi ne, %rem3A_497, %ne3A_498 : i32
      %lt3A_500 = arith.constant 0 : i32
      %lt3A_501 = arith.cmpi slt, %rem3A_497, %lt3A_500 : i32
      %lt3A_502 = arith.constant 0 : i32
      %lt3A_503 = arith.cmpi slt, %select_n3A_496, %lt3A_502 : i32
      %ne3A_504 = arith.xori %lt3A_501, %lt3A_503 : i1
      %and3A_505 = arith.andi %ne3A_504, %ne3A_499 : i1
      %add3A_506 = arith.addi %rem3A_497, %select_n3A_496 : i32
      %select_n3A_507 = arith.select %and3A_505, %add3A_506, %rem3A_497 : i32
      %mul3A_508 = arith.constant 512 : i32
      %mul3A_509 = arith.muli %select_n3A_507, %mul3A_508 : i32
      %multiple_of3A_510 = tpu.assume_multiple %mul3A_509, 512 : i32
      %dma_start3A_511 = arith.constant 0 : i32
      %dma_start3A_512 = tpu.memref_slice %arg4[%select_n3A_491, %dma_start3A_511, %multiple_of3A_510] : memref<50x32x16384xf32, #tpu.memory_space<hbm>> -> memref<1x32x512xf32, #tpu.memory_space<hbm>>
      %dma_start3A_513 = tpu.memref_squeeze %dma_start3A_512 : memref<1x32x512xf32, #tpu.memory_space<hbm>> -> memref<32x512xf32, #tpu.memory_space<hbm>>
      %dma_start3A_514 = arith.constant 0 : i32
      %dma_start3A_515 = tpu.memref_slice %arg4[%select_n3A_491, %dma_start3A_514, %multiple_of3A_510] : memref<50x32x16384xf32, #tpu.memory_space<hbm>> -> memref<1x32x512xf32, #tpu.memory_space<hbm>>
      %dma_start3A_516 = tpu.memref_squeeze %dma_start3A_515 : memref<1x32x512xf32, #tpu.memory_space<hbm>> -> memref<32x512xf32, #tpu.memory_space<hbm>>
      tpu.enqueue_dma source(%arg12 : memref<32x512xf32, #tpu.memory_space<vmem>>) target(%dma_start3A_516 : memref<32x512xf32, #tpu.memory_space<hbm>>) target_semaphore(%arg18 : memref<!tpu.dma_semaphore, #tpu.memory_space<semaphore_mem>>)
      %add3A_517 = arith.constant 3 : i32
      %add3A_518 = arith.addi %add3A_440, %add3A_517 : i32
      %lt3A_519 = arith.constant 50 : i32
      %lt3A_520 = arith.cmpi slt, %add3A_518, %lt3A_519 : i32
      %convert_element_type3A_521 = arith.extui %lt3A_520 : i1 to i32
      %cond3A_522 = arith.constant 0 : i32
      %cond3A_523 = arith.cmpi ne, %convert_element_type3A_521, %cond3A_522 : i32
      scf.if %cond3A_523 {
        %add3A_612 = arith.constant 3 : i32
        %add3A_613 = arith.addi %add3A_440, %add3A_612 : i32
        %dma_wait3A_614 = arith.constant 0 : i32
        %dma_wait3A_615 = arith.constant 0 : i32
        %dma_wait3A_616 = tpu.memref_slice %arg2[%dma_wait3A_614, %dma_wait3A_615] : memref<50x16384xi32, #tpu.memory_space<hbm>> -> memref<1x512xi32, #tpu.memory_space<hbm>>
        %dma_wait3A_617 = arith.constant 0 : i32
        %dma_wait3A_618 = arith.constant 0 : i32
        %dma_wait3A_619 = tpu.memref_slice %arg2[%dma_wait3A_617, %dma_wait3A_618] : memref<50x16384xi32, #tpu.memory_space<hbm>> -> memref<1x512xi32, #tpu.memory_space<hbm>>
        tpu.wait_dma2 semaphore(%arg21 : memref<!tpu.dma_semaphore, #tpu.memory_space<semaphore_mem>>) src(%dma_wait3A_619 : memref<1x512xi32, #tpu.memory_space<hbm>>) dst(%arg6 : memref<1x512xi32, #tpu.memory_space<vmem>>)
        %dma_start3A_620 = arith.constant 0 : i32
        %dma_start3A_621 = arith.constant 0 : i32
        %dma_start3A_622 = tpu.memref_slice %arg6[%dma_start3A_620, %dma_start3A_621] : memref<1x512xi32, #tpu.memory_space<vmem>> -> memref<1x512xi32, #tpu.memory_space<vmem>>
        %dma_start3A_623 = tpu.memref_squeeze %dma_start3A_622 : memref<1x512xi32, #tpu.memory_space<vmem>> -> memref<512xi32, #tpu.memory_space<vmem>>
        %dma_start3A_624 = arith.constant 0 : i32
        %dma_start3A_625 = arith.constant 0 : i32
        %dma_start3A_626 = tpu.memref_slice %arg3[%dma_start3A_624, %dma_start3A_625] : memref<1000000x32xf32, #tpu.memory_space<hbm>> -> memref<1000000x32xf32, #tpu.memory_space<hbm>>
        tpu.enqueue_indirect_dma source(%dma_start3A_626 : memref<1000000x32xf32, #tpu.memory_space<hbm>>) target(%arg9 : memref<512x32xf32, #tpu.memory_space<vmem>>) offsets(%dma_start3A_623 : memref<512xi32, #tpu.memory_space<vmem>>) semaphore(%arg15 : memref<!tpu.dma_semaphore, #tpu.memory_space<semaphore_mem>>)
      } else {
      }
      %mul3A_524 = arith.constant 3 : i32
      %mul3A_525 = arith.muli %scan3A_351, %mul3A_524 : i32
      %add3A_526 = arith.constant 2 : i32
      %add3A_527 = arith.addi %mul3A_525, %add3A_526 : i32
      %dma_wait3A_528 = arith.constant 0 : i32
      %dma_wait3A_529 = arith.constant 0 : i32
      %dma_wait3A_530 = tpu.memref_slice %arg7[%dma_wait3A_528, %dma_wait3A_529] : memref<1x512xi32, #tpu.memory_space<vmem>> -> memref<1x512xi32, #tpu.memory_space<vmem>>
      %dma_wait3A_531 = tpu.memref_squeeze %dma_wait3A_530 : memref<1x512xi32, #tpu.memory_space<vmem>> -> memref<512xi32, #tpu.memory_space<vmem>>
      %dma_wait3A_532 = arith.constant 0 : i32
      %dma_wait3A_533 = arith.constant 0 : i32
      %dma_wait3A_534 = tpu.memref_slice %arg3[%dma_wait3A_532, %dma_wait3A_533] : memref<1000000x32xf32, #tpu.memory_space<hbm>> -> memref<1000000x32xf32, #tpu.memory_space<hbm>>
      tpu.wait_indirect_dma semaphore(%arg16 : memref<!tpu.dma_semaphore, #tpu.memory_space<semaphore_mem>>) src(%dma_wait3A_534 : memref<1000000x32xf32, #tpu.memory_space<hbm>>) dst(%arg10 : memref<512x32xf32, #tpu.memory_space<vmem>>)
      %add3A_535 = arith.constant 3 : i32
      %add3A_536 = arith.addi %add3A_527, %add3A_535 : i32
      %lt3A_537 = arith.constant 50 : i32
      %lt3A_538 = arith.cmpi slt, %add3A_536, %lt3A_537 : i32
      %convert_element_type3A_539 = arith.extui %lt3A_538 : i1 to i32
      %cond3A_540 = arith.constant 0 : i32
      %cond3A_541 = arith.cmpi ne, %convert_element_type3A_539, %cond3A_540 : i32
      scf.if %cond3A_541 {
        %add3A_612 = arith.constant 3 : i32
        %add3A_613 = arith.addi %add3A_527, %add3A_612 : i32
        %add3A_614 = arith.addi %mul3A_2, %add3A_613 : i32
        %jit3A_615 = arith.constant 32 : i32
        %div3A_616 = arith.divsi %add3A_614, %jit3A_615 : i32
        %sign3A_617 = arith.constant 0 : i32
        %sign3A_618 = arith.cmpi sgt, %add3A_614, %sign3A_617 : i32
        %sign3A_619 = arith.extui %sign3A_618 : i1 to i32
        %sign3A_620 = arith.constant 0 : i32
        %sign3A_621 = arith.cmpi slt, %add3A_614, %sign3A_620 : i32
        %sign3A_622 = arith.extui %sign3A_621 : i1 to i32
        %sign3A_623 = arith.subi %sign3A_619, %sign3A_622 : i32
        %sign3A_624 = arith.constant 0 : i32
        %sign3A_625 = arith.cmpi sgt, %jit3A_615, %sign3A_624 : i32
        %sign3A_626 = arith.extui %sign3A_625 : i1 to i32
        %sign3A_627 = arith.constant 0 : i32
        %sign3A_628 = arith.cmpi slt, %jit3A_615, %sign3A_627 : i32
        %sign3A_629 = arith.extui %sign3A_628 : i1 to i32
        %sign3A_630 = arith.subi %sign3A_626, %sign3A_629 : i32
        %ne3A_631 = arith.cmpi ne, %sign3A_623, %sign3A_630 : i32
        %rem3A_632 = arith.remsi %add3A_614, %jit3A_615 : i32
        %ne3A_633 = arith.constant 0 : i32
        %ne3A_634 = arith.cmpi ne, %rem3A_632, %ne3A_633 : i32
        %and3A_635 = arith.andi %ne3A_631, %ne3A_634 : i1
        %sub3A_636 = arith.constant 1 : i32
        %sub3A_637 = arith.subi %div3A_616, %sub3A_636 : i32
        %select_n3A_638 = arith.select %and3A_635, %sub3A_637, %div3A_616 : i32
        %jit3A_639 = arith.constant 32 : i32
        %eq3A_640 = arith.constant 0 : i32
        %eq3A_641 = arith.cmpi eq, %jit3A_639, %eq3A_640 : i32
        %jit3A_642 = arith.constant 1 : i32
        %select_n3A_643 = arith.select %eq3A_641, %jit3A_642, %jit3A_639 : i32
        %rem3A_644 = arith.remsi %add3A_614, %select_n3A_643 : i32
        %ne3A_645 = arith.constant 0 : i32
        %ne3A_646 = arith.cmpi ne, %rem3A_644, %ne3A_645 : i32
        %lt3A_647 = arith.constant 0 : i32
        %lt3A_648 = arith.cmpi slt, %rem3A_644, %lt3A_647 : i32
        %lt3A_649 = arith.constant 0 : i32
        %lt3A_650 = arith.cmpi slt, %select_n3A_643, %lt3A_649 : i32
        %ne3A_651 = arith.xori %lt3A_648, %lt3A_650 : i1
        %and3A_652 = arith.andi %ne3A_651, %ne3A_646 : i1
        %add3A_653 = arith.addi %rem3A_644, %select_n3A_643 : i32
        %select_n3A_654 = arith.select %and3A_652, %add3A_653, %rem3A_644 : i32
        %mul3A_655 = arith.constant 512 : i32
        %mul3A_656 = arith.muli %select_n3A_654, %mul3A_655 : i32
        %multiple_of3A_657 = tpu.assume_multiple %mul3A_656, 512 : i32
        %dma_start3A_658 = tpu.memref_slice %arg2[%select_n3A_638, %multiple_of3A_657] : memref<50x16384xi32, #tpu.memory_space<hbm>> -> memref<1x512xi32, #tpu.memory_space<hbm>>
        %dma_start3A_659 = tpu.memref_slice %arg2[%select_n3A_638, %multiple_of3A_657] : memref<50x16384xi32, #tpu.memory_space<hbm>> -> memref<1x512xi32, #tpu.memory_space<hbm>>
        tpu.enqueue_dma source(%dma_start3A_659 : memref<1x512xi32, #tpu.memory_space<hbm>>) target(%arg7 : memref<1x512xi32, #tpu.memory_space<vmem>>) target_semaphore(%arg22 : memref<!tpu.dma_semaphore, #tpu.memory_space<semaphore_mem>>)
      } else {
      }
      %ge3A_542 = arith.constant 3 : i32
      %ge3A_543 = arith.cmpi sge, %add3A_527, %ge3A_542 : i32
      %convert_element_type3A_544 = arith.extui %ge3A_543 : i1 to i32
      %cond3A_545 = arith.constant 0 : i32
      %cond3A_546 = arith.cmpi ne, %convert_element_type3A_544, %cond3A_545 : i32
      scf.if %cond3A_546 {
        %dma_wait3A_612 = arith.constant 0 : i32
        %dma_wait3A_613 = arith.constant 0 : i32
        %dma_wait3A_614 = arith.constant 0 : i32
        %dma_wait3A_615 = tpu.memref_slice %arg4[%dma_wait3A_612, %dma_wait3A_613, %dma_wait3A_614] : memref<50x32x16384xf32, #tpu.memory_space<hbm>> -> memref<1x32x512xf32, #tpu.memory_space<hbm>>
        %dma_wait3A_616 = tpu.memref_squeeze %dma_wait3A_615 : memref<1x32x512xf32, #tpu.memory_space<hbm>> -> memref<32x512xf32, #tpu.memory_space<hbm>>
        %dma_wait3A_617 = arith.constant 0 : i32
        %dma_wait3A_618 = arith.constant 0 : i32
        %dma_wait3A_619 = tpu.memref_slice %arg4[%dma_wait3A_612, %dma_wait3A_617, %dma_wait3A_618] : memref<50x32x16384xf32, #tpu.memory_space<hbm>> -> memref<1x32x512xf32, #tpu.memory_space<hbm>>
        %dma_wait3A_620 = tpu.memref_squeeze %dma_wait3A_619 : memref<1x32x512xf32, #tpu.memory_space<hbm>> -> memref<32x512xf32, #tpu.memory_space<hbm>>
        tpu.wait_dma2 semaphore(%arg19 : memref<!tpu.dma_semaphore, #tpu.memory_space<semaphore_mem>>) src(%arg13 : memref<32x512xf32, #tpu.memory_space<vmem>>) dst(%dma_wait3A_620 : memref<32x512xf32, #tpu.memory_space<hbm>>)
      } else {
      }
      %scan3A_547 = arith.constant 0 : i32
      %scan3A_548 = arith.constant 0 : i32
      %scan3A_549 = arith.constant 32 : i32
      %scan3A_550 = arith.addi %scan3A_548, %scan3A_549 : i32
      %scan3A_551 = arith.constant 1 : i32
      %scan3A_552 = scf.for %scan3A_612 = %scan3A_548 to %scan3A_550 step %scan3A_551 iter_args(%scan3A_613 = %scan3A_547) -> (i32)  : i32 {
        %mul3A_614 = arith.constant 16 : i32
        %mul3A_615 = arith.muli %scan3A_612, %mul3A_614 : i32
        %add3A_616 = vector.broadcast %mul3A_615 : i32 to vector<16xi32>
        %add3A_617 = arith.addi %add3A_616, %iota3A : vector<16xi32>
        %broadcast_in_dim3A = arith.constant 0 : i32
        %broadcast_in_dim3A_618 = vector.broadcast %broadcast_in_dim3A : i32 to vector<16xi32>
        %gather3A = tpu.vector_load_idx %arg10[%add3A_617, %broadcast_in_dim3A_618] : memref<512x32xf32, #tpu.memory_space<vmem>>[vector<16xi32>, vector<16xi32>], vector<16xf32>,
        %mul3A_619 = arith.constant 16 : i32
        %mul3A_620 = arith.muli %scan3A_612, %mul3A_619 : i32
        %swap3A = arith.constant 0 : i32
        %swap3A_621 = arith.index_cast %swap3A : i32 to index
        %swap3A_622 = arith.index_cast %mul3A_620 : i32 to index
        %swap3A_623 = tpu.vector_load %arg13[%swap3A_621, %swap3A_622] {strides = array<i32>} : memref<32x512xf32, #tpu.memory_space<vmem>>, vector<16xf32>,
        tpu.vector_store %arg13[%swap3A_621, %swap3A_622], %gather3A {strides = array<i32>} : memref<32x512xf32, #tpu.memory_space<vmem>>, vector<16xf32>,
        %broadcast_in_dim3A_624 = arith.constant 1 : i32
        %broadcast_in_dim3A_625 = vector.broadcast %broadcast_in_dim3A_624 : i32 to vector<16xi32>
        %gather3A_626 = tpu.vector_load_idx %arg10[%add3A_617, %broadcast_in_dim3A_625] : memref<512x32xf32, #tpu.memory_space<vmem>>[vector<16xi32>, vector<16xi32>], vector<16xf32>,
        %mul3A_627 = arith.constant 16 : i32
        %mul3A_628 = arith.muli %scan3A_612, %mul3A_627 : i32
        %swap3A_629 = arith.constant 1 : i32
        %swap3A_630 = arith.index_cast %swap3A_629 : i32 to index
        %swap3A_631 = arith.index_cast %mul3A_628 : i32 to index
        %swap3A_632 = tpu.vector_load %arg13[%swap3A_630, %swap3A_631] {strides = array<i32>} : memref<32x512xf32, #tpu.memory_space<vmem>>, vector<16xf32>,
        tpu.vector_store %arg13[%swap3A_630, %swap3A_631], %gather3A_626 {strides = array<i32>} : memref<32x512xf32, #tpu.memory_space<vmem>>, vector<16xf32>,
        %broadcast_in_dim3A_633 = arith.constant 2 : i32
        %broadcast_in_dim3A_634 = vector.broadcast %broadcast_in_dim3A_633 : i32 to vector<16xi32>
        %gather3A_635 = tpu.vector_load_idx %arg10[%add3A_617, %broadcast_in_dim3A_634] : memref<512x32xf32, #tpu.memory_space<vmem>>[vector<16xi32>, vector<16xi32>], vector<16xf32>,
        %mul3A_636 = arith.constant 16 : i32
        %mul3A_637 = arith.muli %scan3A_612, %mul3A_636 : i32
        %swap3A_638 = arith.constant 2 : i32
        %swap3A_639 = arith.index_cast %swap3A_638 : i32 to index
        %swap3A_640 = arith.index_cast %mul3A_637 : i32 to index
        %swap3A_641 = tpu.vector_load %arg13[%swap3A_639, %swap3A_640] {strides = array<i32>} : memref<32x512xf32, #tpu.memory_space<vmem>>, vector<16xf32>,
        tpu.vector_store %arg13[%swap3A_639, %swap3A_640], %gather3A_635 {strides = array<i32>} : memref<32x512xf32, #tpu.memory_space<vmem>>, vector<16xf32>,
        %broadcast_in_dim3A_642 = arith.constant 3 : i32
        %broadcast_in_dim3A_643 = vector.broadcast %broadcast_in_dim3A_642 : i32 to vector<16xi32>
        %gather3A_644 = tpu.vector_load_idx %arg10[%add3A_617, %broadcast_in_dim3A_643] : memref<512x32xf32, #tpu.memory_space<vmem>>[vector<16xi32>, vector<16xi32>], vector<16xf32>,
        %mul3A_645 = arith.constant 16 : i32
        %mul3A_646 = arith.muli %scan3A_612, %mul3A_645 : i32
        %swap3A_647 = arith.constant 3 : i32
        %swap3A_648 = arith.index_cast %swap3A_647 : i32 to index
        %swap3A_649 = arith.index_cast %mul3A_646 : i32 to index
        %swap3A_650 = tpu.vector_load %arg13[%swap3A_648, %swap3A_649] {strides = array<i32>} : memref<32x512xf32, #tpu.memory_space<vmem>>, vector<16xf32>,
        tpu.vector_store %arg13[%swap3A_648, %swap3A_649], %gather3A_644 {strides = array<i32>} : memref<32x512xf32, #tpu.memory_space<vmem>>, vector<16xf32>,
        %broadcast_in_dim3A_651 = arith.constant 4 : i32
        %broadcast_in_dim3A_652 = vector.broadcast %broadcast_in_dim3A_651 : i32 to vector<16xi32>
        %gather3A_653 = tpu.vector_load_idx %arg10[%add3A_617, %broadcast_in_dim3A_652] : memref<512x32xf32, #tpu.memory_space<vmem>>[vector<16xi32>, vector<16xi32>], vector<16xf32>,
        %mul3A_654 = arith.constant 16 : i32
        %mul3A_655 = arith.muli %scan3A_612, %mul3A_654 : i32
        %swap3A_656 = arith.constant 4 : i32
        %swap3A_657 = arith.index_cast %swap3A_656 : i32 to index
        %swap3A_658 = arith.index_cast %mul3A_655 : i32 to index
        %swap3A_659 = tpu.vector_load %arg13[%swap3A_657, %swap3A_658] {strides = array<i32>} : memref<32x512xf32, #tpu.memory_space<vmem>>, vector<16xf32>,
        tpu.vector_store %arg13[%swap3A_657, %swap3A_658], %gather3A_653 {strides = array<i32>} : memref<32x512xf32, #tpu.memory_space<vmem>>, vector<16xf32>,
        %broadcast_in_dim3A_660 = arith.constant 5 : i32
        %broadcast_in_dim3A_661 = vector.broadcast %broadcast_in_dim3A_660 : i32 to vector<16xi32>
        %gather3A_662 = tpu.vector_load_idx %arg10[%add3A_617, %broadcast_in_dim3A_661] : memref<512x32xf32, #tpu.memory_space<vmem>>[vector<16xi32>, vector<16xi32>], vector<16xf32>,
        %mul3A_663 = arith.constant 16 : i32
        %mul3A_664 = arith.muli %scan3A_612, %mul3A_663 : i32
        %swap3A_665 = arith.constant 5 : i32
        %swap3A_666 = arith.index_cast %swap3A_665 : i32 to index
        %swap3A_667 = arith.index_cast %mul3A_664 : i32 to index
        %swap3A_668 = tpu.vector_load %arg13[%swap3A_666, %swap3A_667] {strides = array<i32>} : memref<32x512xf32, #tpu.memory_space<vmem>>, vector<16xf32>,
        tpu.vector_store %arg13[%swap3A_666, %swap3A_667], %gather3A_662 {strides = array<i32>} : memref<32x512xf32, #tpu.memory_space<vmem>>, vector<16xf32>,
        %broadcast_in_dim3A_669 = arith.constant 6 : i32
        %broadcast_in_dim3A_670 = vector.broadcast %broadcast_in_dim3A_669 : i32 to vector<16xi32>
        %gather3A_671 = tpu.vector_load_idx %arg10[%add3A_617, %broadcast_in_dim3A_670] : memref<512x32xf32, #tpu.memory_space<vmem>>[vector<16xi32>, vector<16xi32>], vector<16xf32>,
        %mul3A_672 = arith.constant 16 : i32
        %mul3A_673 = arith.muli %scan3A_612, %mul3A_672 : i32
        %swap3A_674 = arith.constant 6 : i32
        %swap3A_675 = arith.index_cast %swap3A_674 : i32 to index
        %swap3A_676 = arith.index_cast %mul3A_673 : i32 to index
        %swap3A_677 = tpu.vector_load %arg13[%swap3A_675, %swap3A_676] {strides = array<i32>} : memref<32x512xf32, #tpu.memory_space<vmem>>, vector<16xf32>,
        tpu.vector_store %arg13[%swap3A_675, %swap3A_676], %gather3A_671 {strides = array<i32>} : memref<32x512xf32, #tpu.memory_space<vmem>>, vector<16xf32>,
        %broadcast_in_dim3A_678 = arith.constant 7 : i32
        %broadcast_in_dim3A_679 = vector.broadcast %broadcast_in_dim3A_678 : i32 to vector<16xi32>
        %gather3A_680 = tpu.vector_load_idx %arg10[%add3A_617, %broadcast_in_dim3A_679] : memref<512x32xf32, #tpu.memory_space<vmem>>[vector<16xi32>, vector<16xi32>], vector<16xf32>,
        %mul3A_681 = arith.constant 16 : i32
        %mul3A_682 = arith.muli %scan3A_612, %mul3A_681 : i32
        %swap3A_683 = arith.constant 7 : i32
        %swap3A_684 = arith.index_cast %swap3A_683 : i32 to index
        %swap3A_685 = arith.index_cast %mul3A_682 : i32 to index
        %swap3A_686 = tpu.vector_load %arg13[%swap3A_684, %swap3A_685] {strides = array<i32>} : memref<32x512xf32, #tpu.memory_space<vmem>>, vector<16xf32>,
        tpu.vector_store %arg13[%swap3A_684, %swap3A_685], %gather3A_680 {strides = array<i32>} : memref<32x512xf32, #tpu.memory_space<vmem>>, vector<16xf32>,
        %broadcast_in_dim3A_687 = arith.constant 8 : i32
        %broadcast_in_dim3A_688 = vector.broadcast %broadcast_in_dim3A_687 : i32 to vector<16xi32>
        %gather3A_689 = tpu.vector_load_idx %arg10[%add3A_617, %broadcast_in_dim3A_688] : memref<512x32xf32, #tpu.memory_space<vmem>>[vector<16xi32>, vector<16xi32>], vector<16xf32>,
        %mul3A_690 = arith.constant 16 : i32
        %mul3A_691 = arith.muli %scan3A_612, %mul3A_690 : i32
        %swap3A_692 = arith.constant 8 : i32
        %swap3A_693 = arith.index_cast %swap3A_692 : i32 to index
        %swap3A_694 = arith.index_cast %mul3A_691 : i32 to index
        %swap3A_695 = tpu.vector_load %arg13[%swap3A_693, %swap3A_694] {strides = array<i32>} : memref<32x512xf32, #tpu.memory_space<vmem>>, vector<16xf32>,
        tpu.vector_store %arg13[%swap3A_693, %swap3A_694], %gather3A_689 {strides = array<i32>} : memref<32x512xf32, #tpu.memory_space<vmem>>, vector<16xf32>,
        %broadcast_in_dim3A_696 = arith.constant 9 : i32
        %broadcast_in_dim3A_697 = vector.broadcast %broadcast_in_dim3A_696 : i32 to vector<16xi32>
        %gather3A_698 = tpu.vector_load_idx %arg10[%add3A_617, %broadcast_in_dim3A_697] : memref<512x32xf32, #tpu.memory_space<vmem>>[vector<16xi32>, vector<16xi32>], vector<16xf32>,
        %mul3A_699 = arith.constant 16 : i32
        %mul3A_700 = arith.muli %scan3A_612, %mul3A_699 : i32
        %swap3A_701 = arith.constant 9 : i32
        %swap3A_702 = arith.index_cast %swap3A_701 : i32 to index
        %swap3A_703 = arith.index_cast %mul3A_700 : i32 to index
        %swap3A_704 = tpu.vector_load %arg13[%swap3A_702, %swap3A_703] {strides = array<i32>} : memref<32x512xf32, #tpu.memory_space<vmem>>, vector<16xf32>,
        tpu.vector_store %arg13[%swap3A_702, %swap3A_703], %gather3A_698 {strides = array<i32>} : memref<32x512xf32, #tpu.memory_space<vmem>>, vector<16xf32>,
        %broadcast_in_dim3A_705 = arith.constant 10 : i32
        %broadcast_in_dim3A_706 = vector.broadcast %broadcast_in_dim3A_705 : i32 to vector<16xi32>
        %gather3A_707 = tpu.vector_load_idx %arg10[%add3A_617, %broadcast_in_dim3A_706] : memref<512x32xf32, #tpu.memory_space<vmem>>[vector<16xi32>, vector<16xi32>], vector<16xf32>,
        %mul3A_708 = arith.constant 16 : i32
        %mul3A_709 = arith.muli %scan3A_612, %mul3A_708 : i32
        %swap3A_710 = arith.constant 10 : i32
        %swap3A_711 = arith.index_cast %swap3A_710 : i32 to index
        %swap3A_712 = arith.index_cast %mul3A_709 : i32 to index
        %swap3A_713 = tpu.vector_load %arg13[%swap3A_711, %swap3A_712] {strides = array<i32>} : memref<32x512xf32, #tpu.memory_space<vmem>>, vector<16xf32>,
        tpu.vector_store %arg13[%swap3A_711, %swap3A_712], %gather3A_707 {strides = array<i32>} : memref<32x512xf32, #tpu.memory_space<vmem>>, vector<16xf32>,
        %broadcast_in_dim3A_714 = arith.constant 11 : i32
        %broadcast_in_dim3A_715 = vector.broadcast %broadcast_in_dim3A_714 : i32 to vector<16xi32>
        %gather3A_716 = tpu.vector_load_idx %arg10[%add3A_617, %broadcast_in_dim3A_715] : memref<512x32xf32, #tpu.memory_space<vmem>>[vector<16xi32>, vector<16xi32>], vector<16xf32>,
        %mul3A_717 = arith.constant 16 : i32
        %mul3A_718 = arith.muli %scan3A_612, %mul3A_717 : i32
        %swap3A_719 = arith.constant 11 : i32
        %swap3A_720 = arith.index_cast %swap3A_719 : i32 to index
        %swap3A_721 = arith.index_cast %mul3A_718 : i32 to index
        %swap3A_722 = tpu.vector_load %arg13[%swap3A_720, %swap3A_721] {strides = array<i32>} : memref<32x512xf32, #tpu.memory_space<vmem>>, vector<16xf32>,
        tpu.vector_store %arg13[%swap3A_720, %swap3A_721], %gather3A_716 {strides = array<i32>} : memref<32x512xf32, #tpu.memory_space<vmem>>, vector<16xf32>,
        %broadcast_in_dim3A_723 = arith.constant 12 : i32
        %broadcast_in_dim3A_724 = vector.broadcast %broadcast_in_dim3A_723 : i32 to vector<16xi32>
        %gather3A_725 = tpu.vector_load_idx %arg10[%add3A_617, %broadcast_in_dim3A_724] : memref<512x32xf32, #tpu.memory_space<vmem>>[vector<16xi32>, vector<16xi32>], vector<16xf32>,
        %mul3A_726 = arith.constant 16 : i32
        %mul3A_727 = arith.muli %scan3A_612, %mul3A_726 : i32
        %swap3A_728 = arith.constant 12 : i32
        %swap3A_729 = arith.index_cast %swap3A_728 : i32 to index
        %swap3A_730 = arith.index_cast %mul3A_727 : i32 to index
        %swap3A_731 = tpu.vector_load %arg13[%swap3A_729, %swap3A_730] {strides = array<i32>} : memref<32x512xf32, #tpu.memory_space<vmem>>, vector<16xf32>,
        tpu.vector_store %arg13[%swap3A_729, %swap3A_730], %gather3A_725 {strides = array<i32>} : memref<32x512xf32, #tpu.memory_space<vmem>>, vector<16xf32>,
        %broadcast_in_dim3A_732 = arith.constant 13 : i32
        %broadcast_in_dim3A_733 = vector.broadcast %broadcast_in_dim3A_732 : i32 to vector<16xi32>
        %gather3A_734 = tpu.vector_load_idx %arg10[%add3A_617, %broadcast_in_dim3A_733] : memref<512x32xf32, #tpu.memory_space<vmem>>[vector<16xi32>, vector<16xi32>], vector<16xf32>,
        %mul3A_735 = arith.constant 16 : i32
        %mul3A_736 = arith.muli %scan3A_612, %mul3A_735 : i32
        %swap3A_737 = arith.constant 13 : i32
        %swap3A_738 = arith.index_cast %swap3A_737 : i32 to index
        %swap3A_739 = arith.index_cast %mul3A_736 : i32 to index
        %swap3A_740 = tpu.vector_load %arg13[%swap3A_738, %swap3A_739] {strides = array<i32>} : memref<32x512xf32, #tpu.memory_space<vmem>>, vector<16xf32>,
        tpu.vector_store %arg13[%swap3A_738, %swap3A_739], %gather3A_734 {strides = array<i32>} : memref<32x512xf32, #tpu.memory_space<vmem>>, vector<16xf32>,
        %broadcast_in_dim3A_741 = arith.constant 14 : i32
        %broadcast_in_dim3A_742 = vector.broadcast %broadcast_in_dim3A_741 : i32 to vector<16xi32>
        %gather3A_743 = tpu.vector_load_idx %arg10[%add3A_617, %broadcast_in_dim3A_742] : memref<512x32xf32, #tpu.memory_space<vmem>>[vector<16xi32>, vector<16xi32>], vector<16xf32>,
        %mul3A_744 = arith.constant 16 : i32
        %mul3A_745 = arith.muli %scan3A_612, %mul3A_744 : i32
        %swap3A_746 = arith.constant 14 : i32
        %swap3A_747 = arith.index_cast %swap3A_746 : i32 to index
        %swap3A_748 = arith.index_cast %mul3A_745 : i32 to index
        %swap3A_749 = tpu.vector_load %arg13[%swap3A_747, %swap3A_748] {strides = array<i32>} : memref<32x512xf32, #tpu.memory_space<vmem>>, vector<16xf32>,
        tpu.vector_store %arg13[%swap3A_747, %swap3A_748], %gather3A_743 {strides = array<i32>} : memref<32x512xf32, #tpu.memory_space<vmem>>, vector<16xf32>,
        %broadcast_in_dim3A_750 = arith.constant 15 : i32
        %broadcast_in_dim3A_751 = vector.broadcast %broadcast_in_dim3A_750 : i32 to vector<16xi32>
        %gather3A_752 = tpu.vector_load_idx %arg10[%add3A_617, %broadcast_in_dim3A_751] : memref<512x32xf32, #tpu.memory_space<vmem>>[vector<16xi32>, vector<16xi32>], vector<16xf32>,
        %mul3A_753 = arith.constant 16 : i32
        %mul3A_754 = arith.muli %scan3A_612, %mul3A_753 : i32
        %swap3A_755 = arith.constant 15 : i32
        %swap3A_756 = arith.index_cast %swap3A_755 : i32 to index
        %swap3A_757 = arith.index_cast %mul3A_754 : i32 to index
        %swap3A_758 = tpu.vector_load %arg13[%swap3A_756, %swap3A_757] {strides = array<i32>} : memref<32x512xf32, #tpu.memory_space<vmem>>, vector<16xf32>,
        tpu.vector_store %arg13[%swap3A_756, %swap3A_757], %gather3A_752 {strides = array<i32>} : memref<32x512xf32, #tpu.memory_space<vmem>>, vector<16xf32>,
        %broadcast_in_dim3A_759 = arith.constant 16 : i32
        %broadcast_in_dim3A_760 = vector.broadcast %broadcast_in_dim3A_759 : i32 to vector<16xi32>
        %gather3A_761 = tpu.vector_load_idx %arg10[%add3A_617, %broadcast_in_dim3A_760] : memref<512x32xf32, #tpu.memory_space<vmem>>[vector<16xi32>, vector<16xi32>], vector<16xf32>,
        %mul3A_762 = arith.constant 16 : i32
        %mul3A_763 = arith.muli %scan3A_612, %mul3A_762 : i32
        %swap3A_764 = arith.constant 16 : i32
        %swap3A_765 = arith.index_cast %swap3A_764 : i32 to index
        %swap3A_766 = arith.index_cast %mul3A_763 : i32 to index
        %swap3A_767 = tpu.vector_load %arg13[%swap3A_765, %swap3A_766] {strides = array<i32>} : memref<32x512xf32, #tpu.memory_space<vmem>>, vector<16xf32>,
        tpu.vector_store %arg13[%swap3A_765, %swap3A_766], %gather3A_761 {strides = array<i32>} : memref<32x512xf32, #tpu.memory_space<vmem>>, vector<16xf32>,
        %broadcast_in_dim3A_768 = arith.constant 17 : i32
        %broadcast_in_dim3A_769 = vector.broadcast %broadcast_in_dim3A_768 : i32 to vector<16xi32>
        %gather3A_770 = tpu.vector_load_idx %arg10[%add3A_617, %broadcast_in_dim3A_769] : memref<512x32xf32, #tpu.memory_space<vmem>>[vector<16xi32>, vector<16xi32>], vector<16xf32>,
        %mul3A_771 = arith.constant 16 : i32
        %mul3A_772 = arith.muli %scan3A_612, %mul3A_771 : i32
        %swap3A_773 = arith.constant 17 : i32
        %swap3A_774 = arith.index_cast %swap3A_773 : i32 to index
        %swap3A_775 = arith.index_cast %mul3A_772 : i32 to index
        %swap3A_776 = tpu.vector_load %arg13[%swap3A_774, %swap3A_775] {strides = array<i32>} : memref<32x512xf32, #tpu.memory_space<vmem>>, vector<16xf32>,
        tpu.vector_store %arg13[%swap3A_774, %swap3A_775], %gather3A_770 {strides = array<i32>} : memref<32x512xf32, #tpu.memory_space<vmem>>, vector<16xf32>,
        %broadcast_in_dim3A_777 = arith.constant 18 : i32
        %broadcast_in_dim3A_778 = vector.broadcast %broadcast_in_dim3A_777 : i32 to vector<16xi32>
        %gather3A_779 = tpu.vector_load_idx %arg10[%add3A_617, %broadcast_in_dim3A_778] : memref<512x32xf32, #tpu.memory_space<vmem>>[vector<16xi32>, vector<16xi32>], vector<16xf32>,
        %mul3A_780 = arith.constant 16 : i32
        %mul3A_781 = arith.muli %scan3A_612, %mul3A_780 : i32
        %swap3A_782 = arith.constant 18 : i32
        %swap3A_783 = arith.index_cast %swap3A_782 : i32 to index
        %swap3A_784 = arith.index_cast %mul3A_781 : i32 to index
        %swap3A_785 = tpu.vector_load %arg13[%swap3A_783, %swap3A_784] {strides = array<i32>} : memref<32x512xf32, #tpu.memory_space<vmem>>, vector<16xf32>,
        tpu.vector_store %arg13[%swap3A_783, %swap3A_784], %gather3A_779 {strides = array<i32>} : memref<32x512xf32, #tpu.memory_space<vmem>>, vector<16xf32>,
        %broadcast_in_dim3A_786 = arith.constant 19 : i32
        %broadcast_in_dim3A_787 = vector.broadcast %broadcast_in_dim3A_786 : i32 to vector<16xi32>
        %gather3A_788 = tpu.vector_load_idx %arg10[%add3A_617, %broadcast_in_dim3A_787] : memref<512x32xf32, #tpu.memory_space<vmem>>[vector<16xi32>, vector<16xi32>], vector<16xf32>,
        %mul3A_789 = arith.constant 16 : i32
        %mul3A_790 = arith.muli %scan3A_612, %mul3A_789 : i32
        %swap3A_791 = arith.constant 19 : i32
        %swap3A_792 = arith.index_cast %swap3A_791 : i32 to index
        %swap3A_793 = arith.index_cast %mul3A_790 : i32 to index
        %swap3A_794 = tpu.vector_load %arg13[%swap3A_792, %swap3A_793] {strides = array<i32>} : memref<32x512xf32, #tpu.memory_space<vmem>>, vector<16xf32>,
        tpu.vector_store %arg13[%swap3A_792, %swap3A_793], %gather3A_788 {strides = array<i32>} : memref<32x512xf32, #tpu.memory_space<vmem>>, vector<16xf32>,
        %broadcast_in_dim3A_795 = arith.constant 20 : i32
        %broadcast_in_dim3A_796 = vector.broadcast %broadcast_in_dim3A_795 : i32 to vector<16xi32>
        %gather3A_797 = tpu.vector_load_idx %arg10[%add3A_617, %broadcast_in_dim3A_796] : memref<512x32xf32, #tpu.memory_space<vmem>>[vector<16xi32>, vector<16xi32>], vector<16xf32>,
        %mul3A_798 = arith.constant 16 : i32
        %mul3A_799 = arith.muli %scan3A_612, %mul3A_798 : i32
        %swap3A_800 = arith.constant 20 : i32
        %swap3A_801 = arith.index_cast %swap3A_800 : i32 to index
        %swap3A_802 = arith.index_cast %mul3A_799 : i32 to index
        %swap3A_803 = tpu.vector_load %arg13[%swap3A_801, %swap3A_802] {strides = array<i32>} : memref<32x512xf32, #tpu.memory_space<vmem>>, vector<16xf32>,
        tpu.vector_store %arg13[%swap3A_801, %swap3A_802], %gather3A_797 {strides = array<i32>} : memref<32x512xf32, #tpu.memory_space<vmem>>, vector<16xf32>,
        %broadcast_in_dim3A_804 = arith.constant 21 : i32
        %broadcast_in_dim3A_805 = vector.broadcast %broadcast_in_dim3A_804 : i32 to vector<16xi32>
        %gather3A_806 = tpu.vector_load_idx %arg10[%add3A_617, %broadcast_in_dim3A_805] : memref<512x32xf32, #tpu.memory_space<vmem>>[vector<16xi32>, vector<16xi32>], vector<16xf32>,
        %mul3A_807 = arith.constant 16 : i32
        %mul3A_808 = arith.muli %scan3A_612, %mul3A_807 : i32
        %swap3A_809 = arith.constant 21 : i32
        %swap3A_810 = arith.index_cast %swap3A_809 : i32 to index
        %swap3A_811 = arith.index_cast %mul3A_808 : i32 to index
        %swap3A_812 = tpu.vector_load %arg13[%swap3A_810, %swap3A_811] {strides = array<i32>} : memref<32x512xf32, #tpu.memory_space<vmem>>, vector<16xf32>,
        tpu.vector_store %arg13[%swap3A_810, %swap3A_811], %gather3A_806 {strides = array<i32>} : memref<32x512xf32, #tpu.memory_space<vmem>>, vector<16xf32>,
        %broadcast_in_dim3A_813 = arith.constant 22 : i32
        %broadcast_in_dim3A_814 = vector.broadcast %broadcast_in_dim3A_813 : i32 to vector<16xi32>
        %gather3A_815 = tpu.vector_load_idx %arg10[%add3A_617, %broadcast_in_dim3A_814] : memref<512x32xf32, #tpu.memory_space<vmem>>[vector<16xi32>, vector<16xi32>], vector<16xf32>,
        %mul3A_816 = arith.constant 16 : i32
        %mul3A_817 = arith.muli %scan3A_612, %mul3A_816 : i32
        %swap3A_818 = arith.constant 22 : i32
        %swap3A_819 = arith.index_cast %swap3A_818 : i32 to index
        %swap3A_820 = arith.index_cast %mul3A_817 : i32 to index
        %swap3A_821 = tpu.vector_load %arg13[%swap3A_819, %swap3A_820] {strides = array<i32>} : memref<32x512xf32, #tpu.memory_space<vmem>>, vector<16xf32>,
        tpu.vector_store %arg13[%swap3A_819, %swap3A_820], %gather3A_815 {strides = array<i32>} : memref<32x512xf32, #tpu.memory_space<vmem>>, vector<16xf32>,
        %broadcast_in_dim3A_822 = arith.constant 23 : i32
        %broadcast_in_dim3A_823 = vector.broadcast %broadcast_in_dim3A_822 : i32 to vector<16xi32>
        %gather3A_824 = tpu.vector_load_idx %arg10[%add3A_617, %broadcast_in_dim3A_823] : memref<512x32xf32, #tpu.memory_space<vmem>>[vector<16xi32>, vector<16xi32>], vector<16xf32>,
        %mul3A_825 = arith.constant 16 : i32
        %mul3A_826 = arith.muli %scan3A_612, %mul3A_825 : i32
        %swap3A_827 = arith.constant 23 : i32
        %swap3A_828 = arith.index_cast %swap3A_827 : i32 to index
        %swap3A_829 = arith.index_cast %mul3A_826 : i32 to index
        %swap3A_830 = tpu.vector_load %arg13[%swap3A_828, %swap3A_829] {strides = array<i32>} : memref<32x512xf32, #tpu.memory_space<vmem>>, vector<16xf32>,
        tpu.vector_store %arg13[%swap3A_828, %swap3A_829], %gather3A_824 {strides = array<i32>} : memref<32x512xf32, #tpu.memory_space<vmem>>, vector<16xf32>,
        %broadcast_in_dim3A_831 = arith.constant 24 : i32
        %broadcast_in_dim3A_832 = vector.broadcast %broadcast_in_dim3A_831 : i32 to vector<16xi32>
        %gather3A_833 = tpu.vector_load_idx %arg10[%add3A_617, %broadcast_in_dim3A_832] : memref<512x32xf32, #tpu.memory_space<vmem>>[vector<16xi32>, vector<16xi32>], vector<16xf32>,
        %mul3A_834 = arith.constant 16 : i32
        %mul3A_835 = arith.muli %scan3A_612, %mul3A_834 : i32
        %swap3A_836 = arith.constant 24 : i32
        %swap3A_837 = arith.index_cast %swap3A_836 : i32 to index
        %swap3A_838 = arith.index_cast %mul3A_835 : i32 to index
        %swap3A_839 = tpu.vector_load %arg13[%swap3A_837, %swap3A_838] {strides = array<i32>} : memref<32x512xf32, #tpu.memory_space<vmem>>, vector<16xf32>,
        tpu.vector_store %arg13[%swap3A_837, %swap3A_838], %gather3A_833 {strides = array<i32>} : memref<32x512xf32, #tpu.memory_space<vmem>>, vector<16xf32>,
        %broadcast_in_dim3A_840 = arith.constant 25 : i32
        %broadcast_in_dim3A_841 = vector.broadcast %broadcast_in_dim3A_840 : i32 to vector<16xi32>
        %gather3A_842 = tpu.vector_load_idx %arg10[%add3A_617, %broadcast_in_dim3A_841] : memref<512x32xf32, #tpu.memory_space<vmem>>[vector<16xi32>, vector<16xi32>], vector<16xf32>,
        %mul3A_843 = arith.constant 16 : i32
        %mul3A_844 = arith.muli %scan3A_612, %mul3A_843 : i32
        %swap3A_845 = arith.constant 25 : i32
        %swap3A_846 = arith.index_cast %swap3A_845 : i32 to index
        %swap3A_847 = arith.index_cast %mul3A_844 : i32 to index
        %swap3A_848 = tpu.vector_load %arg13[%swap3A_846, %swap3A_847] {strides = array<i32>} : memref<32x512xf32, #tpu.memory_space<vmem>>, vector<16xf32>,
        tpu.vector_store %arg13[%swap3A_846, %swap3A_847], %gather3A_842 {strides = array<i32>} : memref<32x512xf32, #tpu.memory_space<vmem>>, vector<16xf32>,
        %broadcast_in_dim3A_849 = arith.constant 26 : i32
        %broadcast_in_dim3A_850 = vector.broadcast %broadcast_in_dim3A_849 : i32 to vector<16xi32>
        %gather3A_851 = tpu.vector_load_idx %arg10[%add3A_617, %broadcast_in_dim3A_850] : memref<512x32xf32, #tpu.memory_space<vmem>>[vector<16xi32>, vector<16xi32>], vector<16xf32>,
        %mul3A_852 = arith.constant 16 : i32
        %mul3A_853 = arith.muli %scan3A_612, %mul3A_852 : i32
        %swap3A_854 = arith.constant 26 : i32
        %swap3A_855 = arith.index_cast %swap3A_854 : i32 to index
        %swap3A_856 = arith.index_cast %mul3A_853 : i32 to index
        %swap3A_857 = tpu.vector_load %arg13[%swap3A_855, %swap3A_856] {strides = array<i32>} : memref<32x512xf32, #tpu.memory_space<vmem>>, vector<16xf32>,
        tpu.vector_store %arg13[%swap3A_855, %swap3A_856], %gather3A_851 {strides = array<i32>} : memref<32x512xf32, #tpu.memory_space<vmem>>, vector<16xf32>,
        %broadcast_in_dim3A_858 = arith.constant 27 : i32
        %broadcast_in_dim3A_859 = vector.broadcast %broadcast_in_dim3A_858 : i32 to vector<16xi32>
        %gather3A_860 = tpu.vector_load_idx %arg10[%add3A_617, %broadcast_in_dim3A_859] : memref<512x32xf32, #tpu.memory_space<vmem>>[vector<16xi32>, vector<16xi32>], vector<16xf32>,
        %mul3A_861 = arith.constant 16 : i32
        %mul3A_862 = arith.muli %scan3A_612, %mul3A_861 : i32
        %swap3A_863 = arith.constant 27 : i32
        %swap3A_864 = arith.index_cast %swap3A_863 : i32 to index
        %swap3A_865 = arith.index_cast %mul3A_862 : i32 to index
        %swap3A_866 = tpu.vector_load %arg13[%swap3A_864, %swap3A_865] {strides = array<i32>} : memref<32x512xf32, #tpu.memory_space<vmem>>, vector<16xf32>,
        tpu.vector_store %arg13[%swap3A_864, %swap3A_865], %gather3A_860 {strides = array<i32>} : memref<32x512xf32, #tpu.memory_space<vmem>>, vector<16xf32>,
        %broadcast_in_dim3A_867 = arith.constant 28 : i32
        %broadcast_in_dim3A_868 = vector.broadcast %broadcast_in_dim3A_867 : i32 to vector<16xi32>
        %gather3A_869 = tpu.vector_load_idx %arg10[%add3A_617, %broadcast_in_dim3A_868] : memref<512x32xf32, #tpu.memory_space<vmem>>[vector<16xi32>, vector<16xi32>], vector<16xf32>,
        %mul3A_870 = arith.constant 16 : i32
        %mul3A_871 = arith.muli %scan3A_612, %mul3A_870 : i32
        %swap3A_872 = arith.constant 28 : i32
        %swap3A_873 = arith.index_cast %swap3A_872 : i32 to index
        %swap3A_874 = arith.index_cast %mul3A_871 : i32 to index
        %swap3A_875 = tpu.vector_load %arg13[%swap3A_873, %swap3A_874] {strides = array<i32>} : memref<32x512xf32, #tpu.memory_space<vmem>>, vector<16xf32>,
        tpu.vector_store %arg13[%swap3A_873, %swap3A_874], %gather3A_869 {strides = array<i32>} : memref<32x512xf32, #tpu.memory_space<vmem>>, vector<16xf32>,
        %broadcast_in_dim3A_876 = arith.constant 29 : i32
        %broadcast_in_dim3A_877 = vector.broadcast %broadcast_in_dim3A_876 : i32 to vector<16xi32>
        %gather3A_878 = tpu.vector_load_idx %arg10[%add3A_617, %broadcast_in_dim3A_877] : memref<512x32xf32, #tpu.memory_space<vmem>>[vector<16xi32>, vector<16xi32>], vector<16xf32>,
        %mul3A_879 = arith.constant 16 : i32
        %mul3A_880 = arith.muli %scan3A_612, %mul3A_879 : i32
        %swap3A_881 = arith.constant 29 : i32
        %swap3A_882 = arith.index_cast %swap3A_881 : i32 to index
        %swap3A_883 = arith.index_cast %mul3A_880 : i32 to index
        %swap3A_884 = tpu.vector_load %arg13[%swap3A_882, %swap3A_883] {strides = array<i32>} : memref<32x512xf32, #tpu.memory_space<vmem>>, vector<16xf32>,
        tpu.vector_store %arg13[%swap3A_882, %swap3A_883], %gather3A_878 {strides = array<i32>} : memref<32x512xf32, #tpu.memory_space<vmem>>, vector<16xf32>,
        %broadcast_in_dim3A_885 = arith.constant 30 : i32
        %broadcast_in_dim3A_886 = vector.broadcast %broadcast_in_dim3A_885 : i32 to vector<16xi32>
        %gather3A_887 = tpu.vector_load_idx %arg10[%add3A_617, %broadcast_in_dim3A_886] : memref<512x32xf32, #tpu.memory_space<vmem>>[vector<16xi32>, vector<16xi32>], vector<16xf32>,
        %mul3A_888 = arith.constant 16 : i32
        %mul3A_889 = arith.muli %scan3A_612, %mul3A_888 : i32
        %swap3A_890 = arith.constant 30 : i32
        %swap3A_891 = arith.index_cast %swap3A_890 : i32 to index
        %swap3A_892 = arith.index_cast %mul3A_889 : i32 to index
        %swap3A_893 = tpu.vector_load %arg13[%swap3A_891, %swap3A_892] {strides = array<i32>} : memref<32x512xf32, #tpu.memory_space<vmem>>, vector<16xf32>,
        tpu.vector_store %arg13[%swap3A_891, %swap3A_892], %gather3A_887 {strides = array<i32>} : memref<32x512xf32, #tpu.memory_space<vmem>>, vector<16xf32>,
        %broadcast_in_dim3A_894 = arith.constant 31 : i32
        %broadcast_in_dim3A_895 = vector.broadcast %broadcast_in_dim3A_894 : i32 to vector<16xi32>
        %gather3A_896 = tpu.vector_load_idx %arg10[%add3A_617, %broadcast_in_dim3A_895] : memref<512x32xf32, #tpu.memory_space<vmem>>[vector<16xi32>, vector<16xi32>], vector<16xf32>,
        %mul3A_897 = arith.constant 16 : i32
        %mul3A_898 = arith.muli %scan3A_612, %mul3A_897 : i32
        %swap3A_899 = arith.constant 31 : i32
        %swap3A_900 = arith.index_cast %swap3A_899 : i32 to index
        %swap3A_901 = arith.index_cast %mul3A_898 : i32 to index
        %swap3A_902 = tpu.vector_load %arg13[%swap3A_900, %swap3A_901] {strides = array<i32>} : memref<32x512xf32, #tpu.memory_space<vmem>>, vector<16xf32>,
        tpu.vector_store %arg13[%swap3A_900, %swap3A_901], %gather3A_896 {strides = array<i32>} : memref<32x512xf32, #tpu.memory_space<vmem>>, vector<16xf32>,
        %scan3A_903 = arith.constant 0 : i32
        scf.yield %scan3A_903 : i32
      }
      %scan3A_553 = arith.constant 32 : i32
      %add3A_554 = arith.addi %mul3A_2, %add3A_527 : i32
      %jit3A_555 = arith.constant 32 : i32
      %div3A_556 = arith.divsi %add3A_554, %jit3A_555 : i32
      %sign3A_557 = arith.constant 0 : i32
      %sign3A_558 = arith.cmpi sgt, %add3A_554, %sign3A_557 : i32
      %sign3A_559 = arith.extui %sign3A_558 : i1 to i32
      %sign3A_560 = arith.constant 0 : i32
      %sign3A_561 = arith.cmpi slt, %add3A_554, %sign3A_560 : i32
      %sign3A_562 = arith.extui %sign3A_561 : i1 to i32
      %sign3A_563 = arith.subi %sign3A_559, %sign3A_562 : i32
      %sign3A_564 = arith.constant 0 : i32
      %sign3A_565 = arith.cmpi sgt, %jit3A_555, %sign3A_564 : i32
      %sign3A_566 = arith.extui %sign3A_565 : i1 to i32
      %sign3A_567 = arith.constant 0 : i32
      %sign3A_568 = arith.cmpi slt, %jit3A_555, %sign3A_567 : i32
      %sign3A_569 = arith.extui %sign3A_568 : i1 to i32
      %sign3A_570 = arith.subi %sign3A_566, %sign3A_569 : i32
      %ne3A_571 = arith.cmpi ne, %sign3A_563, %sign3A_570 : i32
      %rem3A_572 = arith.remsi %add3A_554, %jit3A_555 : i32
      %ne3A_573 = arith.constant 0 : i32
      %ne3A_574 = arith.cmpi ne, %rem3A_572, %ne3A_573 : i32
      %and3A_575 = arith.andi %ne3A_571, %ne3A_574 : i1
      %sub3A_576 = arith.constant 1 : i32
      %sub3A_577 = arith.subi %div3A_556, %sub3A_576 : i32
      %select_n3A_578 = arith.select %and3A_575, %sub3A_577, %div3A_556 : i32
      %jit3A_579 = arith.constant 32 : i32
      %eq3A_580 = arith.constant 0 : i32
      %eq3A_581 = arith.cmpi eq, %jit3A_579, %eq3A_580 : i32
      %jit3A_582 = arith.constant 1 : i32
      %select_n3A_583 = arith.select %eq3A_581, %jit3A_582, %jit3A_579 : i32
      %rem3A_584 = arith.remsi %add3A_554, %select_n3A_583 : i32
      %ne3A_585 = arith.constant 0 : i32
      %ne3A_586 = arith.cmpi ne, %rem3A_584, %ne3A_585 : i32
      %lt3A_587 = arith.constant 0 : i32
      %lt3A_588 = arith.cmpi slt, %rem3A_584, %lt3A_587 : i32
      %lt3A_589 = arith.constant 0 : i32
      %lt3A_590 = arith.cmpi slt, %select_n3A_583, %lt3A_589 : i32
      %ne3A_591 = arith.xori %lt3A_588, %lt3A_590 : i1
      %and3A_592 = arith.andi %ne3A_591, %ne3A_586 : i1
      %add3A_593 = arith.addi %rem3A_584, %select_n3A_583 : i32
      %select_n3A_594 = arith.select %and3A_592, %add3A_593, %rem3A_584 : i32
      %mul3A_595 = arith.constant 512 : i32
      %mul3A_596 = arith.muli %select_n3A_594, %mul3A_595 : i32
      %multiple_of3A_597 = tpu.assume_multiple %mul3A_596, 512 : i32
      %dma_start3A_598 = arith.constant 0 : i32
      %dma_start3A_599 = tpu.memref_slice %arg4[%select_n3A_578, %dma_start3A_598, %multiple_of3A_597] : memref<50x32x16384xf32, #tpu.memory_space<hbm>> -> memref<1x32x512xf32, #tpu.memory_space<hbm>>
      %dma_start3A_600 = tpu.memref_squeeze %dma_start3A_599 : memref<1x32x512xf32, #tpu.memory_space<hbm>> -> memref<32x512xf32, #tpu.memory_space<hbm>>
      %dma_start3A_601 = arith.constant 0 : i32
      %dma_start3A_602 = tpu.memref_slice %arg4[%select_n3A_578, %dma_start3A_601, %multiple_of3A_597] : memref<50x32x16384xf32, #tpu.memory_space<hbm>> -> memref<1x32x512xf32, #tpu.memory_space<hbm>>
      %dma_start3A_603 = tpu.memref_squeeze %dma_start3A_602 : memref<1x32x512xf32, #tpu.memory_space<hbm>> -> memref<32x512xf32, #tpu.memory_space<hbm>>
      tpu.enqueue_dma source(%arg13 : memref<32x512xf32, #tpu.memory_space<vmem>>) target(%dma_start3A_603 : memref<32x512xf32, #tpu.memory_space<hbm>>) target_semaphore(%arg19 : memref<!tpu.dma_semaphore, #tpu.memory_space<semaphore_mem>>)
      %add3A_604 = arith.constant 3 : i32
      %add3A_605 = arith.addi %add3A_527, %add3A_604 : i32
      %lt3A_606 = arith.constant 50 : i32
      %lt3A_607 = arith.cmpi slt, %add3A_605, %lt3A_606 : i32
      %convert_element_type3A_608 = arith.extui %lt3A_607 : i1 to i32
      %cond3A_609 = arith.constant 0 : i32
      %cond3A_610 = arith.cmpi ne, %convert_element_type3A_608, %cond3A_609 : i32
      scf.if %cond3A_610 {
        %add3A_612 = arith.constant 3 : i32
        %add3A_613 = arith.addi %add3A_527, %add3A_612 : i32
        %dma_wait3A_614 = arith.constant 0 : i32
        %dma_wait3A_615 = arith.constant 0 : i32
        %dma_wait3A_616 = tpu.memref_slice %arg2[%dma_wait3A_614, %dma_wait3A_615] : memref<50x16384xi32, #tpu.memory_space<hbm>> -> memref<1x512xi32, #tpu.memory_space<hbm>>
        %dma_wait3A_617 = arith.constant 0 : i32
        %dma_wait3A_618 = arith.constant 0 : i32
        %dma_wait3A_619 = tpu.memref_slice %arg2[%dma_wait3A_617, %dma_wait3A_618] : memref<50x16384xi32, #tpu.memory_space<hbm>> -> memref<1x512xi32, #tpu.memory_space<hbm>>
        tpu.wait_dma2 semaphore(%arg22 : memref<!tpu.dma_semaphore, #tpu.memory_space<semaphore_mem>>) src(%dma_wait3A_619 : memref<1x512xi32, #tpu.memory_space<hbm>>) dst(%arg7 : memref<1x512xi32, #tpu.memory_space<vmem>>)
        %dma_start3A_620 = arith.constant 0 : i32
        %dma_start3A_621 = arith.constant 0 : i32
        %dma_start3A_622 = tpu.memref_slice %arg7[%dma_start3A_620, %dma_start3A_621] : memref<1x512xi32, #tpu.memory_space<vmem>> -> memref<1x512xi32, #tpu.memory_space<vmem>>
        %dma_start3A_623 = tpu.memref_squeeze %dma_start3A_622 : memref<1x512xi32, #tpu.memory_space<vmem>> -> memref<512xi32, #tpu.memory_space<vmem>>
        %dma_start3A_624 = arith.constant 0 : i32
        %dma_start3A_625 = arith.constant 0 : i32
        %dma_start3A_626 = tpu.memref_slice %arg3[%dma_start3A_624, %dma_start3A_625] : memref<1000000x32xf32, #tpu.memory_space<hbm>> -> memref<1000000x32xf32, #tpu.memory_space<hbm>>
        tpu.enqueue_indirect_dma source(%dma_start3A_626 : memref<1000000x32xf32, #tpu.memory_space<hbm>>) target(%arg10 : memref<512x32xf32, #tpu.memory_space<vmem>>) offsets(%dma_start3A_623 : memref<512xi32, #tpu.memory_space<vmem>>) semaphore(%arg16 : memref<!tpu.dma_semaphore, #tpu.memory_space<semaphore_mem>>)
      } else {
      }
      %scan3A_611 = arith.constant 0 : i32
      scf.yield %scan3A_611 : i32
    }
    %scan3A_175 = arith.constant 16 : i32
    %dma_wait3A_176 = arith.constant 0 : i32
    %dma_wait3A_177 = arith.constant 0 : i32
    %dma_wait3A_178 = tpu.memref_slice %arg5[%dma_wait3A_176, %dma_wait3A_177] : memref<1x512xi32, #tpu.memory_space<vmem>> -> memref<1x512xi32, #tpu.memory_space<vmem>>
    %dma_wait3A_179 = tpu.memref_squeeze %dma_wait3A_178 : memref<1x512xi32, #tpu.memory_space<vmem>> -> memref<512xi32, #tpu.memory_space<vmem>>
    %dma_wait3A_180 = arith.constant 0 : i32
    %dma_wait3A_181 = arith.constant 0 : i32
    %dma_wait3A_182 = tpu.memref_slice %arg3[%dma_wait3A_180, %dma_wait3A_181] : memref<1000000x32xf32, #tpu.memory_space<hbm>> -> memref<1000000x32xf32, #tpu.memory_space<hbm>>
    tpu.wait_indirect_dma semaphore(%arg14 : memref<!tpu.dma_semaphore, #tpu.memory_space<semaphore_mem>>) src(%dma_wait3A_182 : memref<1000000x32xf32, #tpu.memory_space<hbm>>) dst(%arg8 : memref<512x32xf32, #tpu.memory_space<vmem>>)
    %dma_wait3A_183 = arith.constant 0 : i32
    %dma_wait3A_184 = arith.constant 0 : i32
    %dma_wait3A_185 = arith.constant 0 : i32
    %dma_wait3A_186 = tpu.memref_slice %arg4[%dma_wait3A_183, %dma_wait3A_184, %dma_wait3A_185] : memref<50x32x16384xf32, #tpu.memory_space<hbm>> -> memref<1x32x512xf32, #tpu.memory_space<hbm>>
    %dma_wait3A_187 = tpu.memref_squeeze %dma_wait3A_186 : memref<1x32x512xf32, #tpu.memory_space<hbm>> -> memref<32x512xf32, #tpu.memory_space<hbm>>
    %dma_wait3A_188 = arith.constant 0 : i32
    %dma_wait3A_189 = arith.constant 0 : i32
    %dma_wait3A_190 = tpu.memref_slice %arg4[%dma_wait3A_183, %dma_wait3A_188, %dma_wait3A_189] : memref<50x32x16384xf32, #tpu.memory_space<hbm>> -> memref<1x32x512xf32, #tpu.memory_space<hbm>>
    %dma_wait3A_191 = tpu.memref_squeeze %dma_wait3A_190 : memref<1x32x512xf32, #tpu.memory_space<hbm>> -> memref<32x512xf32, #tpu.memory_space<hbm>>
    tpu.wait_dma2 semaphore(%arg17 : memref<!tpu.dma_semaphore, #tpu.memory_space<semaphore_mem>>) src(%arg11 : memref<32x512xf32, #tpu.memory_space<vmem>>) dst(%dma_wait3A_191 : memref<32x512xf32, #tpu.memory_space<hbm>>)
    %scan3A_192 = arith.constant 0 : i32
    %scan3A_193 = arith.constant 0 : i32
    %scan3A_194 = arith.constant 32 : i32
    %scan3A_195 = arith.addi %scan3A_193, %scan3A_194 : i32
    %scan3A_196 = arith.constant 1 : i32
    %scan3A_197 = scf.for %scan3A_351 = %scan3A_193 to %scan3A_195 step %scan3A_196 iter_args(%scan3A_352 = %scan3A_192) -> (i32)  : i32 {
      %mul3A_353 = arith.constant 16 : i32
      %mul3A_354 = arith.muli %scan3A_351, %mul3A_353 : i32
      %add3A_355 = vector.broadcast %mul3A_354 : i32 to vector<16xi32>
      %add3A_356 = arith.addi %add3A_355, %iota3A : vector<16xi32>
      %broadcast_in_dim3A = arith.constant 0 : i32
      %broadcast_in_dim3A_357 = vector.broadcast %broadcast_in_dim3A : i32 to vector<16xi32>
      %gather3A = tpu.vector_load_idx %arg8[%add3A_356, %broadcast_in_dim3A_357] : memref<512x32xf32, #tpu.memory_space<vmem>>[vector<16xi32>, vector<16xi32>], vector<16xf32>,
      %mul3A_358 = arith.constant 16 : i32
      %mul3A_359 = arith.muli %scan3A_351, %mul3A_358 : i32
      %swap3A = arith.constant 0 : i32
      %swap3A_360 = arith.index_cast %swap3A : i32 to index
      %swap3A_361 = arith.index_cast %mul3A_359 : i32 to index
      %swap3A_362 = tpu.vector_load %arg11[%swap3A_360, %swap3A_361] {strides = array<i32>} : memref<32x512xf32, #tpu.memory_space<vmem>>, vector<16xf32>,
      tpu.vector_store %arg11[%swap3A_360, %swap3A_361], %gather3A {strides = array<i32>} : memref<32x512xf32, #tpu.memory_space<vmem>>, vector<16xf32>,
      %broadcast_in_dim3A_363 = arith.constant 1 : i32
      %broadcast_in_dim3A_364 = vector.broadcast %broadcast_in_dim3A_363 : i32 to vector<16xi32>
      %gather3A_365 = tpu.vector_load_idx %arg8[%add3A_356, %broadcast_in_dim3A_364] : memref<512x32xf32, #tpu.memory_space<vmem>>[vector<16xi32>, vector<16xi32>], vector<16xf32>,
      %mul3A_366 = arith.constant 16 : i32
      %mul3A_367 = arith.muli %scan3A_351, %mul3A_366 : i32
      %swap3A_368 = arith.constant 1 : i32
      %swap3A_369 = arith.index_cast %swap3A_368 : i32 to index
      %swap3A_370 = arith.index_cast %mul3A_367 : i32 to index
      %swap3A_371 = tpu.vector_load %arg11[%swap3A_369, %swap3A_370] {strides = array<i32>} : memref<32x512xf32, #tpu.memory_space<vmem>>, vector<16xf32>,
      tpu.vector_store %arg11[%swap3A_369, %swap3A_370], %gather3A_365 {strides = array<i32>} : memref<32x512xf32, #tpu.memory_space<vmem>>, vector<16xf32>,
      %broadcast_in_dim3A_372 = arith.constant 2 : i32
      %broadcast_in_dim3A_373 = vector.broadcast %broadcast_in_dim3A_372 : i32 to vector<16xi32>
      %gather3A_374 = tpu.vector_load_idx %arg8[%add3A_356, %broadcast_in_dim3A_373] : memref<512x32xf32, #tpu.memory_space<vmem>>[vector<16xi32>, vector<16xi32>], vector<16xf32>,
      %mul3A_375 = arith.constant 16 : i32
      %mul3A_376 = arith.muli %scan3A_351, %mul3A_375 : i32
      %swap3A_377 = arith.constant 2 : i32
      %swap3A_378 = arith.index_cast %swap3A_377 : i32 to index
      %swap3A_379 = arith.index_cast %mul3A_376 : i32 to index
      %swap3A_380 = tpu.vector_load %arg11[%swap3A_378, %swap3A_379] {strides = array<i32>} : memref<32x512xf32, #tpu.memory_space<vmem>>, vector<16xf32>,
      tpu.vector_store %arg11[%swap3A_378, %swap3A_379], %gather3A_374 {strides = array<i32>} : memref<32x512xf32, #tpu.memory_space<vmem>>, vector<16xf32>,
      %broadcast_in_dim3A_381 = arith.constant 3 : i32
      %broadcast_in_dim3A_382 = vector.broadcast %broadcast_in_dim3A_381 : i32 to vector<16xi32>
      %gather3A_383 = tpu.vector_load_idx %arg8[%add3A_356, %broadcast_in_dim3A_382] : memref<512x32xf32, #tpu.memory_space<vmem>>[vector<16xi32>, vector<16xi32>], vector<16xf32>,
      %mul3A_384 = arith.constant 16 : i32
      %mul3A_385 = arith.muli %scan3A_351, %mul3A_384 : i32
      %swap3A_386 = arith.constant 3 : i32
      %swap3A_387 = arith.index_cast %swap3A_386 : i32 to index
      %swap3A_388 = arith.index_cast %mul3A_385 : i32 to index
      %swap3A_389 = tpu.vector_load %arg11[%swap3A_387, %swap3A_388] {strides = array<i32>} : memref<32x512xf32, #tpu.memory_space<vmem>>, vector<16xf32>,
      tpu.vector_store %arg11[%swap3A_387, %swap3A_388], %gather3A_383 {strides = array<i32>} : memref<32x512xf32, #tpu.memory_space<vmem>>, vector<16xf32>,
      %broadcast_in_dim3A_390 = arith.constant 4 : i32
      %broadcast_in_dim3A_391 = vector.broadcast %broadcast_in_dim3A_390 : i32 to vector<16xi32>
      %gather3A_392 = tpu.vector_load_idx %arg8[%add3A_356, %broadcast_in_dim3A_391] : memref<512x32xf32, #tpu.memory_space<vmem>>[vector<16xi32>, vector<16xi32>], vector<16xf32>,
      %mul3A_393 = arith.constant 16 : i32
      %mul3A_394 = arith.muli %scan3A_351, %mul3A_393 : i32
      %swap3A_395 = arith.constant 4 : i32
      %swap3A_396 = arith.index_cast %swap3A_395 : i32 to index
      %swap3A_397 = arith.index_cast %mul3A_394 : i32 to index
      %swap3A_398 = tpu.vector_load %arg11[%swap3A_396, %swap3A_397] {strides = array<i32>} : memref<32x512xf32, #tpu.memory_space<vmem>>, vector<16xf32>,
      tpu.vector_store %arg11[%swap3A_396, %swap3A_397], %gather3A_392 {strides = array<i32>} : memref<32x512xf32, #tpu.memory_space<vmem>>, vector<16xf32>,
      %broadcast_in_dim3A_399 = arith.constant 5 : i32
      %broadcast_in_dim3A_400 = vector.broadcast %broadcast_in_dim3A_399 : i32 to vector<16xi32>
      %gather3A_401 = tpu.vector_load_idx %arg8[%add3A_356, %broadcast_in_dim3A_400] : memref<512x32xf32, #tpu.memory_space<vmem>>[vector<16xi32>, vector<16xi32>], vector<16xf32>,
      %mul3A_402 = arith.constant 16 : i32
      %mul3A_403 = arith.muli %scan3A_351, %mul3A_402 : i32
      %swap3A_404 = arith.constant 5 : i32
      %swap3A_405 = arith.index_cast %swap3A_404 : i32 to index
      %swap3A_406 = arith.index_cast %mul3A_403 : i32 to index
      %swap3A_407 = tpu.vector_load %arg11[%swap3A_405, %swap3A_406] {strides = array<i32>} : memref<32x512xf32, #tpu.memory_space<vmem>>, vector<16xf32>,
      tpu.vector_store %arg11[%swap3A_405, %swap3A_406], %gather3A_401 {strides = array<i32>} : memref<32x512xf32, #tpu.memory_space<vmem>>, vector<16xf32>,
      %broadcast_in_dim3A_408 = arith.constant 6 : i32
      %broadcast_in_dim3A_409 = vector.broadcast %broadcast_in_dim3A_408 : i32 to vector<16xi32>
      %gather3A_410 = tpu.vector_load_idx %arg8[%add3A_356, %broadcast_in_dim3A_409] : memref<512x32xf32, #tpu.memory_space<vmem>>[vector<16xi32>, vector<16xi32>], vector<16xf32>,
      %mul3A_411 = arith.constant 16 : i32
      %mul3A_412 = arith.muli %scan3A_351, %mul3A_411 : i32
      %swap3A_413 = arith.constant 6 : i32
      %swap3A_414 = arith.index_cast %swap3A_413 : i32 to index
      %swap3A_415 = arith.index_cast %mul3A_412 : i32 to index
      %swap3A_416 = tpu.vector_load %arg11[%swap3A_414, %swap3A_415] {strides = array<i32>} : memref<32x512xf32, #tpu.memory_space<vmem>>, vector<16xf32>,
      tpu.vector_store %arg11[%swap3A_414, %swap3A_415], %gather3A_410 {strides = array<i32>} : memref<32x512xf32, #tpu.memory_space<vmem>>, vector<16xf32>,
      %broadcast_in_dim3A_417 = arith.constant 7 : i32
      %broadcast_in_dim3A_418 = vector.broadcast %broadcast_in_dim3A_417 : i32 to vector<16xi32>
      %gather3A_419 = tpu.vector_load_idx %arg8[%add3A_356, %broadcast_in_dim3A_418] : memref<512x32xf32, #tpu.memory_space<vmem>>[vector<16xi32>, vector<16xi32>], vector<16xf32>,
      %mul3A_420 = arith.constant 16 : i32
      %mul3A_421 = arith.muli %scan3A_351, %mul3A_420 : i32
      %swap3A_422 = arith.constant 7 : i32
      %swap3A_423 = arith.index_cast %swap3A_422 : i32 to index
      %swap3A_424 = arith.index_cast %mul3A_421 : i32 to index
      %swap3A_425 = tpu.vector_load %arg11[%swap3A_423, %swap3A_424] {strides = array<i32>} : memref<32x512xf32, #tpu.memory_space<vmem>>, vector<16xf32>,
      tpu.vector_store %arg11[%swap3A_423, %swap3A_424], %gather3A_419 {strides = array<i32>} : memref<32x512xf32, #tpu.memory_space<vmem>>, vector<16xf32>,
      %broadcast_in_dim3A_426 = arith.constant 8 : i32
      %broadcast_in_dim3A_427 = vector.broadcast %broadcast_in_dim3A_426 : i32 to vector<16xi32>
      %gather3A_428 = tpu.vector_load_idx %arg8[%add3A_356, %broadcast_in_dim3A_427] : memref<512x32xf32, #tpu.memory_space<vmem>>[vector<16xi32>, vector<16xi32>], vector<16xf32>,
      %mul3A_429 = arith.constant 16 : i32
      %mul3A_430 = arith.muli %scan3A_351, %mul3A_429 : i32
      %swap3A_431 = arith.constant 8 : i32
      %swap3A_432 = arith.index_cast %swap3A_431 : i32 to index
      %swap3A_433 = arith.index_cast %mul3A_430 : i32 to index
      %swap3A_434 = tpu.vector_load %arg11[%swap3A_432, %swap3A_433] {strides = array<i32>} : memref<32x512xf32, #tpu.memory_space<vmem>>, vector<16xf32>,
      tpu.vector_store %arg11[%swap3A_432, %swap3A_433], %gather3A_428 {strides = array<i32>} : memref<32x512xf32, #tpu.memory_space<vmem>>, vector<16xf32>,
      %broadcast_in_dim3A_435 = arith.constant 9 : i32
      %broadcast_in_dim3A_436 = vector.broadcast %broadcast_in_dim3A_435 : i32 to vector<16xi32>
      %gather3A_437 = tpu.vector_load_idx %arg8[%add3A_356, %broadcast_in_dim3A_436] : memref<512x32xf32, #tpu.memory_space<vmem>>[vector<16xi32>, vector<16xi32>], vector<16xf32>,
      %mul3A_438 = arith.constant 16 : i32
      %mul3A_439 = arith.muli %scan3A_351, %mul3A_438 : i32
      %swap3A_440 = arith.constant 9 : i32
      %swap3A_441 = arith.index_cast %swap3A_440 : i32 to index
      %swap3A_442 = arith.index_cast %mul3A_439 : i32 to index
      %swap3A_443 = tpu.vector_load %arg11[%swap3A_441, %swap3A_442] {strides = array<i32>} : memref<32x512xf32, #tpu.memory_space<vmem>>, vector<16xf32>,
      tpu.vector_store %arg11[%swap3A_441, %swap3A_442], %gather3A_437 {strides = array<i32>} : memref<32x512xf32, #tpu.memory_space<vmem>>, vector<16xf32>,
      %broadcast_in_dim3A_444 = arith.constant 10 : i32
      %broadcast_in_dim3A_445 = vector.broadcast %broadcast_in_dim3A_444 : i32 to vector<16xi32>
      %gather3A_446 = tpu.vector_load_idx %arg8[%add3A_356, %broadcast_in_dim3A_445] : memref<512x32xf32, #tpu.memory_space<vmem>>[vector<16xi32>, vector<16xi32>], vector<16xf32>,
      %mul3A_447 = arith.constant 16 : i32
      %mul3A_448 = arith.muli %scan3A_351, %mul3A_447 : i32
      %swap3A_449 = arith.constant 10 : i32
      %swap3A_450 = arith.index_cast %swap3A_449 : i32 to index
      %swap3A_451 = arith.index_cast %mul3A_448 : i32 to index
      %swap3A_452 = tpu.vector_load %arg11[%swap3A_450, %swap3A_451] {strides = array<i32>} : memref<32x512xf32, #tpu.memory_space<vmem>>, vector<16xf32>,
      tpu.vector_store %arg11[%swap3A_450, %swap3A_451], %gather3A_446 {strides = array<i32>} : memref<32x512xf32, #tpu.memory_space<vmem>>, vector<16xf32>,
      %broadcast_in_dim3A_453 = arith.constant 11 : i32
      %broadcast_in_dim3A_454 = vector.broadcast %broadcast_in_dim3A_453 : i32 to vector<16xi32>
      %gather3A_455 = tpu.vector_load_idx %arg8[%add3A_356, %broadcast_in_dim3A_454] : memref<512x32xf32, #tpu.memory_space<vmem>>[vector<16xi32>, vector<16xi32>], vector<16xf32>,
      %mul3A_456 = arith.constant 16 : i32
      %mul3A_457 = arith.muli %scan3A_351, %mul3A_456 : i32
      %swap3A_458 = arith.constant 11 : i32
      %swap3A_459 = arith.index_cast %swap3A_458 : i32 to index
      %swap3A_460 = arith.index_cast %mul3A_457 : i32 to index
      %swap3A_461 = tpu.vector_load %arg11[%swap3A_459, %swap3A_460] {strides = array<i32>} : memref<32x512xf32, #tpu.memory_space<vmem>>, vector<16xf32>,
      tpu.vector_store %arg11[%swap3A_459, %swap3A_460], %gather3A_455 {strides = array<i32>} : memref<32x512xf32, #tpu.memory_space<vmem>>, vector<16xf32>,
      %broadcast_in_dim3A_462 = arith.constant 12 : i32
      %broadcast_in_dim3A_463 = vector.broadcast %broadcast_in_dim3A_462 : i32 to vector<16xi32>
      %gather3A_464 = tpu.vector_load_idx %arg8[%add3A_356, %broadcast_in_dim3A_463] : memref<512x32xf32, #tpu.memory_space<vmem>>[vector<16xi32>, vector<16xi32>], vector<16xf32>,
      %mul3A_465 = arith.constant 16 : i32
      %mul3A_466 = arith.muli %scan3A_351, %mul3A_465 : i32
      %swap3A_467 = arith.constant 12 : i32
      %swap3A_468 = arith.index_cast %swap3A_467 : i32 to index
      %swap3A_469 = arith.index_cast %mul3A_466 : i32 to index
      %swap3A_470 = tpu.vector_load %arg11[%swap3A_468, %swap3A_469] {strides = array<i32>} : memref<32x512xf32, #tpu.memory_space<vmem>>, vector<16xf32>,
      tpu.vector_store %arg11[%swap3A_468, %swap3A_469], %gather3A_464 {strides = array<i32>} : memref<32x512xf32, #tpu.memory_space<vmem>>, vector<16xf32>,
      %broadcast_in_dim3A_471 = arith.constant 13 : i32
      %broadcast_in_dim3A_472 = vector.broadcast %broadcast_in_dim3A_471 : i32 to vector<16xi32>
      %gather3A_473 = tpu.vector_load_idx %arg8[%add3A_356, %broadcast_in_dim3A_472] : memref<512x32xf32, #tpu.memory_space<vmem>>[vector<16xi32>, vector<16xi32>], vector<16xf32>,
      %mul3A_474 = arith.constant 16 : i32
      %mul3A_475 = arith.muli %scan3A_351, %mul3A_474 : i32
      %swap3A_476 = arith.constant 13 : i32
      %swap3A_477 = arith.index_cast %swap3A_476 : i32 to index
      %swap3A_478 = arith.index_cast %mul3A_475 : i32 to index
      %swap3A_479 = tpu.vector_load %arg11[%swap3A_477, %swap3A_478] {strides = array<i32>} : memref<32x512xf32, #tpu.memory_space<vmem>>, vector<16xf32>,
      tpu.vector_store %arg11[%swap3A_477, %swap3A_478], %gather3A_473 {strides = array<i32>} : memref<32x512xf32, #tpu.memory_space<vmem>>, vector<16xf32>,
      %broadcast_in_dim3A_480 = arith.constant 14 : i32
      %broadcast_in_dim3A_481 = vector.broadcast %broadcast_in_dim3A_480 : i32 to vector<16xi32>
      %gather3A_482 = tpu.vector_load_idx %arg8[%add3A_356, %broadcast_in_dim3A_481] : memref<512x32xf32, #tpu.memory_space<vmem>>[vector<16xi32>, vector<16xi32>], vector<16xf32>,
      %mul3A_483 = arith.constant 16 : i32
      %mul3A_484 = arith.muli %scan3A_351, %mul3A_483 : i32
      %swap3A_485 = arith.constant 14 : i32
      %swap3A_486 = arith.index_cast %swap3A_485 : i32 to index
      %swap3A_487 = arith.index_cast %mul3A_484 : i32 to index
      %swap3A_488 = tpu.vector_load %arg11[%swap3A_486, %swap3A_487] {strides = array<i32>} : memref<32x512xf32, #tpu.memory_space<vmem>>, vector<16xf32>,
      tpu.vector_store %arg11[%swap3A_486, %swap3A_487], %gather3A_482 {strides = array<i32>} : memref<32x512xf32, #tpu.memory_space<vmem>>, vector<16xf32>,
      %broadcast_in_dim3A_489 = arith.constant 15 : i32
      %broadcast_in_dim3A_490 = vector.broadcast %broadcast_in_dim3A_489 : i32 to vector<16xi32>
      %gather3A_491 = tpu.vector_load_idx %arg8[%add3A_356, %broadcast_in_dim3A_490] : memref<512x32xf32, #tpu.memory_space<vmem>>[vector<16xi32>, vector<16xi32>], vector<16xf32>,
      %mul3A_492 = arith.constant 16 : i32
      %mul3A_493 = arith.muli %scan3A_351, %mul3A_492 : i32
      %swap3A_494 = arith.constant 15 : i32
      %swap3A_495 = arith.index_cast %swap3A_494 : i32 to index
      %swap3A_496 = arith.index_cast %mul3A_493 : i32 to index
      %swap3A_497 = tpu.vector_load %arg11[%swap3A_495, %swap3A_496] {strides = array<i32>} : memref<32x512xf32, #tpu.memory_space<vmem>>, vector<16xf32>,
      tpu.vector_store %arg11[%swap3A_495, %swap3A_496], %gather3A_491 {strides = array<i32>} : memref<32x512xf32, #tpu.memory_space<vmem>>, vector<16xf32>,
      %broadcast_in_dim3A_498 = arith.constant 16 : i32
      %broadcast_in_dim3A_499 = vector.broadcast %broadcast_in_dim3A_498 : i32 to vector<16xi32>
      %gather3A_500 = tpu.vector_load_idx %arg8[%add3A_356, %broadcast_in_dim3A_499] : memref<512x32xf32, #tpu.memory_space<vmem>>[vector<16xi32>, vector<16xi32>], vector<16xf32>,
      %mul3A_501 = arith.constant 16 : i32
      %mul3A_502 = arith.muli %scan3A_351, %mul3A_501 : i32
      %swap3A_503 = arith.constant 16 : i32
      %swap3A_504 = arith.index_cast %swap3A_503 : i32 to index
      %swap3A_505 = arith.index_cast %mul3A_502 : i32 to index
      %swap3A_506 = tpu.vector_load %arg11[%swap3A_504, %swap3A_505] {strides = array<i32>} : memref<32x512xf32, #tpu.memory_space<vmem>>, vector<16xf32>,
      tpu.vector_store %arg11[%swap3A_504, %swap3A_505], %gather3A_500 {strides = array<i32>} : memref<32x512xf32, #tpu.memory_space<vmem>>, vector<16xf32>,
      %broadcast_in_dim3A_507 = arith.constant 17 : i32
      %broadcast_in_dim3A_508 = vector.broadcast %broadcast_in_dim3A_507 : i32 to vector<16xi32>
      %gather3A_509 = tpu.vector_load_idx %arg8[%add3A_356, %broadcast_in_dim3A_508] : memref<512x32xf32, #tpu.memory_space<vmem>>[vector<16xi32>, vector<16xi32>], vector<16xf32>,
      %mul3A_510 = arith.constant 16 : i32
      %mul3A_511 = arith.muli %scan3A_351, %mul3A_510 : i32
      %swap3A_512 = arith.constant 17 : i32
      %swap3A_513 = arith.index_cast %swap3A_512 : i32 to index
      %swap3A_514 = arith.index_cast %mul3A_511 : i32 to index
      %swap3A_515 = tpu.vector_load %arg11[%swap3A_513, %swap3A_514] {strides = array<i32>} : memref<32x512xf32, #tpu.memory_space<vmem>>, vector<16xf32>,
      tpu.vector_store %arg11[%swap3A_513, %swap3A_514], %gather3A_509 {strides = array<i32>} : memref<32x512xf32, #tpu.memory_space<vmem>>, vector<16xf32>,
      %broadcast_in_dim3A_516 = arith.constant 18 : i32
      %broadcast_in_dim3A_517 = vector.broadcast %broadcast_in_dim3A_516 : i32 to vector<16xi32>
      %gather3A_518 = tpu.vector_load_idx %arg8[%add3A_356, %broadcast_in_dim3A_517] : memref<512x32xf32, #tpu.memory_space<vmem>>[vector<16xi32>, vector<16xi32>], vector<16xf32>,
      %mul3A_519 = arith.constant 16 : i32
      %mul3A_520 = arith.muli %scan3A_351, %mul3A_519 : i32
      %swap3A_521 = arith.constant 18 : i32
      %swap3A_522 = arith.index_cast %swap3A_521 : i32 to index
      %swap3A_523 = arith.index_cast %mul3A_520 : i32 to index
      %swap3A_524 = tpu.vector_load %arg11[%swap3A_522, %swap3A_523] {strides = array<i32>} : memref<32x512xf32, #tpu.memory_space<vmem>>, vector<16xf32>,
      tpu.vector_store %arg11[%swap3A_522, %swap3A_523], %gather3A_518 {strides = array<i32>} : memref<32x512xf32, #tpu.memory_space<vmem>>, vector<16xf32>,
      %broadcast_in_dim3A_525 = arith.constant 19 : i32
      %broadcast_in_dim3A_526 = vector.broadcast %broadcast_in_dim3A_525 : i32 to vector<16xi32>
      %gather3A_527 = tpu.vector_load_idx %arg8[%add3A_356, %broadcast_in_dim3A_526] : memref<512x32xf32, #tpu.memory_space<vmem>>[vector<16xi32>, vector<16xi32>], vector<16xf32>,
      %mul3A_528 = arith.constant 16 : i32
      %mul3A_529 = arith.muli %scan3A_351, %mul3A_528 : i32
      %swap3A_530 = arith.constant 19 : i32
      %swap3A_531 = arith.index_cast %swap3A_530 : i32 to index
      %swap3A_532 = arith.index_cast %mul3A_529 : i32 to index
      %swap3A_533 = tpu.vector_load %arg11[%swap3A_531, %swap3A_532] {strides = array<i32>} : memref<32x512xf32, #tpu.memory_space<vmem>>, vector<16xf32>,
      tpu.vector_store %arg11[%swap3A_531, %swap3A_532], %gather3A_527 {strides = array<i32>} : memref<32x512xf32, #tpu.memory_space<vmem>>, vector<16xf32>,
      %broadcast_in_dim3A_534 = arith.constant 20 : i32
      %broadcast_in_dim3A_535 = vector.broadcast %broadcast_in_dim3A_534 : i32 to vector<16xi32>
      %gather3A_536 = tpu.vector_load_idx %arg8[%add3A_356, %broadcast_in_dim3A_535] : memref<512x32xf32, #tpu.memory_space<vmem>>[vector<16xi32>, vector<16xi32>], vector<16xf32>,
      %mul3A_537 = arith.constant 16 : i32
      %mul3A_538 = arith.muli %scan3A_351, %mul3A_537 : i32
      %swap3A_539 = arith.constant 20 : i32
      %swap3A_540 = arith.index_cast %swap3A_539 : i32 to index
      %swap3A_541 = arith.index_cast %mul3A_538 : i32 to index
      %swap3A_542 = tpu.vector_load %arg11[%swap3A_540, %swap3A_541] {strides = array<i32>} : memref<32x512xf32, #tpu.memory_space<vmem>>, vector<16xf32>,
      tpu.vector_store %arg11[%swap3A_540, %swap3A_541], %gather3A_536 {strides = array<i32>} : memref<32x512xf32, #tpu.memory_space<vmem>>, vector<16xf32>,
      %broadcast_in_dim3A_543 = arith.constant 21 : i32
      %broadcast_in_dim3A_544 = vector.broadcast %broadcast_in_dim3A_543 : i32 to vector<16xi32>
      %gather3A_545 = tpu.vector_load_idx %arg8[%add3A_356, %broadcast_in_dim3A_544] : memref<512x32xf32, #tpu.memory_space<vmem>>[vector<16xi32>, vector<16xi32>], vector<16xf32>,
      %mul3A_546 = arith.constant 16 : i32
      %mul3A_547 = arith.muli %scan3A_351, %mul3A_546 : i32
      %swap3A_548 = arith.constant 21 : i32
      %swap3A_549 = arith.index_cast %swap3A_548 : i32 to index
      %swap3A_550 = arith.index_cast %mul3A_547 : i32 to index
      %swap3A_551 = tpu.vector_load %arg11[%swap3A_549, %swap3A_550] {strides = array<i32>} : memref<32x512xf32, #tpu.memory_space<vmem>>, vector<16xf32>,
      tpu.vector_store %arg11[%swap3A_549, %swap3A_550], %gather3A_545 {strides = array<i32>} : memref<32x512xf32, #tpu.memory_space<vmem>>, vector<16xf32>,
      %broadcast_in_dim3A_552 = arith.constant 22 : i32
      %broadcast_in_dim3A_553 = vector.broadcast %broadcast_in_dim3A_552 : i32 to vector<16xi32>
      %gather3A_554 = tpu.vector_load_idx %arg8[%add3A_356, %broadcast_in_dim3A_553] : memref<512x32xf32, #tpu.memory_space<vmem>>[vector<16xi32>, vector<16xi32>], vector<16xf32>,
      %mul3A_555 = arith.constant 16 : i32
      %mul3A_556 = arith.muli %scan3A_351, %mul3A_555 : i32
      %swap3A_557 = arith.constant 22 : i32
      %swap3A_558 = arith.index_cast %swap3A_557 : i32 to index
      %swap3A_559 = arith.index_cast %mul3A_556 : i32 to index
      %swap3A_560 = tpu.vector_load %arg11[%swap3A_558, %swap3A_559] {strides = array<i32>} : memref<32x512xf32, #tpu.memory_space<vmem>>, vector<16xf32>,
      tpu.vector_store %arg11[%swap3A_558, %swap3A_559], %gather3A_554 {strides = array<i32>} : memref<32x512xf32, #tpu.memory_space<vmem>>, vector<16xf32>,
      %broadcast_in_dim3A_561 = arith.constant 23 : i32
      %broadcast_in_dim3A_562 = vector.broadcast %broadcast_in_dim3A_561 : i32 to vector<16xi32>
      %gather3A_563 = tpu.vector_load_idx %arg8[%add3A_356, %broadcast_in_dim3A_562] : memref<512x32xf32, #tpu.memory_space<vmem>>[vector<16xi32>, vector<16xi32>], vector<16xf32>,
      %mul3A_564 = arith.constant 16 : i32
      %mul3A_565 = arith.muli %scan3A_351, %mul3A_564 : i32
      %swap3A_566 = arith.constant 23 : i32
      %swap3A_567 = arith.index_cast %swap3A_566 : i32 to index
      %swap3A_568 = arith.index_cast %mul3A_565 : i32 to index
      %swap3A_569 = tpu.vector_load %arg11[%swap3A_567, %swap3A_568] {strides = array<i32>} : memref<32x512xf32, #tpu.memory_space<vmem>>, vector<16xf32>,
      tpu.vector_store %arg11[%swap3A_567, %swap3A_568], %gather3A_563 {strides = array<i32>} : memref<32x512xf32, #tpu.memory_space<vmem>>, vector<16xf32>,
      %broadcast_in_dim3A_570 = arith.constant 24 : i32
      %broadcast_in_dim3A_571 = vector.broadcast %broadcast_in_dim3A_570 : i32 to vector<16xi32>
      %gather3A_572 = tpu.vector_load_idx %arg8[%add3A_356, %broadcast_in_dim3A_571] : memref<512x32xf32, #tpu.memory_space<vmem>>[vector<16xi32>, vector<16xi32>], vector<16xf32>,
      %mul3A_573 = arith.constant 16 : i32
      %mul3A_574 = arith.muli %scan3A_351, %mul3A_573 : i32
      %swap3A_575 = arith.constant 24 : i32
      %swap3A_576 = arith.index_cast %swap3A_575 : i32 to index
      %swap3A_577 = arith.index_cast %mul3A_574 : i32 to index
      %swap3A_578 = tpu.vector_load %arg11[%swap3A_576, %swap3A_577] {strides = array<i32>} : memref<32x512xf32, #tpu.memory_space<vmem>>, vector<16xf32>,
      tpu.vector_store %arg11[%swap3A_576, %swap3A_577], %gather3A_572 {strides = array<i32>} : memref<32x512xf32, #tpu.memory_space<vmem>>, vector<16xf32>,
      %broadcast_in_dim3A_579 = arith.constant 25 : i32
      %broadcast_in_dim3A_580 = vector.broadcast %broadcast_in_dim3A_579 : i32 to vector<16xi32>
      %gather3A_581 = tpu.vector_load_idx %arg8[%add3A_356, %broadcast_in_dim3A_580] : memref<512x32xf32, #tpu.memory_space<vmem>>[vector<16xi32>, vector<16xi32>], vector<16xf32>,
      %mul3A_582 = arith.constant 16 : i32
      %mul3A_583 = arith.muli %scan3A_351, %mul3A_582 : i32
      %swap3A_584 = arith.constant 25 : i32
      %swap3A_585 = arith.index_cast %swap3A_584 : i32 to index
      %swap3A_586 = arith.index_cast %mul3A_583 : i32 to index
      %swap3A_587 = tpu.vector_load %arg11[%swap3A_585, %swap3A_586] {strides = array<i32>} : memref<32x512xf32, #tpu.memory_space<vmem>>, vector<16xf32>,
      tpu.vector_store %arg11[%swap3A_585, %swap3A_586], %gather3A_581 {strides = array<i32>} : memref<32x512xf32, #tpu.memory_space<vmem>>, vector<16xf32>,
      %broadcast_in_dim3A_588 = arith.constant 26 : i32
      %broadcast_in_dim3A_589 = vector.broadcast %broadcast_in_dim3A_588 : i32 to vector<16xi32>
      %gather3A_590 = tpu.vector_load_idx %arg8[%add3A_356, %broadcast_in_dim3A_589] : memref<512x32xf32, #tpu.memory_space<vmem>>[vector<16xi32>, vector<16xi32>], vector<16xf32>,
      %mul3A_591 = arith.constant 16 : i32
      %mul3A_592 = arith.muli %scan3A_351, %mul3A_591 : i32
      %swap3A_593 = arith.constant 26 : i32
      %swap3A_594 = arith.index_cast %swap3A_593 : i32 to index
      %swap3A_595 = arith.index_cast %mul3A_592 : i32 to index
      %swap3A_596 = tpu.vector_load %arg11[%swap3A_594, %swap3A_595] {strides = array<i32>} : memref<32x512xf32, #tpu.memory_space<vmem>>, vector<16xf32>,
      tpu.vector_store %arg11[%swap3A_594, %swap3A_595], %gather3A_590 {strides = array<i32>} : memref<32x512xf32, #tpu.memory_space<vmem>>, vector<16xf32>,
      %broadcast_in_dim3A_597 = arith.constant 27 : i32
      %broadcast_in_dim3A_598 = vector.broadcast %broadcast_in_dim3A_597 : i32 to vector<16xi32>
      %gather3A_599 = tpu.vector_load_idx %arg8[%add3A_356, %broadcast_in_dim3A_598] : memref<512x32xf32, #tpu.memory_space<vmem>>[vector<16xi32>, vector<16xi32>], vector<16xf32>,
      %mul3A_600 = arith.constant 16 : i32
      %mul3A_601 = arith.muli %scan3A_351, %mul3A_600 : i32
      %swap3A_602 = arith.constant 27 : i32
      %swap3A_603 = arith.index_cast %swap3A_602 : i32 to index
      %swap3A_604 = arith.index_cast %mul3A_601 : i32 to index
      %swap3A_605 = tpu.vector_load %arg11[%swap3A_603, %swap3A_604] {strides = array<i32>} : memref<32x512xf32, #tpu.memory_space<vmem>>, vector<16xf32>,
      tpu.vector_store %arg11[%swap3A_603, %swap3A_604], %gather3A_599 {strides = array<i32>} : memref<32x512xf32, #tpu.memory_space<vmem>>, vector<16xf32>,
      %broadcast_in_dim3A_606 = arith.constant 28 : i32
      %broadcast_in_dim3A_607 = vector.broadcast %broadcast_in_dim3A_606 : i32 to vector<16xi32>
      %gather3A_608 = tpu.vector_load_idx %arg8[%add3A_356, %broadcast_in_dim3A_607] : memref<512x32xf32, #tpu.memory_space<vmem>>[vector<16xi32>, vector<16xi32>], vector<16xf32>,
      %mul3A_609 = arith.constant 16 : i32
      %mul3A_610 = arith.muli %scan3A_351, %mul3A_609 : i32
      %swap3A_611 = arith.constant 28 : i32
      %swap3A_612 = arith.index_cast %swap3A_611 : i32 to index
      %swap3A_613 = arith.index_cast %mul3A_610 : i32 to index
      %swap3A_614 = tpu.vector_load %arg11[%swap3A_612, %swap3A_613] {strides = array<i32>} : memref<32x512xf32, #tpu.memory_space<vmem>>, vector<16xf32>,
      tpu.vector_store %arg11[%swap3A_612, %swap3A_613], %gather3A_608 {strides = array<i32>} : memref<32x512xf32, #tpu.memory_space<vmem>>, vector<16xf32>,
      %broadcast_in_dim3A_615 = arith.constant 29 : i32
      %broadcast_in_dim3A_616 = vector.broadcast %broadcast_in_dim3A_615 : i32 to vector<16xi32>
      %gather3A_617 = tpu.vector_load_idx %arg8[%add3A_356, %broadcast_in_dim3A_616] : memref<512x32xf32, #tpu.memory_space<vmem>>[vector<16xi32>, vector<16xi32>], vector<16xf32>,
      %mul3A_618 = arith.constant 16 : i32
      %mul3A_619 = arith.muli %scan3A_351, %mul3A_618 : i32
      %swap3A_620 = arith.constant 29 : i32
      %swap3A_621 = arith.index_cast %swap3A_620 : i32 to index
      %swap3A_622 = arith.index_cast %mul3A_619 : i32 to index
      %swap3A_623 = tpu.vector_load %arg11[%swap3A_621, %swap3A_622] {strides = array<i32>} : memref<32x512xf32, #tpu.memory_space<vmem>>, vector<16xf32>,
      tpu.vector_store %arg11[%swap3A_621, %swap3A_622], %gather3A_617 {strides = array<i32>} : memref<32x512xf32, #tpu.memory_space<vmem>>, vector<16xf32>,
      %broadcast_in_dim3A_624 = arith.constant 30 : i32
      %broadcast_in_dim3A_625 = vector.broadcast %broadcast_in_dim3A_624 : i32 to vector<16xi32>
      %gather3A_626 = tpu.vector_load_idx %arg8[%add3A_356, %broadcast_in_dim3A_625] : memref<512x32xf32, #tpu.memory_space<vmem>>[vector<16xi32>, vector<16xi32>], vector<16xf32>,
      %mul3A_627 = arith.constant 16 : i32
      %mul3A_628 = arith.muli %scan3A_351, %mul3A_627 : i32
      %swap3A_629 = arith.constant 30 : i32
      %swap3A_630 = arith.index_cast %swap3A_629 : i32 to index
      %swap3A_631 = arith.index_cast %mul3A_628 : i32 to index
      %swap3A_632 = tpu.vector_load %arg11[%swap3A_630, %swap3A_631] {strides = array<i32>} : memref<32x512xf32, #tpu.memory_space<vmem>>, vector<16xf32>,
      tpu.vector_store %arg11[%swap3A_630, %swap3A_631], %gather3A_626 {strides = array<i32>} : memref<32x512xf32, #tpu.memory_space<vmem>>, vector<16xf32>,
      %broadcast_in_dim3A_633 = arith.constant 31 : i32
      %broadcast_in_dim3A_634 = vector.broadcast %broadcast_in_dim3A_633 : i32 to vector<16xi32>
      %gather3A_635 = tpu.vector_load_idx %arg8[%add3A_356, %broadcast_in_dim3A_634] : memref<512x32xf32, #tpu.memory_space<vmem>>[vector<16xi32>, vector<16xi32>], vector<16xf32>,
      %mul3A_636 = arith.constant 16 : i32
      %mul3A_637 = arith.muli %scan3A_351, %mul3A_636 : i32
      %swap3A_638 = arith.constant 31 : i32
      %swap3A_639 = arith.index_cast %swap3A_638 : i32 to index
      %swap3A_640 = arith.index_cast %mul3A_637 : i32 to index
      %swap3A_641 = tpu.vector_load %arg11[%swap3A_639, %swap3A_640] {strides = array<i32>} : memref<32x512xf32, #tpu.memory_space<vmem>>, vector<16xf32>,
      tpu.vector_store %arg11[%swap3A_639, %swap3A_640], %gather3A_635 {strides = array<i32>} : memref<32x512xf32, #tpu.memory_space<vmem>>, vector<16xf32>,
      %scan3A_642 = arith.constant 0 : i32
      scf.yield %scan3A_642 : i32
    }
    %scan3A_198 = arith.constant 32 : i32
    %add3A_199 = arith.constant 48 : i32
    %add3A_200 = arith.addi %mul3A_2, %add3A_199 : i32
    %jit3A_201 = arith.constant 32 : i32
    %div3A_202 = arith.divsi %add3A_200, %jit3A_201 : i32
    %sign3A_203 = arith.constant 0 : i32
    %sign3A_204 = arith.cmpi sgt, %add3A_200, %sign3A_203 : i32
    %sign3A_205 = arith.extui %sign3A_204 : i1 to i32
    %sign3A_206 = arith.constant 0 : i32
    %sign3A_207 = arith.cmpi slt, %add3A_200, %sign3A_206 : i32
    %sign3A_208 = arith.extui %sign3A_207 : i1 to i32
    %sign3A_209 = arith.subi %sign3A_205, %sign3A_208 : i32
    %sign3A_210 = arith.constant 0 : i32
    %sign3A_211 = arith.cmpi sgt, %jit3A_201, %sign3A_210 : i32
    %sign3A_212 = arith.extui %sign3A_211 : i1 to i32
    %sign3A_213 = arith.constant 0 : i32
    %sign3A_214 = arith.cmpi slt, %jit3A_201, %sign3A_213 : i32
    %sign3A_215 = arith.extui %sign3A_214 : i1 to i32
    %sign3A_216 = arith.subi %sign3A_212, %sign3A_215 : i32
    %ne3A_217 = arith.cmpi ne, %sign3A_209, %sign3A_216 : i32
    %rem3A_218 = arith.remsi %add3A_200, %jit3A_201 : i32
    %ne3A_219 = arith.constant 0 : i32
    %ne3A_220 = arith.cmpi ne, %rem3A_218, %ne3A_219 : i32
    %and3A_221 = arith.andi %ne3A_217, %ne3A_220 : i1
    %sub3A_222 = arith.constant 1 : i32
    %sub3A_223 = arith.subi %div3A_202, %sub3A_222 : i32
    %select_n3A_224 = arith.select %and3A_221, %sub3A_223, %div3A_202 : i32
    %jit3A_225 = arith.constant 32 : i32
    %eq3A_226 = arith.constant 0 : i32
    %eq3A_227 = arith.cmpi eq, %jit3A_225, %eq3A_226 : i32
    %jit3A_228 = arith.constant 1 : i32
    %select_n3A_229 = arith.select %eq3A_227, %jit3A_228, %jit3A_225 : i32
    %rem3A_230 = arith.remsi %add3A_200, %select_n3A_229 : i32
    %ne3A_231 = arith.constant 0 : i32
    %ne3A_232 = arith.cmpi ne, %rem3A_230, %ne3A_231 : i32
    %lt3A_233 = arith.constant 0 : i32
    %lt3A_234 = arith.cmpi slt, %rem3A_230, %lt3A_233 : i32
    %lt3A_235 = arith.constant 0 : i32
    %lt3A_236 = arith.cmpi slt, %select_n3A_229, %lt3A_235 : i32
    %ne3A_237 = arith.xori %lt3A_234, %lt3A_236 : i1
    %and3A_238 = arith.andi %ne3A_237, %ne3A_232 : i1
    %add3A_239 = arith.addi %rem3A_230, %select_n3A_229 : i32
    %select_n3A_240 = arith.select %and3A_238, %add3A_239, %rem3A_230 : i32
    %mul3A_241 = arith.constant 512 : i32
    %mul3A_242 = arith.muli %select_n3A_240, %mul3A_241 : i32
    %multiple_of3A_243 = tpu.assume_multiple %mul3A_242, 512 : i32
    %dma_start3A_244 = arith.constant 0 : i32
    %dma_start3A_245 = tpu.memref_slice %arg4[%select_n3A_224, %dma_start3A_244, %multiple_of3A_243] : memref<50x32x16384xf32, #tpu.memory_space<hbm>> -> memref<1x32x512xf32, #tpu.memory_space<hbm>>
    %dma_start3A_246 = tpu.memref_squeeze %dma_start3A_245 : memref<1x32x512xf32, #tpu.memory_space<hbm>> -> memref<32x512xf32, #tpu.memory_space<hbm>>
    %dma_start3A_247 = arith.constant 0 : i32
    %dma_start3A_248 = tpu.memref_slice %arg4[%select_n3A_224, %dma_start3A_247, %multiple_of3A_243] : memref<50x32x16384xf32, #tpu.memory_space<hbm>> -> memref<1x32x512xf32, #tpu.memory_space<hbm>>
    %dma_start3A_249 = tpu.memref_squeeze %dma_start3A_248 : memref<1x32x512xf32, #tpu.memory_space<hbm>> -> memref<32x512xf32, #tpu.memory_space<hbm>>
    tpu.enqueue_dma source(%arg11 : memref<32x512xf32, #tpu.memory_space<vmem>>) target(%dma_start3A_249 : memref<32x512xf32, #tpu.memory_space<hbm>>) target_semaphore(%arg17 : memref<!tpu.dma_semaphore, #tpu.memory_space<semaphore_mem>>)
    %dma_wait3A_250 = arith.constant 0 : i32
    %dma_wait3A_251 = arith.constant 0 : i32
    %dma_wait3A_252 = tpu.memref_slice %arg6[%dma_wait3A_250, %dma_wait3A_251] : memref<1x512xi32, #tpu.memory_space<vmem>> -> memref<1x512xi32, #tpu.memory_space<vmem>>
    %dma_wait3A_253 = tpu.memref_squeeze %dma_wait3A_252 : memref<1x512xi32, #tpu.memory_space<vmem>> -> memref<512xi32, #tpu.memory_space<vmem>>
    %dma_wait3A_254 = arith.constant 0 : i32
    %dma_wait3A_255 = arith.constant 0 : i32
    %dma_wait3A_256 = tpu.memref_slice %arg3[%dma_wait3A_254, %dma_wait3A_255] : memref<1000000x32xf32, #tpu.memory_space<hbm>> -> memref<1000000x32xf32, #tpu.memory_space<hbm>>
    tpu.wait_indirect_dma semaphore(%arg15 : memref<!tpu.dma_semaphore, #tpu.memory_space<semaphore_mem>>) src(%dma_wait3A_256 : memref<1000000x32xf32, #tpu.memory_space<hbm>>) dst(%arg9 : memref<512x32xf32, #tpu.memory_space<vmem>>)
    %dma_wait3A_257 = arith.constant 0 : i32
    %dma_wait3A_258 = arith.constant 0 : i32
    %dma_wait3A_259 = arith.constant 0 : i32
    %dma_wait3A_260 = tpu.memref_slice %arg4[%dma_wait3A_257, %dma_wait3A_258, %dma_wait3A_259] : memref<50x32x16384xf32, #tpu.memory_space<hbm>> -> memref<1x32x512xf32, #tpu.memory_space<hbm>>
    %dma_wait3A_261 = tpu.memref_squeeze %dma_wait3A_260 : memref<1x32x512xf32, #tpu.memory_space<hbm>> -> memref<32x512xf32, #tpu.memory_space<hbm>>
    %dma_wait3A_262 = arith.constant 0 : i32
    %dma_wait3A_263 = arith.constant 0 : i32
    %dma_wait3A_264 = tpu.memref_slice %arg4[%dma_wait3A_257, %dma_wait3A_262, %dma_wait3A_263] : memref<50x32x16384xf32, #tpu.memory_space<hbm>> -> memref<1x32x512xf32, #tpu.memory_space<hbm>>
    %dma_wait3A_265 = tpu.memref_squeeze %dma_wait3A_264 : memref<1x32x512xf32, #tpu.memory_space<hbm>> -> memref<32x512xf32, #tpu.memory_space<hbm>>
    tpu.wait_dma2 semaphore(%arg18 : memref<!tpu.dma_semaphore, #tpu.memory_space<semaphore_mem>>) src(%arg12 : memref<32x512xf32, #tpu.memory_space<vmem>>) dst(%dma_wait3A_265 : memref<32x512xf32, #tpu.memory_space<hbm>>)
    %scan3A_266 = arith.constant 0 : i32
    %scan3A_267 = arith.constant 0 : i32
    %scan3A_268 = arith.constant 32 : i32
    %scan3A_269 = arith.addi %scan3A_267, %scan3A_268 : i32
    %scan3A_270 = arith.constant 1 : i32
    %scan3A_271 = scf.for %scan3A_351 = %scan3A_267 to %scan3A_269 step %scan3A_270 iter_args(%scan3A_352 = %scan3A_266) -> (i32)  : i32 {
      %mul3A_353 = arith.constant 16 : i32
      %mul3A_354 = arith.muli %scan3A_351, %mul3A_353 : i32
      %add3A_355 = vector.broadcast %mul3A_354 : i32 to vector<16xi32>
      %add3A_356 = arith.addi %add3A_355, %iota3A : vector<16xi32>
      %broadcast_in_dim3A = arith.constant 0 : i32
      %broadcast_in_dim3A_357 = vector.broadcast %broadcast_in_dim3A : i32 to vector<16xi32>
      %gather3A = tpu.vector_load_idx %arg9[%add3A_356, %broadcast_in_dim3A_357] : memref<512x32xf32, #tpu.memory_space<vmem>>[vector<16xi32>, vector<16xi32>], vector<16xf32>,
      %mul3A_358 = arith.constant 16 : i32
      %mul3A_359 = arith.muli %scan3A_351, %mul3A_358 : i32
      %swap3A = arith.constant 0 : i32
      %swap3A_360 = arith.index_cast %swap3A : i32 to index
      %swap3A_361 = arith.index_cast %mul3A_359 : i32 to index
      %swap3A_362 = tpu.vector_load %arg12[%swap3A_360, %swap3A_361] {strides = array<i32>} : memref<32x512xf32, #tpu.memory_space<vmem>>, vector<16xf32>,
      tpu.vector_store %arg12[%swap3A_360, %swap3A_361], %gather3A {strides = array<i32>} : memref<32x512xf32, #tpu.memory_space<vmem>>, vector<16xf32>,
      %broadcast_in_dim3A_363 = arith.constant 1 : i32
      %broadcast_in_dim3A_364 = vector.broadcast %broadcast_in_dim3A_363 : i32 to vector<16xi32>
      %gather3A_365 = tpu.vector_load_idx %arg9[%add3A_356, %broadcast_in_dim3A_364] : memref<512x32xf32, #tpu.memory_space<vmem>>[vector<16xi32>, vector<16xi32>], vector<16xf32>,
      %mul3A_366 = arith.constant 16 : i32
      %mul3A_367 = arith.muli %scan3A_351, %mul3A_366 : i32
      %swap3A_368 = arith.constant 1 : i32
      %swap3A_369 = arith.index_cast %swap3A_368 : i32 to index
      %swap3A_370 = arith.index_cast %mul3A_367 : i32 to index
      %swap3A_371 = tpu.vector_load %arg12[%swap3A_369, %swap3A_370] {strides = array<i32>} : memref<32x512xf32, #tpu.memory_space<vmem>>, vector<16xf32>,
      tpu.vector_store %arg12[%swap3A_369, %swap3A_370], %gather3A_365 {strides = array<i32>} : memref<32x512xf32, #tpu.memory_space<vmem>>, vector<16xf32>,
      %broadcast_in_dim3A_372 = arith.constant 2 : i32
      %broadcast_in_dim3A_373 = vector.broadcast %broadcast_in_dim3A_372 : i32 to vector<16xi32>
      %gather3A_374 = tpu.vector_load_idx %arg9[%add3A_356, %broadcast_in_dim3A_373] : memref<512x32xf32, #tpu.memory_space<vmem>>[vector<16xi32>, vector<16xi32>], vector<16xf32>,
      %mul3A_375 = arith.constant 16 : i32
      %mul3A_376 = arith.muli %scan3A_351, %mul3A_375 : i32
      %swap3A_377 = arith.constant 2 : i32
      %swap3A_378 = arith.index_cast %swap3A_377 : i32 to index
      %swap3A_379 = arith.index_cast %mul3A_376 : i32 to index
      %swap3A_380 = tpu.vector_load %arg12[%swap3A_378, %swap3A_379] {strides = array<i32>} : memref<32x512xf32, #tpu.memory_space<vmem>>, vector<16xf32>,
      tpu.vector_store %arg12[%swap3A_378, %swap3A_379], %gather3A_374 {strides = array<i32>} : memref<32x512xf32, #tpu.memory_space<vmem>>, vector<16xf32>,
      %broadcast_in_dim3A_381 = arith.constant 3 : i32
      %broadcast_in_dim3A_382 = vector.broadcast %broadcast_in_dim3A_381 : i32 to vector<16xi32>
      %gather3A_383 = tpu.vector_load_idx %arg9[%add3A_356, %broadcast_in_dim3A_382] : memref<512x32xf32, #tpu.memory_space<vmem>>[vector<16xi32>, vector<16xi32>], vector<16xf32>,
      %mul3A_384 = arith.constant 16 : i32
      %mul3A_385 = arith.muli %scan3A_351, %mul3A_384 : i32
      %swap3A_386 = arith.constant 3 : i32
      %swap3A_387 = arith.index_cast %swap3A_386 : i32 to index
      %swap3A_388 = arith.index_cast %mul3A_385 : i32 to index
      %swap3A_389 = tpu.vector_load %arg12[%swap3A_387, %swap3A_388] {strides = array<i32>} : memref<32x512xf32, #tpu.memory_space<vmem>>, vector<16xf32>,
      tpu.vector_store %arg12[%swap3A_387, %swap3A_388], %gather3A_383 {strides = array<i32>} : memref<32x512xf32, #tpu.memory_space<vmem>>, vector<16xf32>,
      %broadcast_in_dim3A_390 = arith.constant 4 : i32
      %broadcast_in_dim3A_391 = vector.broadcast %broadcast_in_dim3A_390 : i32 to vector<16xi32>
      %gather3A_392 = tpu.vector_load_idx %arg9[%add3A_356, %broadcast_in_dim3A_391] : memref<512x32xf32, #tpu.memory_space<vmem>>[vector<16xi32>, vector<16xi32>], vector<16xf32>,
      %mul3A_393 = arith.constant 16 : i32
      %mul3A_394 = arith.muli %scan3A_351, %mul3A_393 : i32
      %swap3A_395 = arith.constant 4 : i32
      %swap3A_396 = arith.index_cast %swap3A_395 : i32 to index
      %swap3A_397 = arith.index_cast %mul3A_394 : i32 to index
      %swap3A_398 = tpu.vector_load %arg12[%swap3A_396, %swap3A_397] {strides = array<i32>} : memref<32x512xf32, #tpu.memory_space<vmem>>, vector<16xf32>,
      tpu.vector_store %arg12[%swap3A_396, %swap3A_397], %gather3A_392 {strides = array<i32>} : memref<32x512xf32, #tpu.memory_space<vmem>>, vector<16xf32>,
      %broadcast_in_dim3A_399 = arith.constant 5 : i32
      %broadcast_in_dim3A_400 = vector.broadcast %broadcast_in_dim3A_399 : i32 to vector<16xi32>
      %gather3A_401 = tpu.vector_load_idx %arg9[%add3A_356, %broadcast_in_dim3A_400] : memref<512x32xf32, #tpu.memory_space<vmem>>[vector<16xi32>, vector<16xi32>], vector<16xf32>,
      %mul3A_402 = arith.constant 16 : i32
      %mul3A_403 = arith.muli %scan3A_351, %mul3A_402 : i32
      %swap3A_404 = arith.constant 5 : i32
      %swap3A_405 = arith.index_cast %swap3A_404 : i32 to index
      %swap3A_406 = arith.index_cast %mul3A_403 : i32 to index
      %swap3A_407 = tpu.vector_load %arg12[%swap3A_405, %swap3A_406] {strides = array<i32>} : memref<32x512xf32, #tpu.memory_space<vmem>>, vector<16xf32>,
      tpu.vector_store %arg12[%swap3A_405, %swap3A_406], %gather3A_401 {strides = array<i32>} : memref<32x512xf32, #tpu.memory_space<vmem>>, vector<16xf32>,
      %broadcast_in_dim3A_408 = arith.constant 6 : i32
      %broadcast_in_dim3A_409 = vector.broadcast %broadcast_in_dim3A_408 : i32 to vector<16xi32>
      %gather3A_410 = tpu.vector_load_idx %arg9[%add3A_356, %broadcast_in_dim3A_409] : memref<512x32xf32, #tpu.memory_space<vmem>>[vector<16xi32>, vector<16xi32>], vector<16xf32>,
      %mul3A_411 = arith.constant 16 : i32
      %mul3A_412 = arith.muli %scan3A_351, %mul3A_411 : i32
      %swap3A_413 = arith.constant 6 : i32
      %swap3A_414 = arith.index_cast %swap3A_413 : i32 to index
      %swap3A_415 = arith.index_cast %mul3A_412 : i32 to index
      %swap3A_416 = tpu.vector_load %arg12[%swap3A_414, %swap3A_415] {strides = array<i32>} : memref<32x512xf32, #tpu.memory_space<vmem>>, vector<16xf32>,
      tpu.vector_store %arg12[%swap3A_414, %swap3A_415], %gather3A_410 {strides = array<i32>} : memref<32x512xf32, #tpu.memory_space<vmem>>, vector<16xf32>,
      %broadcast_in_dim3A_417 = arith.constant 7 : i32
      %broadcast_in_dim3A_418 = vector.broadcast %broadcast_in_dim3A_417 : i32 to vector<16xi32>
      %gather3A_419 = tpu.vector_load_idx %arg9[%add3A_356, %broadcast_in_dim3A_418] : memref<512x32xf32, #tpu.memory_space<vmem>>[vector<16xi32>, vector<16xi32>], vector<16xf32>,
      %mul3A_420 = arith.constant 16 : i32
      %mul3A_421 = arith.muli %scan3A_351, %mul3A_420 : i32
      %swap3A_422 = arith.constant 7 : i32
      %swap3A_423 = arith.index_cast %swap3A_422 : i32 to index
      %swap3A_424 = arith.index_cast %mul3A_421 : i32 to index
      %swap3A_425 = tpu.vector_load %arg12[%swap3A_423, %swap3A_424] {strides = array<i32>} : memref<32x512xf32, #tpu.memory_space<vmem>>, vector<16xf32>,
      tpu.vector_store %arg12[%swap3A_423, %swap3A_424], %gather3A_419 {strides = array<i32>} : memref<32x512xf32, #tpu.memory_space<vmem>>, vector<16xf32>,
      %broadcast_in_dim3A_426 = arith.constant 8 : i32
      %broadcast_in_dim3A_427 = vector.broadcast %broadcast_in_dim3A_426 : i32 to vector<16xi32>
      %gather3A_428 = tpu.vector_load_idx %arg9[%add3A_356, %broadcast_in_dim3A_427] : memref<512x32xf32, #tpu.memory_space<vmem>>[vector<16xi32>, vector<16xi32>], vector<16xf32>,
      %mul3A_429 = arith.constant 16 : i32
      %mul3A_430 = arith.muli %scan3A_351, %mul3A_429 : i32
      %swap3A_431 = arith.constant 8 : i32
      %swap3A_432 = arith.index_cast %swap3A_431 : i32 to index
      %swap3A_433 = arith.index_cast %mul3A_430 : i32 to index
      %swap3A_434 = tpu.vector_load %arg12[%swap3A_432, %swap3A_433] {strides = array<i32>} : memref<32x512xf32, #tpu.memory_space<vmem>>, vector<16xf32>,
      tpu.vector_store %arg12[%swap3A_432, %swap3A_433], %gather3A_428 {strides = array<i32>} : memref<32x512xf32, #tpu.memory_space<vmem>>, vector<16xf32>,
      %broadcast_in_dim3A_435 = arith.constant 9 : i32
      %broadcast_in_dim3A_436 = vector.broadcast %broadcast_in_dim3A_435 : i32 to vector<16xi32>
      %gather3A_437 = tpu.vector_load_idx %arg9[%add3A_356, %broadcast_in_dim3A_436] : memref<512x32xf32, #tpu.memory_space<vmem>>[vector<16xi32>, vector<16xi32>], vector<16xf32>,
      %mul3A_438 = arith.constant 16 : i32
      %mul3A_439 = arith.muli %scan3A_351, %mul3A_438 : i32
      %swap3A_440 = arith.constant 9 : i32
      %swap3A_441 = arith.index_cast %swap3A_440 : i32 to index
      %swap3A_442 = arith.index_cast %mul3A_439 : i32 to index
      %swap3A_443 = tpu.vector_load %arg12[%swap3A_441, %swap3A_442] {strides = array<i32>} : memref<32x512xf32, #tpu.memory_space<vmem>>, vector<16xf32>,
      tpu.vector_store %arg12[%swap3A_441, %swap3A_442], %gather3A_437 {strides = array<i32>} : memref<32x512xf32, #tpu.memory_space<vmem>>, vector<16xf32>,
      %broadcast_in_dim3A_444 = arith.constant 10 : i32
      %broadcast_in_dim3A_445 = vector.broadcast %broadcast_in_dim3A_444 : i32 to vector<16xi32>
      %gather3A_446 = tpu.vector_load_idx %arg9[%add3A_356, %broadcast_in_dim3A_445] : memref<512x32xf32, #tpu.memory_space<vmem>>[vector<16xi32>, vector<16xi32>], vector<16xf32>,
      %mul3A_447 = arith.constant 16 : i32
      %mul3A_448 = arith.muli %scan3A_351, %mul3A_447 : i32
      %swap3A_449 = arith.constant 10 : i32
      %swap3A_450 = arith.index_cast %swap3A_449 : i32 to index
      %swap3A_451 = arith.index_cast %mul3A_448 : i32 to index
      %swap3A_452 = tpu.vector_load %arg12[%swap3A_450, %swap3A_451] {strides = array<i32>} : memref<32x512xf32, #tpu.memory_space<vmem>>, vector<16xf32>,
      tpu.vector_store %arg12[%swap3A_450, %swap3A_451], %gather3A_446 {strides = array<i32>} : memref<32x512xf32, #tpu.memory_space<vmem>>, vector<16xf32>,
      %broadcast_in_dim3A_453 = arith.constant 11 : i32
      %broadcast_in_dim3A_454 = vector.broadcast %broadcast_in_dim3A_453 : i32 to vector<16xi32>
      %gather3A_455 = tpu.vector_load_idx %arg9[%add3A_356, %broadcast_in_dim3A_454] : memref<512x32xf32, #tpu.memory_space<vmem>>[vector<16xi32>, vector<16xi32>], vector<16xf32>,
      %mul3A_456 = arith.constant 16 : i32
      %mul3A_457 = arith.muli %scan3A_351, %mul3A_456 : i32
      %swap3A_458 = arith.constant 11 : i32
      %swap3A_459 = arith.index_cast %swap3A_458 : i32 to index
      %swap3A_460 = arith.index_cast %mul3A_457 : i32 to index
      %swap3A_461 = tpu.vector_load %arg12[%swap3A_459, %swap3A_460] {strides = array<i32>} : memref<32x512xf32, #tpu.memory_space<vmem>>, vector<16xf32>,
      tpu.vector_store %arg12[%swap3A_459, %swap3A_460], %gather3A_455 {strides = array<i32>} : memref<32x512xf32, #tpu.memory_space<vmem>>, vector<16xf32>,
      %broadcast_in_dim3A_462 = arith.constant 12 : i32
      %broadcast_in_dim3A_463 = vector.broadcast %broadcast_in_dim3A_462 : i32 to vector<16xi32>
      %gather3A_464 = tpu.vector_load_idx %arg9[%add3A_356, %broadcast_in_dim3A_463] : memref<512x32xf32, #tpu.memory_space<vmem>>[vector<16xi32>, vector<16xi32>], vector<16xf32>,
      %mul3A_465 = arith.constant 16 : i32
      %mul3A_466 = arith.muli %scan3A_351, %mul3A_465 : i32
      %swap3A_467 = arith.constant 12 : i32
      %swap3A_468 = arith.index_cast %swap3A_467 : i32 to index
      %swap3A_469 = arith.index_cast %mul3A_466 : i32 to index
      %swap3A_470 = tpu.vector_load %arg12[%swap3A_468, %swap3A_469] {strides = array<i32>} : memref<32x512xf32, #tpu.memory_space<vmem>>, vector<16xf32>,
      tpu.vector_store %arg12[%swap3A_468, %swap3A_469], %gather3A_464 {strides = array<i32>} : memref<32x512xf32, #tpu.memory_space<vmem>>, vector<16xf32>,
      %broadcast_in_dim3A_471 = arith.constant 13 : i32
      %broadcast_in_dim3A_472 = vector.broadcast %broadcast_in_dim3A_471 : i32 to vector<16xi32>
      %gather3A_473 = tpu.vector_load_idx %arg9[%add3A_356, %broadcast_in_dim3A_472] : memref<512x32xf32, #tpu.memory_space<vmem>>[vector<16xi32>, vector<16xi32>], vector<16xf32>,
      %mul3A_474 = arith.constant 16 : i32
      %mul3A_475 = arith.muli %scan3A_351, %mul3A_474 : i32
      %swap3A_476 = arith.constant 13 : i32
      %swap3A_477 = arith.index_cast %swap3A_476 : i32 to index
      %swap3A_478 = arith.index_cast %mul3A_475 : i32 to index
      %swap3A_479 = tpu.vector_load %arg12[%swap3A_477, %swap3A_478] {strides = array<i32>} : memref<32x512xf32, #tpu.memory_space<vmem>>, vector<16xf32>,
      tpu.vector_store %arg12[%swap3A_477, %swap3A_478], %gather3A_473 {strides = array<i32>} : memref<32x512xf32, #tpu.memory_space<vmem>>, vector<16xf32>,
      %broadcast_in_dim3A_480 = arith.constant 14 : i32
      %broadcast_in_dim3A_481 = vector.broadcast %broadcast_in_dim3A_480 : i32 to vector<16xi32>
      %gather3A_482 = tpu.vector_load_idx %arg9[%add3A_356, %broadcast_in_dim3A_481] : memref<512x32xf32, #tpu.memory_space<vmem>>[vector<16xi32>, vector<16xi32>], vector<16xf32>,
      %mul3A_483 = arith.constant 16 : i32
      %mul3A_484 = arith.muli %scan3A_351, %mul3A_483 : i32
      %swap3A_485 = arith.constant 14 : i32
      %swap3A_486 = arith.index_cast %swap3A_485 : i32 to index
      %swap3A_487 = arith.index_cast %mul3A_484 : i32 to index
      %swap3A_488 = tpu.vector_load %arg12[%swap3A_486, %swap3A_487] {strides = array<i32>} : memref<32x512xf32, #tpu.memory_space<vmem>>, vector<16xf32>,
      tpu.vector_store %arg12[%swap3A_486, %swap3A_487], %gather3A_482 {strides = array<i32>} : memref<32x512xf32, #tpu.memory_space<vmem>>, vector<16xf32>,
      %broadcast_in_dim3A_489 = arith.constant 15 : i32
      %broadcast_in_dim3A_490 = vector.broadcast %broadcast_in_dim3A_489 : i32 to vector<16xi32>
      %gather3A_491 = tpu.vector_load_idx %arg9[%add3A_356, %broadcast_in_dim3A_490] : memref<512x32xf32, #tpu.memory_space<vmem>>[vector<16xi32>, vector<16xi32>], vector<16xf32>,
      %mul3A_492 = arith.constant 16 : i32
      %mul3A_493 = arith.muli %scan3A_351, %mul3A_492 : i32
      %swap3A_494 = arith.constant 15 : i32
      %swap3A_495 = arith.index_cast %swap3A_494 : i32 to index
      %swap3A_496 = arith.index_cast %mul3A_493 : i32 to index
      %swap3A_497 = tpu.vector_load %arg12[%swap3A_495, %swap3A_496] {strides = array<i32>} : memref<32x512xf32, #tpu.memory_space<vmem>>, vector<16xf32>,
      tpu.vector_store %arg12[%swap3A_495, %swap3A_496], %gather3A_491 {strides = array<i32>} : memref<32x512xf32, #tpu.memory_space<vmem>>, vector<16xf32>,
      %broadcast_in_dim3A_498 = arith.constant 16 : i32
      %broadcast_in_dim3A_499 = vector.broadcast %broadcast_in_dim3A_498 : i32 to vector<16xi32>
      %gather3A_500 = tpu.vector_load_idx %arg9[%add3A_356, %broadcast_in_dim3A_499] : memref<512x32xf32, #tpu.memory_space<vmem>>[vector<16xi32>, vector<16xi32>], vector<16xf32>,
      %mul3A_501 = arith.constant 16 : i32
      %mul3A_502 = arith.muli %scan3A_351, %mul3A_501 : i32
      %swap3A_503 = arith.constant 16 : i32
      %swap3A_504 = arith.index_cast %swap3A_503 : i32 to index
      %swap3A_505 = arith.index_cast %mul3A_502 : i32 to index
      %swap3A_506 = tpu.vector_load %arg12[%swap3A_504, %swap3A_505] {strides = array<i32>} : memref<32x512xf32, #tpu.memory_space<vmem>>, vector<16xf32>,
      tpu.vector_store %arg12[%swap3A_504, %swap3A_505], %gather3A_500 {strides = array<i32>} : memref<32x512xf32, #tpu.memory_space<vmem>>, vector<16xf32>,
      %broadcast_in_dim3A_507 = arith.constant 17 : i32
      %broadcast_in_dim3A_508 = vector.broadcast %broadcast_in_dim3A_507 : i32 to vector<16xi32>
      %gather3A_509 = tpu.vector_load_idx %arg9[%add3A_356, %broadcast_in_dim3A_508] : memref<512x32xf32, #tpu.memory_space<vmem>>[vector<16xi32>, vector<16xi32>], vector<16xf32>,
      %mul3A_510 = arith.constant 16 : i32
      %mul3A_511 = arith.muli %scan3A_351, %mul3A_510 : i32
      %swap3A_512 = arith.constant 17 : i32
      %swap3A_513 = arith.index_cast %swap3A_512 : i32 to index
      %swap3A_514 = arith.index_cast %mul3A_511 : i32 to index
      %swap3A_515 = tpu.vector_load %arg12[%swap3A_513, %swap3A_514] {strides = array<i32>} : memref<32x512xf32, #tpu.memory_space<vmem>>, vector<16xf32>,
      tpu.vector_store %arg12[%swap3A_513, %swap3A_514], %gather3A_509 {strides = array<i32>} : memref<32x512xf32, #tpu.memory_space<vmem>>, vector<16xf32>,
      %broadcast_in_dim3A_516 = arith.constant 18 : i32
      %broadcast_in_dim3A_517 = vector.broadcast %broadcast_in_dim3A_516 : i32 to vector<16xi32>
      %gather3A_518 = tpu.vector_load_idx %arg9[%add3A_356, %broadcast_in_dim3A_517] : memref<512x32xf32, #tpu.memory_space<vmem>>[vector<16xi32>, vector<16xi32>], vector<16xf32>,
      %mul3A_519 = arith.constant 16 : i32
      %mul3A_520 = arith.muli %scan3A_351, %mul3A_519 : i32
      %swap3A_521 = arith.constant 18 : i32
      %swap3A_522 = arith.index_cast %swap3A_521 : i32 to index
      %swap3A_523 = arith.index_cast %mul3A_520 : i32 to index
      %swap3A_524 = tpu.vector_load %arg12[%swap3A_522, %swap3A_523] {strides = array<i32>} : memref<32x512xf32, #tpu.memory_space<vmem>>, vector<16xf32>,
      tpu.vector_store %arg12[%swap3A_522, %swap3A_523], %gather3A_518 {strides = array<i32>} : memref<32x512xf32, #tpu.memory_space<vmem>>, vector<16xf32>,
      %broadcast_in_dim3A_525 = arith.constant 19 : i32
      %broadcast_in_dim3A_526 = vector.broadcast %broadcast_in_dim3A_525 : i32 to vector<16xi32>
      %gather3A_527 = tpu.vector_load_idx %arg9[%add3A_356, %broadcast_in_dim3A_526] : memref<512x32xf32, #tpu.memory_space<vmem>>[vector<16xi32>, vector<16xi32>], vector<16xf32>,
      %mul3A_528 = arith.constant 16 : i32
      %mul3A_529 = arith.muli %scan3A_351, %mul3A_528 : i32
      %swap3A_530 = arith.constant 19 : i32
      %swap3A_531 = arith.index_cast %swap3A_530 : i32 to index
      %swap3A_532 = arith.index_cast %mul3A_529 : i32 to index
      %swap3A_533 = tpu.vector_load %arg12[%swap3A_531, %swap3A_532] {strides = array<i32>} : memref<32x512xf32, #tpu.memory_space<vmem>>, vector<16xf32>,
      tpu.vector_store %arg12[%swap3A_531, %swap3A_532], %gather3A_527 {strides = array<i32>} : memref<32x512xf32, #tpu.memory_space<vmem>>, vector<16xf32>,
      %broadcast_in_dim3A_534 = arith.constant 20 : i32
      %broadcast_in_dim3A_535 = vector.broadcast %broadcast_in_dim3A_534 : i32 to vector<16xi32>
      %gather3A_536 = tpu.vector_load_idx %arg9[%add3A_356, %broadcast_in_dim3A_535] : memref<512x32xf32, #tpu.memory_space<vmem>>[vector<16xi32>, vector<16xi32>], vector<16xf32>,
      %mul3A_537 = arith.constant 16 : i32
      %mul3A_538 = arith.muli %scan3A_351, %mul3A_537 : i32
      %swap3A_539 = arith.constant 20 : i32
      %swap3A_540 = arith.index_cast %swap3A_539 : i32 to index
      %swap3A_541 = arith.index_cast %mul3A_538 : i32 to index
      %swap3A_542 = tpu.vector_load %arg12[%swap3A_540, %swap3A_541] {strides = array<i32>} : memref<32x512xf32, #tpu.memory_space<vmem>>, vector<16xf32>,
      tpu.vector_store %arg12[%swap3A_540, %swap3A_541], %gather3A_536 {strides = array<i32>} : memref<32x512xf32, #tpu.memory_space<vmem>>, vector<16xf32>,
      %broadcast_in_dim3A_543 = arith.constant 21 : i32
      %broadcast_in_dim3A_544 = vector.broadcast %broadcast_in_dim3A_543 : i32 to vector<16xi32>
      %gather3A_545 = tpu.vector_load_idx %arg9[%add3A_356, %broadcast_in_dim3A_544] : memref<512x32xf32, #tpu.memory_space<vmem>>[vector<16xi32>, vector<16xi32>], vector<16xf32>,
      %mul3A_546 = arith.constant 16 : i32
      %mul3A_547 = arith.muli %scan3A_351, %mul3A_546 : i32
      %swap3A_548 = arith.constant 21 : i32
      %swap3A_549 = arith.index_cast %swap3A_548 : i32 to index
      %swap3A_550 = arith.index_cast %mul3A_547 : i32 to index
      %swap3A_551 = tpu.vector_load %arg12[%swap3A_549, %swap3A_550] {strides = array<i32>} : memref<32x512xf32, #tpu.memory_space<vmem>>, vector<16xf32>,
      tpu.vector_store %arg12[%swap3A_549, %swap3A_550], %gather3A_545 {strides = array<i32>} : memref<32x512xf32, #tpu.memory_space<vmem>>, vector<16xf32>,
      %broadcast_in_dim3A_552 = arith.constant 22 : i32
      %broadcast_in_dim3A_553 = vector.broadcast %broadcast_in_dim3A_552 : i32 to vector<16xi32>
      %gather3A_554 = tpu.vector_load_idx %arg9[%add3A_356, %broadcast_in_dim3A_553] : memref<512x32xf32, #tpu.memory_space<vmem>>[vector<16xi32>, vector<16xi32>], vector<16xf32>,
      %mul3A_555 = arith.constant 16 : i32
      %mul3A_556 = arith.muli %scan3A_351, %mul3A_555 : i32
      %swap3A_557 = arith.constant 22 : i32
      %swap3A_558 = arith.index_cast %swap3A_557 : i32 to index
      %swap3A_559 = arith.index_cast %mul3A_556 : i32 to index
      %swap3A_560 = tpu.vector_load %arg12[%swap3A_558, %swap3A_559] {strides = array<i32>} : memref<32x512xf32, #tpu.memory_space<vmem>>, vector<16xf32>,
      tpu.vector_store %arg12[%swap3A_558, %swap3A_559], %gather3A_554 {strides = array<i32>} : memref<32x512xf32, #tpu.memory_space<vmem>>, vector<16xf32>,
      %broadcast_in_dim3A_561 = arith.constant 23 : i32
      %broadcast_in_dim3A_562 = vector.broadcast %broadcast_in_dim3A_561 : i32 to vector<16xi32>
      %gather3A_563 = tpu.vector_load_idx %arg9[%add3A_356, %broadcast_in_dim3A_562] : memref<512x32xf32, #tpu.memory_space<vmem>>[vector<16xi32>, vector<16xi32>], vector<16xf32>,
      %mul3A_564 = arith.constant 16 : i32
      %mul3A_565 = arith.muli %scan3A_351, %mul3A_564 : i32
      %swap3A_566 = arith.constant 23 : i32
      %swap3A_567 = arith.index_cast %swap3A_566 : i32 to index
      %swap3A_568 = arith.index_cast %mul3A_565 : i32 to index
      %swap3A_569 = tpu.vector_load %arg12[%swap3A_567, %swap3A_568] {strides = array<i32>} : memref<32x512xf32, #tpu.memory_space<vmem>>, vector<16xf32>,
      tpu.vector_store %arg12[%swap3A_567, %swap3A_568], %gather3A_563 {strides = array<i32>} : memref<32x512xf32, #tpu.memory_space<vmem>>, vector<16xf32>,
      %broadcast_in_dim3A_570 = arith.constant 24 : i32
      %broadcast_in_dim3A_571 = vector.broadcast %broadcast_in_dim3A_570 : i32 to vector<16xi32>
      %gather3A_572 = tpu.vector_load_idx %arg9[%add3A_356, %broadcast_in_dim3A_571] : memref<512x32xf32, #tpu.memory_space<vmem>>[vector<16xi32>, vector<16xi32>], vector<16xf32>,
      %mul3A_573 = arith.constant 16 : i32
      %mul3A_574 = arith.muli %scan3A_351, %mul3A_573 : i32
      %swap3A_575 = arith.constant 24 : i32
      %swap3A_576 = arith.index_cast %swap3A_575 : i32 to index
      %swap3A_577 = arith.index_cast %mul3A_574 : i32 to index
      %swap3A_578 = tpu.vector_load %arg12[%swap3A_576, %swap3A_577] {strides = array<i32>} : memref<32x512xf32, #tpu.memory_space<vmem>>, vector<16xf32>,
      tpu.vector_store %arg12[%swap3A_576, %swap3A_577], %gather3A_572 {strides = array<i32>} : memref<32x512xf32, #tpu.memory_space<vmem>>, vector<16xf32>,
      %broadcast_in_dim3A_579 = arith.constant 25 : i32
      %broadcast_in_dim3A_580 = vector.broadcast %broadcast_in_dim3A_579 : i32 to vector<16xi32>
      %gather3A_581 = tpu.vector_load_idx %arg9[%add3A_356, %broadcast_in_dim3A_580] : memref<512x32xf32, #tpu.memory_space<vmem>>[vector<16xi32>, vector<16xi32>], vector<16xf32>,
      %mul3A_582 = arith.constant 16 : i32
      %mul3A_583 = arith.muli %scan3A_351, %mul3A_582 : i32
      %swap3A_584 = arith.constant 25 : i32
      %swap3A_585 = arith.index_cast %swap3A_584 : i32 to index
      %swap3A_586 = arith.index_cast %mul3A_583 : i32 to index
      %swap3A_587 = tpu.vector_load %arg12[%swap3A_585, %swap3A_586] {strides = array<i32>} : memref<32x512xf32, #tpu.memory_space<vmem>>, vector<16xf32>,
      tpu.vector_store %arg12[%swap3A_585, %swap3A_586], %gather3A_581 {strides = array<i32>} : memref<32x512xf32, #tpu.memory_space<vmem>>, vector<16xf32>,
      %broadcast_in_dim3A_588 = arith.constant 26 : i32
      %broadcast_in_dim3A_589 = vector.broadcast %broadcast_in_dim3A_588 : i32 to vector<16xi32>
      %gather3A_590 = tpu.vector_load_idx %arg9[%add3A_356, %broadcast_in_dim3A_589] : memref<512x32xf32, #tpu.memory_space<vmem>>[vector<16xi32>, vector<16xi32>], vector<16xf32>,
      %mul3A_591 = arith.constant 16 : i32
      %mul3A_592 = arith.muli %scan3A_351, %mul3A_591 : i32
      %swap3A_593 = arith.constant 26 : i32
      %swap3A_594 = arith.index_cast %swap3A_593 : i32 to index
      %swap3A_595 = arith.index_cast %mul3A_592 : i32 to index
      %swap3A_596 = tpu.vector_load %arg12[%swap3A_594, %swap3A_595] {strides = array<i32>} : memref<32x512xf32, #tpu.memory_space<vmem>>, vector<16xf32>,
      tpu.vector_store %arg12[%swap3A_594, %swap3A_595], %gather3A_590 {strides = array<i32>} : memref<32x512xf32, #tpu.memory_space<vmem>>, vector<16xf32>,
      %broadcast_in_dim3A_597 = arith.constant 27 : i32
      %broadcast_in_dim3A_598 = vector.broadcast %broadcast_in_dim3A_597 : i32 to vector<16xi32>
      %gather3A_599 = tpu.vector_load_idx %arg9[%add3A_356, %broadcast_in_dim3A_598] : memref<512x32xf32, #tpu.memory_space<vmem>>[vector<16xi32>, vector<16xi32>], vector<16xf32>,
      %mul3A_600 = arith.constant 16 : i32
      %mul3A_601 = arith.muli %scan3A_351, %mul3A_600 : i32
      %swap3A_602 = arith.constant 27 : i32
      %swap3A_603 = arith.index_cast %swap3A_602 : i32 to index
      %swap3A_604 = arith.index_cast %mul3A_601 : i32 to index
      %swap3A_605 = tpu.vector_load %arg12[%swap3A_603, %swap3A_604] {strides = array<i32>} : memref<32x512xf32, #tpu.memory_space<vmem>>, vector<16xf32>,
      tpu.vector_store %arg12[%swap3A_603, %swap3A_604], %gather3A_599 {strides = array<i32>} : memref<32x512xf32, #tpu.memory_space<vmem>>, vector<16xf32>,
      %broadcast_in_dim3A_606 = arith.constant 28 : i32
      %broadcast_in_dim3A_607 = vector.broadcast %broadcast_in_dim3A_606 : i32 to vector<16xi32>
      %gather3A_608 = tpu.vector_load_idx %arg9[%add3A_356, %broadcast_in_dim3A_607] : memref<512x32xf32, #tpu.memory_space<vmem>>[vector<16xi32>, vector<16xi32>], vector<16xf32>,
      %mul3A_609 = arith.constant 16 : i32
      %mul3A_610 = arith.muli %scan3A_351, %mul3A_609 : i32
      %swap3A_611 = arith.constant 28 : i32
      %swap3A_612 = arith.index_cast %swap3A_611 : i32 to index
      %swap3A_613 = arith.index_cast %mul3A_610 : i32 to index
      %swap3A_614 = tpu.vector_load %arg12[%swap3A_612, %swap3A_613] {strides = array<i32>} : memref<32x512xf32, #tpu.memory_space<vmem>>, vector<16xf32>,
      tpu.vector_store %arg12[%swap3A_612, %swap3A_613], %gather3A_608 {strides = array<i32>} : memref<32x512xf32, #tpu.memory_space<vmem>>, vector<16xf32>,
      %broadcast_in_dim3A_615 = arith.constant 29 : i32
      %broadcast_in_dim3A_616 = vector.broadcast %broadcast_in_dim3A_615 : i32 to vector<16xi32>
      %gather3A_617 = tpu.vector_load_idx %arg9[%add3A_356, %broadcast_in_dim3A_616] : memref<512x32xf32, #tpu.memory_space<vmem>>[vector<16xi32>, vector<16xi32>], vector<16xf32>,
      %mul3A_618 = arith.constant 16 : i32
      %mul3A_619 = arith.muli %scan3A_351, %mul3A_618 : i32
      %swap3A_620 = arith.constant 29 : i32
      %swap3A_621 = arith.index_cast %swap3A_620 : i32 to index
      %swap3A_622 = arith.index_cast %mul3A_619 : i32 to index
      %swap3A_623 = tpu.vector_load %arg12[%swap3A_621, %swap3A_622] {strides = array<i32>} : memref<32x512xf32, #tpu.memory_space<vmem>>, vector<16xf32>,
      tpu.vector_store %arg12[%swap3A_621, %swap3A_622], %gather3A_617 {strides = array<i32>} : memref<32x512xf32, #tpu.memory_space<vmem>>, vector<16xf32>,
      %broadcast_in_dim3A_624 = arith.constant 30 : i32
      %broadcast_in_dim3A_625 = vector.broadcast %broadcast_in_dim3A_624 : i32 to vector<16xi32>
      %gather3A_626 = tpu.vector_load_idx %arg9[%add3A_356, %broadcast_in_dim3A_625] : memref<512x32xf32, #tpu.memory_space<vmem>>[vector<16xi32>, vector<16xi32>], vector<16xf32>,
      %mul3A_627 = arith.constant 16 : i32
      %mul3A_628 = arith.muli %scan3A_351, %mul3A_627 : i32
      %swap3A_629 = arith.constant 30 : i32
      %swap3A_630 = arith.index_cast %swap3A_629 : i32 to index
      %swap3A_631 = arith.index_cast %mul3A_628 : i32 to index
      %swap3A_632 = tpu.vector_load %arg12[%swap3A_630, %swap3A_631] {strides = array<i32>} : memref<32x512xf32, #tpu.memory_space<vmem>>, vector<16xf32>,
      tpu.vector_store %arg12[%swap3A_630, %swap3A_631], %gather3A_626 {strides = array<i32>} : memref<32x512xf32, #tpu.memory_space<vmem>>, vector<16xf32>,
      %broadcast_in_dim3A_633 = arith.constant 31 : i32
      %broadcast_in_dim3A_634 = vector.broadcast %broadcast_in_dim3A_633 : i32 to vector<16xi32>
      %gather3A_635 = tpu.vector_load_idx %arg9[%add3A_356, %broadcast_in_dim3A_634] : memref<512x32xf32, #tpu.memory_space<vmem>>[vector<16xi32>, vector<16xi32>], vector<16xf32>,
      %mul3A_636 = arith.constant 16 : i32
      %mul3A_637 = arith.muli %scan3A_351, %mul3A_636 : i32
      %swap3A_638 = arith.constant 31 : i32
      %swap3A_639 = arith.index_cast %swap3A_638 : i32 to index
      %swap3A_640 = arith.index_cast %mul3A_637 : i32 to index
      %swap3A_641 = tpu.vector_load %arg12[%swap3A_639, %swap3A_640] {strides = array<i32>} : memref<32x512xf32, #tpu.memory_space<vmem>>, vector<16xf32>,
      tpu.vector_store %arg12[%swap3A_639, %swap3A_640], %gather3A_635 {strides = array<i32>} : memref<32x512xf32, #tpu.memory_space<vmem>>, vector<16xf32>,
      %scan3A_642 = arith.constant 0 : i32
      scf.yield %scan3A_642 : i32
    }
    %scan3A_272 = arith.constant 32 : i32
    %add3A_273 = arith.constant 49 : i32
    %add3A_274 = arith.addi %mul3A_2, %add3A_273 : i32
    %jit3A_275 = arith.constant 32 : i32
    %div3A_276 = arith.divsi %add3A_274, %jit3A_275 : i32
    %sign3A_277 = arith.constant 0 : i32
    %sign3A_278 = arith.cmpi sgt, %add3A_274, %sign3A_277 : i32
    %sign3A_279 = arith.extui %sign3A_278 : i1 to i32
    %sign3A_280 = arith.constant 0 : i32
    %sign3A_281 = arith.cmpi slt, %add3A_274, %sign3A_280 : i32
    %sign3A_282 = arith.extui %sign3A_281 : i1 to i32
    %sign3A_283 = arith.subi %sign3A_279, %sign3A_282 : i32
    %sign3A_284 = arith.constant 0 : i32
    %sign3A_285 = arith.cmpi sgt, %jit3A_275, %sign3A_284 : i32
    %sign3A_286 = arith.extui %sign3A_285 : i1 to i32
    %sign3A_287 = arith.constant 0 : i32
    %sign3A_288 = arith.cmpi slt, %jit3A_275, %sign3A_287 : i32
    %sign3A_289 = arith.extui %sign3A_288 : i1 to i32
    %sign3A_290 = arith.subi %sign3A_286, %sign3A_289 : i32
    %ne3A_291 = arith.cmpi ne, %sign3A_283, %sign3A_290 : i32
    %rem3A_292 = arith.remsi %add3A_274, %jit3A_275 : i32
    %ne3A_293 = arith.constant 0 : i32
    %ne3A_294 = arith.cmpi ne, %rem3A_292, %ne3A_293 : i32
    %and3A_295 = arith.andi %ne3A_291, %ne3A_294 : i1
    %sub3A_296 = arith.constant 1 : i32
    %sub3A_297 = arith.subi %div3A_276, %sub3A_296 : i32
    %select_n3A_298 = arith.select %and3A_295, %sub3A_297, %div3A_276 : i32
    %jit3A_299 = arith.constant 32 : i32
    %eq3A_300 = arith.constant 0 : i32
    %eq3A_301 = arith.cmpi eq, %jit3A_299, %eq3A_300 : i32
    %jit3A_302 = arith.constant 1 : i32
    %select_n3A_303 = arith.select %eq3A_301, %jit3A_302, %jit3A_299 : i32
    %rem3A_304 = arith.remsi %add3A_274, %select_n3A_303 : i32
    %ne3A_305 = arith.constant 0 : i32
    %ne3A_306 = arith.cmpi ne, %rem3A_304, %ne3A_305 : i32
    %lt3A_307 = arith.constant 0 : i32
    %lt3A_308 = arith.cmpi slt, %rem3A_304, %lt3A_307 : i32
    %lt3A_309 = arith.constant 0 : i32
    %lt3A_310 = arith.cmpi slt, %select_n3A_303, %lt3A_309 : i32
    %ne3A_311 = arith.xori %lt3A_308, %lt3A_310 : i1
    %and3A_312 = arith.andi %ne3A_311, %ne3A_306 : i1
    %add3A_313 = arith.addi %rem3A_304, %select_n3A_303 : i32
    %select_n3A_314 = arith.select %and3A_312, %add3A_313, %rem3A_304 : i32
    %mul3A_315 = arith.constant 512 : i32
    %mul3A_316 = arith.muli %select_n3A_314, %mul3A_315 : i32
    %multiple_of3A_317 = tpu.assume_multiple %mul3A_316, 512 : i32
    %dma_start3A_318 = arith.constant 0 : i32
    %dma_start3A_319 = tpu.memref_slice %arg4[%select_n3A_298, %dma_start3A_318, %multiple_of3A_317] : memref<50x32x16384xf32, #tpu.memory_space<hbm>> -> memref<1x32x512xf32, #tpu.memory_space<hbm>>
    %dma_start3A_320 = tpu.memref_squeeze %dma_start3A_319 : memref<1x32x512xf32, #tpu.memory_space<hbm>> -> memref<32x512xf32, #tpu.memory_space<hbm>>
    %dma_start3A_321 = arith.constant 0 : i32
    %dma_start3A_322 = tpu.memref_slice %arg4[%select_n3A_298, %dma_start3A_321, %multiple_of3A_317] : memref<50x32x16384xf32, #tpu.memory_space<hbm>> -> memref<1x32x512xf32, #tpu.memory_space<hbm>>
    %dma_start3A_323 = tpu.memref_squeeze %dma_start3A_322 : memref<1x32x512xf32, #tpu.memory_space<hbm>> -> memref<32x512xf32, #tpu.memory_space<hbm>>
    tpu.enqueue_dma source(%arg12 : memref<32x512xf32, #tpu.memory_space<vmem>>) target(%dma_start3A_323 : memref<32x512xf32, #tpu.memory_space<hbm>>) target_semaphore(%arg18 : memref<!tpu.dma_semaphore, #tpu.memory_space<semaphore_mem>>)
    %dma_wait3A_324 = arith.constant 0 : i32
    %dma_wait3A_325 = arith.constant 0 : i32
    %dma_wait3A_326 = arith.constant 0 : i32
    %dma_wait3A_327 = tpu.memref_slice %arg4[%dma_wait3A_324, %dma_wait3A_325, %dma_wait3A_326] : memref<50x32x16384xf32, #tpu.memory_space<hbm>> -> memref<1x32x512xf32, #tpu.memory_space<hbm>>
    %dma_wait3A_328 = tpu.memref_squeeze %dma_wait3A_327 : memref<1x32x512xf32, #tpu.memory_space<hbm>> -> memref<32x512xf32, #tpu.memory_space<hbm>>
    %dma_wait3A_329 = arith.constant 0 : i32
    %dma_wait3A_330 = arith.constant 0 : i32
    %dma_wait3A_331 = tpu.memref_slice %arg4[%dma_wait3A_324, %dma_wait3A_329, %dma_wait3A_330] : memref<50x32x16384xf32, #tpu.memory_space<hbm>> -> memref<1x32x512xf32, #tpu.memory_space<hbm>>
    %dma_wait3A_332 = tpu.memref_squeeze %dma_wait3A_331 : memref<1x32x512xf32, #tpu.memory_space<hbm>> -> memref<32x512xf32, #tpu.memory_space<hbm>>
    tpu.wait_dma2 semaphore(%arg17 : memref<!tpu.dma_semaphore, #tpu.memory_space<semaphore_mem>>) src(%arg11 : memref<32x512xf32, #tpu.memory_space<vmem>>) dst(%dma_wait3A_332 : memref<32x512xf32, #tpu.memory_space<hbm>>)
    %dma_wait3A_333 = arith.constant 0 : i32
    %dma_wait3A_334 = arith.constant 0 : i32
    %dma_wait3A_335 = arith.constant 0 : i32
    %dma_wait3A_336 = tpu.memref_slice %arg4[%dma_wait3A_333, %dma_wait3A_334, %dma_wait3A_335] : memref<50x32x16384xf32, #tpu.memory_space<hbm>> -> memref<1x32x512xf32, #tpu.memory_space<hbm>>
    %dma_wait3A_337 = tpu.memref_squeeze %dma_wait3A_336 : memref<1x32x512xf32, #tpu.memory_space<hbm>> -> memref<32x512xf32, #tpu.memory_space<hbm>>
    %dma_wait3A_338 = arith.constant 0 : i32
    %dma_wait3A_339 = arith.constant 0 : i32
    %dma_wait3A_340 = tpu.memref_slice %arg4[%dma_wait3A_333, %dma_wait3A_338, %dma_wait3A_339] : memref<50x32x16384xf32, #tpu.memory_space<hbm>> -> memref<1x32x512xf32, #tpu.memory_space<hbm>>
    %dma_wait3A_341 = tpu.memref_squeeze %dma_wait3A_340 : memref<1x32x512xf32, #tpu.memory_space<hbm>> -> memref<32x512xf32, #tpu.memory_space<hbm>>
    tpu.wait_dma2 semaphore(%arg18 : memref<!tpu.dma_semaphore, #tpu.memory_space<semaphore_mem>>) src(%arg12 : memref<32x512xf32, #tpu.memory_space<vmem>>) dst(%dma_wait3A_341 : memref<32x512xf32, #tpu.memory_space<hbm>>)
    %dma_wait3A_342 = arith.constant 0 : i32
    %dma_wait3A_343 = arith.constant 0 : i32
    %dma_wait3A_344 = arith.constant 0 : i32
    %dma_wait3A_345 = tpu.memref_slice %arg4[%dma_wait3A_342, %dma_wait3A_343, %dma_wait3A_344] : memref<50x32x16384xf32, #tpu.memory_space<hbm>> -> memref<1x32x512xf32, #tpu.memory_space<hbm>>
    %dma_wait3A_346 = tpu.memref_squeeze %dma_wait3A_345 : memref<1x32x512xf32, #tpu.memory_space<hbm>> -> memref<32x512xf32, #tpu.memory_space<hbm>>
    %dma_wait3A_347 = arith.constant 0 : i32
    %dma_wait3A_348 = arith.constant 0 : i32
    %dma_wait3A_349 = tpu.memref_slice %arg4[%dma_wait3A_342, %dma_wait3A_347, %dma_wait3A_348] : memref<50x32x16384xf32, #tpu.memory_space<hbm>> -> memref<1x32x512xf32, #tpu.memory_space<hbm>>
    %dma_wait3A_350 = tpu.memref_squeeze %dma_wait3A_349 : memref<1x32x512xf32, #tpu.memory_space<hbm>> -> memref<32x512xf32, #tpu.memory_space<hbm>>
    tpu.wait_dma2 semaphore(%arg19 : memref<!tpu.dma_semaphore, #tpu.memory_space<semaphore_mem>>) src(%arg13 : memref<32x512xf32, #tpu.memory_space<vmem>>) dst(%dma_wait3A_350 : memref<32x512xf32, #tpu.memory_space<hbm>>)
    return
  }
}

</mosaic_0001>

<sc_bundles>
// kernel: _sc_gather.3.cloned.1.call-start
scs
__scs_entry_jumppad:
0x0: {  	(pc) =	sbr.rel $0x88, $3  }
0x1: {  	(tag) =	ssettag $0x0;
	lr =	simm.s32 $0x1  }
0x2: {  	[smem:$0x3F9F] =	sst lr;
	_ =	strace $0xD0000000  }
0x3: {  	_ = 	snop  }
0x4: {  	_ = 	snop  }
0x5: {  	_ = 	snop  }
0x6: {  	_ = 	snop  }
0x7: {  	_ = 	snop  }
__scs_overlays_trampoline_lowered:
0x8: {  	[smem:$0x3FAE] =	sst s0  }
0x9: {  	[smem:$0x3FAF] =	sst s1  }
0xa: {  	[smem:$0x3FB0] =	sst s2  }
0xb: {  	[smem:$0x3FB1] =	sst s3  }
0xc: {  	[smem:$0x3FB2] =	sst s4  }
0xd: {  	[smem:$0x3FB3] =	sst s5  }
0xe: {  	[smem:$0x3FB4] =	sst s6  }
0xf: {  	[smem:$0x3FB5] =	sst s7  }
0x10: {  	[smem:$0x3FB6] =	sst s8  }
0x11: {  	[smem:$0x3FB7] =	sst s9;
	s0 =	simm.s32 @!p0 $0x0  }
0x12: {  	s1 =	sld [smem:$0x3F9D];
	s0 =	simm.s32 @p0 $0x1  }
0x13: {  	[smem:$0x3FB8] =	sst s0;
	s0 =	simm.s32 @!p1 $0x0  }
0x14: {  	s2 =	sld [smem:$0x3F9C];
	s0 =	simm.s32 @p1 $0x1  }
0x15: {  	[smem:$0x3FB9] =	sst s0;
	s0 =	simm.s32 @!p2 $0x0  }
0x16: {  	s3 =	sld [smem:$0x3FDB];
	s0 =	simm.s32 @p2 $0x1  }
0x17: {  	s4 =	simm.s32 $0x1BF5;
	[smem:$0x3FBB] =	sst s0  }
0x18: {  	s0 =	sld [smem:$0x3F9E];
	_ =	swait.ge [sflag:s4], $0x0  }
0x19: {  	s7 =	sld [smem:$0x3F9F]  }
0x1a: {  	s8 =	sadd.s32 $0xFFFFE003, lr  }
0x1b: {  	s9 =	sadd.s32 $0xFFFFFEF7, lr;
	s5 =	simm.s32 $0xFFFFFFFF;
	p2 =	slt.u32 s8, $0xFFFFF086  }
0x1c: {  	p1 =	slt.u32 s9, $0xF7A;
	s5 =	simm.s32 @!p2 $0x0  }
0x1d: {  	s5 =	simm.s32 @p1 $0x1;
	p0 =	seq.s32 s7, s2  }
0x1e: {  	s7 =	smul.u32 @!p0 $0xF7A, s2;
	p2 =	seq.s32 @!p0 s5, $0x0  }
0x1f: {  	s9 =	smul.u32 $0xF7A, s1;
	s8 =	simm.s32 @!p0 $0x1BF5;
	p2 =	por !p2, p0  }
0x20: {  	[sflag:s8] =	ssyncset.s32 @!p0 $0xFFFFF086;
	s6 =	sadd.s32 @!p0 s3, s7;
	s7 =	simm.s32 @!p0 $0x108  }
0x21: {  	s3 =	sadd.s32 s3, s9;
	s6 =	sadd.s32 @!p0 $0x88, s6;
	s7 =	simm.s32 @p2 $0x1082  }
0x22: {  	[simem:s7], [sflag:s8] =	dma.local @!p0 [hbm:s6], $0xF7A  }
0x23: {  	s9 =	sor.u32 $0xD0000000, s2;
	s6 =	simm.s32 $0x108;
	_ =	swait.ge @!p0 [sflag:s8], $0x0  }
0x24: {  	s3 =	sadd.s32 $0x88, s3;
	s6 =	simm.s32 @!p1 $0x1082;
	[sflag:s4] =	ssyncset.s32 $0xFFFFF086  }
0x25: {  	[simem:s6], [sflag:s4] =	dma.local [hbm:s3], $0xF7A  }
0x26: {  	[smem:$0x3F9F] =	sst s1;
	(tag) =	ssettag s2;
	_ =	strace s9  }
0x27: {  	s1 =	sld [smem:$0x3FAF]  }
0x28: {  	s2 =	sld [smem:$0x3FB0]  }
0x29: {  	s4 =	sld [smem:$0x3FB2]  }
0x2a: {  	p0 =	seq.s32 s5, $0x0;
	s5 =	sld [smem:$0x3FB3]  }
0x2b: {  	s6 =	sld [smem:$0x3FB4]  }
0x2c: {  	s7 =	sld [smem:$0x3FB5]  }
0x2d: {  	s3 =	simm.s32 $0x108;
	s8 =	sld [smem:$0x3FB6]  }
0x2e: {  	s3 =	simm.s32 @!p0 $0x1082;
	s9 =	sld [smem:$0x3FB7]  }
0x2f: {  	lr =	sadd.s32 s0, s3;
	s0 =	sld [smem:$0x3FAE]  }
0x30: {  	s3 =	sld [smem:$0x3FB1]  }
0x31: {  	[smem:$0x3FBA] =	sst s10  }
0x32: {  	s10 =	sld [smem:$0x3FB8];
	_ =	sdelay $0x3  }
0x33: {  	p0 =	seq.s32 s10, $0x1;
	s10 =	sld [smem:$0x3FBA];
	_ =	sdelay $0x3  }
0x34: {  	[smem:$0x3FBA] =	sst s10  }
0x35: {  	s10 =	sld [smem:$0x3FB9];
	_ =	sdelay $0x3  }
0x36: {  	p1 =	seq.s32 s10, $0x1;
	s10 =	sld [smem:$0x3FBA];
	_ =	sdelay $0x3  }
0x37: {  	[smem:$0x3FBA] =	sst s10  }
0x38: {  	s10 =	sld [smem:$0x3FBB]  }
0x39: {  	_ = 	snop;
	(pc) =	sbr.ind lr, $3  }
0x3a: {  	_ = 	snop  }
0x3b: {  	_ = 	snop  }
0x3c: {  	p2 =	seq.s32 s10, $0x1;
	s10 =	sld [smem:$0x3FBA]  }
0x3d: {  	_ =	shalt  }
0x3e: {  	_ =	shalt  }
0x3f: {  	_ =	shalt  }
0x40: {  	_ =	shalt  }
0x41: {  	_ =	shalt  }
0x42: {  	_ =	shalt  }
0x43: {  	_ =	shalt  }
0x44: {  	_ =	shalt  }
0x45: {  	_ =	shalt  }
0x46: {  	_ =	shalt  }
0x47: {  	_ =	shalt  }
0x48: {  	_ =	shalt  }
0x49: {  	_ =	shalt  }
0x4a: {  	_ =	shalt  }
0x4b: {  	_ =	shalt  }
0x4c: {  	_ =	shalt  }
0x4d: {  	_ =	shalt  }
0x4e: {  	_ =	shalt  }
0x4f: {  	_ =	shalt  }
0x50: {  	_ =	shalt  }
0x51: {  	_ =	shalt  }
0x52: {  	_ =	shalt  }
0x53: {  	_ =	shalt  }
0x54: {  	_ =	shalt  }
0x55: {  	_ =	shalt  }
0x56: {  	_ =	shalt  }
0x57: {  	_ =	shalt  }
0x58: {  	_ =	shalt  }
0x59: {  	_ =	shalt  }
0x5a: {  	_ =	shalt  }
0x5b: {  	_ =	shalt  }
0x5c: {  	_ =	shalt  }
0x5d: {  	_ =	shalt  }
0x5e: {  	_ =	shalt  }
0x5f: {  	_ =	shalt  }
0x60: {  	_ =	shalt  }
0x61: {  	_ =	shalt  }
0x62: {  	_ =	shalt  }
0x63: {  	_ =	shalt  }
0x64: {  	_ =	shalt  }
0x65: {  	_ =	shalt  }
0x66: {  	_ =	shalt  }
0x67: {  	_ =	shalt  }
0x68: {  	_ =	shalt  }
0x69: {  	_ =	shalt  }
0x6a: {  	_ =	shalt  }
0x6b: {  	_ =	shalt  }
0x6c: {  	_ =	shalt  }
0x6d: {  	_ =	shalt  }
0x6e: {  	_ =	shalt  }
0x6f: {  	_ =	shalt  }
0x70: {  	_ =	shalt  }
0x71: {  	_ =	shalt  }
0x72: {  	_ =	shalt  }
0x73: {  	_ =	shalt  }
0x74: {  	_ =	shalt  }
0x75: {  	_ =	shalt  }
0x76: {  	_ =	shalt  }
0x77: {  	_ =	shalt  }
0x78: {  	_ =	shalt  }
0x79: {  	_ =	shalt  }
0x7a: {  	_ =	shalt  }
0x7b: {  	_ =	shalt  }
0x7c: {  	_ =	shalt  }
0x7d: {  	_ =	shalt  }
0x7e: {  	_ =	shalt  }
0x7f: {  	_ =	shalt  }
0x80: {  	_ =	shalt  }
0x81: {  	_ =	shalt  }
0x82: {  	_ =	shalt  }
0x83: {  	_ =	shalt  }
0x84: {  	_ =	shalt  }
0x85: {  	_ =	shalt  }
0x86: {  	_ =	shalt  }
0x87: {  	_ =	shalt  }
.Lfunc_end0:
.L_simem_size_0:
called_computation_lowered:
.L_overlay_start_0:
0x88: {  	s2 =	sld [smem:$0x3FD9]  }
0x89: {  	s3 =	sld [smem:$0x3FFE];
	_ =	sdelay $0x1  }
0x8a: {  	s1 =	srdreg.scid  }
0x8b: {  	s0 =	sand.u32 $0x1, s1  }
0x8c: {  	s17 =	sshll.u32 s0, $0xA;
	s2 =	sadd.s32 s3, s2  }
0x8d: {  	s2 =	sadd.s32 s2, s17  }
0x8e: {  	[smem:$0x3FC6] =	sst s2  }
0x8f: {  	_ = 	snop  }
0x90: {  	s2 =	sld [smem:$0x3FD0];
	(tm) =	ssettm $0x1  }
0x91: {  	s18 =	sld [smem:$0x3FFB];
	_ =	sdelay $0x3  }
0x92: {  	_ =	strace s18  }
0x93: {  	s3 =	sld [smem:$0x3FFC];
	_ =	sdelay $0x3  }
0x94: {  	_ =	strace s3  }
0x95: {  	s3 =	sld [smem:$0x3FFD];
	_ =	sdelay $0x3  }
0x96: {  	_ =	strace s3  }
0x97: {  	_ =	strace $0x8FFFFFFF  }
0x98: {  	s19 =	sld [smem:$0x3FDB];
	_ =	sdelay $0x1  }
0x99: {  	s4 =	simm.s32 $_scs_section_size  }
0x9a: {  	s5 =	simm.s32 $_size__tile_overlayer_lowered;
	s6 =	simm.s32 $_tile_overlayer_lowered  }
0x9b: {  	s22 =	simm.s32 $0x1BFF;
	s21 =	sshll.u32 s6, $0x1;
	s3 =	sadd.s32 s4, s19  }
0x9c: {  	s7 =	simm.s32 $0x0;
	s20 =	sshll.u32 s5, $0x1;
	s5 =	sadd.s32 s21, s3  }
0x9d: {  	[timem:s7], [sflag:s22] =	dma.local [hbm:s5], s20  }
0x9e: {  	_ =	swait.ge [sflag:s22], s20  }
0x9f: {  	s4 =	ssub.s32 $0x0, s20;
	[sflag:s22] =	ssyncset.done $0x0  }
0xa0: {  	[sflag:s22] =	ssyncadd.s32 s4;
	_ =	sdelay $0x1  }
0xa1: {  	s23 =	simm.s32 $0x1B8B  }
0xa2: {  	_ =	swait.ge [sflag:s23], $0x1  }
0xa3: {  	[sflag:s23] =	ssyncset.done $0x0  }
0xa4: {  	s25 =	simm.s32 $0x1B8E;
	s24 =	sld [smem:$0x3FFE];
	[sflag:s23] =	ssyncadd.s32 $0xFFFFFFFF  }
0xa5: {  	s26 =	simm.s32 $execute0_lowered;
	[smem:$0x3FD2] =	sst s25  }
0xa6: {  	s5 =	sshll.u32 s26, $0x1;
	_ =	strace $0x80000046;
	[dreg:$0x1] =	wrdreg $0xFFFFFFFF  }
0xa7: {  	s28 =	simm.s32 $_size_execute0_lowered;
	s3 =	sadd.s32 s3, s5;
	[dreg:$0x0] =	wrdreg $0x0  }
0xa8: {  	s5 =	sshll.u32 s28, $0x1;
	[dreg:$0x2] =	wrdreg s3  }
0xa9: {  	[dreg:$0x3] =	wrdreg s5  }
0xaa: {  	[dreg:$0x4] =	wrdreg $0xC0  }
0xab: {  	_ =	task [dreg:s7], $0x5FFFF  }
0xac: {  	[dreg:$0x1] =	wrdreg $0xFFFFFFFF  }
0xad: {  	[dreg:$0x0] =	wrdreg $0x60  }
0xae: {  	[dreg:$0x2] =	wrdreg s2  }
0xaf: {  	[dreg:$0x3] =	wrdreg s24  }
0xb0: {  	[dreg:$0x4] =	wrdreg $0x9  }
0xb1: {  	_ =	task.clear_ibuf [dreg:s7], $0x5FFFF;
	_ =	strace $0x90000046  }
0xb2: {  	s29 =	simm.s32 $0x9;
	_ =	strace $0x80000048  }
0xb3: {  	_ =	swait.ge [sflag:s29], $0x1  }
0xb4: {  	[sflag:s29] =	ssyncadd.s32 $0xFFFFFFFF  }
0xb5: {  	_ =	strace $0x90000048  }
0xb6: {  	_ =	sfence  }
0xb7: {  	s30 =	sld [smem:$0x0];
	_ =	sdelay $0x2  }
0xb8: {  	s31 =	sshll.u32 s1, $0xD;
	s1 =	sshrl.u32 s1, $0x2  }
0xb9: {  	s3 =	sand.u32 $0x4000, s31;
	s1 =	sadd.s32 s1, s30  }
0xba: {  	s0 =	sor.u32 s3, s0;
	s1 =	sshll.u32 s1, $0x11  }
0xbb: {  	s0 =	sor.u32 s1, s0  }
0xbc: {  	s0 =	sadd.s32 $0x8F2B, s0  }
0xbd: {  	[sflag:s0] =	ssyncadd.remote.s32 $0x1  }
0xbe: {  	_ =	sfence.sel $0xFFFF  }
0xbf: {  	[dreg:$0x0] =	wrdreg $0xFFFFFFFF;
	(pc) =	sbr.abs _section_cstart, $3  }
0xc0: {  	[dreg:$0x1] =	wrdreg $0xFFFFFFFF  }
0xc1: {  	_ =	task.clear_ibuf [dreg:s7], $0x2FFFF;
	_ =	strace $0x9FFFFFFF  }
0xc2: {  	(tm) =	ssettm $0x7FFFFFFF  }
0xc3: {  	_ =	shalt  }
tec
execute0_lowered:
.L_overlay_start_1:
0x0: {  	(tag) =	ssettag $0x1  }
0x1: {  	s0 =	srdreg.scid;
	s2 =	rddreg [dreg:$0x0]  }
0x2: {  	s1 =	stileid.u32;
	s5 =	rddreg [dreg:$0x1]  }
0x3: {  	s3 =	simm.s32 $0x0;
	s18 =	simm.s32 $0x200;
	s28 =	simm.s32 $0x4000  }
0x4: {  	s29 =	simm.s32 $0xC600;
	s30 =	simm.s32 $0x2;
	s31 =	simm.s32 $0x10600  }
0x5: {  	s15 =	simm.s32 $0x6;
	s0 =	sand.u32 $0x1, s0;
	s1 =	sshll.u32 s1, $0x1  }
0x6: {  	[smem:$0x7FF] =	sst s3;
	s4 =	sadd.s32 $0xF42A00, s5;
	s1 =	sor.u32 s0, s1  }
0x7: {  	s5 =	sadd.s32 $0x600, s5;
	s0 =	ssub.s32 $0x2, s0;
	s6 =	smul.u32 $0x6400, s1  }
0x8: {  	_ =	strace $0x80000047;
	s7 =	smul.u32 $0x2400, s1;
	s19 =	sshrl.u32 s0, $0x1  }
0x9: {  	s0 =	ssub.s32 s0, s19;
	s19 =	simm.s32 $0x400;
	s8 =	sand.u32 $0xFC000, s6  }
0xa: {  	s7 =	sand.u32 $0x3C00, s7;
	s9 =	sshrl.u32 s6, $0x3;
	s6 =	smul.u32 $0x32, s1  }
0xb: {  	s0 =	smax.u32 s0, $0x1;
	s7 =	sor.u32 s7, s8;
	s20 =	sadd.s32 s2, s9  }
0xc: {  	[dreg:$0x8] =	wrdreg s0;
	s0 =	simm.s32 $0x14600;
	s7 =	sshrl.u32 s7, $0x3  }
0xd: {  	s1 =	sadd.s32 $0x80, s20;
	s10 =	sadd.s32 $0x3, s6;
	s11 =	sadd.s32 $0x4, s6  }
0xe: {  	s12 =	sor.u32 $0x1, s6;
	s13 =	sadd.s32 $0x5, s6;
	s14 =	sadd.s32 $0x2, s6  }
0xf: {  	s21 =	sadd.s32 $0x30, s6;
	s23 =	sadd.s32 $0x31, s6;
	s20 =	simm.s32 $0x7  }
0x10: {  	s7 =	sadd.s32 s2, s7;
	[dreg:$0x5] =	wrdreg s1;
	s22 =	sshll.u32 s21, $0xB  }
0x11: {  	s1 =	sshll.u32 s21, $0x6;
	s24 =	sshll.u32 s23, $0x6;
	s8 =	sshll.u32 s23, $0xB  }
0x12: {  	s21 =	simm.s32 $0x600;
	s23 =	simm.s32 $0x4600;
	[dreg:$0x3] =	wrdreg s7  }
0x13: {  	s7 =	sadd.s32 $0x40, s7;
	s1 =	sand.u32 $0x780, s1;
	s9 =	sand.u32 $0x7C0, s24  }
0x14: {  	s25 =	sand.u32 $0x7F0000, s8;
	s24 =	simm.s32 $0x9;
	s8 =	simm.s32 $0x0  }
0x15: {  	[dreg:$0x4] =	wrdreg s7;
	s7 =	sand.u32 $0x7F0000, s22;
	s1 =	sadd.s32 s5, s1  }
0x16: {  	s26 =	sadd.s32 s5, s9;
	s22 =	simm.s32 $0x8;
	s1 =	sadd.s32 s7, s1  }
0x17: {  	v0 =	vlaneseq.u32;
	[dreg:$0x6] =	wrdreg s1;
	s1 =	sadd.s32 s25, s26;
	s25 =	simm.s32 $0x8600  }
0x18: {  	v0 =	vmul.u32 $0x20, v0;
	s26 =	simm.s32 $0x1;
	[dreg:$0x7] =	wrdreg s1;
	s1 =	simm.s32 $0x3  }
.LBB2_1:
0x19: {  	[dreg:$0x9] =	wrdreg s8  }
0x1a: {  	s7 =	rddreg [dreg:$0x3]  }
0x1b: {  	[tilespmem:s3], [sflag:$0x7] =	stream.linear.gather [hbm4b:s7+s3], $0x200, $0x38;
	[tilespmem:$0x18600] =	vst v63  }
0x1c: {  	s16 =	rddreg [dreg:$0x4]  }
0x1d: {  	[tilespmem:s18], [sflag:$0x8] =	stream.linear.gather [hbm4b:s16+s3], $0x200, $0x38;
	[tilespmem:$0x18600] =	vst v63  }
0x1e: {  	s17 =	rddreg [dreg:$0x5]  }
0x1f: {  	[tilespmem:s19], [sflag:$0x9] =	stream.linear.gather [hbm4b:s17+s3], $0x200, $0x38;
	[tilespmem:$0x18600] =	vst v63  }
0x20: {  	_ =	swait.ge [sflag:s20], $0x200  }
0x21: {  	[sflag:s20] =	ssyncset.done $0x0  }
0x22: {  	[sflag:s20] =	ssyncadd.s32 $0xFFFFFE00  }
0x23: {  	[tilespmem:s21], [sflag:$0x1] =	stream.indirect.gather [hbm4b:s4+s18], $0x20, s3, s18, $0xb8;
	[tilespmem:$0x18600] =	vst v63  }
0x24: {  	_ =	swait.ge [sflag:s22], $0x200  }
0x25: {  	[sflag:s22] =	ssyncset.done $0x0  }
0x26: {  	[sflag:s22] =	ssyncadd.s32 $0xFFFFFE00  }
0x27: {  	[tilespmem:s23], [sflag:$0x2] =	stream.indirect.gather [hbm4b:s4+s18], $0x20, s18, s18, $0xb8;
	[tilespmem:$0x18600] =	vst v63  }
0x28: {  	_ =	swait.ge [sflag:s24], $0x200  }
0x29: {  	[sflag:s24] =	ssyncset.done $0x0  }
0x2a: {  	s17 =	simm.s32 $0x0;
	[sflag:s24] =	ssyncadd.s32 $0xFFFFFE00  }
0x2b: {  	[tilespmem:s25], [sflag:$0x3] =	stream.indirect.gather [hbm4b:s4+s18], $0x20, s19, s18, $0xb8;
	[tilespmem:$0x18600] =	vst v63  }
.LBB2_2:
0x2c: {  	s7 =	smul.u32 $0x3, s17;
	_ =	sdelay $0x1  }
0x2d: {  	s8 =	sadd.s32 s7, s10  }
0x2e: {  	_ =	swait.ge [sflag:s26], $0x4000;
	s9 =	simm.s32 $0x0;
	s8 =	sshll.u32 s8, $0x6  }
0x2f: {  	[sflag:s26] =	ssyncset.done $0x0;
	v1 =	vmov s9;
	s8 =	sand.u32 $0xFFFFFC0, s8  }
0x30: {  	p0 =	seq.s32 s17, $0x0;
	[sflag:s26] =	ssyncadd.s32 $0xFFFFC000;
	v1 =	vshll.u32 v1, $0x5;
	s8 =	sadd.s32 s2, s8  }
0x31: {  	v1 =	vor.u32 v0, v1;
	[tilespmem:s3], [sflag:$0x7] =	stream.linear.gather [hbm4b:s8+s3], $0x200, $0x38;
	[tilespmem:$0x18600] =	vst v63  }
0x32: {  	s8 =	simm.s32 @!p0 $0x4  }
0x33: {  	_ =	swait.ge @!p0 [sflag:s8], $0x4000  }
0x34: {  	[sflag:s8] =	ssyncset.done @!p0 $0x0  }
0x35: {  	[sflag:s8] =	ssyncadd.s32 @!p0 $0xFFFFC000  }
0x36: {  	v2 =	vld.idx.msk [tilespmem:v1+s21+$0x0], $0xffff  }
0x37: {  	v3 =	vor.u32 $0x1, v1;
	_ =	sdelay $0x2  }
0x38: {  	s8 =	simm.s32 $0xE600  }
0x39: {  	[tilespmem:s8+$0xFFFFE000] =	vst v2  }
0x3a: {  	v2 =	vld.idx.msk [tilespmem:v3+s21+$0x0], $0xffff  }
0x3b: {  	v3 =	vor.u32 $0x2, v1;
	_ =	sdelay $0x3  }
0x3c: {  	[tilespmem:s8+$0xFFFFE200] =	vst v2  }
0x3d: {  	v2 =	vld.idx.msk [tilespmem:v3+s21+$0x0], $0xffff  }
0x3e: {  	v3 =	vor.u32 $0x3, v1;
	_ =	sdelay $0x3  }
0x3f: {  	[tilespmem:s8+$0xFFFFE400] =	vst v2  }
0x40: {  	v2 =	vld.idx.msk [tilespmem:v3+s21+$0x0], $0xffff  }
0x41: {  	v3 =	vor.u32 $0x4, v1;
	_ =	sdelay $0x3  }
0x42: {  	[tilespmem:s8+$0xFFFFE600] =	vst v2  }
0x43: {  	v2 =	vld.idx.msk [tilespmem:v3+s21+$0x0], $0xffff  }
0x44: {  	v3 =	vor.u32 $0x5, v1;
	_ =	sdelay $0x3  }
0x45: {  	[tilespmem:s8+$0xFFFFE800] =	vst v2  }
0x46: {  	v2 =	vld.idx.msk [tilespmem:v3+s21+$0x0], $0xffff  }
0x47: {  	v3 =	vor.u32 $0x6, v1;
	_ =	sdelay $0x3  }
0x48: {  	[tilespmem:s8+$0xFFFFEA00] =	vst v2  }
0x49: {  	v2 =	vld.idx.msk [tilespmem:v3+s21+$0x0], $0xffff  }
0x4a: {  	v3 =	vor.u32 $0x7, v1;
	_ =	sdelay $0x3  }
0x4b: {  	[tilespmem:s8+$0xFFFFEC00] =	vst v2  }
0x4c: {  	v2 =	vld.idx.msk [tilespmem:v3+s21+$0x0], $0xffff  }
0x4d: {  	v3 =	vor.u32 $0x8, v1;
	_ =	sdelay $0x3  }
0x4e: {  	[tilespmem:s8+$0xFFFFEE00] =	vst v2  }
0x4f: {  	v2 =	vld.idx.msk [tilespmem:v3+s21+$0x0], $0xffff  }
0x50: {  	v3 =	vor.u32 $0x9, v1;
	_ =	sdelay $0x3  }
0x51: {  	[tilespmem:s8+$0xFFFFF000] =	vst v2  }
0x52: {  	v2 =	vld.idx.msk [tilespmem:v3+s21+$0x0], $0xffff  }
0x53: {  	v3 =	vor.u32 $0xA, v1;
	_ =	sdelay $0x3  }
0x54: {  	[tilespmem:s8+$0xFFFFF200] =	vst v2  }
0x55: {  	v2 =	vld.idx.msk [tilespmem:v3+s21+$0x0], $0xffff  }
0x56: {  	v3 =	vor.u32 $0xB, v1;
	_ =	sdelay $0x3  }
0x57: {  	[tilespmem:s8+$0xFFFFF400] =	vst v2  }
0x58: {  	v2 =	vld.idx.msk [tilespmem:v3+s21+$0x0], $0xffff  }
0x59: {  	v3 =	vor.u32 $0xC, v1;
	_ =	sdelay $0x3  }
0x5a: {  	[tilespmem:s8+$0xFFFFF600] =	vst v2  }
0x5b: {  	v2 =	vld.idx.msk [tilespmem:v3+s21+$0x0], $0xffff  }
0x5c: {  	v3 =	vor.u32 $0xD, v1;
	_ =	sdelay $0x3  }
0x5d: {  	[tilespmem:s8+$0xFFFFF800] =	vst v2  }
0x5e: {  	v2 =	vld.idx.msk [tilespmem:v3+s21+$0x0], $0xffff  }
0x5f: {  	v3 =	vor.u32 $0xE, v1;
	_ =	sdelay $0x3  }
0x60: {  	[tilespmem:s8+$0xFFFFFA00] =	vst v2  }
0x61: {  	v2 =	vld.idx.msk [tilespmem:v3+s21+$0x0], $0xffff  }
0x62: {  	v3 =	vor.u32 $0xF, v1;
	_ =	sdelay $0x3  }
0x63: {  	[tilespmem:s8+$0xFFFFFC00] =	vst v2  }
0x64: {  	v2 =	vld.idx.msk [tilespmem:v3+s21+$0x0], $0xffff  }
0x65: {  	v3 =	vor.u32 $0x10, v1;
	_ =	sdelay $0x3  }
0x66: {  	[tilespmem:s8+$0xFFFFFE00] =	vst v2  }
0x67: {  	v2 =	vld.idx.msk [tilespmem:v3+s21+$0x0], $0xffff  }
0x68: {  	v3 =	vor.u32 $0x11, v1;
	_ =	sdelay $0x3  }
0x69: {  	[tilespmem:s8+$0x0] =	vst v2  }
0x6a: {  	v2 =	vld.idx.msk [tilespmem:v3+s21+$0x0], $0xffff  }
0x6b: {  	v3 =	vor.u32 $0x12, v1;
	_ =	sdelay $0x3  }
0x6c: {  	[tilespmem:s8+$0x200] =	vst v2  }
0x6d: {  	v2 =	vld.idx.msk [tilespmem:v3+s21+$0x0], $0xffff  }
0x6e: {  	v3 =	vor.u32 $0x13, v1;
	_ =	sdelay $0x3  }
0x6f: {  	[tilespmem:s8+$0x400] =	vst v2  }
0x70: {  	v2 =	vld.idx.msk [tilespmem:v3+s21+$0x0], $0xffff  }
0x71: {  	v3 =	vor.u32 $0x14, v1;
	_ =	sdelay $0x3  }
0x72: {  	[tilespmem:s8+$0x600] =	vst v2  }
0x73: {  	v2 =	vld.idx.msk [tilespmem:v3+s21+$0x0], $0xffff  }
0x74: {  	v3 =	vor.u32 $0x15, v1;
	_ =	sdelay $0x3  }
0x75: {  	[tilespmem:s8+$0x800] =	vst v2  }
0x76: {  	v2 =	vld.idx.msk [tilespmem:v3+s21+$0x0], $0xffff  }
0x77: {  	v3 =	vor.u32 $0x16, v1;
	_ =	sdelay $0x3  }
0x78: {  	[tilespmem:s8+$0xA00] =	vst v2  }
0x79: {  	v2 =	vld.idx.msk [tilespmem:v3+s21+$0x0], $0xffff  }
0x7a: {  	v3 =	vor.u32 $0x17, v1;
	_ =	sdelay $0x3  }
0x7b: {  	[tilespmem:s8+$0xC00] =	vst v2  }
0x7c: {  	v2 =	vld.idx.msk [tilespmem:v3+s21+$0x0], $0xffff  }
0x7d: {  	v3 =	vor.u32 $0x18, v1;
	_ =	sdelay $0x3  }
0x7e: {  	[tilespmem:s8+$0xE00] =	vst v2  }
0x7f: {  	v2 =	vld.idx.msk [tilespmem:v3+s21+$0x0], $0xffff  }
0x80: {  	v3 =	vor.u32 $0x19, v1;
	_ =	sdelay $0x3  }
0x81: {  	[tilespmem:s8+$0x1000] =	vst v2  }
0x82: {  	v2 =	vld.idx.msk [tilespmem:v3+s21+$0x0], $0xffff  }
0x83: {  	v3 =	vor.u32 $0x1A, v1;
	_ =	sdelay $0x3  }
0x84: {  	[tilespmem:s8+$0x1200] =	vst v2  }
0x85: {  	v2 =	vld.idx.msk [tilespmem:v3+s21+$0x0], $0xffff  }
0x86: {  	v3 =	vor.u32 $0x1B, v1;
	_ =	sdelay $0x3  }
0x87: {  	[tilespmem:s8+$0x1400] =	vst v2  }
0x88: {  	v2 =	vld.idx.msk [tilespmem:v3+s21+$0x0], $0xffff  }
0x89: {  	v3 =	vor.u32 $0x1C, v1;
	_ =	sdelay $0x3  }
0x8a: {  	[tilespmem:s8+$0x1600] =	vst v2  }
0x8b: {  	v2 =	vld.idx.msk [tilespmem:v3+s21+$0x0], $0xffff  }
0x8c: {  	v3 =	vor.u32 $0x1D, v1;
	_ =	sdelay $0x3  }
0x8d: {  	[tilespmem:s8+$0x1800] =	vst v2  }
0x8e: {  	v2 =	vld.idx.msk [tilespmem:v3+s21+$0x0], $0xffff  }
0x8f: {  	v3 =	vor.u32 $0x1E, v1;
	_ =	sdelay $0x3  }
0x90: {  	[tilespmem:s8+$0x1A00] =	vst v2  }
0x91: {  	v2 =	vld.idx.msk [tilespmem:v3+s21+$0x0], $0xffff  }
0x92: {  	v3 =	vor.u32 $0x1F, v1;
	_ =	sdelay $0x3  }
0x93: {  	s16 =	simm.s32 $0x10;
	[tilespmem:s8+$0x1C00] =	vst v2  }
0x94: {  	s9 =	simm.s32 $0x20;
	v1 =	vmov s16;
	v2 =	vld.idx.msk [tilespmem:v3+s21+$0x0], $0xffff  }
.LBB2_3:
0x95: {  	p1 =	sne.s32 s9, $0x1F0;
	v1 =	vshll.u32 v1, $0x5  }
0x96: {  	v1 =	vor.u32 v0, v1;
	_ =	sdelay $0x3  }
0x97: {  	[tilespmem:s8+$0x1E00] =	vst v2  }
0x98: {  	v2 =	vld.idx.msk [tilespmem:v1+s21+$0x0], $0xffff;
	_ =	sdelay $0x1  }
0x99: {  	v3 =	vor.u32 $0x1, v1;
	_ =	sdelay $0x2  }
0x9a: {  	s8 =	sadd.s32 $0x10, s8  }
0x9b: {  	[tilespmem:s8+$0xFFFFE000] =	vst v2  }
0x9c: {  	v2 =	vld.idx.msk [tilespmem:v3+s21+$0x0], $0xffff;
	_ =	sdelay $0x1  }
0x9d: {  	v3 =	vor.u32 $0x2, v1;
	_ =	sdelay $0x3  }
0x9e: {  	[tilespmem:s8+$0xFFFFE200] =	vst v2  }
0x9f: {  	v2 =	vld.idx.msk [tilespmem:v3+s21+$0x0], $0xffff;
	_ =	sdelay $0x1  }
0xa0: {  	v3 =	vor.u32 $0x3, v1;
	_ =	sdelay $0x3  }
0xa1: {  	[tilespmem:s8+$0xFFFFE400] =	vst v2  }
0xa2: {  	v2 =	vld.idx.msk [tilespmem:v3+s21+$0x0], $0xffff;
	_ =	sdelay $0x1  }
0xa3: {  	v3 =	vor.u32 $0x4, v1;
	_ =	sdelay $0x3  }
0xa4: {  	[tilespmem:s8+$0xFFFFE600] =	vst v2  }
0xa5: {  	v2 =	vld.idx.msk [tilespmem:v3+s21+$0x0], $0xffff;
	_ =	sdelay $0x1  }
0xa6: {  	v3 =	vor.u32 $0x5, v1;
	_ =	sdelay $0x3  }
0xa7: {  	[tilespmem:s8+$0xFFFFE800] =	vst v2  }
0xa8: {  	v2 =	vld.idx.msk [tilespmem:v3+s21+$0x0], $0xffff;
	_ =	sdelay $0x1  }
0xa9: {  	v3 =	vor.u32 $0x6, v1;
	_ =	sdelay $0x3  }
0xaa: {  	[tilespmem:s8+$0xFFFFEA00] =	vst v2  }
0xab: {  	v2 =	vld.idx.msk [tilespmem:v3+s21+$0x0], $0xffff;
	_ =	sdelay $0x1  }
0xac: {  	v3 =	vor.u32 $0x7, v1;
	_ =	sdelay $0x3  }
0xad: {  	[tilespmem:s8+$0xFFFFEC00] =	vst v2  }
0xae: {  	v2 =	vld.idx.msk [tilespmem:v3+s21+$0x0], $0xffff;
	_ =	sdelay $0x1  }
0xaf: {  	v3 =	vor.u32 $0x8, v1;
	_ =	sdelay $0x3  }
0xb0: {  	[tilespmem:s8+$0xFFFFEE00] =	vst v2  }
0xb1: {  	v2 =	vld.idx.msk [tilespmem:v3+s21+$0x0], $0xffff;
	_ =	sdelay $0x1  }
0xb2: {  	v3 =	vor.u32 $0x9, v1;
	_ =	sdelay $0x3  }
0xb3: {  	[tilespmem:s8+$0xFFFFF000] =	vst v2  }
0xb4: {  	v2 =	vld.idx.msk [tilespmem:v3+s21+$0x0], $0xffff;
	_ =	sdelay $0x1  }
0xb5: {  	v3 =	vor.u32 $0xA, v1;
	_ =	sdelay $0x3  }
0xb6: {  	[tilespmem:s8+$0xFFFFF200] =	vst v2  }
0xb7: {  	v2 =	vld.idx.msk [tilespmem:v3+s21+$0x0], $0xffff;
	_ =	sdelay $0x1  }
0xb8: {  	v3 =	vor.u32 $0xB, v1;
	_ =	sdelay $0x3  }
0xb9: {  	[tilespmem:s8+$0xFFFFF400] =	vst v2  }
0xba: {  	v2 =	vld.idx.msk [tilespmem:v3+s21+$0x0], $0xffff;
	_ =	sdelay $0x1  }
0xbb: {  	v3 =	vor.u32 $0xC, v1;
	_ =	sdelay $0x3  }
0xbc: {  	[tilespmem:s8+$0xFFFFF600] =	vst v2  }
0xbd: {  	v2 =	vld.idx.msk [tilespmem:v3+s21+$0x0], $0xffff;
	_ =	sdelay $0x1  }
0xbe: {  	v3 =	vor.u32 $0xD, v1;
	_ =	sdelay $0x3  }
0xbf: {  	[tilespmem:s8+$0xFFFFF800] =	vst v2  }
0xc0: {  	v2 =	vld.idx.msk [tilespmem:v3+s21+$0x0], $0xffff;
	_ =	sdelay $0x1  }
0xc1: {  	v3 =	vor.u32 $0xE, v1;
	_ =	sdelay $0x3  }
0xc2: {  	[tilespmem:s8+$0xFFFFFA00] =	vst v2  }
0xc3: {  	v2 =	vld.idx.msk [tilespmem:v3+s21+$0x0], $0xffff;
	_ =	sdelay $0x1  }
0xc4: {  	v3 =	vor.u32 $0xF, v1;
	_ =	sdelay $0x3  }
0xc5: {  	[tilespmem:s8+$0xFFFFFC00] =	vst v2  }
0xc6: {  	v2 =	vld.idx.msk [tilespmem:v3+s21+$0x0], $0xffff;
	_ =	sdelay $0x1  }
0xc7: {  	v3 =	vor.u32 $0x10, v1;
	_ =	sdelay $0x3  }
0xc8: {  	[tilespmem:s8+$0xFFFFFE00] =	vst v2  }
0xc9: {  	v2 =	vld.idx.msk [tilespmem:v3+s21+$0x0], $0xffff;
	_ =	sdelay $0x1  }
0xca: {  	v3 =	vor.u32 $0x11, v1;
	_ =	sdelay $0x3  }
0xcb: {  	[tilespmem:s8+$0x0] =	vst v2  }
0xcc: {  	v2 =	vld.idx.msk [tilespmem:v3+s21+$0x0], $0xffff;
	_ =	sdelay $0x1  }
0xcd: {  	v3 =	vor.u32 $0x12, v1;
	_ =	sdelay $0x3  }
0xce: {  	[tilespmem:s8+$0x200] =	vst v2  }
0xcf: {  	v2 =	vld.idx.msk [tilespmem:v3+s21+$0x0], $0xffff;
	_ =	sdelay $0x1  }
0xd0: {  	v3 =	vor.u32 $0x13, v1;
	_ =	sdelay $0x3  }
0xd1: {  	[tilespmem:s8+$0x400] =	vst v2  }
0xd2: {  	v2 =	vld.idx.msk [tilespmem:v3+s21+$0x0], $0xffff;
	_ =	sdelay $0x1  }
0xd3: {  	v3 =	vor.u32 $0x14, v1;
	_ =	sdelay $0x3  }
0xd4: {  	[tilespmem:s8+$0x600] =	vst v2  }
0xd5: {  	v2 =	vld.idx.msk [tilespmem:v3+s21+$0x0], $0xffff;
	_ =	sdelay $0x1  }
0xd6: {  	v3 =	vor.u32 $0x15, v1;
	_ =	sdelay $0x3  }
0xd7: {  	[tilespmem:s8+$0x800] =	vst v2  }
0xd8: {  	v2 =	vld.idx.msk [tilespmem:v3+s21+$0x0], $0xffff;
	_ =	sdelay $0x1  }
0xd9: {  	v3 =	vor.u32 $0x16, v1;
	_ =	sdelay $0x3  }
0xda: {  	[tilespmem:s8+$0xA00] =	vst v2  }
0xdb: {  	v2 =	vld.idx.msk [tilespmem:v3+s21+$0x0], $0xffff;
	_ =	sdelay $0x1  }
0xdc: {  	v3 =	vor.u32 $0x17, v1;
	_ =	sdelay $0x3  }
0xdd: {  	[tilespmem:s8+$0xC00] =	vst v2  }
0xde: {  	v2 =	vld.idx.msk [tilespmem:v3+s21+$0x0], $0xffff;
	_ =	sdelay $0x1  }
0xdf: {  	v3 =	vor.u32 $0x18, v1;
	_ =	sdelay $0x3  }
0xe0: {  	[tilespmem:s8+$0xE00] =	vst v2  }
0xe1: {  	v2 =	vld.idx.msk [tilespmem:v3+s21+$0x0], $0xffff;
	_ =	sdelay $0x1  }
0xe2: {  	v3 =	vor.u32 $0x19, v1;
	_ =	sdelay $0x3  }
0xe3: {  	[tilespmem:s8+$0x1000] =	vst v2  }
0xe4: {  	v2 =	vld.idx.msk [tilespmem:v3+s21+$0x0], $0xffff;
	_ =	sdelay $0x1  }
0xe5: {  	v3 =	vor.u32 $0x1A, v1;
	_ =	sdelay $0x3  }
0xe6: {  	[tilespmem:s8+$0x1200] =	vst v2  }
0xe7: {  	v2 =	vld.idx.msk [tilespmem:v3+s21+$0x0], $0xffff;
	_ =	sdelay $0x1  }
0xe8: {  	v3 =	vor.u32 $0x1B, v1;
	_ =	sdelay $0x3  }
0xe9: {  	[tilespmem:s8+$0x1400] =	vst v2  }
0xea: {  	v2 =	vld.idx.msk [tilespmem:v3+s21+$0x0], $0xffff;
	_ =	sdelay $0x1  }
0xeb: {  	v3 =	vor.u32 $0x1C, v1;
	_ =	sdelay $0x3  }
0xec: {  	[tilespmem:s8+$0x1600] =	vst v2  }
0xed: {  	v2 =	vld.idx.msk [tilespmem:v3+s21+$0x0], $0xffff;
	_ =	sdelay $0x1  }
0xee: {  	v3 =	vor.u32 $0x1D, v1;
	_ =	sdelay $0x3  }
0xef: {  	[tilespmem:s8+$0x1800] =	vst v2  }
0xf0: {  	v2 =	vld.idx.msk [tilespmem:v3+s21+$0x0], $0xffff;
	_ =	sdelay $0x1  }
0xf1: {  	v3 =	vor.u32 $0x1E, v1;
	_ =	sdelay $0x3  }
0xf2: {  	[tilespmem:s8+$0x1A00] =	vst v2  }
0xf3: {  	v2 =	vld.idx.msk [tilespmem:v3+s21+$0x0], $0xffff;
	_ =	sdelay $0x1  }
0xf4: {  	v3 =	vor.u32 $0x1F, v1  }
.Ltmp0:
0xf5: {  	(pc) =	sbr.rel @p1 .LBB2_3-.Ltmp0, $3  }
0xf6: {  	_ =	sdelay $0x1  }
0xf7: {  	[tilespmem:s8+$0x1C00] =	vst v2  }
0xf8: {  	v1 =	vmov s9;
	s9 =	sadd.s32 $0x10, s9;
	v2 =	vld.idx.msk [tilespmem:v3+s21+$0x0], $0xffff  }
0xf9: {  	v1 =	vshll.u32 v1, $0x5  }
0xfa: {  	v1 =	vor.u32 v0, v1;
	_ =	sdelay $0x3  }
0xfb: {  	[tilespmem:s8+$0x1E00] =	vst v2  }
0xfc: {  	v2 =	vld.idx.msk [tilespmem:v1+s21+$0x0], $0xffff  }
0xfd: {  	v3 =	vor.u32 $0x1, v1;
	_ =	sdelay $0x2  }
0xfe: {  	s8 =	sadd.s32 $0x10, s8  }
0xff: {  	[tilespmem:s8+$0xFFFFE000] =	vst v2  }
0x100: {  	v2 =	vld.idx.msk [tilespmem:v3+s21+$0x0], $0xffff  }
0x101: {  	v3 =	vor.u32 $0x2, v1;
	_ =	sdelay $0x3  }
0x102: {  	[tilespmem:s8+$0xFFFFE200] =	vst v2  }
0x103: {  	v2 =	vld.idx.msk [tilespmem:v3+s21+$0x0], $0xffff  }
0x104: {  	v3 =	vor.u32 $0x3, v1;
	_ =	sdelay $0x3  }
0x105: {  	[tilespmem:s8+$0xFFFFE400] =	vst v2  }
0x106: {  	v2 =	vld.idx.msk [tilespmem:v3+s21+$0x0], $0xffff  }
0x107: {  	v3 =	vor.u32 $0x4, v1;
	_ =	sdelay $0x3  }
0x108: {  	[tilespmem:s8+$0xFFFFE600] =	vst v2  }
0x109: {  	v2 =	vld.idx.msk [tilespmem:v3+s21+$0x0], $0xffff  }
0x10a: {  	v3 =	vor.u32 $0x5, v1;
	_ =	sdelay $0x3  }
0x10b: {  	[tilespmem:s8+$0xFFFFE800] =	vst v2  }
0x10c: {  	v2 =	vld.idx.msk [tilespmem:v3+s21+$0x0], $0xffff  }
0x10d: {  	v3 =	vor.u32 $0x6, v1;
	_ =	sdelay $0x3  }
0x10e: {  	[tilespmem:s8+$0xFFFFEA00] =	vst v2  }
0x10f: {  	v2 =	vld.idx.msk [tilespmem:v3+s21+$0x0], $0xffff  }
0x110: {  	v3 =	vor.u32 $0x7, v1;
	_ =	sdelay $0x3  }
0x111: {  	[tilespmem:s8+$0xFFFFEC00] =	vst v2  }
0x112: {  	v2 =	vld.idx.msk [tilespmem:v3+s21+$0x0], $0xffff  }
0x113: {  	v3 =	vor.u32 $0x8, v1;
	_ =	sdelay $0x3  }
0x114: {  	[tilespmem:s8+$0xFFFFEE00] =	vst v2  }
0x115: {  	v2 =	vld.idx.msk [tilespmem:v3+s21+$0x0], $0xffff  }
0x116: {  	v3 =	vor.u32 $0x9, v1;
	_ =	sdelay $0x3  }
0x117: {  	[tilespmem:s8+$0xFFFFF000] =	vst v2  }
0x118: {  	v2 =	vld.idx.msk [tilespmem:v3+s21+$0x0], $0xffff  }
0x119: {  	v3 =	vor.u32 $0xA, v1;
	_ =	sdelay $0x3  }
0x11a: {  	[tilespmem:s8+$0xFFFFF200] =	vst v2  }
0x11b: {  	v2 =	vld.idx.msk [tilespmem:v3+s21+$0x0], $0xffff  }
0x11c: {  	v3 =	vor.u32 $0xB, v1;
	_ =	sdelay $0x3  }
0x11d: {  	[tilespmem:s8+$0xFFFFF400] =	vst v2  }
0x11e: {  	v2 =	vld.idx.msk [tilespmem:v3+s21+$0x0], $0xffff  }
0x11f: {  	v3 =	vor.u32 $0xC, v1;
	_ =	sdelay $0x3  }
0x120: {  	[tilespmem:s8+$0xFFFFF600] =	vst v2  }
0x121: {  	v2 =	vld.idx.msk [tilespmem:v3+s21+$0x0], $0xffff  }
0x122: {  	v3 =	vor.u32 $0xD, v1;
	_ =	sdelay $0x3  }
0x123: {  	[tilespmem:s8+$0xFFFFF800] =	vst v2  }
0x124: {  	v2 =	vld.idx.msk [tilespmem:v3+s21+$0x0], $0xffff  }
0x125: {  	v3 =	vor.u32 $0xE, v1;
	_ =	sdelay $0x3  }
0x126: {  	[tilespmem:s8+$0xFFFFFA00] =	vst v2  }
0x127: {  	v2 =	vld.idx.msk [tilespmem:v3+s21+$0x0], $0xffff  }
0x128: {  	v3 =	vor.u32 $0xF, v1;
	_ =	sdelay $0x3  }
0x129: {  	[tilespmem:s8+$0xFFFFFC00] =	vst v2  }
0x12a: {  	v2 =	vld.idx.msk [tilespmem:v3+s21+$0x0], $0xffff  }
0x12b: {  	v3 =	vor.u32 $0x10, v1;
	_ =	sdelay $0x3  }
0x12c: {  	[tilespmem:s8+$0xFFFFFE00] =	vst v2  }
0x12d: {  	v2 =	vld.idx.msk [tilespmem:v3+s21+$0x0], $0xffff  }
0x12e: {  	v3 =	vor.u32 $0x11, v1;
	_ =	sdelay $0x3  }
0x12f: {  	[tilespmem:s8+$0x0] =	vst v2  }
0x130: {  	v2 =	vld.idx.msk [tilespmem:v3+s21+$0x0], $0xffff  }
0x131: {  	v3 =	vor.u32 $0x12, v1;
	_ =	sdelay $0x3  }
0x132: {  	[tilespmem:s8+$0x200] =	vst v2  }
0x133: {  	v2 =	vld.idx.msk [tilespmem:v3+s21+$0x0], $0xffff  }
0x134: {  	v3 =	vor.u32 $0x13, v1;
	_ =	sdelay $0x3  }
0x135: {  	[tilespmem:s8+$0x400] =	vst v2  }
0x136: {  	v2 =	vld.idx.msk [tilespmem:v3+s21+$0x0], $0xffff  }
0x137: {  	v3 =	vor.u32 $0x14, v1;
	_ =	sdelay $0x3  }
0x138: {  	[tilespmem:s8+$0x600] =	vst v2  }
0x139: {  	v2 =	vld.idx.msk [tilespmem:v3+s21+$0x0], $0xffff  }
0x13a: {  	v3 =	vor.u32 $0x15, v1;
	_ =	sdelay $0x3  }
0x13b: {  	[tilespmem:s8+$0x800] =	vst v2  }
0x13c: {  	v2 =	vld.idx.msk [tilespmem:v3+s21+$0x0], $0xffff  }
0x13d: {  	v3 =	vor.u32 $0x16, v1;
	_ =	sdelay $0x3  }
0x13e: {  	[tilespmem:s8+$0xA00] =	vst v2  }
0x13f: {  	v2 =	vld.idx.msk [tilespmem:v3+s21+$0x0], $0xffff  }
0x140: {  	v3 =	vor.u32 $0x17, v1;
	_ =	sdelay $0x3  }
0x141: {  	[tilespmem:s8+$0xC00] =	vst v2  }
0x142: {  	v2 =	vld.idx.msk [tilespmem:v3+s21+$0x0], $0xffff  }
0x143: {  	v3 =	vor.u32 $0x18, v1;
	_ =	sdelay $0x3  }
0x144: {  	[tilespmem:s8+$0xE00] =	vst v2  }
0x145: {  	v2 =	vld.idx.msk [tilespmem:v3+s21+$0x0], $0xffff  }
0x146: {  	v3 =	vor.u32 $0x19, v1;
	_ =	sdelay $0x3  }
0x147: {  	[tilespmem:s8+$0x1000] =	vst v2  }
0x148: {  	v2 =	vld.idx.msk [tilespmem:v3+s21+$0x0], $0xffff  }
0x149: {  	v3 =	vor.u32 $0x1A, v1;
	_ =	sdelay $0x3  }
0x14a: {  	[tilespmem:s8+$0x1200] =	vst v2  }
0x14b: {  	v2 =	vld.idx.msk [tilespmem:v3+s21+$0x0], $0xffff  }
0x14c: {  	v3 =	vor.u32 $0x1B, v1;
	_ =	sdelay $0x3  }
0x14d: {  	[tilespmem:s8+$0x1400] =	vst v2  }
0x14e: {  	v2 =	vld.idx.msk [tilespmem:v3+s21+$0x0], $0xffff  }
0x14f: {  	v3 =	vor.u32 $0x1C, v1;
	_ =	sdelay $0x3  }
0x150: {  	[tilespmem:s8+$0x1600] =	vst v2  }
0x151: {  	v2 =	vld.idx.msk [tilespmem:v3+s21+$0x0], $0xffff  }
0x152: {  	v3 =	vor.u32 $0x1D, v1;
	_ =	sdelay $0x3  }
0x153: {  	[tilespmem:s8+$0x1800] =	vst v2  }
0x154: {  	v2 =	vld.idx.msk [tilespmem:v3+s21+$0x0], $0xffff  }
0x155: {  	v3 =	vor.u32 $0x1E, v1;
	_ =	sdelay $0x3  }
0x156: {  	[tilespmem:s8+$0x1A00] =	vst v2  }
0x157: {  	v2 =	vld.idx.msk [tilespmem:v3+s21+$0x0], $0xffff  }
0x158: {  	v1 =	vor.u32 $0x1F, v1;
	_ =	sdelay $0x3  }
0x159: {  	[tilespmem:s8+$0x1C00] =	vst v2  }
0x15a: {  	v1 =	vld.idx.msk [tilespmem:v1+s21+$0x0], $0xffff  }
0x15b: {  	s9 =	sadd.s32 s6, s7  }
0x15c: {  	s16 =	sshll.u32 s9, $0x6  }
0x15d: {  	s9 =	sshll.u32 s9, $0xB;
	s16 =	sand.u32 $0x7C0, s16  }
0x15e: {  	s9 =	sand.u32 $0xFFF0000, s9;
	s16 =	sadd.s32 s5, s16  }
0x15f: {  	s16 =	sadd.s32 s9, s16;
	[tilespmem:s8+$0x1E00] =	vst v1  }
0x160: {  	[hbm4b:s16+s18] =	stream.strided.scatter [tilespmem:s29], [sflag:$0x4], $0x4000, s28, s18, $0x38;
	[tilespmem:$0x18600] =	vst v63  }
0x161: {  	_ =	swait.ge [sflag:s20], $0x200  }
0x162: {  	[sflag:s20] =	ssyncset.done $0x0  }
0x163: {  	s9 =	sadd.s32 s7, s11;
	[sflag:s20] =	ssyncadd.s32 $0xFFFFFE00  }
0x164: {  	[tilespmem:s21], [sflag:$0x1] =	stream.indirect.gather [hbm4b:s4+s18], $0x20, s3, s18, $0xb8;
	[tilespmem:$0x18600] =	vst v63  }
0x165: {  	s8 =	sshll.u32 s9, $0x6;
	s16 =	simm.s32 $0x0;
	_ =	swait.ge [sflag:s30], $0x4000  }
0x166: {  	s8 =	sand.u32 $0xFFFFFC0, s8;
	v1 =	vmov s16;
	[sflag:s30] =	ssyncset.done $0x0  }
0x167: {  	s8 =	sadd.s32 s2, s8;
	v1 =	vshll.u32 v1, $0x5;
	[sflag:s30] =	ssyncadd.s32 $0xFFFFC000  }
0x168: {  	v1 =	vor.u32 v0, v1;
	[tilespmem:s18], [sflag:$0x8] =	stream.linear.gather [hbm4b:s8+s3], $0x200, $0x38;
	[tilespmem:$0x18600] =	vst v63  }
0x169: {  	s8 =	simm.s32 @!p0 $0x5  }
0x16a: {  	_ =	swait.ge @!p0 [sflag:s8], $0x4000  }
0x16b: {  	[sflag:s8] =	ssyncset.done @!p0 $0x0  }
0x16c: {  	[sflag:s8] =	ssyncadd.s32 @!p0 $0xFFFFC000  }
0x16d: {  	v2 =	vld.idx.msk [tilespmem:v1+s23+$0x0], $0xffff  }
0x16e: {  	v3 =	vor.u32 $0x1, v1;
	_ =	sdelay $0x2  }
0x16f: {  	s8 =	simm.s32 $0x12600  }
0x170: {  	[tilespmem:s8+$0xFFFFE000] =	vst v2  }
0x171: {  	v2 =	vld.idx.msk [tilespmem:v3+s23+$0x0], $0xffff  }
0x172: {  	v3 =	vor.u32 $0x2, v1;
	_ =	sdelay $0x3  }
0x173: {  	[tilespmem:s8+$0xFFFFE200] =	vst v2  }
0x174: {  	v2 =	vld.idx.msk [tilespmem:v3+s23+$0x0], $0xffff  }
0x175: {  	v3 =	vor.u32 $0x3, v1;
	_ =	sdelay $0x3  }
0x176: {  	[tilespmem:s8+$0xFFFFE400] =	vst v2  }
0x177: {  	v2 =	vld.idx.msk [tilespmem:v3+s23+$0x0], $0xffff  }
0x178: {  	v3 =	vor.u32 $0x4, v1;
	_ =	sdelay $0x3  }
0x179: {  	[tilespmem:s8+$0xFFFFE600] =	vst v2  }
0x17a: {  	v2 =	vld.idx.msk [tilespmem:v3+s23+$0x0], $0xffff  }
0x17b: {  	v3 =	vor.u32 $0x5, v1;
	_ =	sdelay $0x3  }
0x17c: {  	[tilespmem:s8+$0xFFFFE800] =	vst v2  }
0x17d: {  	v2 =	vld.idx.msk [tilespmem:v3+s23+$0x0], $0xffff  }
0x17e: {  	v3 =	vor.u32 $0x6, v1;
	_ =	sdelay $0x3  }
0x17f: {  	[tilespmem:s8+$0xFFFFEA00] =	vst v2  }
0x180: {  	v2 =	vld.idx.msk [tilespmem:v3+s23+$0x0], $0xffff  }
0x181: {  	v3 =	vor.u32 $0x7, v1;
	_ =	sdelay $0x3  }
0x182: {  	[tilespmem:s8+$0xFFFFEC00] =	vst v2  }
0x183: {  	v2 =	vld.idx.msk [tilespmem:v3+s23+$0x0], $0xffff  }
0x184: {  	v3 =	vor.u32 $0x8, v1;
	_ =	sdelay $0x3  }
0x185: {  	[tilespmem:s8+$0xFFFFEE00] =	vst v2  }
0x186: {  	v2 =	vld.idx.msk [tilespmem:v3+s23+$0x0], $0xffff  }
0x187: {  	v3 =	vor.u32 $0x9, v1;
	_ =	sdelay $0x3  }
0x188: {  	[tilespmem:s8+$0xFFFFF000] =	vst v2  }
0x189: {  	v2 =	vld.idx.msk [tilespmem:v3+s23+$0x0], $0xffff  }
0x18a: {  	v3 =	vor.u32 $0xA, v1;
	_ =	sdelay $0x3  }
0x18b: {  	[tilespmem:s8+$0xFFFFF200] =	vst v2  }
0x18c: {  	v2 =	vld.idx.msk [tilespmem:v3+s23+$0x0], $0xffff  }
0x18d: {  	v3 =	vor.u32 $0xB, v1;
	_ =	sdelay $0x3  }
0x18e: {  	[tilespmem:s8+$0xFFFFF400] =	vst v2  }
0x18f: {  	v2 =	vld.idx.msk [tilespmem:v3+s23+$0x0], $0xffff  }
0x190: {  	v3 =	vor.u32 $0xC, v1;
	_ =	sdelay $0x3  }
0x191: {  	[tilespmem:s8+$0xFFFFF600] =	vst v2  }
0x192: {  	v2 =	vld.idx.msk [tilespmem:v3+s23+$0x0], $0xffff  }
0x193: {  	v3 =	vor.u32 $0xD, v1;
	_ =	sdelay $0x3  }
0x194: {  	[tilespmem:s8+$0xFFFFF800] =	vst v2  }
0x195: {  	v2 =	vld.idx.msk [tilespmem:v3+s23+$0x0], $0xffff  }
0x196: {  	v3 =	vor.u32 $0xE, v1;
	_ =	sdelay $0x3  }
0x197: {  	[tilespmem:s8+$0xFFFFFA00] =	vst v2  }
0x198: {  	v2 =	vld.idx.msk [tilespmem:v3+s23+$0x0], $0xffff  }
0x199: {  	v3 =	vor.u32 $0xF, v1;
	_ =	sdelay $0x3  }
0x19a: {  	[tilespmem:s8+$0xFFFFFC00] =	vst v2  }
0x19b: {  	v2 =	vld.idx.msk [tilespmem:v3+s23+$0x0], $0xffff  }
0x19c: {  	v3 =	vor.u32 $0x10, v1;
	_ =	sdelay $0x3  }
0x19d: {  	[tilespmem:s8+$0xFFFFFE00] =	vst v2  }
0x19e: {  	v2 =	vld.idx.msk [tilespmem:v3+s23+$0x0], $0xffff  }
0x19f: {  	v3 =	vor.u32 $0x11, v1;
	_ =	sdelay $0x3  }
0x1a0: {  	[tilespmem:s8+$0x0] =	vst v2  }
0x1a1: {  	v2 =	vld.idx.msk [tilespmem:v3+s23+$0x0], $0xffff  }
0x1a2: {  	v3 =	vor.u32 $0x12, v1;
	_ =	sdelay $0x3  }
0x1a3: {  	[tilespmem:s8+$0x200] =	vst v2  }
0x1a4: {  	v2 =	vld.idx.msk [tilespmem:v3+s23+$0x0], $0xffff  }
0x1a5: {  	v3 =	vor.u32 $0x13, v1;
	_ =	sdelay $0x3  }
0x1a6: {  	[tilespmem:s8+$0x400] =	vst v2  }
0x1a7: {  	v2 =	vld.idx.msk [tilespmem:v3+s23+$0x0], $0xffff  }
0x1a8: {  	v3 =	vor.u32 $0x14, v1;
	_ =	sdelay $0x3  }
0x1a9: {  	[tilespmem:s8+$0x600] =	vst v2  }
0x1aa: {  	v2 =	vld.idx.msk [tilespmem:v3+s23+$0x0], $0xffff  }
0x1ab: {  	v3 =	vor.u32 $0x15, v1;
	_ =	sdelay $0x3  }
0x1ac: {  	[tilespmem:s8+$0x800] =	vst v2  }
0x1ad: {  	v2 =	vld.idx.msk [tilespmem:v3+s23+$0x0], $0xffff  }
0x1ae: {  	v3 =	vor.u32 $0x16, v1;
	_ =	sdelay $0x3  }
0x1af: {  	[tilespmem:s8+$0xA00] =	vst v2  }
0x1b0: {  	v2 =	vld.idx.msk [tilespmem:v3+s23+$0x0], $0xffff  }
0x1b1: {  	v3 =	vor.u32 $0x17, v1;
	_ =	sdelay $0x3  }
0x1b2: {  	[tilespmem:s8+$0xC00] =	vst v2  }
0x1b3: {  	v2 =	vld.idx.msk [tilespmem:v3+s23+$0x0], $0xffff  }
0x1b4: {  	v3 =	vor.u32 $0x18, v1;
	_ =	sdelay $0x3  }
0x1b5: {  	[tilespmem:s8+$0xE00] =	vst v2  }
0x1b6: {  	v2 =	vld.idx.msk [tilespmem:v3+s23+$0x0], $0xffff  }
0x1b7: {  	v3 =	vor.u32 $0x19, v1;
	_ =	sdelay $0x3  }
0x1b8: {  	[tilespmem:s8+$0x1000] =	vst v2  }
0x1b9: {  	v2 =	vld.idx.msk [tilespmem:v3+s23+$0x0], $0xffff  }
0x1ba: {  	v3 =	vor.u32 $0x1A, v1;
	_ =	sdelay $0x3  }
0x1bb: {  	[tilespmem:s8+$0x1200] =	vst v2  }
0x1bc: {  	v2 =	vld.idx.msk [tilespmem:v3+s23+$0x0], $0xffff  }
0x1bd: {  	v3 =	vor.u32 $0x1B, v1;
	_ =	sdelay $0x3  }
0x1be: {  	[tilespmem:s8+$0x1400] =	vst v2  }
0x1bf: {  	v2 =	vld.idx.msk [tilespmem:v3+s23+$0x0], $0xffff  }
0x1c0: {  	v3 =	vor.u32 $0x1C, v1;
	_ =	sdelay $0x3  }
0x1c1: {  	[tilespmem:s8+$0x1600] =	vst v2  }
0x1c2: {  	v2 =	vld.idx.msk [tilespmem:v3+s23+$0x0], $0xffff  }
0x1c3: {  	v3 =	vor.u32 $0x1D, v1;
	_ =	sdelay $0x3  }
0x1c4: {  	[tilespmem:s8+$0x1800] =	vst v2  }
0x1c5: {  	v2 =	vld.idx.msk [tilespmem:v3+s23+$0x0], $0xffff  }
0x1c6: {  	v3 =	vor.u32 $0x1E, v1;
	_ =	sdelay $0x3  }
0x1c7: {  	[tilespmem:s8+$0x1A00] =	vst v2  }
0x1c8: {  	v2 =	vld.idx.msk [tilespmem:v3+s23+$0x0], $0xffff  }
0x1c9: {  	v3 =	vor.u32 $0x1F, v1;
	_ =	sdelay $0x3  }
0x1ca: {  	s16 =	simm.s32 $0x10;
	[tilespmem:s8+$0x1C00] =	vst v2  }
0x1cb: {  	s9 =	simm.s32 $0x20;
	v1 =	vmov s16;
	v2 =	vld.idx.msk [tilespmem:v3+s23+$0x0], $0xffff  }
.LBB2_5:
0x1cc: {  	p0 =	sne.s32 s9, $0x1F0;
	v1 =	vshll.u32 v1, $0x5  }
0x1cd: {  	v1 =	vor.u32 v0, v1;
	_ =	sdelay $0x3  }
0x1ce: {  	[tilespmem:s8+$0x1E00] =	vst v2  }
0x1cf: {  	v2 =	vld.idx.msk [tilespmem:v1+s23+$0x0], $0xffff;
	_ =	sdelay $0x1  }
0x1d0: {  	v3 =	vor.u32 $0x1, v1;
	_ =	sdelay $0x2  }
0x1d1: {  	s8 =	sadd.s32 $0x10, s8  }
0x1d2: {  	[tilespmem:s8+$0xFFFFE000] =	vst v2  }
0x1d3: {  	v2 =	vld.idx.msk [tilespmem:v3+s23+$0x0], $0xffff;
	_ =	sdelay $0x1  }
0x1d4: {  	v3 =	vor.u32 $0x2, v1;
	_ =	sdelay $0x3  }
0x1d5: {  	[tilespmem:s8+$0xFFFFE200] =	vst v2  }
0x1d6: {  	v2 =	vld.idx.msk [tilespmem:v3+s23+$0x0], $0xffff;
	_ =	sdelay $0x1  }
0x1d7: {  	v3 =	vor.u32 $0x3, v1;
	_ =	sdelay $0x3  }
0x1d8: {  	[tilespmem:s8+$0xFFFFE400] =	vst v2  }
0x1d9: {  	v2 =	vld.idx.msk [tilespmem:v3+s23+$0x0], $0xffff;
	_ =	sdelay $0x1  }
0x1da: {  	v3 =	vor.u32 $0x4, v1;
	_ =	sdelay $0x3  }
0x1db: {  	[tilespmem:s8+$0xFFFFE600] =	vst v2  }
0x1dc: {  	v2 =	vld.idx.msk [tilespmem:v3+s23+$0x0], $0xffff;
	_ =	sdelay $0x1  }
0x1dd: {  	v3 =	vor.u32 $0x5, v1;
	_ =	sdelay $0x3  }
0x1de: {  	[tilespmem:s8+$0xFFFFE800] =	vst v2  }
0x1df: {  	v2 =	vld.idx.msk [tilespmem:v3+s23+$0x0], $0xffff;
	_ =	sdelay $0x1  }
0x1e0: {  	v3 =	vor.u32 $0x6, v1;
	_ =	sdelay $0x3  }
0x1e1: {  	[tilespmem:s8+$0xFFFFEA00] =	vst v2  }
0x1e2: {  	v2 =	vld.idx.msk [tilespmem:v3+s23+$0x0], $0xffff;
	_ =	sdelay $0x1  }
0x1e3: {  	v3 =	vor.u32 $0x7, v1;
	_ =	sdelay $0x3  }
0x1e4: {  	[tilespmem:s8+$0xFFFFEC00] =	vst v2  }
0x1e5: {  	v2 =	vld.idx.msk [tilespmem:v3+s23+$0x0], $0xffff;
	_ =	sdelay $0x1  }
0x1e6: {  	v3 =	vor.u32 $0x8, v1;
	_ =	sdelay $0x3  }
0x1e7: {  	[tilespmem:s8+$0xFFFFEE00] =	vst v2  }
0x1e8: {  	v2 =	vld.idx.msk [tilespmem:v3+s23+$0x0], $0xffff;
	_ =	sdelay $0x1  }
0x1e9: {  	v3 =	vor.u32 $0x9, v1;
	_ =	sdelay $0x3  }
0x1ea: {  	[tilespmem:s8+$0xFFFFF000] =	vst v2  }
0x1eb: {  	v2 =	vld.idx.msk [tilespmem:v3+s23+$0x0], $0xffff;
	_ =	sdelay $0x1  }
0x1ec: {  	v3 =	vor.u32 $0xA, v1;
	_ =	sdelay $0x3  }
0x1ed: {  	[tilespmem:s8+$0xFFFFF200] =	vst v2  }
0x1ee: {  	v2 =	vld.idx.msk [tilespmem:v3+s23+$0x0], $0xffff;
	_ =	sdelay $0x1  }
0x1ef: {  	v3 =	vor.u32 $0xB, v1;
	_ =	sdelay $0x3  }
0x1f0: {  	[tilespmem:s8+$0xFFFFF400] =	vst v2  }
0x1f1: {  	v2 =	vld.idx.msk [tilespmem:v3+s23+$0x0], $0xffff;
	_ =	sdelay $0x1  }
0x1f2: {  	v3 =	vor.u32 $0xC, v1;
	_ =	sdelay $0x3  }
0x1f3: {  	[tilespmem:s8+$0xFFFFF600] =	vst v2  }
0x1f4: {  	v2 =	vld.idx.msk [tilespmem:v3+s23+$0x0], $0xffff;
	_ =	sdelay $0x1  }
0x1f5: {  	v3 =	vor.u32 $0xD, v1;
	_ =	sdelay $0x3  }
0x1f6: {  	[tilespmem:s8+$0xFFFFF800] =	vst v2  }
0x1f7: {  	v2 =	vld.idx.msk [tilespmem:v3+s23+$0x0], $0xffff;
	_ =	sdelay $0x1  }
0x1f8: {  	v3 =	vor.u32 $0xE, v1;
	_ =	sdelay $0x3  }
0x1f9: {  	[tilespmem:s8+$0xFFFFFA00] =	vst v2  }
0x1fa: {  	v2 =	vld.idx.msk [tilespmem:v3+s23+$0x0], $0xffff;
	_ =	sdelay $0x1  }
0x1fb: {  	v3 =	vor.u32 $0xF, v1;
	_ =	sdelay $0x3  }
0x1fc: {  	[tilespmem:s8+$0xFFFFFC00] =	vst v2  }
0x1fd: {  	v2 =	vld.idx.msk [tilespmem:v3+s23+$0x0], $0xffff;
	_ =	sdelay $0x1  }
0x1fe: {  	v3 =	vor.u32 $0x10, v1;
	_ =	sdelay $0x3  }
0x1ff: {  	[tilespmem:s8+$0xFFFFFE00] =	vst v2  }
0x200: {  	v2 =	vld.idx.msk [tilespmem:v3+s23+$0x0], $0xffff;
	_ =	sdelay $0x1  }
0x201: {  	v3 =	vor.u32 $0x11, v1;
	_ =	sdelay $0x3  }
0x202: {  	[tilespmem:s8+$0x0] =	vst v2  }
0x203: {  	v2 =	vld.idx.msk [tilespmem:v3+s23+$0x0], $0xffff;
	_ =	sdelay $0x1  }
0x204: {  	v3 =	vor.u32 $0x12, v1;
	_ =	sdelay $0x3  }
0x205: {  	[tilespmem:s8+$0x200] =	vst v2  }
0x206: {  	v2 =	vld.idx.msk [tilespmem:v3+s23+$0x0], $0xffff;
	_ =	sdelay $0x1  }
0x207: {  	v3 =	vor.u32 $0x13, v1;
	_ =	sdelay $0x3  }
0x208: {  	[tilespmem:s8+$0x400] =	vst v2  }
0x209: {  	v2 =	vld.idx.msk [tilespmem:v3+s23+$0x0], $0xffff;
	_ =	sdelay $0x1  }
0x20a: {  	v3 =	vor.u32 $0x14, v1;
	_ =	sdelay $0x3  }
0x20b: {  	[tilespmem:s8+$0x600] =	vst v2  }
0x20c: {  	v2 =	vld.idx.msk [tilespmem:v3+s23+$0x0], $0xffff;
	_ =	sdelay $0x1  }
0x20d: {  	v3 =	vor.u32 $0x15, v1;
	_ =	sdelay $0x3  }
0x20e: {  	[tilespmem:s8+$0x800] =	vst v2  }
0x20f: {  	v2 =	vld.idx.msk [tilespmem:v3+s23+$0x0], $0xffff;
	_ =	sdelay $0x1  }
0x210: {  	v3 =	vor.u32 $0x16, v1;
	_ =	sdelay $0x3  }
0x211: {  	[tilespmem:s8+$0xA00] =	vst v2  }
0x212: {  	v2 =	vld.idx.msk [tilespmem:v3+s23+$0x0], $0xffff;
	_ =	sdelay $0x1  }
0x213: {  	v3 =	vor.u32 $0x17, v1;
	_ =	sdelay $0x3  }
0x214: {  	[tilespmem:s8+$0xC00] =	vst v2  }
0x215: {  	v2 =	vld.idx.msk [tilespmem:v3+s23+$0x0], $0xffff;
	_ =	sdelay $0x1  }
0x216: {  	v3 =	vor.u32 $0x18, v1;
	_ =	sdelay $0x3  }
0x217: {  	[tilespmem:s8+$0xE00] =	vst v2  }
0x218: {  	v2 =	vld.idx.msk [tilespmem:v3+s23+$0x0], $0xffff;
	_ =	sdelay $0x1  }
0x219: {  	v3 =	vor.u32 $0x19, v1;
	_ =	sdelay $0x3  }
0x21a: {  	[tilespmem:s8+$0x1000] =	vst v2  }
0x21b: {  	v2 =	vld.idx.msk [tilespmem:v3+s23+$0x0], $0xffff;
	_ =	sdelay $0x1  }
0x21c: {  	v3 =	vor.u32 $0x1A, v1;
	_ =	sdelay $0x3  }
0x21d: {  	[tilespmem:s8+$0x1200] =	vst v2  }
0x21e: {  	v2 =	vld.idx.msk [tilespmem:v3+s23+$0x0], $0xffff;
	_ =	sdelay $0x1  }
0x21f: {  	v3 =	vor.u32 $0x1B, v1;
	_ =	sdelay $0x3  }
0x220: {  	[tilespmem:s8+$0x1400] =	vst v2  }
0x221: {  	v2 =	vld.idx.msk [tilespmem:v3+s23+$0x0], $0xffff;
	_ =	sdelay $0x1  }
0x222: {  	v3 =	vor.u32 $0x1C, v1;
	_ =	sdelay $0x3  }
0x223: {  	[tilespmem:s8+$0x1600] =	vst v2  }
0x224: {  	v2 =	vld.idx.msk [tilespmem:v3+s23+$0x0], $0xffff;
	_ =	sdelay $0x1  }
0x225: {  	v3 =	vor.u32 $0x1D, v1;
	_ =	sdelay $0x3  }
0x226: {  	[tilespmem:s8+$0x1800] =	vst v2  }
0x227: {  	v2 =	vld.idx.msk [tilespmem:v3+s23+$0x0], $0xffff;
	_ =	sdelay $0x1  }
0x228: {  	v3 =	vor.u32 $0x1E, v1;
	_ =	sdelay $0x3  }
0x229: {  	[tilespmem:s8+$0x1A00] =	vst v2  }
0x22a: {  	v2 =	vld.idx.msk [tilespmem:v3+s23+$0x0], $0xffff;
	_ =	sdelay $0x1  }
0x22b: {  	v3 =	vor.u32 $0x1F, v1  }
.Ltmp1:
0x22c: {  	(pc) =	sbr.rel @p0 .LBB2_5-.Ltmp1, $3  }
0x22d: {  	_ =	sdelay $0x1  }
0x22e: {  	[tilespmem:s8+$0x1C00] =	vst v2  }
0x22f: {  	v1 =	vmov s9;
	s9 =	sadd.s32 $0x10, s9;
	v2 =	vld.idx.msk [tilespmem:v3+s23+$0x0], $0xffff  }
0x230: {  	v1 =	vshll.u32 v1, $0x5  }
0x231: {  	v1 =	vor.u32 v0, v1;
	_ =	sdelay $0x3  }
0x232: {  	[tilespmem:s8+$0x1E00] =	vst v2  }
0x233: {  	v2 =	vld.idx.msk [tilespmem:v1+s23+$0x0], $0xffff  }
0x234: {  	v3 =	vor.u32 $0x1, v1;
	_ =	sdelay $0x2  }
0x235: {  	s8 =	sadd.s32 $0x10, s8  }
0x236: {  	[tilespmem:s8+$0xFFFFE000] =	vst v2  }
0x237: {  	v2 =	vld.idx.msk [tilespmem:v3+s23+$0x0], $0xffff  }
0x238: {  	v3 =	vor.u32 $0x2, v1;
	_ =	sdelay $0x3  }
0x239: {  	[tilespmem:s8+$0xFFFFE200] =	vst v2  }
0x23a: {  	v2 =	vld.idx.msk [tilespmem:v3+s23+$0x0], $0xffff  }
0x23b: {  	v3 =	vor.u32 $0x3, v1;
	_ =	sdelay $0x3  }
0x23c: {  	[tilespmem:s8+$0xFFFFE400] =	vst v2  }
0x23d: {  	v2 =	vld.idx.msk [tilespmem:v3+s23+$0x0], $0xffff  }
0x23e: {  	v3 =	vor.u32 $0x4, v1;
	_ =	sdelay $0x3  }
0x23f: {  	[tilespmem:s8+$0xFFFFE600] =	vst v2  }
0x240: {  	v2 =	vld.idx.msk [tilespmem:v3+s23+$0x0], $0xffff  }
0x241: {  	v3 =	vor.u32 $0x5, v1;
	_ =	sdelay $0x3  }
0x242: {  	[tilespmem:s8+$0xFFFFE800] =	vst v2  }
0x243: {  	v2 =	vld.idx.msk [tilespmem:v3+s23+$0x0], $0xffff  }
0x244: {  	v3 =	vor.u32 $0x6, v1;
	_ =	sdelay $0x3  }
0x245: {  	[tilespmem:s8+$0xFFFFEA00] =	vst v2  }
0x246: {  	v2 =	vld.idx.msk [tilespmem:v3+s23+$0x0], $0xffff  }
0x247: {  	v3 =	vor.u32 $0x7, v1;
	_ =	sdelay $0x3  }
0x248: {  	[tilespmem:s8+$0xFFFFEC00] =	vst v2  }
0x249: {  	v2 =	vld.idx.msk [tilespmem:v3+s23+$0x0], $0xffff  }
0x24a: {  	v3 =	vor.u32 $0x8, v1;
	_ =	sdelay $0x3  }
0x24b: {  	[tilespmem:s8+$0xFFFFEE00] =	vst v2  }
0x24c: {  	v2 =	vld.idx.msk [tilespmem:v3+s23+$0x0], $0xffff  }
0x24d: {  	v3 =	vor.u32 $0x9, v1;
	_ =	sdelay $0x3  }
0x24e: {  	[tilespmem:s8+$0xFFFFF000] =	vst v2  }
0x24f: {  	v2 =	vld.idx.msk [tilespmem:v3+s23+$0x0], $0xffff  }
0x250: {  	v3 =	vor.u32 $0xA, v1;
	_ =	sdelay $0x3  }
0x251: {  	[tilespmem:s8+$0xFFFFF200] =	vst v2  }
0x252: {  	v2 =	vld.idx.msk [tilespmem:v3+s23+$0x0], $0xffff  }
0x253: {  	v3 =	vor.u32 $0xB, v1;
	_ =	sdelay $0x3  }
0x254: {  	[tilespmem:s8+$0xFFFFF400] =	vst v2  }
0x255: {  	v2 =	vld.idx.msk [tilespmem:v3+s23+$0x0], $0xffff  }
0x256: {  	v3 =	vor.u32 $0xC, v1;
	_ =	sdelay $0x3  }
0x257: {  	[tilespmem:s8+$0xFFFFF600] =	vst v2  }
0x258: {  	v2 =	vld.idx.msk [tilespmem:v3+s23+$0x0], $0xffff  }
0x259: {  	v3 =	vor.u32 $0xD, v1;
	_ =	sdelay $0x3  }
0x25a: {  	[tilespmem:s8+$0xFFFFF800] =	vst v2  }
0x25b: {  	v2 =	vld.idx.msk [tilespmem:v3+s23+$0x0], $0xffff  }
0x25c: {  	v3 =	vor.u32 $0xE, v1;
	_ =	sdelay $0x3  }
0x25d: {  	[tilespmem:s8+$0xFFFFFA00] =	vst v2  }
0x25e: {  	v2 =	vld.idx.msk [tilespmem:v3+s23+$0x0], $0xffff  }
0x25f: {  	v3 =	vor.u32 $0xF, v1;
	_ =	sdelay $0x3  }
0x260: {  	[tilespmem:s8+$0xFFFFFC00] =	vst v2  }
0x261: {  	v2 =	vld.idx.msk [tilespmem:v3+s23+$0x0], $0xffff  }
0x262: {  	v3 =	vor.u32 $0x10, v1;
	_ =	sdelay $0x3  }
0x263: {  	[tilespmem:s8+$0xFFFFFE00] =	vst v2  }
0x264: {  	v2 =	vld.idx.msk [tilespmem:v3+s23+$0x0], $0xffff  }
0x265: {  	v3 =	vor.u32 $0x11, v1;
	_ =	sdelay $0x3  }
0x266: {  	[tilespmem:s8+$0x0] =	vst v2  }
0x267: {  	v2 =	vld.idx.msk [tilespmem:v3+s23+$0x0], $0xffff  }
0x268: {  	v3 =	vor.u32 $0x12, v1;
	_ =	sdelay $0x3  }
0x269: {  	[tilespmem:s8+$0x200] =	vst v2  }
0x26a: {  	v2 =	vld.idx.msk [tilespmem:v3+s23+$0x0], $0xffff  }
0x26b: {  	v3 =	vor.u32 $0x13, v1;
	_ =	sdelay $0x3  }
0x26c: {  	[tilespmem:s8+$0x400] =	vst v2  }
0x26d: {  	v2 =	vld.idx.msk [tilespmem:v3+s23+$0x0], $0xffff  }
0x26e: {  	v3 =	vor.u32 $0x14, v1;
	_ =	sdelay $0x3  }
0x26f: {  	[tilespmem:s8+$0x600] =	vst v2  }
0x270: {  	v2 =	vld.idx.msk [tilespmem:v3+s23+$0x0], $0xffff  }
0x271: {  	v3 =	vor.u32 $0x15, v1;
	_ =	sdelay $0x3  }
0x272: {  	[tilespmem:s8+$0x800] =	vst v2  }
0x273: {  	v2 =	vld.idx.msk [tilespmem:v3+s23+$0x0], $0xffff  }
0x274: {  	v3 =	vor.u32 $0x16, v1;
	_ =	sdelay $0x3  }
0x275: {  	[tilespmem:s8+$0xA00] =	vst v2  }
0x276: {  	v2 =	vld.idx.msk [tilespmem:v3+s23+$0x0], $0xffff  }
0x277: {  	v3 =	vor.u32 $0x17, v1;
	_ =	sdelay $0x3  }
0x278: {  	[tilespmem:s8+$0xC00] =	vst v2  }
0x279: {  	v2 =	vld.idx.msk [tilespmem:v3+s23+$0x0], $0xffff  }
0x27a: {  	v3 =	vor.u32 $0x18, v1;
	_ =	sdelay $0x3  }
0x27b: {  	[tilespmem:s8+$0xE00] =	vst v2  }
0x27c: {  	v2 =	vld.idx.msk [tilespmem:v3+s23+$0x0], $0xffff  }
0x27d: {  	v3 =	vor.u32 $0x19, v1;
	_ =	sdelay $0x3  }
0x27e: {  	[tilespmem:s8+$0x1000] =	vst v2  }
0x27f: {  	v2 =	vld.idx.msk [tilespmem:v3+s23+$0x0], $0xffff  }
0x280: {  	v3 =	vor.u32 $0x1A, v1;
	_ =	sdelay $0x3  }
0x281: {  	[tilespmem:s8+$0x1200] =	vst v2  }
0x282: {  	v2 =	vld.idx.msk [tilespmem:v3+s23+$0x0], $0xffff  }
0x283: {  	v3 =	vor.u32 $0x1B, v1;
	_ =	sdelay $0x3  }
0x284: {  	[tilespmem:s8+$0x1400] =	vst v2  }
0x285: {  	v2 =	vld.idx.msk [tilespmem:v3+s23+$0x0], $0xffff  }
0x286: {  	v3 =	vor.u32 $0x1C, v1;
	_ =	sdelay $0x3  }
0x287: {  	[tilespmem:s8+$0x1600] =	vst v2  }
0x288: {  	v2 =	vld.idx.msk [tilespmem:v3+s23+$0x0], $0xffff  }
0x289: {  	v3 =	vor.u32 $0x1D, v1;
	_ =	sdelay $0x3  }
0x28a: {  	[tilespmem:s8+$0x1800] =	vst v2  }
0x28b: {  	v2 =	vld.idx.msk [tilespmem:v3+s23+$0x0], $0xffff  }
0x28c: {  	v3 =	vor.u32 $0x1E, v1;
	_ =	sdelay $0x3  }
0x28d: {  	[tilespmem:s8+$0x1A00] =	vst v2  }
0x28e: {  	v2 =	vld.idx.msk [tilespmem:v3+s23+$0x0], $0xffff  }
0x28f: {  	v1 =	vor.u32 $0x1F, v1;
	_ =	sdelay $0x3  }
0x290: {  	[tilespmem:s8+$0x1C00] =	vst v2  }
0x291: {  	v1 =	vld.idx.msk [tilespmem:v1+s23+$0x0], $0xffff  }
0x292: {  	s9 =	sadd.s32 s7, s12  }
0x293: {  	s16 =	sshll.u32 s9, $0x6  }
0x294: {  	s9 =	sshll.u32 s9, $0xB;
	s16 =	sand.u32 $0x7C0, s16  }
0x295: {  	s9 =	sand.u32 $0xFFF0000, s9;
	s16 =	sadd.s32 s5, s16  }
0x296: {  	s16 =	sadd.s32 s9, s16;
	[tilespmem:s8+$0x1E00] =	vst v1  }
0x297: {  	[hbm4b:s16+s18] =	stream.strided.scatter [tilespmem:s31], [sflag:$0x5], $0x4000, s28, s18, $0x38;
	[tilespmem:$0x18600] =	vst v63  }
0x298: {  	_ =	swait.ge [sflag:s22], $0x200  }
0x299: {  	p0 =	seq.s32 s17, $0xF;
	[sflag:s22] =	ssyncset.done $0x0  }
0x29a: {  	s8 =	sadd.s32 @!p0 s7, s13;
	[sflag:s22] =	ssyncadd.s32 $0xFFFFFE00  }
0x29b: {  	[tilespmem:s23], [sflag:$0x2] =	stream.indirect.gather [hbm4b:s4+s18], $0x20, s18, s18, $0xb8;
	[tilespmem:$0x18600] =	vst v63  }
0x29c: {  	s8 =	sshll.u32 @!p0 s8, $0x6;
	_ =	swait.ge [sflag:s1], $0x4000  }
0x29d: {  	s9 =	simm.s32 @!p0 $0x0;
	s8 =	sand.u32 @!p0 $0xFFFFFC0, s8;
	[sflag:s1] =	ssyncset.done $0x0  }
0x29e: {  	s16 =	simm.s32 @!p0 $0x400;
	s8 =	sadd.s32 @!p0 s2, s8;
	[sflag:s1] =	ssyncadd.s32 $0xFFFFC000  }
0x29f: {  	[tilespmem:s16], [sflag:$0x9] =	stream.linear.gather @!p0 [hbm4b:s8+s9], $0x200, $0x38;
	[tilespmem:$0x18600] =	vst v63  }
0x2a0: {  	s9 =	simm.s32 $0x0  }
0x2a1: {  	v1 =	vmov s9  }
0x2a2: {  	v1 =	vshll.u32 v1, $0x5  }
0x2a3: {  	p1 =	seq.s32 @!p0 s17, $0x0;
	v1 =	vor.u32 v0, v1  }
0x2a4: {  	p1 =	por p0, !p1  }
0x2a5: {  	_ =	swait.ge @p1 [sflag:s15], $0x4000  }
0x2a6: {  	[sflag:s15] =	ssyncset.done @p1 $0x0  }
0x2a7: {  	[sflag:s15] =	ssyncadd.s32 @p1 $0xFFFFC000  }
0x2a8: {  	v2 =	vld.idx.msk [tilespmem:v1+s25+$0x0], $0xffff  }
0x2a9: {  	v3 =	vor.u32 $0x1, v1;
	_ =	sdelay $0x2  }
0x2aa: {  	s8 =	simm.s32 $0x16600  }
0x2ab: {  	[tilespmem:s8+$0xFFFFE000] =	vst v2  }
0x2ac: {  	v2 =	vld.idx.msk [tilespmem:v3+s25+$0x0], $0xffff  }
0x2ad: {  	v3 =	vor.u32 $0x2, v1;
	_ =	sdelay $0x3  }
0x2ae: {  	[tilespmem:s8+$0xFFFFE200] =	vst v2  }
0x2af: {  	v2 =	vld.idx.msk [tilespmem:v3+s25+$0x0], $0xffff  }
0x2b0: {  	v3 =	vor.u32 $0x3, v1;
	_ =	sdelay $0x3  }
0x2b1: {  	[tilespmem:s8+$0xFFFFE400] =	vst v2  }
0x2b2: {  	v2 =	vld.idx.msk [tilespmem:v3+s25+$0x0], $0xffff  }
0x2b3: {  	v3 =	vor.u32 $0x4, v1;
	_ =	sdelay $0x3  }
0x2b4: {  	[tilespmem:s8+$0xFFFFE600] =	vst v2  }
0x2b5: {  	v2 =	vld.idx.msk [tilespmem:v3+s25+$0x0], $0xffff  }
0x2b6: {  	v3 =	vor.u32 $0x5, v1;
	_ =	sdelay $0x3  }
0x2b7: {  	[tilespmem:s8+$0xFFFFE800] =	vst v2  }
0x2b8: {  	v2 =	vld.idx.msk [tilespmem:v3+s25+$0x0], $0xffff  }
0x2b9: {  	v3 =	vor.u32 $0x6, v1;
	_ =	sdelay $0x3  }
0x2ba: {  	[tilespmem:s8+$0xFFFFEA00] =	vst v2  }
0x2bb: {  	v2 =	vld.idx.msk [tilespmem:v3+s25+$0x0], $0xffff  }
0x2bc: {  	v3 =	vor.u32 $0x7, v1;
	_ =	sdelay $0x3  }
0x2bd: {  	[tilespmem:s8+$0xFFFFEC00] =	vst v2  }
0x2be: {  	v2 =	vld.idx.msk [tilespmem:v3+s25+$0x0], $0xffff  }
0x2bf: {  	v3 =	vor.u32 $0x8, v1;
	_ =	sdelay $0x3  }
0x2c0: {  	[tilespmem:s8+$0xFFFFEE00] =	vst v2  }
0x2c1: {  	v2 =	vld.idx.msk [tilespmem:v3+s25+$0x0], $0xffff  }
0x2c2: {  	v3 =	vor.u32 $0x9, v1;
	_ =	sdelay $0x3  }
0x2c3: {  	[tilespmem:s8+$0xFFFFF000] =	vst v2  }
0x2c4: {  	v2 =	vld.idx.msk [tilespmem:v3+s25+$0x0], $0xffff  }
0x2c5: {  	v3 =	vor.u32 $0xA, v1;
	_ =	sdelay $0x3  }
0x2c6: {  	[tilespmem:s8+$0xFFFFF200] =	vst v2  }
0x2c7: {  	v2 =	vld.idx.msk [tilespmem:v3+s25+$0x0], $0xffff  }
0x2c8: {  	v3 =	vor.u32 $0xB, v1;
	_ =	sdelay $0x3  }
0x2c9: {  	[tilespmem:s8+$0xFFFFF400] =	vst v2  }
0x2ca: {  	v2 =	vld.idx.msk [tilespmem:v3+s25+$0x0], $0xffff  }
0x2cb: {  	v3 =	vor.u32 $0xC, v1;
	_ =	sdelay $0x3  }
0x2cc: {  	[tilespmem:s8+$0xFFFFF600] =	vst v2  }
0x2cd: {  	v2 =	vld.idx.msk [tilespmem:v3+s25+$0x0], $0xffff  }
0x2ce: {  	v3 =	vor.u32 $0xD, v1;
	_ =	sdelay $0x3  }
0x2cf: {  	[tilespmem:s8+$0xFFFFF800] =	vst v2  }
0x2d0: {  	v2 =	vld.idx.msk [tilespmem:v3+s25+$0x0], $0xffff  }
0x2d1: {  	v3 =	vor.u32 $0xE, v1;
	_ =	sdelay $0x3  }
0x2d2: {  	[tilespmem:s8+$0xFFFFFA00] =	vst v2  }
0x2d3: {  	v2 =	vld.idx.msk [tilespmem:v3+s25+$0x0], $0xffff  }
0x2d4: {  	v3 =	vor.u32 $0xF, v1;
	_ =	sdelay $0x3  }
0x2d5: {  	[tilespmem:s8+$0xFFFFFC00] =	vst v2  }
0x2d6: {  	v2 =	vld.idx.msk [tilespmem:v3+s25+$0x0], $0xffff  }
0x2d7: {  	v3 =	vor.u32 $0x10, v1;
	_ =	sdelay $0x3  }
0x2d8: {  	[tilespmem:s8+$0xFFFFFE00] =	vst v2  }
0x2d9: {  	v2 =	vld.idx.msk [tilespmem:v3+s25+$0x0], $0xffff  }
0x2da: {  	v3 =	vor.u32 $0x11, v1;
	_ =	sdelay $0x3  }
0x2db: {  	[tilespmem:s8+$0x0] =	vst v2  }
0x2dc: {  	v2 =	vld.idx.msk [tilespmem:v3+s25+$0x0], $0xffff  }
0x2dd: {  	v3 =	vor.u32 $0x12, v1;
	_ =	sdelay $0x3  }
0x2de: {  	[tilespmem:s8+$0x200] =	vst v2  }
0x2df: {  	v2 =	vld.idx.msk [tilespmem:v3+s25+$0x0], $0xffff  }
0x2e0: {  	v3 =	vor.u32 $0x13, v1;
	_ =	sdelay $0x3  }
0x2e1: {  	[tilespmem:s8+$0x400] =	vst v2  }
0x2e2: {  	v2 =	vld.idx.msk [tilespmem:v3+s25+$0x0], $0xffff  }
0x2e3: {  	v3 =	vor.u32 $0x14, v1;
	_ =	sdelay $0x3  }
0x2e4: {  	[tilespmem:s8+$0x600] =	vst v2  }
0x2e5: {  	v2 =	vld.idx.msk [tilespmem:v3+s25+$0x0], $0xffff  }
0x2e6: {  	v3 =	vor.u32 $0x15, v1;
	_ =	sdelay $0x3  }
0x2e7: {  	[tilespmem:s8+$0x800] =	vst v2  }
0x2e8: {  	v2 =	vld.idx.msk [tilespmem:v3+s25+$0x0], $0xffff  }
0x2e9: {  	v3 =	vor.u32 $0x16, v1;
	_ =	sdelay $0x3  }
0x2ea: {  	[tilespmem:s8+$0xA00] =	vst v2  }
0x2eb: {  	v2 =	vld.idx.msk [tilespmem:v3+s25+$0x0], $0xffff  }
0x2ec: {  	v3 =	vor.u32 $0x17, v1;
	_ =	sdelay $0x3  }
0x2ed: {  	[tilespmem:s8+$0xC00] =	vst v2  }
0x2ee: {  	v2 =	vld.idx.msk [tilespmem:v3+s25+$0x0], $0xffff  }
0x2ef: {  	v3 =	vor.u32 $0x18, v1;
	_ =	sdelay $0x3  }
0x2f0: {  	[tilespmem:s8+$0xE00] =	vst v2  }
0x2f1: {  	v2 =	vld.idx.msk [tilespmem:v3+s25+$0x0], $0xffff  }
0x2f2: {  	v3 =	vor.u32 $0x19, v1;
	_ =	sdelay $0x3  }
0x2f3: {  	[tilespmem:s8+$0x1000] =	vst v2  }
0x2f4: {  	v2 =	vld.idx.msk [tilespmem:v3+s25+$0x0], $0xffff  }
0x2f5: {  	v3 =	vor.u32 $0x1A, v1;
	_ =	sdelay $0x3  }
0x2f6: {  	[tilespmem:s8+$0x1200] =	vst v2  }
0x2f7: {  	v2 =	vld.idx.msk [tilespmem:v3+s25+$0x0], $0xffff  }
0x2f8: {  	v3 =	vor.u32 $0x1B, v1;
	_ =	sdelay $0x3  }
0x2f9: {  	[tilespmem:s8+$0x1400] =	vst v2  }
0x2fa: {  	v2 =	vld.idx.msk [tilespmem:v3+s25+$0x0], $0xffff  }
0x2fb: {  	v3 =	vor.u32 $0x1C, v1;
	_ =	sdelay $0x3  }
0x2fc: {  	[tilespmem:s8+$0x1600] =	vst v2  }
0x2fd: {  	v2 =	vld.idx.msk [tilespmem:v3+s25+$0x0], $0xffff  }
0x2fe: {  	v3 =	vor.u32 $0x1D, v1;
	_ =	sdelay $0x3  }
0x2ff: {  	[tilespmem:s8+$0x1800] =	vst v2  }
0x300: {  	v2 =	vld.idx.msk [tilespmem:v3+s25+$0x0], $0xffff  }
0x301: {  	v3 =	vor.u32 $0x1E, v1;
	_ =	sdelay $0x3  }
0x302: {  	[tilespmem:s8+$0x1A00] =	vst v2  }
0x303: {  	v2 =	vld.idx.msk [tilespmem:v3+s25+$0x0], $0xffff  }
0x304: {  	v3 =	vor.u32 $0x1F, v1;
	_ =	sdelay $0x3  }
0x305: {  	s16 =	simm.s32 $0x10;
	[tilespmem:s8+$0x1C00] =	vst v2  }
0x306: {  	s9 =	simm.s32 $0x20;
	v1 =	vmov s16;
	v2 =	vld.idx.msk [tilespmem:v3+s25+$0x0], $0xffff  }
.LBB2_7:
0x307: {  	p1 =	sne.s32 s9, $0x1F0;
	v1 =	vshll.u32 v1, $0x5  }
0x308: {  	v1 =	vor.u32 v0, v1;
	_ =	sdelay $0x3  }
0x309: {  	[tilespmem:s8+$0x1E00] =	vst v2  }
0x30a: {  	v2 =	vld.idx.msk [tilespmem:v1+s25+$0x0], $0xffff;
	_ =	sdelay $0x1  }
0x30b: {  	v3 =	vor.u32 $0x1, v1;
	_ =	sdelay $0x2  }
0x30c: {  	s8 =	sadd.s32 $0x10, s8  }
0x30d: {  	[tilespmem:s8+$0xFFFFE000] =	vst v2  }
0x30e: {  	v2 =	vld.idx.msk [tilespmem:v3+s25+$0x0], $0xffff;
	_ =	sdelay $0x1  }
0x30f: {  	v3 =	vor.u32 $0x2, v1;
	_ =	sdelay $0x3  }
0x310: {  	[tilespmem:s8+$0xFFFFE200] =	vst v2  }
0x311: {  	v2 =	vld.idx.msk [tilespmem:v3+s25+$0x0], $0xffff;
	_ =	sdelay $0x1  }
0x312: {  	v3 =	vor.u32 $0x3, v1;
	_ =	sdelay $0x3  }
0x313: {  	[tilespmem:s8+$0xFFFFE400] =	vst v2  }
0x314: {  	v2 =	vld.idx.msk [tilespmem:v3+s25+$0x0], $0xffff;
	_ =	sdelay $0x1  }
0x315: {  	v3 =	vor.u32 $0x4, v1;
	_ =	sdelay $0x3  }
0x316: {  	[tilespmem:s8+$0xFFFFE600] =	vst v2  }
0x317: {  	v2 =	vld.idx.msk [tilespmem:v3+s25+$0x0], $0xffff;
	_ =	sdelay $0x1  }
0x318: {  	v3 =	vor.u32 $0x5, v1;
	_ =	sdelay $0x3  }
0x319: {  	[tilespmem:s8+$0xFFFFE800] =	vst v2  }
0x31a: {  	v2 =	vld.idx.msk [tilespmem:v3+s25+$0x0], $0xffff;
	_ =	sdelay $0x1  }
0x31b: {  	v3 =	vor.u32 $0x6, v1;
	_ =	sdelay $0x3  }
0x31c: {  	[tilespmem:s8+$0xFFFFEA00] =	vst v2  }
0x31d: {  	v2 =	vld.idx.msk [tilespmem:v3+s25+$0x0], $0xffff;
	_ =	sdelay $0x1  }
0x31e: {  	v3 =	vor.u32 $0x7, v1;
	_ =	sdelay $0x3  }
0x31f: {  	[tilespmem:s8+$0xFFFFEC00] =	vst v2  }
0x320: {  	v2 =	vld.idx.msk [tilespmem:v3+s25+$0x0], $0xffff;
	_ =	sdelay $0x1  }
0x321: {  	v3 =	vor.u32 $0x8, v1;
	_ =	sdelay $0x3  }
0x322: {  	[tilespmem:s8+$0xFFFFEE00] =	vst v2  }
0x323: {  	v2 =	vld.idx.msk [tilespmem:v3+s25+$0x0], $0xffff;
	_ =	sdelay $0x1  }
0x324: {  	v3 =	vor.u32 $0x9, v1;
	_ =	sdelay $0x3  }
0x325: {  	[tilespmem:s8+$0xFFFFF000] =	vst v2  }
0x326: {  	v2 =	vld.idx.msk [tilespmem:v3+s25+$0x0], $0xffff;
	_ =	sdelay $0x1  }
0x327: {  	v3 =	vor.u32 $0xA, v1;
	_ =	sdelay $0x3  }
0x328: {  	[tilespmem:s8+$0xFFFFF200] =	vst v2  }
0x329: {  	v2 =	vld.idx.msk [tilespmem:v3+s25+$0x0], $0xffff;
	_ =	sdelay $0x1  }
0x32a: {  	v3 =	vor.u32 $0xB, v1;
	_ =	sdelay $0x3  }
0x32b: {  	[tilespmem:s8+$0xFFFFF400] =	vst v2  }
0x32c: {  	v2 =	vld.idx.msk [tilespmem:v3+s25+$0x0], $0xffff;
	_ =	sdelay $0x1  }
0x32d: {  	v3 =	vor.u32 $0xC, v1;
	_ =	sdelay $0x3  }
0x32e: {  	[tilespmem:s8+$0xFFFFF600] =	vst v2  }
0x32f: {  	v2 =	vld.idx.msk [tilespmem:v3+s25+$0x0], $0xffff;
	_ =	sdelay $0x1  }
0x330: {  	v3 =	vor.u32 $0xD, v1;
	_ =	sdelay $0x3  }
0x331: {  	[tilespmem:s8+$0xFFFFF800] =	vst v2  }
0x332: {  	v2 =	vld.idx.msk [tilespmem:v3+s25+$0x0], $0xffff;
	_ =	sdelay $0x1  }
0x333: {  	v3 =	vor.u32 $0xE, v1;
	_ =	sdelay $0x3  }
0x334: {  	[tilespmem:s8+$0xFFFFFA00] =	vst v2  }
0x335: {  	v2 =	vld.idx.msk [tilespmem:v3+s25+$0x0], $0xffff;
	_ =	sdelay $0x1  }
0x336: {  	v3 =	vor.u32 $0xF, v1;
	_ =	sdelay $0x3  }
0x337: {  	[tilespmem:s8+$0xFFFFFC00] =	vst v2  }
0x338: {  	v2 =	vld.idx.msk [tilespmem:v3+s25+$0x0], $0xffff;
	_ =	sdelay $0x1  }
0x339: {  	v3 =	vor.u32 $0x10, v1;
	_ =	sdelay $0x3  }
0x33a: {  	[tilespmem:s8+$0xFFFFFE00] =	vst v2  }
0x33b: {  	v2 =	vld.idx.msk [tilespmem:v3+s25+$0x0], $0xffff;
	_ =	sdelay $0x1  }
0x33c: {  	v3 =	vor.u32 $0x11, v1;
	_ =	sdelay $0x3  }
0x33d: {  	[tilespmem:s8+$0x0] =	vst v2  }
0x33e: {  	v2 =	vld.idx.msk [tilespmem:v3+s25+$0x0], $0xffff;
	_ =	sdelay $0x1  }
0x33f: {  	v3 =	vor.u32 $0x12, v1;
	_ =	sdelay $0x3  }
0x340: {  	[tilespmem:s8+$0x200] =	vst v2  }
0x341: {  	v2 =	vld.idx.msk [tilespmem:v3+s25+$0x0], $0xffff;
	_ =	sdelay $0x1  }
0x342: {  	v3 =	vor.u32 $0x13, v1;
	_ =	sdelay $0x3  }
0x343: {  	[tilespmem:s8+$0x400] =	vst v2  }
0x344: {  	v2 =	vld.idx.msk [tilespmem:v3+s25+$0x0], $0xffff;
	_ =	sdelay $0x1  }
0x345: {  	v3 =	vor.u32 $0x14, v1;
	_ =	sdelay $0x3  }
0x346: {  	[tilespmem:s8+$0x600] =	vst v2  }
0x347: {  	v2 =	vld.idx.msk [tilespmem:v3+s25+$0x0], $0xffff;
	_ =	sdelay $0x1  }
0x348: {  	v3 =	vor.u32 $0x15, v1;
	_ =	sdelay $0x3  }
0x349: {  	[tilespmem:s8+$0x800] =	vst v2  }
0x34a: {  	v2 =	vld.idx.msk [tilespmem:v3+s25+$0x0], $0xffff;
	_ =	sdelay $0x1  }
0x34b: {  	v3 =	vor.u32 $0x16, v1;
	_ =	sdelay $0x3  }
0x34c: {  	[tilespmem:s8+$0xA00] =	vst v2  }
0x34d: {  	v2 =	vld.idx.msk [tilespmem:v3+s25+$0x0], $0xffff;
	_ =	sdelay $0x1  }
0x34e: {  	v3 =	vor.u32 $0x17, v1;
	_ =	sdelay $0x3  }
0x34f: {  	[tilespmem:s8+$0xC00] =	vst v2  }
0x350: {  	v2 =	vld.idx.msk [tilespmem:v3+s25+$0x0], $0xffff;
	_ =	sdelay $0x1  }
0x351: {  	v3 =	vor.u32 $0x18, v1;
	_ =	sdelay $0x3  }
0x352: {  	[tilespmem:s8+$0xE00] =	vst v2  }
0x353: {  	v2 =	vld.idx.msk [tilespmem:v3+s25+$0x0], $0xffff;
	_ =	sdelay $0x1  }
0x354: {  	v3 =	vor.u32 $0x19, v1;
	_ =	sdelay $0x3  }
0x355: {  	[tilespmem:s8+$0x1000] =	vst v2  }
0x356: {  	v2 =	vld.idx.msk [tilespmem:v3+s25+$0x0], $0xffff;
	_ =	sdelay $0x1  }
0x357: {  	v3 =	vor.u32 $0x1A, v1;
	_ =	sdelay $0x3  }
0x358: {  	[tilespmem:s8+$0x1200] =	vst v2  }
0x359: {  	v2 =	vld.idx.msk [tilespmem:v3+s25+$0x0], $0xffff;
	_ =	sdelay $0x1  }
0x35a: {  	v3 =	vor.u32 $0x1B, v1;
	_ =	sdelay $0x3  }
0x35b: {  	[tilespmem:s8+$0x1400] =	vst v2  }
0x35c: {  	v2 =	vld.idx.msk [tilespmem:v3+s25+$0x0], $0xffff;
	_ =	sdelay $0x1  }
0x35d: {  	v3 =	vor.u32 $0x1C, v1;
	_ =	sdelay $0x3  }
0x35e: {  	[tilespmem:s8+$0x1600] =	vst v2  }
0x35f: {  	v2 =	vld.idx.msk [tilespmem:v3+s25+$0x0], $0xffff;
	_ =	sdelay $0x1  }
0x360: {  	v3 =	vor.u32 $0x1D, v1;
	_ =	sdelay $0x3  }
0x361: {  	[tilespmem:s8+$0x1800] =	vst v2  }
0x362: {  	v2 =	vld.idx.msk [tilespmem:v3+s25+$0x0], $0xffff;
	_ =	sdelay $0x1  }
0x363: {  	v3 =	vor.u32 $0x1E, v1;
	_ =	sdelay $0x3  }
0x364: {  	[tilespmem:s8+$0x1A00] =	vst v2  }
0x365: {  	v2 =	vld.idx.msk [tilespmem:v3+s25+$0x0], $0xffff;
	_ =	sdelay $0x1  }
0x366: {  	v3 =	vor.u32 $0x1F, v1  }
.Ltmp2:
0x367: {  	(pc) =	sbr.rel @p1 .LBB2_7-.Ltmp2, $3  }
0x368: {  	_ =	sdelay $0x1  }
0x369: {  	[tilespmem:s8+$0x1C00] =	vst v2  }
0x36a: {  	v1 =	vmov s9;
	s9 =	sadd.s32 $0x10, s9;
	v2 =	vld.idx.msk [tilespmem:v3+s25+$0x0], $0xffff  }
0x36b: {  	v1 =	vshll.u32 v1, $0x5  }
0x36c: {  	v1 =	vor.u32 v0, v1;
	_ =	sdelay $0x3  }
0x36d: {  	[tilespmem:s8+$0x1E00] =	vst v2  }
0x36e: {  	v2 =	vld.idx.msk [tilespmem:v1+s25+$0x0], $0xffff  }
0x36f: {  	v3 =	vor.u32 $0x1, v1;
	_ =	sdelay $0x2  }
0x370: {  	s16 =	sadd.s32 $0x10, s8  }
0x371: {  	[tilespmem:s16+$0xFFFFE000] =	vst v2  }
0x372: {  	v2 =	vld.idx.msk [tilespmem:v3+s25+$0x0], $0xffff  }
0x373: {  	v3 =	vor.u32 $0x2, v1;
	_ =	sdelay $0x3  }
0x374: {  	[tilespmem:s16+$0xFFFFE200] =	vst v2  }
0x375: {  	v2 =	vld.idx.msk [tilespmem:v3+s25+$0x0], $0xffff  }
0x376: {  	v3 =	vor.u32 $0x3, v1;
	_ =	sdelay $0x3  }
0x377: {  	[tilespmem:s16+$0xFFFFE400] =	vst v2  }
0x378: {  	v2 =	vld.idx.msk [tilespmem:v3+s25+$0x0], $0xffff  }
0x379: {  	v3 =	vor.u32 $0x4, v1;
	_ =	sdelay $0x3  }
0x37a: {  	[tilespmem:s16+$0xFFFFE600] =	vst v2  }
0x37b: {  	v2 =	vld.idx.msk [tilespmem:v3+s25+$0x0], $0xffff  }
0x37c: {  	v3 =	vor.u32 $0x5, v1;
	_ =	sdelay $0x3  }
0x37d: {  	[tilespmem:s16+$0xFFFFE800] =	vst v2  }
0x37e: {  	v2 =	vld.idx.msk [tilespmem:v3+s25+$0x0], $0xffff  }
0x37f: {  	v3 =	vor.u32 $0x6, v1;
	_ =	sdelay $0x3  }
0x380: {  	[tilespmem:s16+$0xFFFFEA00] =	vst v2  }
0x381: {  	v2 =	vld.idx.msk [tilespmem:v3+s25+$0x0], $0xffff  }
0x382: {  	v3 =	vor.u32 $0x7, v1;
	_ =	sdelay $0x3  }
0x383: {  	[tilespmem:s16+$0xFFFFEC00] =	vst v2  }
0x384: {  	v2 =	vld.idx.msk [tilespmem:v3+s25+$0x0], $0xffff  }
0x385: {  	v3 =	vor.u32 $0x8, v1;
	_ =	sdelay $0x3  }
0x386: {  	[tilespmem:s16+$0xFFFFEE00] =	vst v2  }
0x387: {  	v2 =	vld.idx.msk [tilespmem:v3+s25+$0x0], $0xffff  }
0x388: {  	v3 =	vor.u32 $0x9, v1;
	_ =	sdelay $0x3  }
0x389: {  	[tilespmem:s16+$0xFFFFF000] =	vst v2  }
0x38a: {  	v2 =	vld.idx.msk [tilespmem:v3+s25+$0x0], $0xffff  }
0x38b: {  	v3 =	vor.u32 $0xA, v1;
	_ =	sdelay $0x3  }
0x38c: {  	[tilespmem:s16+$0xFFFFF200] =	vst v2  }
0x38d: {  	v2 =	vld.idx.msk [tilespmem:v3+s25+$0x0], $0xffff  }
0x38e: {  	v3 =	vor.u32 $0xB, v1;
	_ =	sdelay $0x3  }
0x38f: {  	[tilespmem:s16+$0xFFFFF400] =	vst v2  }
0x390: {  	v2 =	vld.idx.msk [tilespmem:v3+s25+$0x0], $0xffff  }
0x391: {  	v3 =	vor.u32 $0xC, v1;
	_ =	sdelay $0x3  }
0x392: {  	[tilespmem:s16+$0xFFFFF600] =	vst v2  }
0x393: {  	v2 =	vld.idx.msk [tilespmem:v3+s25+$0x0], $0xffff  }
0x394: {  	v3 =	vor.u32 $0xD, v1;
	_ =	sdelay $0x3  }
0x395: {  	[tilespmem:s16+$0xFFFFF800] =	vst v2  }
0x396: {  	v2 =	vld.idx.msk [tilespmem:v3+s25+$0x0], $0xffff  }
0x397: {  	v3 =	vor.u32 $0xE, v1;
	_ =	sdelay $0x3  }
0x398: {  	[tilespmem:s16+$0xFFFFFA00] =	vst v2  }
0x399: {  	v2 =	vld.idx.msk [tilespmem:v3+s25+$0x0], $0xffff  }
0x39a: {  	v3 =	vor.u32 $0xF, v1;
	_ =	sdelay $0x3  }
0x39b: {  	[tilespmem:s16+$0xFFFFFC00] =	vst v2  }
0x39c: {  	v2 =	vld.idx.msk [tilespmem:v3+s25+$0x0], $0xffff  }
0x39d: {  	v3 =	vor.u32 $0x10, v1;
	_ =	sdelay $0x3  }
0x39e: {  	[tilespmem:s16+$0xFFFFFE00] =	vst v2  }
0x39f: {  	v2 =	vld.idx.msk [tilespmem:v3+s25+$0x0], $0xffff  }
0x3a0: {  	v3 =	vor.u32 $0x11, v1;
	_ =	sdelay $0x3  }
0x3a1: {  	[tilespmem:s16+$0x0] =	vst v2  }
0x3a2: {  	v2 =	vld.idx.msk [tilespmem:v3+s25+$0x0], $0xffff  }
0x3a3: {  	v3 =	vor.u32 $0x12, v1;
	_ =	sdelay $0x3  }
0x3a4: {  	[tilespmem:s16+$0x200] =	vst v2  }
0x3a5: {  	v2 =	vld.idx.msk [tilespmem:v3+s25+$0x0], $0xffff  }
0x3a6: {  	v3 =	vor.u32 $0x13, v1;
	_ =	sdelay $0x3  }
0x3a7: {  	[tilespmem:s16+$0x400] =	vst v2  }
0x3a8: {  	v2 =	vld.idx.msk [tilespmem:v3+s25+$0x0], $0xffff  }
0x3a9: {  	v3 =	vor.u32 $0x14, v1;
	_ =	sdelay $0x3  }
0x3aa: {  	[tilespmem:s16+$0x600] =	vst v2  }
0x3ab: {  	v2 =	vld.idx.msk [tilespmem:v3+s25+$0x0], $0xffff  }
0x3ac: {  	v3 =	vor.u32 $0x15, v1;
	_ =	sdelay $0x3  }
0x3ad: {  	[tilespmem:s16+$0x800] =	vst v2  }
0x3ae: {  	v2 =	vld.idx.msk [tilespmem:v3+s25+$0x0], $0xffff  }
0x3af: {  	v3 =	vor.u32 $0x16, v1;
	_ =	sdelay $0x3  }
0x3b0: {  	[tilespmem:s16+$0xA00] =	vst v2  }
0x3b1: {  	v2 =	vld.idx.msk [tilespmem:v3+s25+$0x0], $0xffff  }
0x3b2: {  	v3 =	vor.u32 $0x17, v1;
	_ =	sdelay $0x3  }
0x3b3: {  	[tilespmem:s16+$0xC00] =	vst v2  }
0x3b4: {  	v2 =	vld.idx.msk [tilespmem:v3+s25+$0x0], $0xffff  }
0x3b5: {  	v3 =	vor.u32 $0x18, v1;
	_ =	sdelay $0x3  }
0x3b6: {  	[tilespmem:s16+$0xE00] =	vst v2  }
0x3b7: {  	v2 =	vld.idx.msk [tilespmem:v3+s25+$0x0], $0xffff  }
0x3b8: {  	v3 =	vor.u32 $0x19, v1;
	_ =	sdelay $0x3  }
0x3b9: {  	[tilespmem:s16+$0x1000] =	vst v2  }
0x3ba: {  	v2 =	vld.idx.msk [tilespmem:v3+s25+$0x0], $0xffff  }
0x3bb: {  	v3 =	vor.u32 $0x1A, v1;
	_ =	sdelay $0x3  }
0x3bc: {  	[tilespmem:s16+$0x1200] =	vst v2  }
0x3bd: {  	v2 =	vld.idx.msk [tilespmem:v3+s25+$0x0], $0xffff  }
0x3be: {  	v3 =	vor.u32 $0x1B, v1;
	_ =	sdelay $0x3  }
0x3bf: {  	[tilespmem:s16+$0x1400] =	vst v2  }
0x3c0: {  	v2 =	vld.idx.msk [tilespmem:v3+s25+$0x0], $0xffff  }
0x3c1: {  	v3 =	vor.u32 $0x1C, v1;
	_ =	sdelay $0x3  }
0x3c2: {  	[tilespmem:s16+$0x1600] =	vst v2  }
0x3c3: {  	v2 =	vld.idx.msk [tilespmem:v3+s25+$0x0], $0xffff  }
0x3c4: {  	v3 =	vor.u32 $0x1D, v1;
	_ =	sdelay $0x3  }
0x3c5: {  	[tilespmem:s16+$0x1800] =	vst v2  }
0x3c6: {  	v2 =	vld.idx.msk [tilespmem:v3+s25+$0x0], $0xffff  }
0x3c7: {  	v3 =	vor.u32 $0x1E, v1;
	_ =	sdelay $0x3  }
0x3c8: {  	[tilespmem:s16+$0x1A00] =	vst v2  }
0x3c9: {  	v2 =	vld.idx.msk [tilespmem:v3+s25+$0x0], $0xffff  }
0x3ca: {  	v1 =	vor.u32 $0x1F, v1;
	_ =	sdelay $0x3  }
0x3cb: {  	[tilespmem:s16+$0x1C00] =	vst v2  }
0x3cc: {  	v1 =	vld.idx.msk [tilespmem:v1+s25+$0x0], $0xffff  }
0x3cd: {  	s7 =	sadd.s32 s7, s14  }
.Ltmp3:
0x3ce: {  	s9 =	sshll.u32 s7, $0x6;
	(pc) =	sbr.rel @p0 .LBB2_10-.Ltmp3, $4  }
0x3cf: {  	s7 =	sshll.u32 s7, $0xB;
	s9 =	sand.u32 $0x7C0, s9  }
0x3d0: {  	s7 =	sand.u32 $0xFFF0000, s7;
	s9 =	sadd.s32 s5, s9  }
0x3d1: {  	s7 =	sadd.s32 s7, s9;
	[tilespmem:s16+$0x1E00] =	vst v1  }
0x3d2: {  	[hbm4b:s7+s18] =	stream.strided.scatter [tilespmem:s0], [sflag:$0x6], $0x4000, s28, s18, $0x38;
	[tilespmem:$0x18600] =	vst v63  }
.Ltmp4:
0x3d3: {  	(pc) =	sbr.rel .LBB2_2-.Ltmp4, $4  }
0x3d4: {  	_ =	swait.ge [sflag:s24], $0x200  }
0x3d5: {  	[sflag:s24] =	ssyncset.done $0x0  }
0x3d6: {  	s17 =	sadd.s32 $0x1, s17;
	[sflag:s24] =	ssyncadd.s32 $0xFFFFFE00  }
0x3d7: {  	[tilespmem:s25], [sflag:$0x3] =	stream.indirect.gather [hbm4b:s4+s18], $0x20, s19, s18, $0xb8;
	[tilespmem:$0x18600] =	vst v63  }
.LBB2_10:
0x3d8: {  	s7 =	simm.s32 $0x0  }
0x3d9: {  	v1 =	vmov s7  }
0x3da: {  	_ =	swait.ge [sflag:s26], $0x4000;
	v1 =	vshll.u32 v1, $0x5  }
0x3db: {  	[sflag:s26] =	ssyncset.done $0x0;
	v1 =	vor.u32 v0, v1  }
0x3dc: {  	s9 =	simm.s32 $0x4;
	[sflag:s26] =	ssyncadd.s32 $0xFFFFC000  }
0x3dd: {  	_ =	swait.ge [sflag:s9], $0x4000  }
0x3de: {  	[sflag:s9] =	ssyncset.done $0x0  }
0x3df: {  	[sflag:s9] =	ssyncadd.s32 $0xFFFFC000  }
0x3e0: {  	v2 =	vld.idx.msk [tilespmem:v1+s21+$0x0], $0xffff  }
0x3e1: {  	v3 =	vor.u32 $0x1, v1;
	_ =	sdelay $0x2  }
0x3e2: {  	s7 =	simm.s32 $0xE600  }
0x3e3: {  	[tilespmem:s7+$0xFFFFE000] =	vst v2  }
0x3e4: {  	v2 =	vld.idx.msk [tilespmem:v3+s21+$0x0], $0xffff  }
0x3e5: {  	v3 =	vor.u32 $0x2, v1;
	_ =	sdelay $0x3  }
0x3e6: {  	[tilespmem:s7+$0xFFFFE200] =	vst v2  }
0x3e7: {  	v2 =	vld.idx.msk [tilespmem:v3+s21+$0x0], $0xffff  }
0x3e8: {  	v3 =	vor.u32 $0x3, v1;
	_ =	sdelay $0x3  }
0x3e9: {  	[tilespmem:s7+$0xFFFFE400] =	vst v2  }
0x3ea: {  	v2 =	vld.idx.msk [tilespmem:v3+s21+$0x0], $0xffff  }
0x3eb: {  	v3 =	vor.u32 $0x4, v1;
	_ =	sdelay $0x3  }
0x3ec: {  	[tilespmem:s7+$0xFFFFE600] =	vst v2  }
0x3ed: {  	v2 =	vld.idx.msk [tilespmem:v3+s21+$0x0], $0xffff  }
0x3ee: {  	v3 =	vor.u32 $0x5, v1;
	_ =	sdelay $0x3  }
0x3ef: {  	[tilespmem:s7+$0xFFFFE800] =	vst v2  }
0x3f0: {  	v2 =	vld.idx.msk [tilespmem:v3+s21+$0x0], $0xffff  }
0x3f1: {  	v3 =	vor.u32 $0x6, v1;
	_ =	sdelay $0x3  }
0x3f2: {  	[tilespmem:s7+$0xFFFFEA00] =	vst v2  }
0x3f3: {  	v2 =	vld.idx.msk [tilespmem:v3+s21+$0x0], $0xffff  }
0x3f4: {  	v3 =	vor.u32 $0x7, v1;
	_ =	sdelay $0x3  }
0x3f5: {  	[tilespmem:s7+$0xFFFFEC00] =	vst v2  }
0x3f6: {  	v2 =	vld.idx.msk [tilespmem:v3+s21+$0x0], $0xffff  }
0x3f7: {  	v3 =	vor.u32 $0x8, v1;
	_ =	sdelay $0x3  }
0x3f8: {  	[tilespmem:s7+$0xFFFFEE00] =	vst v2  }
0x3f9: {  	v2 =	vld.idx.msk [tilespmem:v3+s21+$0x0], $0xffff  }
0x3fa: {  	v3 =	vor.u32 $0x9, v1;
	_ =	sdelay $0x3  }
0x3fb: {  	[tilespmem:s7+$0xFFFFF000] =	vst v2  }
0x3fc: {  	v2 =	vld.idx.msk [tilespmem:v3+s21+$0x0], $0xffff  }
0x3fd: {  	v3 =	vor.u32 $0xA, v1;
	_ =	sdelay $0x3  }
0x3fe: {  	[tilespmem:s7+$0xFFFFF200] =	vst v2  }
0x3ff: {  	v2 =	vld.idx.msk [tilespmem:v3+s21+$0x0], $0xffff  }
0x400: {  	v3 =	vor.u32 $0xB, v1;
	_ =	sdelay $0x3  }
0x401: {  	[tilespmem:s7+$0xFFFFF400] =	vst v2  }
0x402: {  	v2 =	vld.idx.msk [tilespmem:v3+s21+$0x0], $0xffff  }
0x403: {  	v3 =	vor.u32 $0xC, v1;
	_ =	sdelay $0x3  }
0x404: {  	[tilespmem:s7+$0xFFFFF600] =	vst v2  }
0x405: {  	v2 =	vld.idx.msk [tilespmem:v3+s21+$0x0], $0xffff  }
0x406: {  	v3 =	vor.u32 $0xD, v1;
	_ =	sdelay $0x3  }
0x407: {  	[tilespmem:s7+$0xFFFFF800] =	vst v2  }
0x408: {  	v2 =	vld.idx.msk [tilespmem:v3+s21+$0x0], $0xffff  }
0x409: {  	v3 =	vor.u32 $0xE, v1;
	_ =	sdelay $0x3  }
0x40a: {  	[tilespmem:s7+$0xFFFFFA00] =	vst v2  }
0x40b: {  	v2 =	vld.idx.msk [tilespmem:v3+s21+$0x0], $0xffff  }
0x40c: {  	v3 =	vor.u32 $0xF, v1;
	_ =	sdelay $0x3  }
0x40d: {  	[tilespmem:s7+$0xFFFFFC00] =	vst v2  }
0x40e: {  	v2 =	vld.idx.msk [tilespmem:v3+s21+$0x0], $0xffff  }
0x40f: {  	v3 =	vor.u32 $0x10, v1;
	_ =	sdelay $0x3  }
0x410: {  	[tilespmem:s7+$0xFFFFFE00] =	vst v2  }
0x411: {  	v2 =	vld.idx.msk [tilespmem:v3+s21+$0x0], $0xffff  }
0x412: {  	v3 =	vor.u32 $0x11, v1;
	_ =	sdelay $0x3  }
0x413: {  	[tilespmem:s7+$0x0] =	vst v2  }
0x414: {  	v2 =	vld.idx.msk [tilespmem:v3+s21+$0x0], $0xffff  }
0x415: {  	v3 =	vor.u32 $0x12, v1;
	_ =	sdelay $0x3  }
0x416: {  	[tilespmem:s7+$0x200] =	vst v2  }
0x417: {  	v2 =	vld.idx.msk [tilespmem:v3+s21+$0x0], $0xffff  }
0x418: {  	v3 =	vor.u32 $0x13, v1;
	_ =	sdelay $0x3  }
0x419: {  	[tilespmem:s7+$0x400] =	vst v2  }
0x41a: {  	v2 =	vld.idx.msk [tilespmem:v3+s21+$0x0], $0xffff  }
0x41b: {  	v3 =	vor.u32 $0x14, v1;
	_ =	sdelay $0x3  }
0x41c: {  	[tilespmem:s7+$0x600] =	vst v2  }
0x41d: {  	v2 =	vld.idx.msk [tilespmem:v3+s21+$0x0], $0xffff  }
0x41e: {  	v3 =	vor.u32 $0x15, v1;
	_ =	sdelay $0x3  }
0x41f: {  	[tilespmem:s7+$0x800] =	vst v2  }
0x420: {  	v2 =	vld.idx.msk [tilespmem:v3+s21+$0x0], $0xffff  }
0x421: {  	v3 =	vor.u32 $0x16, v1;
	_ =	sdelay $0x3  }
0x422: {  	[tilespmem:s7+$0xA00] =	vst v2  }
0x423: {  	v2 =	vld.idx.msk [tilespmem:v3+s21+$0x0], $0xffff  }
0x424: {  	v3 =	vor.u32 $0x17, v1;
	_ =	sdelay $0x3  }
0x425: {  	[tilespmem:s7+$0xC00] =	vst v2  }
0x426: {  	v2 =	vld.idx.msk [tilespmem:v3+s21+$0x0], $0xffff  }
0x427: {  	v3 =	vor.u32 $0x18, v1;
	_ =	sdelay $0x3  }
0x428: {  	[tilespmem:s7+$0xE00] =	vst v2  }
0x429: {  	v2 =	vld.idx.msk [tilespmem:v3+s21+$0x0], $0xffff  }
0x42a: {  	v3 =	vor.u32 $0x19, v1;
	_ =	sdelay $0x3  }
0x42b: {  	[tilespmem:s7+$0x1000] =	vst v2  }
0x42c: {  	v2 =	vld.idx.msk [tilespmem:v3+s21+$0x0], $0xffff  }
0x42d: {  	v3 =	vor.u32 $0x1A, v1;
	_ =	sdelay $0x3  }
0x42e: {  	[tilespmem:s7+$0x1200] =	vst v2  }
0x42f: {  	v2 =	vld.idx.msk [tilespmem:v3+s21+$0x0], $0xffff  }
0x430: {  	v3 =	vor.u32 $0x1B, v1;
	_ =	sdelay $0x3  }
0x431: {  	[tilespmem:s7+$0x1400] =	vst v2  }
0x432: {  	v2 =	vld.idx.msk [tilespmem:v3+s21+$0x0], $0xffff  }
0x433: {  	v3 =	vor.u32 $0x1C, v1;
	_ =	sdelay $0x3  }
0x434: {  	[tilespmem:s7+$0x1600] =	vst v2  }
0x435: {  	v2 =	vld.idx.msk [tilespmem:v3+s21+$0x0], $0xffff  }
0x436: {  	v3 =	vor.u32 $0x1D, v1;
	_ =	sdelay $0x3  }
0x437: {  	[tilespmem:s7+$0x1800] =	vst v2  }
0x438: {  	v2 =	vld.idx.msk [tilespmem:v3+s21+$0x0], $0xffff  }
0x439: {  	v3 =	vor.u32 $0x1E, v1;
	_ =	sdelay $0x3  }
0x43a: {  	[tilespmem:s7+$0x1A00] =	vst v2  }
0x43b: {  	v2 =	vld.idx.msk [tilespmem:v3+s21+$0x0], $0xffff  }
0x43c: {  	v3 =	vor.u32 $0x1F, v1;
	_ =	sdelay $0x3  }
0x43d: {  	s8 =	simm.s32 $0x10;
	[tilespmem:s7+$0x1C00] =	vst v2  }
0x43e: {  	v1 =	vmov s8;
	s8 =	simm.s32 $0x20;
	v2 =	vld.idx.msk [tilespmem:v3+s21+$0x0], $0xffff  }
.LBB2_11:
0x43f: {  	p0 =	sne.s32 s8, $0x1F0;
	v1 =	vshll.u32 v1, $0x5  }
0x440: {  	v1 =	vor.u32 v0, v1;
	_ =	sdelay $0x3  }
0x441: {  	[tilespmem:s7+$0x1E00] =	vst v2  }
0x442: {  	v2 =	vld.idx.msk [tilespmem:v1+s21+$0x0], $0xffff;
	_ =	sdelay $0x1  }
0x443: {  	v3 =	vor.u32 $0x1, v1;
	_ =	sdelay $0x2  }
0x444: {  	s7 =	sadd.s32 $0x10, s7  }
0x445: {  	[tilespmem:s7+$0xFFFFE000] =	vst v2  }
0x446: {  	v2 =	vld.idx.msk [tilespmem:v3+s21+$0x0], $0xffff;
	_ =	sdelay $0x1  }
0x447: {  	v3 =	vor.u32 $0x2, v1;
	_ =	sdelay $0x3  }
0x448: {  	[tilespmem:s7+$0xFFFFE200] =	vst v2  }
0x449: {  	v2 =	vld.idx.msk [tilespmem:v3+s21+$0x0], $0xffff;
	_ =	sdelay $0x1  }
0x44a: {  	v3 =	vor.u32 $0x3, v1;
	_ =	sdelay $0x3  }
0x44b: {  	[tilespmem:s7+$0xFFFFE400] =	vst v2  }
0x44c: {  	v2 =	vld.idx.msk [tilespmem:v3+s21+$0x0], $0xffff;
	_ =	sdelay $0x1  }
0x44d: {  	v3 =	vor.u32 $0x4, v1;
	_ =	sdelay $0x3  }
0x44e: {  	[tilespmem:s7+$0xFFFFE600] =	vst v2  }
0x44f: {  	v2 =	vld.idx.msk [tilespmem:v3+s21+$0x0], $0xffff;
	_ =	sdelay $0x1  }
0x450: {  	v3 =	vor.u32 $0x5, v1;
	_ =	sdelay $0x3  }
0x451: {  	[tilespmem:s7+$0xFFFFE800] =	vst v2  }
0x452: {  	v2 =	vld.idx.msk [tilespmem:v3+s21+$0x0], $0xffff;
	_ =	sdelay $0x1  }
0x453: {  	v3 =	vor.u32 $0x6, v1;
	_ =	sdelay $0x3  }
0x454: {  	[tilespmem:s7+$0xFFFFEA00] =	vst v2  }
0x455: {  	v2 =	vld.idx.msk [tilespmem:v3+s21+$0x0], $0xffff;
	_ =	sdelay $0x1  }
0x456: {  	v3 =	vor.u32 $0x7, v1;
	_ =	sdelay $0x3  }
0x457: {  	[tilespmem:s7+$0xFFFFEC00] =	vst v2  }
0x458: {  	v2 =	vld.idx.msk [tilespmem:v3+s21+$0x0], $0xffff;
	_ =	sdelay $0x1  }
0x459: {  	v3 =	vor.u32 $0x8, v1;
	_ =	sdelay $0x3  }
0x45a: {  	[tilespmem:s7+$0xFFFFEE00] =	vst v2  }
0x45b: {  	v2 =	vld.idx.msk [tilespmem:v3+s21+$0x0], $0xffff;
	_ =	sdelay $0x1  }
0x45c: {  	v3 =	vor.u32 $0x9, v1;
	_ =	sdelay $0x3  }
0x45d: {  	[tilespmem:s7+$0xFFFFF000] =	vst v2  }
0x45e: {  	v2 =	vld.idx.msk [tilespmem:v3+s21+$0x0], $0xffff;
	_ =	sdelay $0x1  }
0x45f: {  	v3 =	vor.u32 $0xA, v1;
	_ =	sdelay $0x3  }
0x460: {  	[tilespmem:s7+$0xFFFFF200] =	vst v2  }
0x461: {  	v2 =	vld.idx.msk [tilespmem:v3+s21+$0x0], $0xffff;
	_ =	sdelay $0x1  }
0x462: {  	v3 =	vor.u32 $0xB, v1;
	_ =	sdelay $0x3  }
0x463: {  	[tilespmem:s7+$0xFFFFF400] =	vst v2  }
0x464: {  	v2 =	vld.idx.msk [tilespmem:v3+s21+$0x0], $0xffff;
	_ =	sdelay $0x1  }
0x465: {  	v3 =	vor.u32 $0xC, v1;
	_ =	sdelay $0x3  }
0x466: {  	[tilespmem:s7+$0xFFFFF600] =	vst v2  }
0x467: {  	v2 =	vld.idx.msk [tilespmem:v3+s21+$0x0], $0xffff;
	_ =	sdelay $0x1  }
0x468: {  	v3 =	vor.u32 $0xD, v1;
	_ =	sdelay $0x3  }
0x469: {  	[tilespmem:s7+$0xFFFFF800] =	vst v2  }
0x46a: {  	v2 =	vld.idx.msk [tilespmem:v3+s21+$0x0], $0xffff;
	_ =	sdelay $0x1  }
0x46b: {  	v3 =	vor.u32 $0xE, v1;
	_ =	sdelay $0x3  }
0x46c: {  	[tilespmem:s7+$0xFFFFFA00] =	vst v2  }
0x46d: {  	v2 =	vld.idx.msk [tilespmem:v3+s21+$0x0], $0xffff;
	_ =	sdelay $0x1  }
0x46e: {  	v3 =	vor.u32 $0xF, v1;
	_ =	sdelay $0x3  }
0x46f: {  	[tilespmem:s7+$0xFFFFFC00] =	vst v2  }
0x470: {  	v2 =	vld.idx.msk [tilespmem:v3+s21+$0x0], $0xffff;
	_ =	sdelay $0x1  }
0x471: {  	v3 =	vor.u32 $0x10, v1;
	_ =	sdelay $0x3  }
0x472: {  	[tilespmem:s7+$0xFFFFFE00] =	vst v2  }
0x473: {  	v2 =	vld.idx.msk [tilespmem:v3+s21+$0x0], $0xffff;
	_ =	sdelay $0x1  }
0x474: {  	v3 =	vor.u32 $0x11, v1;
	_ =	sdelay $0x3  }
0x475: {  	[tilespmem:s7+$0x0] =	vst v2  }
0x476: {  	v2 =	vld.idx.msk [tilespmem:v3+s21+$0x0], $0xffff;
	_ =	sdelay $0x1  }
0x477: {  	v3 =	vor.u32 $0x12, v1;
	_ =	sdelay $0x3  }
0x478: {  	[tilespmem:s7+$0x200] =	vst v2  }
0x479: {  	v2 =	vld.idx.msk [tilespmem:v3+s21+$0x0], $0xffff;
	_ =	sdelay $0x1  }
0x47a: {  	v3 =	vor.u32 $0x13, v1;
	_ =	sdelay $0x3  }
0x47b: {  	[tilespmem:s7+$0x400] =	vst v2  }
0x47c: {  	v2 =	vld.idx.msk [tilespmem:v3+s21+$0x0], $0xffff;
	_ =	sdelay $0x1  }
0x47d: {  	v3 =	vor.u32 $0x14, v1;
	_ =	sdelay $0x3  }
0x47e: {  	[tilespmem:s7+$0x600] =	vst v2  }
0x47f: {  	v2 =	vld.idx.msk [tilespmem:v3+s21+$0x0], $0xffff;
	_ =	sdelay $0x1  }
0x480: {  	v3 =	vor.u32 $0x15, v1;
	_ =	sdelay $0x3  }
0x481: {  	[tilespmem:s7+$0x800] =	vst v2  }
0x482: {  	v2 =	vld.idx.msk [tilespmem:v3+s21+$0x0], $0xffff;
	_ =	sdelay $0x1  }
0x483: {  	v3 =	vor.u32 $0x16, v1;
	_ =	sdelay $0x3  }
0x484: {  	[tilespmem:s7+$0xA00] =	vst v2  }
0x485: {  	v2 =	vld.idx.msk [tilespmem:v3+s21+$0x0], $0xffff;
	_ =	sdelay $0x1  }
0x486: {  	v3 =	vor.u32 $0x17, v1;
	_ =	sdelay $0x3  }
0x487: {  	[tilespmem:s7+$0xC00] =	vst v2  }
0x488: {  	v2 =	vld.idx.msk [tilespmem:v3+s21+$0x0], $0xffff;
	_ =	sdelay $0x1  }
0x489: {  	v3 =	vor.u32 $0x18, v1;
	_ =	sdelay $0x3  }
0x48a: {  	[tilespmem:s7+$0xE00] =	vst v2  }
0x48b: {  	v2 =	vld.idx.msk [tilespmem:v3+s21+$0x0], $0xffff;
	_ =	sdelay $0x1  }
0x48c: {  	v3 =	vor.u32 $0x19, v1;
	_ =	sdelay $0x3  }
0x48d: {  	[tilespmem:s7+$0x1000] =	vst v2  }
0x48e: {  	v2 =	vld.idx.msk [tilespmem:v3+s21+$0x0], $0xffff;
	_ =	sdelay $0x1  }
0x48f: {  	v3 =	vor.u32 $0x1A, v1;
	_ =	sdelay $0x3  }
0x490: {  	[tilespmem:s7+$0x1200] =	vst v2  }
0x491: {  	v2 =	vld.idx.msk [tilespmem:v3+s21+$0x0], $0xffff;
	_ =	sdelay $0x1  }
0x492: {  	v3 =	vor.u32 $0x1B, v1;
	_ =	sdelay $0x3  }
0x493: {  	[tilespmem:s7+$0x1400] =	vst v2  }
0x494: {  	v2 =	vld.idx.msk [tilespmem:v3+s21+$0x0], $0xffff;
	_ =	sdelay $0x1  }
0x495: {  	v3 =	vor.u32 $0x1C, v1;
	_ =	sdelay $0x3  }
0x496: {  	[tilespmem:s7+$0x1600] =	vst v2  }
0x497: {  	v2 =	vld.idx.msk [tilespmem:v3+s21+$0x0], $0xffff;
	_ =	sdelay $0x1  }
0x498: {  	v3 =	vor.u32 $0x1D, v1;
	_ =	sdelay $0x3  }
0x499: {  	[tilespmem:s7+$0x1800] =	vst v2  }
0x49a: {  	v2 =	vld.idx.msk [tilespmem:v3+s21+$0x0], $0xffff;
	_ =	sdelay $0x1  }
0x49b: {  	v3 =	vor.u32 $0x1E, v1;
	_ =	sdelay $0x3  }
0x49c: {  	[tilespmem:s7+$0x1A00] =	vst v2  }
0x49d: {  	v2 =	vld.idx.msk [tilespmem:v3+s21+$0x0], $0xffff;
	_ =	sdelay $0x1  }
0x49e: {  	v3 =	vor.u32 $0x1F, v1  }
.Ltmp5:
0x49f: {  	(pc) =	sbr.rel @p0 .LBB2_11-.Ltmp5, $3  }
0x4a0: {  	_ =	sdelay $0x1  }
0x4a1: {  	[tilespmem:s7+$0x1C00] =	vst v2  }
0x4a2: {  	v1 =	vmov s8;
	s8 =	sadd.s32 $0x10, s8;
	v2 =	vld.idx.msk [tilespmem:v3+s21+$0x0], $0xffff  }
0x4a3: {  	v1 =	vshll.u32 v1, $0x5  }
0x4a4: {  	v1 =	vor.u32 v0, v1;
	_ =	sdelay $0x3  }
0x4a5: {  	[tilespmem:s7+$0x1E00] =	vst v2  }
0x4a6: {  	v2 =	vld.idx.msk [tilespmem:v1+s21+$0x0], $0xffff  }
0x4a7: {  	v3 =	vor.u32 $0x1, v1;
	_ =	sdelay $0x2  }
0x4a8: {  	s8 =	sadd.s32 $0x10, s7  }
0x4a9: {  	[tilespmem:s8+$0xFFFFE000] =	vst v2  }
0x4aa: {  	v2 =	vld.idx.msk [tilespmem:v3+s21+$0x0], $0xffff  }
0x4ab: {  	v3 =	vor.u32 $0x2, v1;
	_ =	sdelay $0x3  }
0x4ac: {  	[tilespmem:s8+$0xFFFFE200] =	vst v2  }
0x4ad: {  	v2 =	vld.idx.msk [tilespmem:v3+s21+$0x0], $0xffff  }
0x4ae: {  	v3 =	vor.u32 $0x3, v1;
	_ =	sdelay $0x3  }
0x4af: {  	[tilespmem:s8+$0xFFFFE400] =	vst v2  }
0x4b0: {  	v2 =	vld.idx.msk [tilespmem:v3+s21+$0x0], $0xffff  }
0x4b1: {  	v3 =	vor.u32 $0x4, v1;
	_ =	sdelay $0x3  }
0x4b2: {  	[tilespmem:s8+$0xFFFFE600] =	vst v2  }
0x4b3: {  	v2 =	vld.idx.msk [tilespmem:v3+s21+$0x0], $0xffff  }
0x4b4: {  	v3 =	vor.u32 $0x5, v1;
	_ =	sdelay $0x3  }
0x4b5: {  	[tilespmem:s8+$0xFFFFE800] =	vst v2  }
0x4b6: {  	v2 =	vld.idx.msk [tilespmem:v3+s21+$0x0], $0xffff  }
0x4b7: {  	v3 =	vor.u32 $0x6, v1;
	_ =	sdelay $0x3  }
0x4b8: {  	[tilespmem:s8+$0xFFFFEA00] =	vst v2  }
0x4b9: {  	v2 =	vld.idx.msk [tilespmem:v3+s21+$0x0], $0xffff  }
0x4ba: {  	v3 =	vor.u32 $0x7, v1;
	_ =	sdelay $0x3  }
0x4bb: {  	[tilespmem:s8+$0xFFFFEC00] =	vst v2  }
0x4bc: {  	v2 =	vld.idx.msk [tilespmem:v3+s21+$0x0], $0xffff  }
0x4bd: {  	v3 =	vor.u32 $0x8, v1;
	_ =	sdelay $0x3  }
0x4be: {  	[tilespmem:s8+$0xFFFFEE00] =	vst v2  }
0x4bf: {  	v2 =	vld.idx.msk [tilespmem:v3+s21+$0x0], $0xffff  }
0x4c0: {  	v3 =	vor.u32 $0x9, v1;
	_ =	sdelay $0x3  }
0x4c1: {  	[tilespmem:s8+$0xFFFFF000] =	vst v2  }
0x4c2: {  	v2 =	vld.idx.msk [tilespmem:v3+s21+$0x0], $0xffff  }
0x4c3: {  	v3 =	vor.u32 $0xA, v1;
	_ =	sdelay $0x3  }
0x4c4: {  	[tilespmem:s8+$0xFFFFF200] =	vst v2  }
0x4c5: {  	v2 =	vld.idx.msk [tilespmem:v3+s21+$0x0], $0xffff  }
0x4c6: {  	v3 =	vor.u32 $0xB, v1;
	_ =	sdelay $0x3  }
0x4c7: {  	[tilespmem:s8+$0xFFFFF400] =	vst v2  }
0x4c8: {  	v2 =	vld.idx.msk [tilespmem:v3+s21+$0x0], $0xffff  }
0x4c9: {  	v3 =	vor.u32 $0xC, v1;
	_ =	sdelay $0x3  }
0x4ca: {  	[tilespmem:s8+$0xFFFFF600] =	vst v2  }
0x4cb: {  	v2 =	vld.idx.msk [tilespmem:v3+s21+$0x0], $0xffff  }
0x4cc: {  	v3 =	vor.u32 $0xD, v1;
	_ =	sdelay $0x3  }
0x4cd: {  	[tilespmem:s8+$0xFFFFF800] =	vst v2  }
0x4ce: {  	v2 =	vld.idx.msk [tilespmem:v3+s21+$0x0], $0xffff  }
0x4cf: {  	v3 =	vor.u32 $0xE, v1;
	_ =	sdelay $0x3  }
0x4d0: {  	[tilespmem:s8+$0xFFFFFA00] =	vst v2  }
0x4d1: {  	v2 =	vld.idx.msk [tilespmem:v3+s21+$0x0], $0xffff  }
0x4d2: {  	v3 =	vor.u32 $0xF, v1;
	_ =	sdelay $0x3  }
0x4d3: {  	[tilespmem:s8+$0xFFFFFC00] =	vst v2  }
0x4d4: {  	v2 =	vld.idx.msk [tilespmem:v3+s21+$0x0], $0xffff  }
0x4d5: {  	v3 =	vor.u32 $0x10, v1;
	_ =	sdelay $0x3  }
0x4d6: {  	[tilespmem:s8+$0xFFFFFE00] =	vst v2  }
0x4d7: {  	v2 =	vld.idx.msk [tilespmem:v3+s21+$0x0], $0xffff  }
0x4d8: {  	v3 =	vor.u32 $0x11, v1;
	_ =	sdelay $0x3  }
0x4d9: {  	[tilespmem:s8+$0x0] =	vst v2  }
0x4da: {  	v2 =	vld.idx.msk [tilespmem:v3+s21+$0x0], $0xffff  }
0x4db: {  	v3 =	vor.u32 $0x12, v1;
	_ =	sdelay $0x3  }
0x4dc: {  	[tilespmem:s8+$0x200] =	vst v2  }
0x4dd: {  	v2 =	vld.idx.msk [tilespmem:v3+s21+$0x0], $0xffff  }
0x4de: {  	v3 =	vor.u32 $0x13, v1;
	_ =	sdelay $0x3  }
0x4df: {  	[tilespmem:s8+$0x400] =	vst v2  }
0x4e0: {  	v2 =	vld.idx.msk [tilespmem:v3+s21+$0x0], $0xffff  }
0x4e1: {  	v3 =	vor.u32 $0x14, v1;
	_ =	sdelay $0x3  }
0x4e2: {  	[tilespmem:s8+$0x600] =	vst v2  }
0x4e3: {  	v2 =	vld.idx.msk [tilespmem:v3+s21+$0x0], $0xffff  }
0x4e4: {  	v3 =	vor.u32 $0x15, v1;
	_ =	sdelay $0x3  }
0x4e5: {  	[tilespmem:s8+$0x800] =	vst v2  }
0x4e6: {  	v2 =	vld.idx.msk [tilespmem:v3+s21+$0x0], $0xffff  }
0x4e7: {  	v3 =	vor.u32 $0x16, v1;
	_ =	sdelay $0x3  }
0x4e8: {  	[tilespmem:s8+$0xA00] =	vst v2  }
0x4e9: {  	v2 =	vld.idx.msk [tilespmem:v3+s21+$0x0], $0xffff  }
0x4ea: {  	v3 =	vor.u32 $0x17, v1;
	_ =	sdelay $0x3  }
0x4eb: {  	[tilespmem:s8+$0xC00] =	vst v2  }
0x4ec: {  	v2 =	vld.idx.msk [tilespmem:v3+s21+$0x0], $0xffff  }
0x4ed: {  	v3 =	vor.u32 $0x18, v1;
	_ =	sdelay $0x3  }
0x4ee: {  	[tilespmem:s8+$0xE00] =	vst v2  }
0x4ef: {  	v2 =	vld.idx.msk [tilespmem:v3+s21+$0x0], $0xffff  }
0x4f0: {  	v3 =	vor.u32 $0x19, v1;
	_ =	sdelay $0x3  }
0x4f1: {  	[tilespmem:s8+$0x1000] =	vst v2  }
0x4f2: {  	v2 =	vld.idx.msk [tilespmem:v3+s21+$0x0], $0xffff  }
0x4f3: {  	v3 =	vor.u32 $0x1A, v1;
	_ =	sdelay $0x3  }
0x4f4: {  	[tilespmem:s8+$0x1200] =	vst v2  }
0x4f5: {  	v2 =	vld.idx.msk [tilespmem:v3+s21+$0x0], $0xffff  }
0x4f6: {  	v3 =	vor.u32 $0x1B, v1;
	_ =	sdelay $0x3  }
0x4f7: {  	[tilespmem:s8+$0x1400] =	vst v2  }
0x4f8: {  	v2 =	vld.idx.msk [tilespmem:v3+s21+$0x0], $0xffff  }
0x4f9: {  	v3 =	vor.u32 $0x1C, v1;
	_ =	sdelay $0x3  }
0x4fa: {  	[tilespmem:s8+$0x1600] =	vst v2  }
0x4fb: {  	v2 =	vld.idx.msk [tilespmem:v3+s21+$0x0], $0xffff  }
0x4fc: {  	v3 =	vor.u32 $0x1D, v1;
	_ =	sdelay $0x3  }
0x4fd: {  	[tilespmem:s8+$0x1800] =	vst v2  }
0x4fe: {  	v2 =	vld.idx.msk [tilespmem:v3+s21+$0x0], $0xffff  }
0x4ff: {  	v3 =	vor.u32 $0x1E, v1;
	_ =	sdelay $0x3  }
0x500: {  	[tilespmem:s8+$0x1A00] =	vst v2  }
0x501: {  	v2 =	vld.idx.msk [tilespmem:v3+s21+$0x0], $0xffff  }
0x502: {  	v1 =	vor.u32 $0x1F, v1;
	_ =	sdelay $0x3  }
0x503: {  	[tilespmem:s8+$0x1C00] =	vst v2  }
0x504: {  	v1 =	vld.idx.msk [tilespmem:v1+s21+$0x0], $0xffff;
	_ =	sdelay $0x4  }
0x505: {  	s16 =	simm.s32 $0x0;
	[tilespmem:s8+$0x1E00] =	vst v1;
	s8 =	rddreg [dreg:$0x6]  }
0x506: {  	v1 =	vmov s16;
	[hbm4b:s8+s18] =	stream.strided.scatter [tilespmem:s29], [sflag:$0x4], $0x4000, s28, s18, $0x38;
	[tilespmem:$0x18600] =	vst v63  }
0x507: {  	v1 =	vshll.u32 v1, $0x5;
	_ =	swait.ge [sflag:s30], $0x4000  }
0x508: {  	v1 =	vor.u32 v0, v1;
	[sflag:s30] =	ssyncset.done $0x0  }
0x509: {  	s16 =	simm.s32 $0x5;
	[sflag:s30] =	ssyncadd.s32 $0xFFFFC000  }
0x50a: {  	_ =	swait.ge [sflag:s16], $0x4000  }
0x50b: {  	[sflag:s16] =	ssyncset.done $0x0  }
0x50c: {  	[sflag:s16] =	ssyncadd.s32 $0xFFFFC000  }
0x50d: {  	v2 =	vld.idx.msk [tilespmem:v1+s23+$0x0], $0xffff  }
0x50e: {  	v3 =	vor.u32 $0x1, v1;
	_ =	sdelay $0x2  }
0x50f: {  	s7 =	simm.s32 $0x12600  }
0x510: {  	[tilespmem:s7+$0xFFFFE000] =	vst v2  }
0x511: {  	v2 =	vld.idx.msk [tilespmem:v3+s23+$0x0], $0xffff  }
0x512: {  	v3 =	vor.u32 $0x2, v1;
	_ =	sdelay $0x3  }
0x513: {  	[tilespmem:s7+$0xFFFFE200] =	vst v2  }
0x514: {  	v2 =	vld.idx.msk [tilespmem:v3+s23+$0x0], $0xffff  }
0x515: {  	v3 =	vor.u32 $0x3, v1;
	_ =	sdelay $0x3  }
0x516: {  	[tilespmem:s7+$0xFFFFE400] =	vst v2  }
0x517: {  	v2 =	vld.idx.msk [tilespmem:v3+s23+$0x0], $0xffff  }
0x518: {  	v3 =	vor.u32 $0x4, v1;
	_ =	sdelay $0x3  }
0x519: {  	[tilespmem:s7+$0xFFFFE600] =	vst v2  }
0x51a: {  	v2 =	vld.idx.msk [tilespmem:v3+s23+$0x0], $0xffff  }
0x51b: {  	v3 =	vor.u32 $0x5, v1;
	_ =	sdelay $0x3  }
0x51c: {  	[tilespmem:s7+$0xFFFFE800] =	vst v2  }
0x51d: {  	v2 =	vld.idx.msk [tilespmem:v3+s23+$0x0], $0xffff  }
0x51e: {  	v3 =	vor.u32 $0x6, v1;
	_ =	sdelay $0x3  }
0x51f: {  	[tilespmem:s7+$0xFFFFEA00] =	vst v2  }
0x520: {  	v2 =	vld.idx.msk [tilespmem:v3+s23+$0x0], $0xffff  }
0x521: {  	v3 =	vor.u32 $0x7, v1;
	_ =	sdelay $0x3  }
0x522: {  	[tilespmem:s7+$0xFFFFEC00] =	vst v2  }
0x523: {  	v2 =	vld.idx.msk [tilespmem:v3+s23+$0x0], $0xffff  }
0x524: {  	v3 =	vor.u32 $0x8, v1;
	_ =	sdelay $0x3  }
0x525: {  	[tilespmem:s7+$0xFFFFEE00] =	vst v2  }
0x526: {  	v2 =	vld.idx.msk [tilespmem:v3+s23+$0x0], $0xffff  }
0x527: {  	v3 =	vor.u32 $0x9, v1;
	_ =	sdelay $0x3  }
0x528: {  	[tilespmem:s7+$0xFFFFF000] =	vst v2  }
0x529: {  	v2 =	vld.idx.msk [tilespmem:v3+s23+$0x0], $0xffff  }
0x52a: {  	v3 =	vor.u32 $0xA, v1;
	_ =	sdelay $0x3  }
0x52b: {  	[tilespmem:s7+$0xFFFFF200] =	vst v2  }
0x52c: {  	v2 =	vld.idx.msk [tilespmem:v3+s23+$0x0], $0xffff  }
0x52d: {  	v3 =	vor.u32 $0xB, v1;
	_ =	sdelay $0x3  }
0x52e: {  	[tilespmem:s7+$0xFFFFF400] =	vst v2  }
0x52f: {  	v2 =	vld.idx.msk [tilespmem:v3+s23+$0x0], $0xffff  }
0x530: {  	v3 =	vor.u32 $0xC, v1;
	_ =	sdelay $0x3  }
0x531: {  	[tilespmem:s7+$0xFFFFF600] =	vst v2  }
0x532: {  	v2 =	vld.idx.msk [tilespmem:v3+s23+$0x0], $0xffff  }
0x533: {  	v3 =	vor.u32 $0xD, v1;
	_ =	sdelay $0x3  }
0x534: {  	[tilespmem:s7+$0xFFFFF800] =	vst v2  }
0x535: {  	v2 =	vld.idx.msk [tilespmem:v3+s23+$0x0], $0xffff  }
0x536: {  	v3 =	vor.u32 $0xE, v1;
	_ =	sdelay $0x3  }
0x537: {  	[tilespmem:s7+$0xFFFFFA00] =	vst v2  }
0x538: {  	v2 =	vld.idx.msk [tilespmem:v3+s23+$0x0], $0xffff  }
0x539: {  	v3 =	vor.u32 $0xF, v1;
	_ =	sdelay $0x3  }
0x53a: {  	[tilespmem:s7+$0xFFFFFC00] =	vst v2  }
0x53b: {  	v2 =	vld.idx.msk [tilespmem:v3+s23+$0x0], $0xffff  }
0x53c: {  	v3 =	vor.u32 $0x10, v1;
	_ =	sdelay $0x3  }
0x53d: {  	[tilespmem:s7+$0xFFFFFE00] =	vst v2  }
0x53e: {  	v2 =	vld.idx.msk [tilespmem:v3+s23+$0x0], $0xffff  }
0x53f: {  	v3 =	vor.u32 $0x11, v1;
	_ =	sdelay $0x3  }
0x540: {  	[tilespmem:s7+$0x0] =	vst v2  }
0x541: {  	v2 =	vld.idx.msk [tilespmem:v3+s23+$0x0], $0xffff  }
0x542: {  	v3 =	vor.u32 $0x12, v1;
	_ =	sdelay $0x3  }
0x543: {  	[tilespmem:s7+$0x200] =	vst v2  }
0x544: {  	v2 =	vld.idx.msk [tilespmem:v3+s23+$0x0], $0xffff  }
0x545: {  	v3 =	vor.u32 $0x13, v1;
	_ =	sdelay $0x3  }
0x546: {  	[tilespmem:s7+$0x400] =	vst v2  }
0x547: {  	v2 =	vld.idx.msk [tilespmem:v3+s23+$0x0], $0xffff  }
0x548: {  	v3 =	vor.u32 $0x14, v1;
	_ =	sdelay $0x3  }
0x549: {  	[tilespmem:s7+$0x600] =	vst v2  }
0x54a: {  	v2 =	vld.idx.msk [tilespmem:v3+s23+$0x0], $0xffff  }
0x54b: {  	v3 =	vor.u32 $0x15, v1;
	_ =	sdelay $0x3  }
0x54c: {  	[tilespmem:s7+$0x800] =	vst v2  }
0x54d: {  	v2 =	vld.idx.msk [tilespmem:v3+s23+$0x0], $0xffff  }
0x54e: {  	v3 =	vor.u32 $0x16, v1;
	_ =	sdelay $0x3  }
0x54f: {  	[tilespmem:s7+$0xA00] =	vst v2  }
0x550: {  	v2 =	vld.idx.msk [tilespmem:v3+s23+$0x0], $0xffff  }
0x551: {  	v3 =	vor.u32 $0x17, v1;
	_ =	sdelay $0x3  }
0x552: {  	[tilespmem:s7+$0xC00] =	vst v2  }
0x553: {  	v2 =	vld.idx.msk [tilespmem:v3+s23+$0x0], $0xffff  }
0x554: {  	v3 =	vor.u32 $0x18, v1;
	_ =	sdelay $0x3  }
0x555: {  	[tilespmem:s7+$0xE00] =	vst v2  }
0x556: {  	v2 =	vld.idx.msk [tilespmem:v3+s23+$0x0], $0xffff  }
0x557: {  	v3 =	vor.u32 $0x19, v1;
	_ =	sdelay $0x3  }
0x558: {  	[tilespmem:s7+$0x1000] =	vst v2  }
0x559: {  	v2 =	vld.idx.msk [tilespmem:v3+s23+$0x0], $0xffff  }
0x55a: {  	v3 =	vor.u32 $0x1A, v1;
	_ =	sdelay $0x3  }
0x55b: {  	[tilespmem:s7+$0x1200] =	vst v2  }
0x55c: {  	v2 =	vld.idx.msk [tilespmem:v3+s23+$0x0], $0xffff  }
0x55d: {  	v3 =	vor.u32 $0x1B, v1;
	_ =	sdelay $0x3  }
0x55e: {  	[tilespmem:s7+$0x1400] =	vst v2  }
0x55f: {  	v2 =	vld.idx.msk [tilespmem:v3+s23+$0x0], $0xffff  }
0x560: {  	v3 =	vor.u32 $0x1C, v1;
	_ =	sdelay $0x3  }
0x561: {  	[tilespmem:s7+$0x1600] =	vst v2  }
0x562: {  	v2 =	vld.idx.msk [tilespmem:v3+s23+$0x0], $0xffff  }
0x563: {  	v3 =	vor.u32 $0x1D, v1;
	_ =	sdelay $0x3  }
0x564: {  	[tilespmem:s7+$0x1800] =	vst v2  }
0x565: {  	v2 =	vld.idx.msk [tilespmem:v3+s23+$0x0], $0xffff  }
0x566: {  	v3 =	vor.u32 $0x1E, v1;
	_ =	sdelay $0x3  }
0x567: {  	[tilespmem:s7+$0x1A00] =	vst v2  }
0x568: {  	v2 =	vld.idx.msk [tilespmem:v3+s23+$0x0], $0xffff  }
0x569: {  	v3 =	vor.u32 $0x1F, v1;
	_ =	sdelay $0x3  }
0x56a: {  	s17 =	simm.s32 $0x10;
	[tilespmem:s7+$0x1C00] =	vst v2  }
0x56b: {  	s8 =	simm.s32 $0x20;
	v1 =	vmov s17;
	v2 =	vld.idx.msk [tilespmem:v3+s23+$0x0], $0xffff  }
.LBB2_13:
0x56c: {  	p0 =	sne.s32 s8, $0x1F0;
	v1 =	vshll.u32 v1, $0x5  }
0x56d: {  	v1 =	vor.u32 v0, v1;
	_ =	sdelay $0x3  }
0x56e: {  	[tilespmem:s7+$0x1E00] =	vst v2  }
0x56f: {  	v2 =	vld.idx.msk [tilespmem:v1+s23+$0x0], $0xffff;
	_ =	sdelay $0x1  }
0x570: {  	v3 =	vor.u32 $0x1, v1;
	_ =	sdelay $0x2  }
0x571: {  	s7 =	sadd.s32 $0x10, s7  }
0x572: {  	[tilespmem:s7+$0xFFFFE000] =	vst v2  }
0x573: {  	v2 =	vld.idx.msk [tilespmem:v3+s23+$0x0], $0xffff;
	_ =	sdelay $0x1  }
0x574: {  	v3 =	vor.u32 $0x2, v1;
	_ =	sdelay $0x3  }
0x575: {  	[tilespmem:s7+$0xFFFFE200] =	vst v2  }
0x576: {  	v2 =	vld.idx.msk [tilespmem:v3+s23+$0x0], $0xffff;
	_ =	sdelay $0x1  }
0x577: {  	v3 =	vor.u32 $0x3, v1;
	_ =	sdelay $0x3  }
0x578: {  	[tilespmem:s7+$0xFFFFE400] =	vst v2  }
0x579: {  	v2 =	vld.idx.msk [tilespmem:v3+s23+$0x0], $0xffff;
	_ =	sdelay $0x1  }
0x57a: {  	v3 =	vor.u32 $0x4, v1;
	_ =	sdelay $0x3  }
0x57b: {  	[tilespmem:s7+$0xFFFFE600] =	vst v2  }
0x57c: {  	v2 =	vld.idx.msk [tilespmem:v3+s23+$0x0], $0xffff;
	_ =	sdelay $0x1  }
0x57d: {  	v3 =	vor.u32 $0x5, v1;
	_ =	sdelay $0x3  }
0x57e: {  	[tilespmem:s7+$0xFFFFE800] =	vst v2  }
0x57f: {  	v2 =	vld.idx.msk [tilespmem:v3+s23+$0x0], $0xffff;
	_ =	sdelay $0x1  }
0x580: {  	v3 =	vor.u32 $0x6, v1;
	_ =	sdelay $0x3  }
0x581: {  	[tilespmem:s7+$0xFFFFEA00] =	vst v2  }
0x582: {  	v2 =	vld.idx.msk [tilespmem:v3+s23+$0x0], $0xffff;
	_ =	sdelay $0x1  }
0x583: {  	v3 =	vor.u32 $0x7, v1;
	_ =	sdelay $0x3  }
0x584: {  	[tilespmem:s7+$0xFFFFEC00] =	vst v2  }
0x585: {  	v2 =	vld.idx.msk [tilespmem:v3+s23+$0x0], $0xffff;
	_ =	sdelay $0x1  }
0x586: {  	v3 =	vor.u32 $0x8, v1;
	_ =	sdelay $0x3  }
0x587: {  	[tilespmem:s7+$0xFFFFEE00] =	vst v2  }
0x588: {  	v2 =	vld.idx.msk [tilespmem:v3+s23+$0x0], $0xffff;
	_ =	sdelay $0x1  }
0x589: {  	v3 =	vor.u32 $0x9, v1;
	_ =	sdelay $0x3  }
0x58a: {  	[tilespmem:s7+$0xFFFFF000] =	vst v2  }
0x58b: {  	v2 =	vld.idx.msk [tilespmem:v3+s23+$0x0], $0xffff;
	_ =	sdelay $0x1  }
0x58c: {  	v3 =	vor.u32 $0xA, v1;
	_ =	sdelay $0x3  }
0x58d: {  	[tilespmem:s7+$0xFFFFF200] =	vst v2  }
0x58e: {  	v2 =	vld.idx.msk [tilespmem:v3+s23+$0x0], $0xffff;
	_ =	sdelay $0x1  }
0x58f: {  	v3 =	vor.u32 $0xB, v1;
	_ =	sdelay $0x3  }
0x590: {  	[tilespmem:s7+$0xFFFFF400] =	vst v2  }
0x591: {  	v2 =	vld.idx.msk [tilespmem:v3+s23+$0x0], $0xffff;
	_ =	sdelay $0x1  }
0x592: {  	v3 =	vor.u32 $0xC, v1;
	_ =	sdelay $0x3  }
0x593: {  	[tilespmem:s7+$0xFFFFF600] =	vst v2  }
0x594: {  	v2 =	vld.idx.msk [tilespmem:v3+s23+$0x0], $0xffff;
	_ =	sdelay $0x1  }
0x595: {  	v3 =	vor.u32 $0xD, v1;
	_ =	sdelay $0x3  }
0x596: {  	[tilespmem:s7+$0xFFFFF800] =	vst v2  }
0x597: {  	v2 =	vld.idx.msk [tilespmem:v3+s23+$0x0], $0xffff;
	_ =	sdelay $0x1  }
0x598: {  	v3 =	vor.u32 $0xE, v1;
	_ =	sdelay $0x3  }
0x599: {  	[tilespmem:s7+$0xFFFFFA00] =	vst v2  }
0x59a: {  	v2 =	vld.idx.msk [tilespmem:v3+s23+$0x0], $0xffff;
	_ =	sdelay $0x1  }
0x59b: {  	v3 =	vor.u32 $0xF, v1;
	_ =	sdelay $0x3  }
0x59c: {  	[tilespmem:s7+$0xFFFFFC00] =	vst v2  }
0x59d: {  	v2 =	vld.idx.msk [tilespmem:v3+s23+$0x0], $0xffff;
	_ =	sdelay $0x1  }
0x59e: {  	v3 =	vor.u32 $0x10, v1;
	_ =	sdelay $0x3  }
0x59f: {  	[tilespmem:s7+$0xFFFFFE00] =	vst v2  }
0x5a0: {  	v2 =	vld.idx.msk [tilespmem:v3+s23+$0x0], $0xffff;
	_ =	sdelay $0x1  }
0x5a1: {  	v3 =	vor.u32 $0x11, v1;
	_ =	sdelay $0x3  }
0x5a2: {  	[tilespmem:s7+$0x0] =	vst v2  }
0x5a3: {  	v2 =	vld.idx.msk [tilespmem:v3+s23+$0x0], $0xffff;
	_ =	sdelay $0x1  }
0x5a4: {  	v3 =	vor.u32 $0x12, v1;
	_ =	sdelay $0x3  }
0x5a5: {  	[tilespmem:s7+$0x200] =	vst v2  }
0x5a6: {  	v2 =	vld.idx.msk [tilespmem:v3+s23+$0x0], $0xffff;
	_ =	sdelay $0x1  }
0x5a7: {  	v3 =	vor.u32 $0x13, v1;
	_ =	sdelay $0x3  }
0x5a8: {  	[tilespmem:s7+$0x400] =	vst v2  }
0x5a9: {  	v2 =	vld.idx.msk [tilespmem:v3+s23+$0x0], $0xffff;
	_ =	sdelay $0x1  }
0x5aa: {  	v3 =	vor.u32 $0x14, v1;
	_ =	sdelay $0x3  }
0x5ab: {  	[tilespmem:s7+$0x600] =	vst v2  }
0x5ac: {  	v2 =	vld.idx.msk [tilespmem:v3+s23+$0x0], $0xffff;
	_ =	sdelay $0x1  }
0x5ad: {  	v3 =	vor.u32 $0x15, v1;
	_ =	sdelay $0x3  }
0x5ae: {  	[tilespmem:s7+$0x800] =	vst v2  }
0x5af: {  	v2 =	vld.idx.msk [tilespmem:v3+s23+$0x0], $0xffff;
	_ =	sdelay $0x1  }
0x5b0: {  	v3 =	vor.u32 $0x16, v1;
	_ =	sdelay $0x3  }
0x5b1: {  	[tilespmem:s7+$0xA00] =	vst v2  }
0x5b2: {  	v2 =	vld.idx.msk [tilespmem:v3+s23+$0x0], $0xffff;
	_ =	sdelay $0x1  }
0x5b3: {  	v3 =	vor.u32 $0x17, v1;
	_ =	sdelay $0x3  }
0x5b4: {  	[tilespmem:s7+$0xC00] =	vst v2  }
0x5b5: {  	v2 =	vld.idx.msk [tilespmem:v3+s23+$0x0], $0xffff;
	_ =	sdelay $0x1  }
0x5b6: {  	v3 =	vor.u32 $0x18, v1;
	_ =	sdelay $0x3  }
0x5b7: {  	[tilespmem:s7+$0xE00] =	vst v2  }
0x5b8: {  	v2 =	vld.idx.msk [tilespmem:v3+s23+$0x0], $0xffff;
	_ =	sdelay $0x1  }
0x5b9: {  	v3 =	vor.u32 $0x19, v1;
	_ =	sdelay $0x3  }
0x5ba: {  	[tilespmem:s7+$0x1000] =	vst v2  }
0x5bb: {  	v2 =	vld.idx.msk [tilespmem:v3+s23+$0x0], $0xffff;
	_ =	sdelay $0x1  }
0x5bc: {  	v3 =	vor.u32 $0x1A, v1;
	_ =	sdelay $0x3  }
0x5bd: {  	[tilespmem:s7+$0x1200] =	vst v2  }
0x5be: {  	v2 =	vld.idx.msk [tilespmem:v3+s23+$0x0], $0xffff;
	_ =	sdelay $0x1  }
0x5bf: {  	v3 =	vor.u32 $0x1B, v1;
	_ =	sdelay $0x3  }
0x5c0: {  	[tilespmem:s7+$0x1400] =	vst v2  }
0x5c1: {  	v2 =	vld.idx.msk [tilespmem:v3+s23+$0x0], $0xffff;
	_ =	sdelay $0x1  }
0x5c2: {  	v3 =	vor.u32 $0x1C, v1;
	_ =	sdelay $0x3  }
0x5c3: {  	[tilespmem:s7+$0x1600] =	vst v2  }
0x5c4: {  	v2 =	vld.idx.msk [tilespmem:v3+s23+$0x0], $0xffff;
	_ =	sdelay $0x1  }
0x5c5: {  	v3 =	vor.u32 $0x1D, v1;
	_ =	sdelay $0x3  }
0x5c6: {  	[tilespmem:s7+$0x1800] =	vst v2  }
0x5c7: {  	v2 =	vld.idx.msk [tilespmem:v3+s23+$0x0], $0xffff;
	_ =	sdelay $0x1  }
0x5c8: {  	v3 =	vor.u32 $0x1E, v1;
	_ =	sdelay $0x3  }
0x5c9: {  	[tilespmem:s7+$0x1A00] =	vst v2  }
0x5ca: {  	v2 =	vld.idx.msk [tilespmem:v3+s23+$0x0], $0xffff;
	_ =	sdelay $0x1  }
0x5cb: {  	v3 =	vor.u32 $0x1F, v1  }
.Ltmp6:
0x5cc: {  	(pc) =	sbr.rel @p0 .LBB2_13-.Ltmp6, $3  }
0x5cd: {  	_ =	sdelay $0x1  }
0x5ce: {  	[tilespmem:s7+$0x1C00] =	vst v2  }
0x5cf: {  	v1 =	vmov s8;
	s8 =	sadd.s32 $0x10, s8;
	v2 =	vld.idx.msk [tilespmem:v3+s23+$0x0], $0xffff  }
0x5d0: {  	v1 =	vshll.u32 v1, $0x5  }
0x5d1: {  	v1 =	vor.u32 v0, v1;
	_ =	sdelay $0x3  }
0x5d2: {  	[tilespmem:s7+$0x1E00] =	vst v2  }
0x5d3: {  	v2 =	vld.idx.msk [tilespmem:v1+s23+$0x0], $0xffff  }
0x5d4: {  	v3 =	vor.u32 $0x1, v1;
	_ =	sdelay $0x2  }
0x5d5: {  	s17 =	sadd.s32 $0x10, s7  }
0x5d6: {  	[tilespmem:s17+$0xFFFFE000] =	vst v2  }
0x5d7: {  	v2 =	vld.idx.msk [tilespmem:v3+s23+$0x0], $0xffff  }
0x5d8: {  	v3 =	vor.u32 $0x2, v1;
	_ =	sdelay $0x3  }
0x5d9: {  	[tilespmem:s17+$0xFFFFE200] =	vst v2  }
0x5da: {  	v2 =	vld.idx.msk [tilespmem:v3+s23+$0x0], $0xffff  }
0x5db: {  	v3 =	vor.u32 $0x3, v1;
	_ =	sdelay $0x3  }
0x5dc: {  	[tilespmem:s17+$0xFFFFE400] =	vst v2  }
0x5dd: {  	v2 =	vld.idx.msk [tilespmem:v3+s23+$0x0], $0xffff  }
0x5de: {  	v3 =	vor.u32 $0x4, v1;
	_ =	sdelay $0x3  }
0x5df: {  	[tilespmem:s17+$0xFFFFE600] =	vst v2  }
0x5e0: {  	v2 =	vld.idx.msk [tilespmem:v3+s23+$0x0], $0xffff  }
0x5e1: {  	v3 =	vor.u32 $0x5, v1;
	_ =	sdelay $0x3  }
0x5e2: {  	[tilespmem:s17+$0xFFFFE800] =	vst v2  }
0x5e3: {  	v2 =	vld.idx.msk [tilespmem:v3+s23+$0x0], $0xffff  }
0x5e4: {  	v3 =	vor.u32 $0x6, v1;
	_ =	sdelay $0x3  }
0x5e5: {  	[tilespmem:s17+$0xFFFFEA00] =	vst v2  }
0x5e6: {  	v2 =	vld.idx.msk [tilespmem:v3+s23+$0x0], $0xffff  }
0x5e7: {  	v3 =	vor.u32 $0x7, v1;
	_ =	sdelay $0x3  }
0x5e8: {  	[tilespmem:s17+$0xFFFFEC00] =	vst v2  }
0x5e9: {  	v2 =	vld.idx.msk [tilespmem:v3+s23+$0x0], $0xffff  }
0x5ea: {  	v3 =	vor.u32 $0x8, v1;
	_ =	sdelay $0x3  }
0x5eb: {  	[tilespmem:s17+$0xFFFFEE00] =	vst v2  }
0x5ec: {  	v2 =	vld.idx.msk [tilespmem:v3+s23+$0x0], $0xffff  }
0x5ed: {  	v3 =	vor.u32 $0x9, v1;
	_ =	sdelay $0x3  }
0x5ee: {  	[tilespmem:s17+$0xFFFFF000] =	vst v2  }
0x5ef: {  	v2 =	vld.idx.msk [tilespmem:v3+s23+$0x0], $0xffff  }
0x5f0: {  	v3 =	vor.u32 $0xA, v1;
	_ =	sdelay $0x3  }
0x5f1: {  	[tilespmem:s17+$0xFFFFF200] =	vst v2  }
0x5f2: {  	v2 =	vld.idx.msk [tilespmem:v3+s23+$0x0], $0xffff  }
0x5f3: {  	v3 =	vor.u32 $0xB, v1;
	_ =	sdelay $0x3  }
0x5f4: {  	[tilespmem:s17+$0xFFFFF400] =	vst v2  }
0x5f5: {  	v2 =	vld.idx.msk [tilespmem:v3+s23+$0x0], $0xffff  }
0x5f6: {  	v3 =	vor.u32 $0xC, v1;
	_ =	sdelay $0x3  }
0x5f7: {  	[tilespmem:s17+$0xFFFFF600] =	vst v2  }
0x5f8: {  	v2 =	vld.idx.msk [tilespmem:v3+s23+$0x0], $0xffff  }
0x5f9: {  	v3 =	vor.u32 $0xD, v1;
	_ =	sdelay $0x3  }
0x5fa: {  	[tilespmem:s17+$0xFFFFF800] =	vst v2  }
0x5fb: {  	v2 =	vld.idx.msk [tilespmem:v3+s23+$0x0], $0xffff  }
0x5fc: {  	v3 =	vor.u32 $0xE, v1;
	_ =	sdelay $0x3  }
0x5fd: {  	[tilespmem:s17+$0xFFFFFA00] =	vst v2  }
0x5fe: {  	v2 =	vld.idx.msk [tilespmem:v3+s23+$0x0], $0xffff  }
0x5ff: {  	v3 =	vor.u32 $0xF, v1;
	_ =	sdelay $0x3  }
0x600: {  	[tilespmem:s17+$0xFFFFFC00] =	vst v2  }
0x601: {  	v2 =	vld.idx.msk [tilespmem:v3+s23+$0x0], $0xffff  }
0x602: {  	v3 =	vor.u32 $0x10, v1;
	_ =	sdelay $0x3  }
0x603: {  	[tilespmem:s17+$0xFFFFFE00] =	vst v2  }
0x604: {  	v2 =	vld.idx.msk [tilespmem:v3+s23+$0x0], $0xffff  }
0x605: {  	v3 =	vor.u32 $0x11, v1;
	_ =	sdelay $0x3  }
0x606: {  	[tilespmem:s17+$0x0] =	vst v2  }
0x607: {  	v2 =	vld.idx.msk [tilespmem:v3+s23+$0x0], $0xffff  }
0x608: {  	v3 =	vor.u32 $0x12, v1;
	_ =	sdelay $0x3  }
0x609: {  	[tilespmem:s17+$0x200] =	vst v2  }
0x60a: {  	v2 =	vld.idx.msk [tilespmem:v3+s23+$0x0], $0xffff  }
0x60b: {  	v3 =	vor.u32 $0x13, v1;
	_ =	sdelay $0x3  }
0x60c: {  	[tilespmem:s17+$0x400] =	vst v2  }
0x60d: {  	v2 =	vld.idx.msk [tilespmem:v3+s23+$0x0], $0xffff  }
0x60e: {  	v3 =	vor.u32 $0x14, v1;
	_ =	sdelay $0x3  }
0x60f: {  	[tilespmem:s17+$0x600] =	vst v2  }
0x610: {  	v2 =	vld.idx.msk [tilespmem:v3+s23+$0x0], $0xffff  }
0x611: {  	v3 =	vor.u32 $0x15, v1;
	_ =	sdelay $0x3  }
0x612: {  	[tilespmem:s17+$0x800] =	vst v2  }
0x613: {  	v2 =	vld.idx.msk [tilespmem:v3+s23+$0x0], $0xffff  }
0x614: {  	v3 =	vor.u32 $0x16, v1;
	_ =	sdelay $0x3  }
0x615: {  	[tilespmem:s17+$0xA00] =	vst v2  }
0x616: {  	v2 =	vld.idx.msk [tilespmem:v3+s23+$0x0], $0xffff  }
0x617: {  	v3 =	vor.u32 $0x17, v1;
	_ =	sdelay $0x3  }
0x618: {  	[tilespmem:s17+$0xC00] =	vst v2  }
0x619: {  	v2 =	vld.idx.msk [tilespmem:v3+s23+$0x0], $0xffff  }
0x61a: {  	v3 =	vor.u32 $0x18, v1;
	_ =	sdelay $0x3  }
0x61b: {  	[tilespmem:s17+$0xE00] =	vst v2  }
0x61c: {  	v2 =	vld.idx.msk [tilespmem:v3+s23+$0x0], $0xffff  }
0x61d: {  	v3 =	vor.u32 $0x19, v1;
	_ =	sdelay $0x3  }
0x61e: {  	[tilespmem:s17+$0x1000] =	vst v2  }
0x61f: {  	v2 =	vld.idx.msk [tilespmem:v3+s23+$0x0], $0xffff  }
0x620: {  	v3 =	vor.u32 $0x1A, v1;
	_ =	sdelay $0x3  }
0x621: {  	[tilespmem:s17+$0x1200] =	vst v2  }
0x622: {  	v2 =	vld.idx.msk [tilespmem:v3+s23+$0x0], $0xffff  }
0x623: {  	v3 =	vor.u32 $0x1B, v1;
	_ =	sdelay $0x3  }
0x624: {  	[tilespmem:s17+$0x1400] =	vst v2  }
0x625: {  	v2 =	vld.idx.msk [tilespmem:v3+s23+$0x0], $0xffff  }
0x626: {  	v3 =	vor.u32 $0x1C, v1;
	_ =	sdelay $0x3  }
0x627: {  	[tilespmem:s17+$0x1600] =	vst v2  }
0x628: {  	v2 =	vld.idx.msk [tilespmem:v3+s23+$0x0], $0xffff  }
0x629: {  	v3 =	vor.u32 $0x1D, v1;
	_ =	sdelay $0x3  }
0x62a: {  	[tilespmem:s17+$0x1800] =	vst v2  }
0x62b: {  	v2 =	vld.idx.msk [tilespmem:v3+s23+$0x0], $0xffff  }
0x62c: {  	v3 =	vor.u32 $0x1E, v1;
	_ =	sdelay $0x3  }
0x62d: {  	[tilespmem:s17+$0x1A00] =	vst v2  }
0x62e: {  	v2 =	vld.idx.msk [tilespmem:v3+s23+$0x0], $0xffff  }
0x62f: {  	v1 =	vor.u32 $0x1F, v1;
	_ =	sdelay $0x3  }
0x630: {  	[tilespmem:s17+$0x1C00] =	vst v2  }
0x631: {  	v1 =	vld.idx.msk [tilespmem:v1+s23+$0x0], $0xffff;
	_ =	sdelay $0x4  }
0x632: {  	s8 =	rddreg [dreg:$0x7];
	[tilespmem:s17+$0x1E00] =	vst v1  }
0x633: {  	[hbm4b:s8+s18] =	stream.strided.scatter [tilespmem:s31], [sflag:$0x5], $0x4000, s28, s18, $0x38;
	[tilespmem:$0x18600] =	vst v63  }
0x634: {  	_ =	swait.ge [sflag:s9], $0x4000  }
0x635: {  	[sflag:s9] =	ssyncset.done $0x0  }
0x636: {  	[sflag:s9] =	ssyncadd.s32 $0xFFFFC000  }
0x637: {  	_ =	swait.ge [sflag:s16], $0x4000  }
0x638: {  	[sflag:s16] =	ssyncset.done $0x0  }
0x639: {  	[sflag:s16] =	ssyncadd.s32 $0xFFFFC000  }
0x63a: {  	_ =	swait.ge [sflag:s15], $0x4000  }
0x63b: {  	s8 =	rddreg [dreg:$0x9]  }
0x63c: {  	s17 =	rddreg [dreg:$0x8];
	s8 =	sadd.s32 $0x1, s8  }
0x63d: {  	p0 =	sne.s32 s8, s17  }
.Ltmp7:
0x63e: {  	_ = 	snop;
	(pc) =	sbr.rel @p0 .LBB2_1-.Ltmp7, $3  }
0x63f: {  	_ =	sdelay $0x1  }
0x640: {  	[sflag:s15] =	ssyncset.done $0x0  }
0x641: {  	[sflag:s15] =	ssyncadd.s32 $0xFFFFC000  }
0x642: {  	_ =	sfence.sel $0x180000  }
0x643: {  	[bflag:$0x0] =	sbarrier.arrive $0xFFFF  }
0x644: {  	_ =	strace $0x90000047  }
0x645: {  	s0 =	stileid.u32;
	[bflag:$0x2] =	sbarrier.arrive $0xFFFF  }
0x646: {  	p0 =	sne.s32 s0, $0x0;
	s0 =	rddreg [dreg:$0x2]  }
0x647: {  	s0 =	sadd.s32 @!p0 $0x100000, s0  }
0x648: {  	[sflag:s0] =	ssyncadd.tile.s32 @!p0 $0x1;
	_ =	shalt  }
.Lfunc_end2:
_tile_overlayer_lowered:
.L_overlay_start_2:
0x649: {  	(tag) =	ssettag $0x2  }
0x64a: {  	s0 =	rddreg [dreg:$0x0];
	s2 =	stileid.u32  }
0x64b: {  	s1 =	rddreg [dreg:$0x1];
	p0 =	sne.s32 s2, $0x0  }
0x64c: {  	s3 =	rddreg [dreg:$0x2];
	[bflag:$0x3] =	sbarrier.arrive $0xFFFF;
	s2 =	simm.s32 @!p0 $0x1C0A  }
0x64d: {  	[timem:s3], [sflag:s2] =	dma.local @!p0 [hbm:s0], s1  }
0x64e: {  	s0 =	simm.s32 @!p0 $0xA  }
0x64f: {  	_ =	swait.ge @!p0 [sflag:s0], s1  }
0x650: {  	s1 =	ssub.s32 @!p0 $0x0, s1;
	[sflag:s0] =	ssyncset.done @!p0 $0x0  }
0x651: {  	[sflag:s0] =	ssyncadd.s32 @!p0 s1  }
0x652: {  	[bflag:$0x3] =	sbarrier.arrive $0xFFFF  }
0x653: {  	_ =	shalt  }

</sc_bundles>
